<compile_context>
chip_gen: v7x
topology: tpu7x:2x2x1
jax: 0.10.2.dev20260603
libtpu: 0.0.44.dev20260713+nightly
codegen_flags: <defaults>
</compile_context>

<pallas_src>
import functools

import jax
import jax.numpy as jnp
from jax import lax
from jax.experimental import pallas as pl
from jax.experimental.pallas import tpu as pltpu
from jax.experimental.pallas import tpu_sc as plsc

N = 4096
E = 16384
BATCH = 16
L = 512
C = 64
EMB = 128
NC = 2
NS = 16
NW = NC * NS
EPW = E // NW
RPT = N // NS
ECH = 128
NCHUNK = EPW // ECH
DC = 16
NT3 = 515
MARG = 8
LBUF = 536

_sc_mesh = plsc.VectorSubcoreMesh(core_axis_name="c", subcore_axis_name="s",
                                  num_cores=NC, num_subcores=NS)



@functools.partial(
    pl.kernel,
    out_type=jax.ShapeDtypeStruct((NC, N, DC), jnp.float32),
    mesh=_sc_mesh,
    scratch_types=[
        pltpu.VMEM_SHARED((N, DC), jnp.float32),
        pltpu.VMEM((NCHUNK, ECH), jnp.int32),
        pltpu.VMEM((ECH, DC), jnp.float32),
        pltpu.VMEM((RPT, DC), jnp.float32),
    ],
    compiler_params=pltpu.CompilerParams(use_tc_tiling_on_sc=False,
                                         needs_layout_passes=False),
)
def _deg_scatter(dst_hbm, out_hbm, acc, dst_v, ones_v, zb_v):
    c = lax.axis_index("c")
    s = lax.axis_index("s")
    row0 = s * RPT

    def fill(r, carry):
        ones_v[r] = jnp.full((DC,), 1.0, jnp.float32)
        zb_v[r] = jnp.zeros((DC,), jnp.float32)
        zb_v[r + ECH] = jnp.zeros((DC,), jnp.float32)
        return carry

    lax.fori_loop(0, ECH, fill, 0)
    pltpu.sync_copy(zb_v, acc.at[pl.ds(row0, RPT)])
    base = (c * NS + s) * EPW
    for j in range(NCHUNK):
        pltpu.sync_copy(dst_hbm.at[pl.ds(base + j * ECH, ECH)], dst_v.at[j])
    plsc.subcore_barrier()
    for j in range(NCHUNK):
        pltpu.sync_copy(ones_v, acc.at[dst_v.at[j]], add=True)
    plsc.subcore_barrier()
    pltpu.sync_copy(acc.at[pl.ds(row0, RPT)], out_hbm.at[c, pl.ds(row0, RPT)])


@functools.partial(
    pl.kernel,
    out_type=jax.ShapeDtypeStruct((NC, N, C), jnp.float32),
    mesh=_sc_mesh,
    scratch_types=[
        pltpu.VMEM_SHARED((N, C), jnp.float32),
        pltpu.VMEM((NCHUNK, ECH), jnp.int32),
        pltpu.VMEM((NCHUNK, ECH), jnp.int32),
        pltpu.VMEM((NCHUNK, ECH, C), jnp.float32),
        pltpu.VMEM((RPT, C), jnp.float32),
        pltpu.SemaphoreType.DMA,
        pltpu.SemaphoreType.DMA,
        pltpu.SemaphoreType.DMA,
        pltpu.SemaphoreType.DMA,
        pltpu.SemaphoreType.DMA,
    ],
    compiler_params=pltpu.CompilerParams(use_tc_tiling_on_sc=False,
                                         needs_layout_passes=False),
)
def _gcn_scatter(hs_hbm, src_hbm, dst_hbm, out_hbm,
                 acc, src_v, dst_v, msg_v, zb_v, g0, g1, g2, g3, ssem):
    c = lax.axis_index("c")
    s = lax.axis_index("s")
    row0 = s * RPT

    def fill(r, carry):
        for q in range(C // 16):
            zb_v[r, pl.ds(q * 16, 16)] = jnp.zeros((16,), jnp.float32)
        return carry

    lax.fori_loop(0, RPT, fill, 0)
    pltpu.sync_copy(zb_v, acc.at[pl.ds(row0, RPT)])
    base = (c * NS + s) * EPW
    for j in range(NCHUNK):
        pltpu.sync_copy(src_hbm.at[pl.ds(base + j * ECH, ECH)], src_v.at[j])
        pltpu.sync_copy(dst_hbm.at[pl.ds(base + j * ECH, ECH)], dst_v.at[j])
    plsc.subcore_barrier()
    gsems = [g0, g1, g2, g3]
    gathers = [
        pltpu.async_copy(hs_hbm.at[src_v.at[j]], msg_v.at[j], gsems[j])
        for j in range(NCHUNK)
    ]
    scatters = []
    for j in range(NCHUNK):
        gathers[j].wait()
        scatters.append(
            pltpu.async_copy(msg_v.at[j], acc.at[dst_v.at[j]], ssem, add=True))
    for sc in scatters:
        sc.wait()
    plsc.subcore_barrier()
    pltpu.sync_copy(acc.at[pl.ds(row0, RPT)], out_hbm.at[c, pl.ds(row0, RPT)])



def _dinv_from(degp):
    deg = degp[0, :, 0] + degp[1, :, 0] + 1.0
    return lax.rsqrt(jnp.maximum(deg, 1.0))


def _tc_first_body(x_ref, w_ref, degp_ref, out_ref):
    h = jnp.dot(x_ref[...], w_ref[...], preferred_element_type=jnp.float32)
    dinv = _dinv_from(degp_ref[...])
    out_ref[...] = h * dinv[:, None]


_tc_first = pl.pallas_call(
    _tc_first_body,
    out_shape=jax.ShapeDtypeStruct((N, C), jnp.float32),
)


def _tc_mid_body(scat_ref, hs_ref, b_ref, w_ref, degp_ref, out_ref):
    dinv = _dinv_from(degp_ref[...])
    sc = scat_ref[...]
    pre = dinv[:, None] * (sc[0] + sc[1] + hs_ref[...]) + b_ref[...]
    h = jnp.maximum(pre, 0.0)
    out_ref[...] = jnp.dot(h, w_ref[...],
                           preferred_element_type=jnp.float32) * dinv[:, None]


_tc_mid = pl.pallas_call(
    _tc_mid_body,
    out_shape=jax.ShapeDtypeStruct((N, C), jnp.float32),
)


LSTK = BATCH * LBUF


def _roll0(x, s):
    n = x.shape[0]
    s = s % n
    if s == 0:
        return x
    return jnp.concatenate([x[n - s:], x[:n - s]], axis=0)


BG = 2
LSTB = BG * LBUF


def _tc_cnn_body(tok_ref, emb_ref, w1_ref, c1_ref, w2_ref, c2_ref,
                 w3_ref, c3_ref, out_ref):
    tok = tok_ref[0]
    oh = (tok[:, :, None] == lax.broadcasted_iota(jnp.int32, (BG, L, 32), 2))
    x0 = jnp.dot(oh.astype(jnp.float32).reshape(BG * L, 32), emb_ref[...],
                 preferred_element_type=jnp.float32)
    stk = jnp.concatenate(
        [jnp.zeros((BG, MARG, EMB), jnp.float32),
         x0.reshape(BG, L, EMB),
         jnp.zeros((BG, LBUF - MARG - L, EMB), jnp.float32)],
        axis=1).reshape(LSTB, EMB)
    tm = lax.rem(lax.broadcasted_iota(jnp.int32, (LSTB, 1), 0), LBUF)

    def layer(buf_in, w_ref, b_row, k, p, lout):
        w = w_ref[...]
        xs = [buf_in]
        for _ in range(3):
            xs.append(_roll0(xs[-1], -1))
        y = jnp.zeros((LSTB, C), jnp.float32)
        for q in range(k // 4):
            u = jnp.zeros((LSTB, C), jnp.float32)
            for r in range(4):
                u = u + jnp.dot(xs[r], w[4 * q + r],
                                preferred_element_type=jnp.float32)
            y = y + _roll0(u, p - 4 * q)
        y = jnp.maximum(y + b_row, 0.0)
        mask = (tm >= MARG) & (tm < MARG + lout)
        return jnp.where(mask, y, 0.0)

    y1 = layer(stk, w1_ref, c1_ref[...], 4, 2, L + 1)
    y2 = layer(y1, w2_ref, c2_ref[...], 8, 4, L + 2)
    y3 = layer(y2, w3_ref, c3_ref[...], 12, 6, L + 3)
    out_ref[0] = jnp.sum(y3.reshape(BG, LBUF, C), axis=1) / float(NT3)


_tc_cnn = pl.pallas_call(
    _tc_cnn_body,
    grid=(BATCH // BG,),
    in_specs=[
        pl.BlockSpec((1, BG, L), lambda i: (i, 0, 0)),
        pl.BlockSpec((32, EMB), lambda i: (0, 0)),
        pl.BlockSpec((4, EMB, C), lambda i: (0, 0, 0)),
        pl.BlockSpec((1, C), lambda i: (0, 0)),
        pl.BlockSpec((8, C, C), lambda i: (0, 0, 0)),
        pl.BlockSpec((1, C), lambda i: (0, 0)),
        pl.BlockSpec((12, C, C), lambda i: (0, 0, 0)),
        pl.BlockSpec((1, C), lambda i: (0, 0)),
    ],
    out_specs=pl.BlockSpec((1, BG, C), lambda i: (i, 0, 0)),
    out_shape=jax.ShapeDtypeStruct((BATCH // BG, BG, C), jnp.float32),
)


def _tc_final_body(scat_ref, hs_ref, b3_ref, degp_ref, bidx_ref, tctx_ref,
                   fw1_ref, fb1_ref, fw2_ref, fb2_ref, fw3_ref, fb3_ref,
                   out_ref):
    tctx = tctx_ref[...]
    dinv = _dinv_from(degp_ref[...])
    sc = scat_ref[...]
    feats = jnp.maximum(
        dinv[:, None] * (sc[0] + sc[1] + hs_ref[...]) + b3_ref[...], 0.0)
    ohb = (bidx_ref[...] == lax.broadcasted_iota(jnp.int32, (BATCH, N), 0))
    drug_ctx = jnp.dot(ohb.astype(jnp.float32), feats,
                       preferred_element_type=jnp.float32) / float(NT3)
    inter = jnp.concatenate([drug_ctx, tctx], axis=1)
    z = jnp.maximum(jnp.dot(inter, fw1_ref[...],
                            preferred_element_type=jnp.float32)
                    + fb1_ref[...], 0.0)
    z = jnp.maximum(jnp.dot(z, fw2_ref[...],
                            preferred_element_type=jnp.float32)
                    + fb2_ref[...], 0.0)
    o = jnp.sum(z * fw3_ref[...], axis=1) + fb3_ref[0, 0]
    out_ref[...] = o[None, :]


_tc_final = pl.pallas_call(
    _tc_final_body,
    out_shape=jax.ShapeDtypeStruct((1, BATCH), jnp.float32),
)



def kernel(drug_x, edge_index, batch_idx, target_tokens, embed,
           W1, b1, W2, b2, W3, b3,
           cw1, cb1, cw2, cb2, cw3, cb3,
           W_a, fw1, fb1, fw2, fb2, fw3, fb3):
    src = edge_index[0].astype(jnp.int32)
    dst = edge_index[1].astype(jnp.int32)

    emb_pad = jnp.zeros((32, EMB), jnp.float32).at[:26].set(embed)
    tctx = _tc_cnn(
        target_tokens.astype(jnp.int32).reshape(BATCH // BG, BG, L), emb_pad,
        jnp.transpose(cw1, (2, 1, 0)), cb1.reshape(1, C),
        jnp.transpose(cw2, (2, 1, 0)), cb2.reshape(1, C),
        jnp.transpose(cw3, (2, 1, 0)), cb3.reshape(1, C),
    ).reshape(BATCH, C)

    degp = _deg_scatter(dst)
    h0s = _tc_first(drug_x, W1, degp)
    scat1 = _gcn_scatter(h0s, src, dst)
    h1s = _tc_mid(scat1, h0s, b1.reshape(1, C), W2, degp)
    scat2 = _gcn_scatter(h1s, src, dst)
    h2s = _tc_mid(scat2, h1s, b2.reshape(1, C), W3, degp)
    scat3 = _gcn_scatter(h2s, src, dst)

    out = _tc_final(
        scat3, h2s, b3.reshape(1, C), degp,
        batch_idx.astype(jnp.int32).reshape(1, N), tctx,
        fw1, fb1.reshape(1, 256), fw2, fb2.reshape(1, 128),
        fw3.reshape(1, 128), fb3.reshape(1, 1),
    )
    return out.reshape(BATCH)

# --- scband reference (transcript-rebuilt; emitter-appended) ---
"""Pipeline reference for scband-drug-ban-61203283968295 (READ-ONLY COPY).

The authoritative reference and input builder live on the scoring server;
editing this copy changes nothing except your own understanding.
"""

import jax, jax.numpy as jnp
import numpy as np

N_NODES = 4096
N_EDGES = 16384
B = 16
L = 512
NODE_FEATURE_DIM = 78
GNN_HIDDEN = 64
AA_VOCAB_SIZE = 26
EMBED_DIM = 128


def setup_inputs(seed: int = 0) -> dict:
    key = jax.random.key(seed)
    ks = jax.random.split(key, 20)
    s = 0.05
    embed = jax.random.normal(ks[4], (AA_VOCAB_SIZE, EMBED_DIM), jnp.float32) * s
    embed = embed.at[0].set(0.0)  # padding_idx=0
    return dict(
        drug_x=jax.random.normal(ks[0], (N_NODES, NODE_FEATURE_DIM), jnp.float32),
        edge_index=jax.random.randint(ks[1], (2, N_EDGES), 0, N_NODES),
        batch_idx=jnp.sort(jax.random.randint(ks[2], (N_NODES,), 0, B)),
        target_tokens=jax.random.randint(ks[3], (B, L), 0, AA_VOCAB_SIZE),
        embed=embed,
        W1=jax.random.normal(ks[5], (NODE_FEATURE_DIM, GNN_HIDDEN), jnp.float32) * s,
        b1=jnp.zeros((GNN_HIDDEN,), jnp.float32),
        W2=jax.random.normal(ks[6], (GNN_HIDDEN, GNN_HIDDEN), jnp.float32) * s,
        b2=jnp.zeros((GNN_HIDDEN,), jnp.float32),
        W3=jax.random.normal(ks[7], (GNN_HIDDEN, GNN_HIDDEN), jnp.float32) * s,
        b3=jnp.zeros((GNN_HIDDEN,), jnp.float32),
        cw1=jax.random.normal(ks[8], (64, EMBED_DIM, 4), jnp.float32) * s,
        cb1=jnp.zeros((64,), jnp.float32),
        cw2=jax.random.normal(ks[9], (64, 64, 8), jnp.float32) * s,
        cb2=jnp.zeros((64,), jnp.float32),
        cw3=jax.random.normal(ks[10], (64, 64, 12), jnp.float32) * s,
        cb3=jnp.zeros((64,), jnp.float32),
        W_a=jax.random.normal(ks[11], (GNN_HIDDEN, 64), jnp.float32) * s,
        fw1=jax.random.normal(ks[12], (GNN_HIDDEN + 64, 256), jnp.float32) * s,
        fb1=jnp.zeros((256,), jnp.float32),
        fw2=jax.random.normal(ks[13], (256, 128), jnp.float32) * s,
        fb2=jnp.zeros((128,), jnp.float32),
        fw3=jax.random.normal(ks[14], (128, 1), jnp.float32) * s,
        fb3=jnp.zeros((1,), jnp.float32),
    )


def _gcn(x, src, dst, W, b):
    n = x.shape[0]
    h = x @ W
    loop = jnp.arange(n)
    s = jnp.concatenate([src, loop])
    d = jnp.concatenate([dst, loop])
    deg = jnp.zeros((n,), h.dtype).at[d].add(1.0)
    dinv = jax.lax.rsqrt(jnp.maximum(deg, 1.0))
    norm = dinv[s] * dinv[d]
    out = jnp.zeros_like(h).at[d].add(h[s] * norm[:, None])
    return out + b


def _conv1d(x, W, b):
    k = W.shape[-1]
    p = k // 2
    y = jax.lax.conv_general_dilated(x, W, (1,), [(p, p)],
                                     dimension_numbers=('NCH', 'OIH', 'NCH'))
    return y + b[None, :, None]


def reference(drug_x, edge_index, batch_idx, target_tokens, embed,
              W1, b1, W2, b2, W3, b3,
              cw1, cb1, cw2, cb2, cw3, cb3,
              W_a, fw1, fb1, fw2, fb2, fw3, fb3):
    src, dst = edge_index[0], edge_index[1]
    # GCN drug encoder
    h = jax.nn.relu(_gcn(drug_x, src, dst, W1, b1))
    h = jax.nn.relu(_gcn(h, src, dst, W2, b2))
    drug_feats = jax.nn.relu(_gcn(h, src, dst, W3, b3))
    # CNN target encoder (per-residue features)
    t = jnp.take(embed, target_tokens, axis=0)  # (B, L, E)
    t = jnp.transpose(t, (0, 2, 1))
    t = jax.nn.relu(_conv1d(t, cw1, cb1))
    t = jax.nn.relu(_conv1d(t, cw2, cb2))
    t = jax.nn.relu(_conv1d(t, cw3, cb3))
    target_h = jnp.transpose(t, (0, 2, 1))  # (B, Nt, 64)
    # Batched BCN over packed (ragged) drug nodes
    DW = drug_feats @ W_a  # (N, 64)
    nb = target_h.shape[0]
    outs = []
    for i in range(nb):
        mask = (batch_idx == i).astype(drug_feats.dtype)
        ti = target_h[i]                      # (Nt, 64)
        scores = DW @ ti.T                    # (N, Nt)
        A = jax.nn.softmax(scores, axis=-1)
        Am = A * mask[:, None]                # zero out rows not in sample i
        drug_ctx = (Am.T @ drug_feats).mean(axis=0)  # (64,)
        tgt_ctx = ti.mean(axis=0)             # (64,)
        outs.append(jnp.concatenate([drug_ctx, tgt_ctx], axis=0))
    inter = jnp.stack(outs, axis=0)           # (B, 128)
    # FC head (dropout is identity in eval)
    z = jax.nn.relu(inter @ fw1 + fb1)
    z = jax.nn.relu(z @ fw2 + fb2)
    return (z @ fw3 + fb3).squeeze(-1)

if __name__ == "__main__":
    import jax
    _d = setup_inputs()
    print(jax.jit(kernel)(*tuple(_d.values())))

</pallas_src>

<mosaic_0001>
#map = affine_map<(d0, d1) -> (0)>
#map1 = affine_map<(d0, d1) -> (0, 0, 0)>
module attributes {stable_mosaic.version = 14 : i64} {
  func.func @_deg_scatter(%arg0: i32, %arg1: i32, %arg2: memref<16384xi32, #tpu.memory_space<hbm>>, %arg3: memref<2x4096x16xf32, #tpu.memory_space<hbm>>, %arg4: memref<4096x16xf32, #tpu.memory_space<vmem_shared>>, %arg5: memref<4x128xi32, #tpu.memory_space<vmem>>, %arg6: memref<128x16xf32, #tpu.memory_space<vmem>>, %arg7: memref<256x16xf32, #tpu.memory_space<vmem>>) attributes {dimension_semantics = [#tpu.dimension_semantics<core_parallel>, #tpu.dimension_semantics<subcore_parallel>], iteration_bounds = array<i64: 2, 16>, scalar_prefetch = 0 : i64, scratch_operands = 4 : i64, tpu.core_type = #tpu.core_type<sc_vector_subcore>, window_params = [{transform_indices = #map}, {transform_indices = #map1}]} {
    %mul3A = arith.constant 256 : i32
    %mul3A_0 = arith.muli %arg1, %mul3A : i32
    %scan3A = arith.constant 0 : i32
    %scan3A_1 = arith.constant 0 : i32
    %scan3A_2 = arith.constant 128 : i32
    %scan3A_3 = arith.addi %scan3A_1, %scan3A_2 : i32
    %scan3A_4 = arith.constant 1 : i32
    scf.for %scan3A_26 = %scan3A_1 to %scan3A_3 step %scan3A_4  : i32 {
      %broadcast_in_dim3A = arith.constant 1.000000e+00 : f32
      %broadcast_in_dim3A_27 = vector.broadcast %broadcast_in_dim3A : f32 to vector<16xf32>
      %swap3A = arith.index_cast %scan3A_26 : i32 to index
      %swap3A_28 = arith.constant 0 : index
      %swap3A_29 = tpu.vector_load %arg6[%swap3A, %swap3A_28] {strides = array<i32>} : memref<128x16xf32, #tpu.memory_space<vmem>>, vector<16xf32>,
      tpu.vector_store %arg6[%swap3A, %swap3A_28], %broadcast_in_dim3A_27 {strides = array<i32>} : memref<128x16xf32, #tpu.memory_space<vmem>>, vector<16xf32>,
      %broadcast_in_dim3A_30 = arith.constant 0.000000e+00 : f32
      %broadcast_in_dim3A_31 = vector.broadcast %broadcast_in_dim3A_30 : f32 to vector<16xf32>
      %swap3A_32 = arith.index_cast %scan3A_26 : i32 to index
      %swap3A_33 = arith.constant 0 : index
      %swap3A_34 = tpu.vector_load %arg7[%swap3A_32, %swap3A_33] {strides = array<i32>} : memref<256x16xf32, #tpu.memory_space<vmem>>, vector<16xf32>,
      tpu.vector_store %arg7[%swap3A_32, %swap3A_33], %broadcast_in_dim3A_31 {strides = array<i32>} : memref<256x16xf32, #tpu.memory_space<vmem>>, vector<16xf32>,
      %broadcast_in_dim3A_35 = arith.constant 0.000000e+00 : f32
      %broadcast_in_dim3A_36 = vector.broadcast %broadcast_in_dim3A_35 : f32 to vector<16xf32>
      %add3A_37 = arith.constant 128 : i32
      %add3A_38 = arith.addi %scan3A_26, %add3A_37 : i32
      %swap3A_39 = arith.index_cast %add3A_38 : i32 to index
      %swap3A_40 = arith.constant 0 : index
      %swap3A_41 = tpu.vector_load %arg7[%swap3A_39, %swap3A_40] {strides = array<i32>} : memref<256x16xf32, #tpu.memory_space<vmem>>, vector<16xf32>,
      tpu.vector_store %arg7[%swap3A_39, %swap3A_40], %broadcast_in_dim3A_36 {strides = array<i32>} : memref<256x16xf32, #tpu.memory_space<vmem>>, vector<16xf32>,
    }
    %scan3A_5 = arith.constant 128 : i32
    "tpu.region"() ({
      %run_scoped3A_26 = tpu.sem_alloc : memref<!tpu.dma_semaphore, #tpu.memory_space<semaphore_mem>>
      %dma_start3A = arith.constant 0 : i32
      %dma_start3A_27 = tpu.memref_slice %arg4[%mul3A_0, %dma_start3A] : memref<4096x16xf32, #tpu.memory_space<vmem_shared>> -> memref<256x16xf32, #tpu.memory_space<vmem_shared>>
      %dma_start3A_28 = arith.constant 0 : i32
      %dma_start3A_29 = tpu.memref_slice %arg4[%mul3A_0, %dma_start3A_28] : memref<4096x16xf32, #tpu.memory_space<vmem_shared>> -> memref<256x16xf32, #tpu.memory_space<vmem_shared>>
      tpu.enqueue_dma source(%arg7 : memref<256x16xf32, #tpu.memory_space<vmem>>) target(%dma_start3A_29 : memref<256x16xf32, #tpu.memory_space<vmem_shared>>) target_semaphore(%run_scoped3A_26 : memref<!tpu.dma_semaphore, #tpu.memory_space<semaphore_mem>>)
      %dma_wait3A = arith.constant 0 : i32
      %dma_wait3A_30 = tpu.memref_slice %arg4[%mul3A_0, %dma_wait3A] : memref<4096x16xf32, #tpu.memory_space<vmem_shared>> -> memref<256x16xf32, #tpu.memory_space<vmem_shared>>
      %dma_wait3A_31 = arith.constant 0 : i32
      %dma_wait3A_32 = tpu.memref_slice %arg4[%mul3A_0, %dma_wait3A_31] : memref<4096x16xf32, #tpu.memory_space<vmem_shared>> -> memref<256x16xf32, #tpu.memory_space<vmem_shared>>
      tpu.wait_dma2 semaphore(%run_scoped3A_26 : memref<!tpu.dma_semaphore, #tpu.memory_space<semaphore_mem>>) src(%arg7 : memref<256x16xf32, #tpu.memory_space<vmem>>) dst(%dma_wait3A_32 : memref<256x16xf32, #tpu.memory_space<vmem_shared>>)
      tpu.yield
    }) : () -> ()
    %mul3A_6 = arith.constant 16 : i32
    %mul3A_7 = arith.muli %arg0, %mul3A_6 : i32
    %add3A = arith.addi %mul3A_7, %arg1 : i32
    %mul3A_8 = arith.constant 512 : i32
    %mul3A_9 = arith.muli %add3A, %mul3A_8 : i32
    %add3A_10 = arith.constant 0 : i32
    %add3A_11 = arith.addi %mul3A_9, %add3A_10 : i32
    %run_scoped3A = arith.constant 0 : i32
    "tpu.region"() ({
      %run_scoped3A_26 = tpu.sem_alloc : memref<!tpu.dma_semaphore, #tpu.memory_space<semaphore_mem>>
      %dma_start3A = arith.constant 0 : i32
      %dma_start3A_27 = tpu.memref_slice %arg5[%run_scoped3A, %dma_start3A] : memref<4x128xi32, #tpu.memory_space<vmem>> -> memref<1x128xi32, #tpu.memory_space<vmem>>
      %dma_start3A_28 = tpu.memref_squeeze %dma_start3A_27 : memref<1x128xi32, #tpu.memory_space<vmem>> -> memref<128xi32, #tpu.memory_space<vmem>>
      %dma_start3A_29 = tpu.memref_slice %arg2[%add3A_11] : memref<16384xi32, #tpu.memory_space<hbm>> -> memref<128xi32, #tpu.memory_space<hbm>>
      %dma_start3A_30 = arith.constant 0 : i32
      %dma_start3A_31 = tpu.memref_slice %arg5[%run_scoped3A, %dma_start3A_30] : memref<4x128xi32, #tpu.memory_space<vmem>> -> memref<1x128xi32, #tpu.memory_space<vmem>>
      %dma_start3A_32 = tpu.memref_squeeze %dma_start3A_31 : memref<1x128xi32, #tpu.memory_space<vmem>> -> memref<128xi32, #tpu.memory_space<vmem>>
      %dma_start3A_33 = tpu.memref_slice %arg2[%add3A_11] : memref<16384xi32, #tpu.memory_space<hbm>> -> memref<128xi32, #tpu.memory_space<hbm>>
      tpu.enqueue_dma source(%dma_start3A_33 : memref<128xi32, #tpu.memory_space<hbm>>) target(%dma_start3A_32 : memref<128xi32, #tpu.memory_space<vmem>>) target_semaphore(%run_scoped3A_26 : memref<!tpu.dma_semaphore, #tpu.memory_space<semaphore_mem>>)
      %dma_wait3A = arith.constant 0 : i32
      %dma_wait3A_34 = tpu.memref_slice %arg5[%run_scoped3A, %dma_wait3A] : memref<4x128xi32, #tpu.memory_space<vmem>> -> memref<1x128xi32, #tpu.memory_space<vmem>>
      %dma_wait3A_35 = tpu.memref_squeeze %dma_wait3A_34 : memref<1x128xi32, #tpu.memory_space<vmem>> -> memref<128xi32, #tpu.memory_space<vmem>>
      %dma_wait3A_36 = tpu.memref_slice %arg2[%add3A_11] : memref<16384xi32, #tpu.memory_space<hbm>> -> memref<128xi32, #tpu.memory_space<hbm>>
      %dma_wait3A_37 = arith.constant 0 : i32
      %dma_wait3A_38 = tpu.memref_slice %arg5[%run_scoped3A, %dma_wait3A_37] : memref<4x128xi32, #tpu.memory_space<vmem>> -> memref<1x128xi32, #tpu.memory_space<vmem>>
      %dma_wait3A_39 = tpu.memref_squeeze %dma_wait3A_38 : memref<1x128xi32, #tpu.memory_space<vmem>> -> memref<128xi32, #tpu.memory_space<vmem>>
      %dma_wait3A_40 = tpu.memref_slice %arg2[%add3A_11] : memref<16384xi32, #tpu.memory_space<hbm>> -> memref<128xi32, #tpu.memory_space<hbm>>
      tpu.wait_dma2 semaphore(%run_scoped3A_26 : memref<!tpu.dma_semaphore, #tpu.memory_space<semaphore_mem>>) src(%dma_wait3A_40 : memref<128xi32, #tpu.memory_space<hbm>>) dst(%dma_wait3A_39 : memref<128xi32, #tpu.memory_space<vmem>>)
      tpu.yield
    }) : () -> ()
    %add3A_12 = arith.constant 128 : i32
    %add3A_13 = arith.addi %mul3A_9, %add3A_12 : i32
    %run_scoped3A_14 = arith.constant 1 : i32
    "tpu.region"() ({
      %run_scoped3A_26 = tpu.sem_alloc : memref<!tpu.dma_semaphore, #tpu.memory_space<semaphore_mem>>
      %dma_start3A = arith.constant 0 : i32
      %dma_start3A_27 = tpu.memref_slice %arg5[%run_scoped3A_14, %dma_start3A] : memref<4x128xi32, #tpu.memory_space<vmem>> -> memref<1x128xi32, #tpu.memory_space<vmem>>
      %dma_start3A_28 = tpu.memref_squeeze %dma_start3A_27 : memref<1x128xi32, #tpu.memory_space<vmem>> -> memref<128xi32, #tpu.memory_space<vmem>>
      %dma_start3A_29 = tpu.memref_slice %arg2[%add3A_13] : memref<16384xi32, #tpu.memory_space<hbm>> -> memref<128xi32, #tpu.memory_space<hbm>>
      %dma_start3A_30 = arith.constant 0 : i32
      %dma_start3A_31 = tpu.memref_slice %arg5[%run_scoped3A_14, %dma_start3A_30] : memref<4x128xi32, #tpu.memory_space<vmem>> -> memref<1x128xi32, #tpu.memory_space<vmem>>
      %dma_start3A_32 = tpu.memref_squeeze %dma_start3A_31 : memref<1x128xi32, #tpu.memory_space<vmem>> -> memref<128xi32, #tpu.memory_space<vmem>>
      %dma_start3A_33 = tpu.memref_slice %arg2[%add3A_13] : memref<16384xi32, #tpu.memory_space<hbm>> -> memref<128xi32, #tpu.memory_space<hbm>>
      tpu.enqueue_dma source(%dma_start3A_33 : memref<128xi32, #tpu.memory_space<hbm>>) target(%dma_start3A_32 : memref<128xi32, #tpu.memory_space<vmem>>) target_semaphore(%run_scoped3A_26 : memref<!tpu.dma_semaphore, #tpu.memory_space<semaphore_mem>>)
      %dma_wait3A = arith.constant 0 : i32
      %dma_wait3A_34 = tpu.memref_slice %arg5[%run_scoped3A_14, %dma_wait3A] : memref<4x128xi32, #tpu.memory_space<vmem>> -> memref<1x128xi32, #tpu.memory_space<vmem>>
      %dma_wait3A_35 = tpu.memref_squeeze %dma_wait3A_34 : memref<1x128xi32, #tpu.memory_space<vmem>> -> memref<128xi32, #tpu.memory_space<vmem>>
      %dma_wait3A_36 = tpu.memref_slice %arg2[%add3A_13] : memref<16384xi32, #tpu.memory_space<hbm>> -> memref<128xi32, #tpu.memory_space<hbm>>
      %dma_wait3A_37 = arith.constant 0 : i32
      %dma_wait3A_38 = tpu.memref_slice %arg5[%run_scoped3A_14, %dma_wait3A_37] : memref<4x128xi32, #tpu.memory_space<vmem>> -> memref<1x128xi32, #tpu.memory_space<vmem>>
      %dma_wait3A_39 = tpu.memref_squeeze %dma_wait3A_38 : memref<1x128xi32, #tpu.memory_space<vmem>> -> memref<128xi32, #tpu.memory_space<vmem>>
      %dma_wait3A_40 = tpu.memref_slice %arg2[%add3A_13] : memref<16384xi32, #tpu.memory_space<hbm>> -> memref<128xi32, #tpu.memory_space<hbm>>
      tpu.wait_dma2 semaphore(%run_scoped3A_26 : memref<!tpu.dma_semaphore, #tpu.memory_space<semaphore_mem>>) src(%dma_wait3A_40 : memref<128xi32, #tpu.memory_space<hbm>>) dst(%dma_wait3A_39 : memref<128xi32, #tpu.memory_space<vmem>>)
      tpu.yield
    }) : () -> ()
    %add3A_15 = arith.constant 256 : i32
    %add3A_16 = arith.addi %mul3A_9, %add3A_15 : i32
    %run_scoped3A_17 = arith.constant 2 : i32
    "tpu.region"() ({
      %run_scoped3A_26 = tpu.sem_alloc : memref<!tpu.dma_semaphore, #tpu.memory_space<semaphore_mem>>
      %dma_start3A = arith.constant 0 : i32
      %dma_start3A_27 = tpu.memref_slice %arg5[%run_scoped3A_17, %dma_start3A] : memref<4x128xi32, #tpu.memory_space<vmem>> -> memref<1x128xi32, #tpu.memory_space<vmem>>
      %dma_start3A_28 = tpu.memref_squeeze %dma_start3A_27 : memref<1x128xi32, #tpu.memory_space<vmem>> -> memref<128xi32, #tpu.memory_space<vmem>>
      %dma_start3A_29 = tpu.memref_slice %arg2[%add3A_16] : memref<16384xi32, #tpu.memory_space<hbm>> -> memref<128xi32, #tpu.memory_space<hbm>>
      %dma_start3A_30 = arith.constant 0 : i32
      %dma_start3A_31 = tpu.memref_slice %arg5[%run_scoped3A_17, %dma_start3A_30] : memref<4x128xi32, #tpu.memory_space<vmem>> -> memref<1x128xi32, #tpu.memory_space<vmem>>
      %dma_start3A_32 = tpu.memref_squeeze %dma_start3A_31 : memref<1x128xi32, #tpu.memory_space<vmem>> -> memref<128xi32, #tpu.memory_space<vmem>>
      %dma_start3A_33 = tpu.memref_slice %arg2[%add3A_16] : memref<16384xi32, #tpu.memory_space<hbm>> -> memref<128xi32, #tpu.memory_space<hbm>>
      tpu.enqueue_dma source(%dma_start3A_33 : memref<128xi32, #tpu.memory_space<hbm>>) target(%dma_start3A_32 : memref<128xi32, #tpu.memory_space<vmem>>) target_semaphore(%run_scoped3A_26 : memref<!tpu.dma_semaphore, #tpu.memory_space<semaphore_mem>>)
      %dma_wait3A = arith.constant 0 : i32
      %dma_wait3A_34 = tpu.memref_slice %arg5[%run_scoped3A_17, %dma_wait3A] : memref<4x128xi32, #tpu.memory_space<vmem>> -> memref<1x128xi32, #tpu.memory_space<vmem>>
      %dma_wait3A_35 = tpu.memref_squeeze %dma_wait3A_34 : memref<1x128xi32, #tpu.memory_space<vmem>> -> memref<128xi32, #tpu.memory_space<vmem>>
      %dma_wait3A_36 = tpu.memref_slice %arg2[%add3A_16] : memref<16384xi32, #tpu.memory_space<hbm>> -> memref<128xi32, #tpu.memory_space<hbm>>
      %dma_wait3A_37 = arith.constant 0 : i32
      %dma_wait3A_38 = tpu.memref_slice %arg5[%run_scoped3A_17, %dma_wait3A_37] : memref<4x128xi32, #tpu.memory_space<vmem>> -> memref<1x128xi32, #tpu.memory_space<vmem>>
      %dma_wait3A_39 = tpu.memref_squeeze %dma_wait3A_38 : memref<1x128xi32, #tpu.memory_space<vmem>> -> memref<128xi32, #tpu.memory_space<vmem>>
      %dma_wait3A_40 = tpu.memref_slice %arg2[%add3A_16] : memref<16384xi32, #tpu.memory_space<hbm>> -> memref<128xi32, #tpu.memory_space<hbm>>
      tpu.wait_dma2 semaphore(%run_scoped3A_26 : memref<!tpu.dma_semaphore, #tpu.memory_space<semaphore_mem>>) src(%dma_wait3A_40 : memref<128xi32, #tpu.memory_space<hbm>>) dst(%dma_wait3A_39 : memref<128xi32, #tpu.memory_space<vmem>>)
      tpu.yield
    }) : () -> ()
    %add3A_18 = arith.constant 384 : i32
    %add3A_19 = arith.addi %mul3A_9, %add3A_18 : i32
    %run_scoped3A_20 = arith.constant 3 : i32
    "tpu.region"() ({
      %run_scoped3A_26 = tpu.sem_alloc : memref<!tpu.dma_semaphore, #tpu.memory_space<semaphore_mem>>
      %dma_start3A = arith.constant 0 : i32
      %dma_start3A_27 = tpu.memref_slice %arg5[%run_scoped3A_20, %dma_start3A] : memref<4x128xi32, #tpu.memory_space<vmem>> -> memref<1x128xi32, #tpu.memory_space<vmem>>
      %dma_start3A_28 = tpu.memref_squeeze %dma_start3A_27 : memref<1x128xi32, #tpu.memory_space<vmem>> -> memref<128xi32, #tpu.memory_space<vmem>>
      %dma_start3A_29 = tpu.memref_slice %arg2[%add3A_19] : memref<16384xi32, #tpu.memory_space<hbm>> -> memref<128xi32, #tpu.memory_space<hbm>>
      %dma_start3A_30 = arith.constant 0 : i32
      %dma_start3A_31 = tpu.memref_slice %arg5[%run_scoped3A_20, %dma_start3A_30] : memref<4x128xi32, #tpu.memory_space<vmem>> -> memref<1x128xi32, #tpu.memory_space<vmem>>
      %dma_start3A_32 = tpu.memref_squeeze %dma_start3A_31 : memref<1x128xi32, #tpu.memory_space<vmem>> -> memref<128xi32, #tpu.memory_space<vmem>>
      %dma_start3A_33 = tpu.memref_slice %arg2[%add3A_19] : memref<16384xi32, #tpu.memory_space<hbm>> -> memref<128xi32, #tpu.memory_space<hbm>>
      tpu.enqueue_dma source(%dma_start3A_33 : memref<128xi32, #tpu.memory_space<hbm>>) target(%dma_start3A_32 : memref<128xi32, #tpu.memory_space<vmem>>) target_semaphore(%run_scoped3A_26 : memref<!tpu.dma_semaphore, #tpu.memory_space<semaphore_mem>>)
      %dma_wait3A = arith.constant 0 : i32
      %dma_wait3A_34 = tpu.memref_slice %arg5[%run_scoped3A_20, %dma_wait3A] : memref<4x128xi32, #tpu.memory_space<vmem>> -> memref<1x128xi32, #tpu.memory_space<vmem>>
      %dma_wait3A_35 = tpu.memref_squeeze %dma_wait3A_34 : memref<1x128xi32, #tpu.memory_space<vmem>> -> memref<128xi32, #tpu.memory_space<vmem>>
      %dma_wait3A_36 = tpu.memref_slice %arg2[%add3A_19] : memref<16384xi32, #tpu.memory_space<hbm>> -> memref<128xi32, #tpu.memory_space<hbm>>
      %dma_wait3A_37 = arith.constant 0 : i32
      %dma_wait3A_38 = tpu.memref_slice %arg5[%run_scoped3A_20, %dma_wait3A_37] : memref<4x128xi32, #tpu.memory_space<vmem>> -> memref<1x128xi32, #tpu.memory_space<vmem>>
      %dma_wait3A_39 = tpu.memref_squeeze %dma_wait3A_38 : memref<1x128xi32, #tpu.memory_space<vmem>> -> memref<128xi32, #tpu.memory_space<vmem>>
      %dma_wait3A_40 = tpu.memref_slice %arg2[%add3A_19] : memref<16384xi32, #tpu.memory_space<hbm>> -> memref<128xi32, #tpu.memory_space<hbm>>
      tpu.wait_dma2 semaphore(%run_scoped3A_26 : memref<!tpu.dma_semaphore, #tpu.memory_space<semaphore_mem>>) src(%dma_wait3A_40 : memref<128xi32, #tpu.memory_space<hbm>>) dst(%dma_wait3A_39 : memref<128xi32, #tpu.memory_space<vmem>>)
      tpu.yield
    }) : () -> ()
    %barrier3A = arith.constant 0 : index
    tpu.barrier barrier_id(%barrier3A)
    %run_scoped3A_21 = arith.constant 0 : i32
    "tpu.region"() ({
      %run_scoped3A_26 = tpu.sem_alloc : memref<!tpu.dma_semaphore, #tpu.memory_space<semaphore_mem>>
      %dma_start3A = arith.constant 0 : i32
      %dma_start3A_27 = tpu.memref_slice %arg5[%run_scoped3A_21, %dma_start3A] : memref<4x128xi32, #tpu.memory_space<vmem>> -> memref<1x128xi32, #tpu.memory_space<vmem>>
      %dma_start3A_28 = tpu.memref_squeeze %dma_start3A_27 : memref<1x128xi32, #tpu.memory_space<vmem>> -> memref<128xi32, #tpu.memory_space<vmem>>
      %dma_start3A_29 = arith.constant 0 : i32
      %dma_start3A_30 = arith.constant 0 : i32
      %dma_start3A_31 = tpu.memref_slice %arg4[%dma_start3A_29, %dma_start3A_30] : memref<4096x16xf32, #tpu.memory_space<vmem_shared>> -> memref<4096x16xf32, #tpu.memory_space<vmem_shared>>
      tpu.enqueue_indirect_dma source(%arg6 : memref<128x16xf32, #tpu.memory_space<vmem>>) target(%dma_start3A_31 : memref<4096x16xf32, #tpu.memory_space<vmem_shared>>) offsets(%dma_start3A_28 : memref<128xi32, #tpu.memory_space<vmem>>) semaphore(%run_scoped3A_26 : memref<!tpu.dma_semaphore, #tpu.memory_space<semaphore_mem>>) {add = true}
      %dma_wait3A = arith.constant 0 : i32
      %dma_wait3A_32 = tpu.memref_slice %arg5[%run_scoped3A_21, %dma_wait3A] : memref<4x128xi32, #tpu.memory_space<vmem>> -> memref<1x128xi32, #tpu.memory_space<vmem>>
      %dma_wait3A_33 = tpu.memref_squeeze %dma_wait3A_32 : memref<1x128xi32, #tpu.memory_space<vmem>> -> memref<128xi32, #tpu.memory_space<vmem>>
      %dma_wait3A_34 = arith.constant 0 : i32
      %dma_wait3A_35 = arith.constant 0 : i32
      %dma_wait3A_36 = tpu.memref_slice %arg4[%dma_wait3A_34, %dma_wait3A_35] : memref<4096x16xf32, #tpu.memory_space<vmem_shared>> -> memref<4096x16xf32, #tpu.memory_space<vmem_shared>>
      tpu.wait_indirect_dma semaphore(%run_scoped3A_26 : memref<!tpu.dma_semaphore, #tpu.memory_space<semaphore_mem>>) src(%arg6 : memref<128x16xf32, #tpu.memory_space<vmem>>) dst(%dma_wait3A_36 : memref<4096x16xf32, #tpu.memory_space<vmem_shared>>)
      tpu.yield
    }) : () -> ()
    %run_scoped3A_22 = arith.constant 1 : i32
    "tpu.region"() ({
      %run_scoped3A_26 = tpu.sem_alloc : memref<!tpu.dma_semaphore, #tpu.memory_space<semaphore_mem>>
      %dma_start3A = arith.constant 0 : i32
      %dma_start3A_27 = tpu.memref_slice %arg5[%run_scoped3A_22, %dma_start3A] : memref<4x128xi32, #tpu.memory_space<vmem>> -> memref<1x128xi32, #tpu.memory_space<vmem>>
      %dma_start3A_28 = tpu.memref_squeeze %dma_start3A_27 : memref<1x128xi32, #tpu.memory_space<vmem>> -> memref<128xi32, #tpu.memory_space<vmem>>
      %dma_start3A_29 = arith.constant 0 : i32
      %dma_start3A_30 = arith.constant 0 : i32
      %dma_start3A_31 = tpu.memref_slice %arg4[%dma_start3A_29, %dma_start3A_30] : memref<4096x16xf32, #tpu.memory_space<vmem_shared>> -> memref<4096x16xf32, #tpu.memory_space<vmem_shared>>
      tpu.enqueue_indirect_dma source(%arg6 : memref<128x16xf32, #tpu.memory_space<vmem>>) target(%dma_start3A_31 : memref<4096x16xf32, #tpu.memory_space<vmem_shared>>) offsets(%dma_start3A_28 : memref<128xi32, #tpu.memory_space<vmem>>) semaphore(%run_scoped3A_26 : memref<!tpu.dma_semaphore, #tpu.memory_space<semaphore_mem>>) {add = true}
      %dma_wait3A = arith.constant 0 : i32
      %dma_wait3A_32 = tpu.memref_slice %arg5[%run_scoped3A_22, %dma_wait3A] : memref<4x128xi32, #tpu.memory_space<vmem>> -> memref<1x128xi32, #tpu.memory_space<vmem>>
      %dma_wait3A_33 = tpu.memref_squeeze %dma_wait3A_32 : memref<1x128xi32, #tpu.memory_space<vmem>> -> memref<128xi32, #tpu.memory_space<vmem>>
      %dma_wait3A_34 = arith.constant 0 : i32
      %dma_wait3A_35 = arith.constant 0 : i32
      %dma_wait3A_36 = tpu.memref_slice %arg4[%dma_wait3A_34, %dma_wait3A_35] : memref<4096x16xf32, #tpu.memory_space<vmem_shared>> -> memref<4096x16xf32, #tpu.memory_space<vmem_shared>>
      tpu.wait_indirect_dma semaphore(%run_scoped3A_26 : memref<!tpu.dma_semaphore, #tpu.memory_space<semaphore_mem>>) src(%arg6 : memref<128x16xf32, #tpu.memory_space<vmem>>) dst(%dma_wait3A_36 : memref<4096x16xf32, #tpu.memory_space<vmem_shared>>)
      tpu.yield
    }) : () -> ()
    %run_scoped3A_23 = arith.constant 2 : i32
    "tpu.region"() ({
      %run_scoped3A_26 = tpu.sem_alloc : memref<!tpu.dma_semaphore, #tpu.memory_space<semaphore_mem>>
      %dma_start3A = arith.constant 0 : i32
      %dma_start3A_27 = tpu.memref_slice %arg5[%run_scoped3A_23, %dma_start3A] : memref<4x128xi32, #tpu.memory_space<vmem>> -> memref<1x128xi32, #tpu.memory_space<vmem>>
      %dma_start3A_28 = tpu.memref_squeeze %dma_start3A_27 : memref<1x128xi32, #tpu.memory_space<vmem>> -> memref<128xi32, #tpu.memory_space<vmem>>
      %dma_start3A_29 = arith.constant 0 : i32
      %dma_start3A_30 = arith.constant 0 : i32
      %dma_start3A_31 = tpu.memref_slice %arg4[%dma_start3A_29, %dma_start3A_30] : memref<4096x16xf32, #tpu.memory_space<vmem_shared>> -> memref<4096x16xf32, #tpu.memory_space<vmem_shared>>
      tpu.enqueue_indirect_dma source(%arg6 : memref<128x16xf32, #tpu.memory_space<vmem>>) target(%dma_start3A_31 : memref<4096x16xf32, #tpu.memory_space<vmem_shared>>) offsets(%dma_start3A_28 : memref<128xi32, #tpu.memory_space<vmem>>) semaphore(%run_scoped3A_26 : memref<!tpu.dma_semaphore, #tpu.memory_space<semaphore_mem>>) {add = true}
      %dma_wait3A = arith.constant 0 : i32
      %dma_wait3A_32 = tpu.memref_slice %arg5[%run_scoped3A_23, %dma_wait3A] : memref<4x128xi32, #tpu.memory_space<vmem>> -> memref<1x128xi32, #tpu.memory_space<vmem>>
      %dma_wait3A_33 = tpu.memref_squeeze %dma_wait3A_32 : memref<1x128xi32, #tpu.memory_space<vmem>> -> memref<128xi32, #tpu.memory_space<vmem>>
      %dma_wait3A_34 = arith.constant 0 : i32
      %dma_wait3A_35 = arith.constant 0 : i32
      %dma_wait3A_36 = tpu.memref_slice %arg4[%dma_wait3A_34, %dma_wait3A_35] : memref<4096x16xf32, #tpu.memory_space<vmem_shared>> -> memref<4096x16xf32, #tpu.memory_space<vmem_shared>>
      tpu.wait_indirect_dma semaphore(%run_scoped3A_26 : memref<!tpu.dma_semaphore, #tpu.memory_space<semaphore_mem>>) src(%arg6 : memref<128x16xf32, #tpu.memory_space<vmem>>) dst(%dma_wait3A_36 : memref<4096x16xf32, #tpu.memory_space<vmem_shared>>)
      tpu.yield
    }) : () -> ()
    %run_scoped3A_24 = arith.constant 3 : i32
    "tpu.region"() ({
      %run_scoped3A_26 = tpu.sem_alloc : memref<!tpu.dma_semaphore, #tpu.memory_space<semaphore_mem>>
      %dma_start3A = arith.constant 0 : i32
      %dma_start3A_27 = tpu.memref_slice %arg5[%run_scoped3A_24, %dma_start3A] : memref<4x128xi32, #tpu.memory_space<vmem>> -> memref<1x128xi32, #tpu.memory_space<vmem>>
      %dma_start3A_28 = tpu.memref_squeeze %dma_start3A_27 : memref<1x128xi32, #tpu.memory_space<vmem>> -> memref<128xi32, #tpu.memory_space<vmem>>
      %dma_start3A_29 = arith.constant 0 : i32
      %dma_start3A_30 = arith.constant 0 : i32
      %dma_start3A_31 = tpu.memref_slice %arg4[%dma_start3A_29, %dma_start3A_30] : memref<4096x16xf32, #tpu.memory_space<vmem_shared>> -> memref<4096x16xf32, #tpu.memory_space<vmem_shared>>
      tpu.enqueue_indirect_dma source(%arg6 : memref<128x16xf32, #tpu.memory_space<vmem>>) target(%dma_start3A_31 : memref<4096x16xf32, #tpu.memory_space<vmem_shared>>) offsets(%dma_start3A_28 : memref<128xi32, #tpu.memory_space<vmem>>) semaphore(%run_scoped3A_26 : memref<!tpu.dma_semaphore, #tpu.memory_space<semaphore_mem>>) {add = true}
      %dma_wait3A = arith.constant 0 : i32
      %dma_wait3A_32 = tpu.memref_slice %arg5[%run_scoped3A_24, %dma_wait3A] : memref<4x128xi32, #tpu.memory_space<vmem>> -> memref<1x128xi32, #tpu.memory_space<vmem>>
      %dma_wait3A_33 = tpu.memref_squeeze %dma_wait3A_32 : memref<1x128xi32, #tpu.memory_space<vmem>> -> memref<128xi32, #tpu.memory_space<vmem>>
      %dma_wait3A_34 = arith.constant 0 : i32
      %dma_wait3A_35 = arith.constant 0 : i32
      %dma_wait3A_36 = tpu.memref_slice %arg4[%dma_wait3A_34, %dma_wait3A_35] : memref<4096x16xf32, #tpu.memory_space<vmem_shared>> -> memref<4096x16xf32, #tpu.memory_space<vmem_shared>>
      tpu.wait_indirect_dma semaphore(%run_scoped3A_26 : memref<!tpu.dma_semaphore, #tpu.memory_space<semaphore_mem>>) src(%arg6 : memref<128x16xf32, #tpu.memory_space<vmem>>) dst(%dma_wait3A_36 : memref<4096x16xf32, #tpu.memory_space<vmem_shared>>)
      tpu.yield
    }) : () -> ()
    %barrier3A_25 = arith.constant 0 : index
    tpu.barrier barrier_id(%barrier3A_25)
    "tpu.region"() ({
      %run_scoped3A_26 = tpu.sem_alloc : memref<!tpu.dma_semaphore, #tpu.memory_space<semaphore_mem>>
      %dma_start3A = arith.constant 0 : i32
      %dma_start3A_27 = tpu.memref_slice %arg3[%arg0, %mul3A_0, %dma_start3A] : memref<2x4096x16xf32, #tpu.memory_space<hbm>> -> memref<1x256x16xf32, #tpu.memory_space<hbm>>
      %dma_start3A_28 = tpu.memref_squeeze %dma_start3A_27 : memref<1x256x16xf32, #tpu.memory_space<hbm>> -> memref<256x16xf32, #tpu.memory_space<hbm>>
      %dma_start3A_29 = arith.constant 0 : i32
      %dma_start3A_30 = tpu.memref_slice %arg4[%mul3A_0, %dma_start3A_29] : memref<4096x16xf32, #tpu.memory_space<vmem_shared>> -> memref<256x16xf32, #tpu.memory_space<vmem_shared>>
      tpu.enqueue_dma source(%dma_start3A_30 : memref<256x16xf32, #tpu.memory_space<vmem_shared>>) target(%dma_start3A_28 : memref<256x16xf32, #tpu.memory_space<hbm>>) target_semaphore(%run_scoped3A_26 : memref<!tpu.dma_semaphore, #tpu.memory_space<semaphore_mem>>)
      %dma_wait3A = arith.constant 0 : i32
      %dma_wait3A_31 = tpu.memref_slice %arg3[%arg0, %mul3A_0, %dma_wait3A] : memref<2x4096x16xf32, #tpu.memory_space<hbm>> -> memref<1x256x16xf32, #tpu.memory_space<hbm>>
      %dma_wait3A_32 = tpu.memref_squeeze %dma_wait3A_31 : memref<1x256x16xf32, #tpu.memory_space<hbm>> -> memref<256x16xf32, #tpu.memory_space<hbm>>
      %dma_wait3A_33 = arith.constant 0 : i32
      %dma_wait3A_34 = tpu.memref_slice %arg4[%mul3A_0, %dma_wait3A_33] : memref<4096x16xf32, #tpu.memory_space<vmem_shared>> -> memref<256x16xf32, #tpu.memory_space<vmem_shared>>
      tpu.wait_dma2 semaphore(%run_scoped3A_26 : memref<!tpu.dma_semaphore, #tpu.memory_space<semaphore_mem>>) src(%dma_wait3A_34 : memref<256x16xf32, #tpu.memory_space<vmem_shared>>) dst(%dma_wait3A_32 : memref<256x16xf32, #tpu.memory_space<hbm>>)
      tpu.yield
    }) : () -> ()
    return
  }
}

#map = affine_map<(d0, d1) -> (0, 0)>
#map1 = affine_map<(d0, d1) -> (0)>
#map2 = affine_map<(d0, d1) -> (0, 0, 0)>
module attributes {stable_mosaic.version = 14 : i64} {
  func.func @_gcn_scatter(%arg0: i32, %arg1: i32, %arg2: memref<4096x64xf32, #tpu.memory_space<hbm>>, %arg3: memref<16384xi32, #tpu.memory_space<hbm>>, %arg4: memref<16384xi32, #tpu.memory_space<hbm>>, %arg5: memref<2x4096x64xf32, #tpu.memory_space<hbm>>, %arg6: memref<4096x64xf32, #tpu.memory_space<vmem_shared>>, %arg7: memref<4x128xi32, #tpu.memory_space<vmem>>, %arg8: memref<4x128xi32, #tpu.memory_space<vmem>>, %arg9: memref<4x128x64xf32, #tpu.memory_space<vmem>>, %arg10: memref<256x64xf32, #tpu.memory_space<vmem>>, %arg11: memref<!tpu.dma_semaphore, #tpu.memory_space<semaphore_mem>>, %arg12: memref<!tpu.dma_semaphore, #tpu.memory_space<semaphore_mem>>, %arg13: memref<!tpu.dma_semaphore, #tpu.memory_space<semaphore_mem>>, %arg14: memref<!tpu.dma_semaphore, #tpu.memory_space<semaphore_mem>>, %arg15: memref<!tpu.dma_semaphore, #tpu.memory_space<semaphore_mem>>) attributes {dimension_semantics = [#tpu.dimension_semantics<core_parallel>, #tpu.dimension_semantics<subcore_parallel>], iteration_bounds = array<i64: 2, 16>, scalar_prefetch = 0 : i64, scratch_operands = 10 : i64, tpu.core_type = #tpu.core_type<sc_vector_subcore>, window_params = [{transform_indices = #map}, {transform_indices = #map1}, {transform_indices = #map1}, {transform_indices = #map2}]} {
    %mul3A = arith.constant 256 : i32
    %mul3A_0 = arith.muli %arg1, %mul3A : i32
    %scan3A = arith.constant 0 : i32
    %scan3A_1 = arith.constant 0 : i32
    %scan3A_2 = arith.constant 256 : i32
    %scan3A_3 = arith.addi %scan3A_1, %scan3A_2 : i32
    %scan3A_4 = arith.constant 1 : i32
    scf.for %scan3A_224 = %scan3A_1 to %scan3A_3 step %scan3A_4  : i32 {
      %broadcast_in_dim3A = arith.constant 0.000000e+00 : f32
      %broadcast_in_dim3A_225 = vector.broadcast %broadcast_in_dim3A : f32 to vector<16xf32>
      %swap3A = arith.index_cast %scan3A_224 : i32 to index
      %swap3A_226 = arith.constant 0 : index
      %swap3A_227 = tpu.vector_load %arg10[%swap3A, %swap3A_226] {strides = array<i32>} : memref<256x64xf32, #tpu.memory_space<vmem>>, vector<16xf32>,
      tpu.vector_store %arg10[%swap3A, %swap3A_226], %broadcast_in_dim3A_225 {strides = array<i32>} : memref<256x64xf32, #tpu.memory_space<vmem>>, vector<16xf32>,
      %broadcast_in_dim3A_228 = arith.constant 0.000000e+00 : f32
      %broadcast_in_dim3A_229 = vector.broadcast %broadcast_in_dim3A_228 : f32 to vector<16xf32>
      %swap3A_230 = arith.index_cast %scan3A_224 : i32 to index
      %swap3A_231 = arith.constant 16 : index
      %swap3A_232 = tpu.vector_load %arg10[%swap3A_230, %swap3A_231] {strides = array<i32>} : memref<256x64xf32, #tpu.memory_space<vmem>>, vector<16xf32>,
      tpu.vector_store %arg10[%swap3A_230, %swap3A_231], %broadcast_in_dim3A_229 {strides = array<i32>} : memref<256x64xf32, #tpu.memory_space<vmem>>, vector<16xf32>,
      %broadcast_in_dim3A_233 = arith.constant 0.000000e+00 : f32
      %broadcast_in_dim3A_234 = vector.broadcast %broadcast_in_dim3A_233 : f32 to vector<16xf32>
      %swap3A_235 = arith.index_cast %scan3A_224 : i32 to index
      %swap3A_236 = arith.constant 32 : index
      %swap3A_237 = tpu.vector_load %arg10[%swap3A_235, %swap3A_236] {strides = array<i32>} : memref<256x64xf32, #tpu.memory_space<vmem>>, vector<16xf32>,
      tpu.vector_store %arg10[%swap3A_235, %swap3A_236], %broadcast_in_dim3A_234 {strides = array<i32>} : memref<256x64xf32, #tpu.memory_space<vmem>>, vector<16xf32>,
      %broadcast_in_dim3A_238 = arith.constant 0.000000e+00 : f32
      %broadcast_in_dim3A_239 = vector.broadcast %broadcast_in_dim3A_238 : f32 to vector<16xf32>
      %swap3A_240 = arith.index_cast %scan3A_224 : i32 to index
      %swap3A_241 = arith.constant 48 : index
      %swap3A_242 = tpu.vector_load %arg10[%swap3A_240, %swap3A_241] {strides = array<i32>} : memref<256x64xf32, #tpu.memory_space<vmem>>, vector<16xf32>,
      tpu.vector_store %arg10[%swap3A_240, %swap3A_241], %broadcast_in_dim3A_239 {strides = array<i32>} : memref<256x64xf32, #tpu.memory_space<vmem>>, vector<16xf32>,
    }
    %scan3A_5 = arith.constant 256 : i32
    "tpu.region"() ({
      %run_scoped3A_224 = tpu.sem_alloc : memref<!tpu.dma_semaphore, #tpu.memory_space<semaphore_mem>>
      %dma_start3A_225 = arith.constant 0 : i32
      %dma_start3A_226 = tpu.memref_slice %arg6[%mul3A_0, %dma_start3A_225] : memref<4096x64xf32, #tpu.memory_space<vmem_shared>> -> memref<256x64xf32, #tpu.memory_space<vmem_shared>>
      %dma_start3A_227 = arith.constant 0 : i32
      %dma_start3A_228 = tpu.memref_slice %arg6[%mul3A_0, %dma_start3A_227] : memref<4096x64xf32, #tpu.memory_space<vmem_shared>> -> memref<256x64xf32, #tpu.memory_space<vmem_shared>>
      tpu.enqueue_dma source(%arg10 : memref<256x64xf32, #tpu.memory_space<vmem>>) target(%dma_start3A_228 : memref<256x64xf32, #tpu.memory_space<vmem_shared>>) target_semaphore(%run_scoped3A_224 : memref<!tpu.dma_semaphore, #tpu.memory_space<semaphore_mem>>)
      %dma_wait3A_229 = arith.constant 0 : i32
      %dma_wait3A_230 = tpu.memref_slice %arg6[%mul3A_0, %dma_wait3A_229] : memref<4096x64xf32, #tpu.memory_space<vmem_shared>> -> memref<256x64xf32, #tpu.memory_space<vmem_shared>>
      %dma_wait3A_231 = arith.constant 0 : i32
      %dma_wait3A_232 = tpu.memref_slice %arg6[%mul3A_0, %dma_wait3A_231] : memref<4096x64xf32, #tpu.memory_space<vmem_shared>> -> memref<256x64xf32, #tpu.memory_space<vmem_shared>>
      tpu.wait_dma2 semaphore(%run_scoped3A_224 : memref<!tpu.dma_semaphore, #tpu.memory_space<semaphore_mem>>) src(%arg10 : memref<256x64xf32, #tpu.memory_space<vmem>>) dst(%dma_wait3A_232 : memref<256x64xf32, #tpu.memory_space<vmem_shared>>)
      tpu.yield
    }) : () -> ()
    %mul3A_6 = arith.constant 16 : i32
    %mul3A_7 = arith.muli %arg0, %mul3A_6 : i32
    %add3A = arith.addi %mul3A_7, %arg1 : i32
    %mul3A_8 = arith.constant 512 : i32
    %mul3A_9 = arith.muli %add3A, %mul3A_8 : i32
    %add3A_10 = arith.constant 0 : i32
    %add3A_11 = arith.addi %mul3A_9, %add3A_10 : i32
    %run_scoped3A = arith.constant 0 : i32
    "tpu.region"() ({
      %run_scoped3A_224 = tpu.sem_alloc : memref<!tpu.dma_semaphore, #tpu.memory_space<semaphore_mem>>
      %dma_start3A_225 = arith.constant 0 : i32
      %dma_start3A_226 = tpu.memref_slice %arg7[%run_scoped3A, %dma_start3A_225] : memref<4x128xi32, #tpu.memory_space<vmem>> -> memref<1x128xi32, #tpu.memory_space<vmem>>
      %dma_start3A_227 = tpu.memref_squeeze %dma_start3A_226 : memref<1x128xi32, #tpu.memory_space<vmem>> -> memref<128xi32, #tpu.memory_space<vmem>>
      %dma_start3A_228 = tpu.memref_slice %arg3[%add3A_11] : memref<16384xi32, #tpu.memory_space<hbm>> -> memref<128xi32, #tpu.memory_space<hbm>>
      %dma_start3A_229 = arith.constant 0 : i32
      %dma_start3A_230 = tpu.memref_slice %arg7[%run_scoped3A, %dma_start3A_229] : memref<4x128xi32, #tpu.memory_space<vmem>> -> memref<1x128xi32, #tpu.memory_space<vmem>>
      %dma_start3A_231 = tpu.memref_squeeze %dma_start3A_230 : memref<1x128xi32, #tpu.memory_space<vmem>> -> memref<128xi32, #tpu.memory_space<vmem>>
      %dma_start3A_232 = tpu.memref_slice %arg3[%add3A_11] : memref<16384xi32, #tpu.memory_space<hbm>> -> memref<128xi32, #tpu.memory_space<hbm>>
      tpu.enqueue_dma source(%dma_start3A_232 : memref<128xi32, #tpu.memory_space<hbm>>) target(%dma_start3A_231 : memref<128xi32, #tpu.memory_space<vmem>>) target_semaphore(%run_scoped3A_224 : memref<!tpu.dma_semaphore, #tpu.memory_space<semaphore_mem>>)
      %dma_wait3A_233 = arith.constant 0 : i32
      %dma_wait3A_234 = tpu.memref_slice %arg7[%run_scoped3A, %dma_wait3A_233] : memref<4x128xi32, #tpu.memory_space<vmem>> -> memref<1x128xi32, #tpu.memory_space<vmem>>
      %dma_wait3A_235 = tpu.memref_squeeze %dma_wait3A_234 : memref<1x128xi32, #tpu.memory_space<vmem>> -> memref<128xi32, #tpu.memory_space<vmem>>
      %dma_wait3A_236 = tpu.memref_slice %arg3[%add3A_11] : memref<16384xi32, #tpu.memory_space<hbm>> -> memref<128xi32, #tpu.memory_space<hbm>>
      %dma_wait3A_237 = arith.constant 0 : i32
      %dma_wait3A_238 = tpu.memref_slice %arg7[%run_scoped3A, %dma_wait3A_237] : memref<4x128xi32, #tpu.memory_space<vmem>> -> memref<1x128xi32, #tpu.memory_space<vmem>>
      %dma_wait3A_239 = tpu.memref_squeeze %dma_wait3A_238 : memref<1x128xi32, #tpu.memory_space<vmem>> -> memref<128xi32, #tpu.memory_space<vmem>>
      %dma_wait3A_240 = tpu.memref_slice %arg3[%add3A_11] : memref<16384xi32, #tpu.memory_space<hbm>> -> memref<128xi32, #tpu.memory_space<hbm>>
      tpu.wait_dma2 semaphore(%run_scoped3A_224 : memref<!tpu.dma_semaphore, #tpu.memory_space<semaphore_mem>>) src(%dma_wait3A_240 : memref<128xi32, #tpu.memory_space<hbm>>) dst(%dma_wait3A_239 : memref<128xi32, #tpu.memory_space<vmem>>)
      tpu.yield
    }) : () -> ()
    %add3A_12 = arith.constant 0 : i32
    %add3A_13 = arith.addi %mul3A_9, %add3A_12 : i32
    %run_scoped3A_14 = arith.constant 0 : i32
    "tpu.region"() ({
      %run_scoped3A_224 = tpu.sem_alloc : memref<!tpu.dma_semaphore, #tpu.memory_space<semaphore_mem>>
      %dma_start3A_225 = arith.constant 0 : i32
      %dma_start3A_226 = tpu.memref_slice %arg8[%run_scoped3A_14, %dma_start3A_225] : memref<4x128xi32, #tpu.memory_space<vmem>> -> memref<1x128xi32, #tpu.memory_space<vmem>>
      %dma_start3A_227 = tpu.memref_squeeze %dma_start3A_226 : memref<1x128xi32, #tpu.memory_space<vmem>> -> memref<128xi32, #tpu.memory_space<vmem>>
      %dma_start3A_228 = tpu.memref_slice %arg4[%add3A_13] : memref<16384xi32, #tpu.memory_space<hbm>> -> memref<128xi32, #tpu.memory_space<hbm>>
      %dma_start3A_229 = arith.constant 0 : i32
      %dma_start3A_230 = tpu.memref_slice %arg8[%run_scoped3A_14, %dma_start3A_229] : memref<4x128xi32, #tpu.memory_space<vmem>> -> memref<1x128xi32, #tpu.memory_space<vmem>>
      %dma_start3A_231 = tpu.memref_squeeze %dma_start3A_230 : memref<1x128xi32, #tpu.memory_space<vmem>> -> memref<128xi32, #tpu.memory_space<vmem>>
      %dma_start3A_232 = tpu.memref_slice %arg4[%add3A_13] : memref<16384xi32, #tpu.memory_space<hbm>> -> memref<128xi32, #tpu.memory_space<hbm>>
      tpu.enqueue_dma source(%dma_start3A_232 : memref<128xi32, #tpu.memory_space<hbm>>) target(%dma_start3A_231 : memref<128xi32, #tpu.memory_space<vmem>>) target_semaphore(%run_scoped3A_224 : memref<!tpu.dma_semaphore, #tpu.memory_space<semaphore_mem>>)
      %dma_wait3A_233 = arith.constant 0 : i32
      %dma_wait3A_234 = tpu.memref_slice %arg8[%run_scoped3A_14, %dma_wait3A_233] : memref<4x128xi32, #tpu.memory_space<vmem>> -> memref<1x128xi32, #tpu.memory_space<vmem>>
      %dma_wait3A_235 = tpu.memref_squeeze %dma_wait3A_234 : memref<1x128xi32, #tpu.memory_space<vmem>> -> memref<128xi32, #tpu.memory_space<vmem>>
      %dma_wait3A_236 = tpu.memref_slice %arg4[%add3A_13] : memref<16384xi32, #tpu.memory_space<hbm>> -> memref<128xi32, #tpu.memory_space<hbm>>
      %dma_wait3A_237 = arith.constant 0 : i32
      %dma_wait3A_238 = tpu.memref_slice %arg8[%run_scoped3A_14, %dma_wait3A_237] : memref<4x128xi32, #tpu.memory_space<vmem>> -> memref<1x128xi32, #tpu.memory_space<vmem>>
      %dma_wait3A_239 = tpu.memref_squeeze %dma_wait3A_238 : memref<1x128xi32, #tpu.memory_space<vmem>> -> memref<128xi32, #tpu.memory_space<vmem>>
      %dma_wait3A_240 = tpu.memref_slice %arg4[%add3A_13] : memref<16384xi32, #tpu.memory_space<hbm>> -> memref<128xi32, #tpu.memory_space<hbm>>
      tpu.wait_dma2 semaphore(%run_scoped3A_224 : memref<!tpu.dma_semaphore, #tpu.memory_space<semaphore_mem>>) src(%dma_wait3A_240 : memref<128xi32, #tpu.memory_space<hbm>>) dst(%dma_wait3A_239 : memref<128xi32, #tpu.memory_space<vmem>>)
      tpu.yield
    }) : () -> ()
    %add3A_15 = arith.constant 128 : i32
    %add3A_16 = arith.addi %mul3A_9, %add3A_15 : i32
    %run_scoped3A_17 = arith.constant 1 : i32
    "tpu.region"() ({
      %run_scoped3A_224 = tpu.sem_alloc : memref<!tpu.dma_semaphore, #tpu.memory_space<semaphore_mem>>
      %dma_start3A_225 = arith.constant 0 : i32
      %dma_start3A_226 = tpu.memref_slice %arg7[%run_scoped3A_17, %dma_start3A_225] : memref<4x128xi32, #tpu.memory_space<vmem>> -> memref<1x128xi32, #tpu.memory_space<vmem>>
      %dma_start3A_227 = tpu.memref_squeeze %dma_start3A_226 : memref<1x128xi32, #tpu.memory_space<vmem>> -> memref<128xi32, #tpu.memory_space<vmem>>
      %dma_start3A_228 = tpu.memref_slice %arg3[%add3A_16] : memref<16384xi32, #tpu.memory_space<hbm>> -> memref<128xi32, #tpu.memory_space<hbm>>
      %dma_start3A_229 = arith.constant 0 : i32
      %dma_start3A_230 = tpu.memref_slice %arg7[%run_scoped3A_17, %dma_start3A_229] : memref<4x128xi32, #tpu.memory_space<vmem>> -> memref<1x128xi32, #tpu.memory_space<vmem>>
      %dma_start3A_231 = tpu.memref_squeeze %dma_start3A_230 : memref<1x128xi32, #tpu.memory_space<vmem>> -> memref<128xi32, #tpu.memory_space<vmem>>
      %dma_start3A_232 = tpu.memref_slice %arg3[%add3A_16] : memref<16384xi32, #tpu.memory_space<hbm>> -> memref<128xi32, #tpu.memory_space<hbm>>
      tpu.enqueue_dma source(%dma_start3A_232 : memref<128xi32, #tpu.memory_space<hbm>>) target(%dma_start3A_231 : memref<128xi32, #tpu.memory_space<vmem>>) target_semaphore(%run_scoped3A_224 : memref<!tpu.dma_semaphore, #tpu.memory_space<semaphore_mem>>)
      %dma_wait3A_233 = arith.constant 0 : i32
      %dma_wait3A_234 = tpu.memref_slice %arg7[%run_scoped3A_17, %dma_wait3A_233] : memref<4x128xi32, #tpu.memory_space<vmem>> -> memref<1x128xi32, #tpu.memory_space<vmem>>
      %dma_wait3A_235 = tpu.memref_squeeze %dma_wait3A_234 : memref<1x128xi32, #tpu.memory_space<vmem>> -> memref<128xi32, #tpu.memory_space<vmem>>
      %dma_wait3A_236 = tpu.memref_slice %arg3[%add3A_16] : memref<16384xi32, #tpu.memory_space<hbm>> -> memref<128xi32, #tpu.memory_space<hbm>>
      %dma_wait3A_237 = arith.constant 0 : i32
      %dma_wait3A_238 = tpu.memref_slice %arg7[%run_scoped3A_17, %dma_wait3A_237] : memref<4x128xi32, #tpu.memory_space<vmem>> -> memref<1x128xi32, #tpu.memory_space<vmem>>
      %dma_wait3A_239 = tpu.memref_squeeze %dma_wait3A_238 : memref<1x128xi32, #tpu.memory_space<vmem>> -> memref<128xi32, #tpu.memory_space<vmem>>
      %dma_wait3A_240 = tpu.memref_slice %arg3[%add3A_16] : memref<16384xi32, #tpu.memory_space<hbm>> -> memref<128xi32, #tpu.memory_space<hbm>>
      tpu.wait_dma2 semaphore(%run_scoped3A_224 : memref<!tpu.dma_semaphore, #tpu.memory_space<semaphore_mem>>) src(%dma_wait3A_240 : memref<128xi32, #tpu.memory_space<hbm>>) dst(%dma_wait3A_239 : memref<128xi32, #tpu.memory_space<vmem>>)
      tpu.yield
    }) : () -> ()
    %add3A_18 = arith.constant 128 : i32
    %add3A_19 = arith.addi %mul3A_9, %add3A_18 : i32
    %run_scoped3A_20 = arith.constant 1 : i32
    "tpu.region"() ({
      %run_scoped3A_224 = tpu.sem_alloc : memref<!tpu.dma_semaphore, #tpu.memory_space<semaphore_mem>>
      %dma_start3A_225 = arith.constant 0 : i32
      %dma_start3A_226 = tpu.memref_slice %arg8[%run_scoped3A_20, %dma_start3A_225] : memref<4x128xi32, #tpu.memory_space<vmem>> -> memref<1x128xi32, #tpu.memory_space<vmem>>
      %dma_start3A_227 = tpu.memref_squeeze %dma_start3A_226 : memref<1x128xi32, #tpu.memory_space<vmem>> -> memref<128xi32, #tpu.memory_space<vmem>>
      %dma_start3A_228 = tpu.memref_slice %arg4[%add3A_19] : memref<16384xi32, #tpu.memory_space<hbm>> -> memref<128xi32, #tpu.memory_space<hbm>>
      %dma_start3A_229 = arith.constant 0 : i32
      %dma_start3A_230 = tpu.memref_slice %arg8[%run_scoped3A_20, %dma_start3A_229] : memref<4x128xi32, #tpu.memory_space<vmem>> -> memref<1x128xi32, #tpu.memory_space<vmem>>
      %dma_start3A_231 = tpu.memref_squeeze %dma_start3A_230 : memref<1x128xi32, #tpu.memory_space<vmem>> -> memref<128xi32, #tpu.memory_space<vmem>>
      %dma_start3A_232 = tpu.memref_slice %arg4[%add3A_19] : memref<16384xi32, #tpu.memory_space<hbm>> -> memref<128xi32, #tpu.memory_space<hbm>>
      tpu.enqueue_dma source(%dma_start3A_232 : memref<128xi32, #tpu.memory_space<hbm>>) target(%dma_start3A_231 : memref<128xi32, #tpu.memory_space<vmem>>) target_semaphore(%run_scoped3A_224 : memref<!tpu.dma_semaphore, #tpu.memory_space<semaphore_mem>>)
      %dma_wait3A_233 = arith.constant 0 : i32
      %dma_wait3A_234 = tpu.memref_slice %arg8[%run_scoped3A_20, %dma_wait3A_233] : memref<4x128xi32, #tpu.memory_space<vmem>> -> memref<1x128xi32, #tpu.memory_space<vmem>>
      %dma_wait3A_235 = tpu.memref_squeeze %dma_wait3A_234 : memref<1x128xi32, #tpu.memory_space<vmem>> -> memref<128xi32, #tpu.memory_space<vmem>>
      %dma_wait3A_236 = tpu.memref_slice %arg4[%add3A_19] : memref<16384xi32, #tpu.memory_space<hbm>> -> memref<128xi32, #tpu.memory_space<hbm>>
      %dma_wait3A_237 = arith.constant 0 : i32
      %dma_wait3A_238 = tpu.memref_slice %arg8[%run_scoped3A_20, %dma_wait3A_237] : memref<4x128xi32, #tpu.memory_space<vmem>> -> memref<1x128xi32, #tpu.memory_space<vmem>>
      %dma_wait3A_239 = tpu.memref_squeeze %dma_wait3A_238 : memref<1x128xi32, #tpu.memory_space<vmem>> -> memref<128xi32, #tpu.memory_space<vmem>>
      %dma_wait3A_240 = tpu.memref_slice %arg4[%add3A_19] : memref<16384xi32, #tpu.memory_space<hbm>> -> memref<128xi32, #tpu.memory_space<hbm>>
      tpu.wait_dma2 semaphore(%run_scoped3A_224 : memref<!tpu.dma_semaphore, #tpu.memory_space<semaphore_mem>>) src(%dma_wait3A_240 : memref<128xi32, #tpu.memory_space<hbm>>) dst(%dma_wait3A_239 : memref<128xi32, #tpu.memory_space<vmem>>)
      tpu.yield
    }) : () -> ()
    %add3A_21 = arith.constant 256 : i32
    %add3A_22 = arith.addi %mul3A_9, %add3A_21 : i32
    %run_scoped3A_23 = arith.constant 2 : i32
    "tpu.region"() ({
      %run_scoped3A_224 = tpu.sem_alloc : memref<!tpu.dma_semaphore, #tpu.memory_space<semaphore_mem>>
      %dma_start3A_225 = arith.constant 0 : i32
      %dma_start3A_226 = tpu.memref_slice %arg7[%run_scoped3A_23, %dma_start3A_225] : memref<4x128xi32, #tpu.memory_space<vmem>> -> memref<1x128xi32, #tpu.memory_space<vmem>>
      %dma_start3A_227 = tpu.memref_squeeze %dma_start3A_226 : memref<1x128xi32, #tpu.memory_space<vmem>> -> memref<128xi32, #tpu.memory_space<vmem>>
      %dma_start3A_228 = tpu.memref_slice %arg3[%add3A_22] : memref<16384xi32, #tpu.memory_space<hbm>> -> memref<128xi32, #tpu.memory_space<hbm>>
      %dma_start3A_229 = arith.constant 0 : i32
      %dma_start3A_230 = tpu.memref_slice %arg7[%run_scoped3A_23, %dma_start3A_229] : memref<4x128xi32, #tpu.memory_space<vmem>> -> memref<1x128xi32, #tpu.memory_space<vmem>>
      %dma_start3A_231 = tpu.memref_squeeze %dma_start3A_230 : memref<1x128xi32, #tpu.memory_space<vmem>> -> memref<128xi32, #tpu.memory_space<vmem>>
      %dma_start3A_232 = tpu.memref_slice %arg3[%add3A_22] : memref<16384xi32, #tpu.memory_space<hbm>> -> memref<128xi32, #tpu.memory_space<hbm>>
      tpu.enqueue_dma source(%dma_start3A_232 : memref<128xi32, #tpu.memory_space<hbm>>) target(%dma_start3A_231 : memref<128xi32, #tpu.memory_space<vmem>>) target_semaphore(%run_scoped3A_224 : memref<!tpu.dma_semaphore, #tpu.memory_space<semaphore_mem>>)
      %dma_wait3A_233 = arith.constant 0 : i32
      %dma_wait3A_234 = tpu.memref_slice %arg7[%run_scoped3A_23, %dma_wait3A_233] : memref<4x128xi32, #tpu.memory_space<vmem>> -> memref<1x128xi32, #tpu.memory_space<vmem>>
      %dma_wait3A_235 = tpu.memref_squeeze %dma_wait3A_234 : memref<1x128xi32, #tpu.memory_space<vmem>> -> memref<128xi32, #tpu.memory_space<vmem>>
      %dma_wait3A_236 = tpu.memref_slice %arg3[%add3A_22] : memref<16384xi32, #tpu.memory_space<hbm>> -> memref<128xi32, #tpu.memory_space<hbm>>
      %dma_wait3A_237 = arith.constant 0 : i32
      %dma_wait3A_238 = tpu.memref_slice %arg7[%run_scoped3A_23, %dma_wait3A_237] : memref<4x128xi32, #tpu.memory_space<vmem>> -> memref<1x128xi32, #tpu.memory_space<vmem>>
      %dma_wait3A_239 = tpu.memref_squeeze %dma_wait3A_238 : memref<1x128xi32, #tpu.memory_space<vmem>> -> memref<128xi32, #tpu.memory_space<vmem>>
      %dma_wait3A_240 = tpu.memref_slice %arg3[%add3A_22] : memref<16384xi32, #tpu.memory_space<hbm>> -> memref<128xi32, #tpu.memory_space<hbm>>
      tpu.wait_dma2 semaphore(%run_scoped3A_224 : memref<!tpu.dma_semaphore, #tpu.memory_space<semaphore_mem>>) src(%dma_wait3A_240 : memref<128xi32, #tpu.memory_space<hbm>>) dst(%dma_wait3A_239 : memref<128xi32, #tpu.memory_space<vmem>>)
      tpu.yield
    }) : () -> ()
    %add3A_24 = arith.constant 256 : i32
    %add3A_25 = arith.addi %mul3A_9, %add3A_24 : i32
    %run_scoped3A_26 = arith.constant 2 : i32
    "tpu.region"() ({
      %run_scoped3A_224 = tpu.sem_alloc : memref<!tpu.dma_semaphore, #tpu.memory_space<semaphore_mem>>
      %dma_start3A_225 = arith.constant 0 : i32
      %dma_start3A_226 = tpu.memref_slice %arg8[%run_scoped3A_26, %dma_start3A_225] : memref<4x128xi32, #tpu.memory_space<vmem>> -> memref<1x128xi32, #tpu.memory_space<vmem>>
      %dma_start3A_227 = tpu.memref_squeeze %dma_start3A_226 : memref<1x128xi32, #tpu.memory_space<vmem>> -> memref<128xi32, #tpu.memory_space<vmem>>
      %dma_start3A_228 = tpu.memref_slice %arg4[%add3A_25] : memref<16384xi32, #tpu.memory_space<hbm>> -> memref<128xi32, #tpu.memory_space<hbm>>
      %dma_start3A_229 = arith.constant 0 : i32
      %dma_start3A_230 = tpu.memref_slice %arg8[%run_scoped3A_26, %dma_start3A_229] : memref<4x128xi32, #tpu.memory_space<vmem>> -> memref<1x128xi32, #tpu.memory_space<vmem>>
      %dma_start3A_231 = tpu.memref_squeeze %dma_start3A_230 : memref<1x128xi32, #tpu.memory_space<vmem>> -> memref<128xi32, #tpu.memory_space<vmem>>
      %dma_start3A_232 = tpu.memref_slice %arg4[%add3A_25] : memref<16384xi32, #tpu.memory_space<hbm>> -> memref<128xi32, #tpu.memory_space<hbm>>
      tpu.enqueue_dma source(%dma_start3A_232 : memref<128xi32, #tpu.memory_space<hbm>>) target(%dma_start3A_231 : memref<128xi32, #tpu.memory_space<vmem>>) target_semaphore(%run_scoped3A_224 : memref<!tpu.dma_semaphore, #tpu.memory_space<semaphore_mem>>)
      %dma_wait3A_233 = arith.constant 0 : i32
      %dma_wait3A_234 = tpu.memref_slice %arg8[%run_scoped3A_26, %dma_wait3A_233] : memref<4x128xi32, #tpu.memory_space<vmem>> -> memref<1x128xi32, #tpu.memory_space<vmem>>
      %dma_wait3A_235 = tpu.memref_squeeze %dma_wait3A_234 : memref<1x128xi32, #tpu.memory_space<vmem>> -> memref<128xi32, #tpu.memory_space<vmem>>
      %dma_wait3A_236 = tpu.memref_slice %arg4[%add3A_25] : memref<16384xi32, #tpu.memory_space<hbm>> -> memref<128xi32, #tpu.memory_space<hbm>>
      %dma_wait3A_237 = arith.constant 0 : i32
      %dma_wait3A_238 = tpu.memref_slice %arg8[%run_scoped3A_26, %dma_wait3A_237] : memref<4x128xi32, #tpu.memory_space<vmem>> -> memref<1x128xi32, #tpu.memory_space<vmem>>
      %dma_wait3A_239 = tpu.memref_squeeze %dma_wait3A_238 : memref<1x128xi32, #tpu.memory_space<vmem>> -> memref<128xi32, #tpu.memory_space<vmem>>
      %dma_wait3A_240 = tpu.memref_slice %arg4[%add3A_25] : memref<16384xi32, #tpu.memory_space<hbm>> -> memref<128xi32, #tpu.memory_space<hbm>>
      tpu.wait_dma2 semaphore(%run_scoped3A_224 : memref<!tpu.dma_semaphore, #tpu.memory_space<semaphore_mem>>) src(%dma_wait3A_240 : memref<128xi32, #tpu.memory_space<hbm>>) dst(%dma_wait3A_239 : memref<128xi32, #tpu.memory_space<vmem>>)
      tpu.yield
    }) : () -> ()
    %add3A_27 = arith.constant 384 : i32
    %add3A_28 = arith.addi %mul3A_9, %add3A_27 : i32
    %run_scoped3A_29 = arith.constant 3 : i32
    "tpu.region"() ({
      %run_scoped3A_224 = tpu.sem_alloc : memref<!tpu.dma_semaphore, #tpu.memory_space<semaphore_mem>>
      %dma_start3A_225 = arith.constant 0 : i32
      %dma_start3A_226 = tpu.memref_slice %arg7[%run_scoped3A_29, %dma_start3A_225] : memref<4x128xi32, #tpu.memory_space<vmem>> -> memref<1x128xi32, #tpu.memory_space<vmem>>
      %dma_start3A_227 = tpu.memref_squeeze %dma_start3A_226 : memref<1x128xi32, #tpu.memory_space<vmem>> -> memref<128xi32, #tpu.memory_space<vmem>>
      %dma_start3A_228 = tpu.memref_slice %arg3[%add3A_28] : memref<16384xi32, #tpu.memory_space<hbm>> -> memref<128xi32, #tpu.memory_space<hbm>>
      %dma_start3A_229 = arith.constant 0 : i32
      %dma_start3A_230 = tpu.memref_slice %arg7[%run_scoped3A_29, %dma_start3A_229] : memref<4x128xi32, #tpu.memory_space<vmem>> -> memref<1x128xi32, #tpu.memory_space<vmem>>
      %dma_start3A_231 = tpu.memref_squeeze %dma_start3A_230 : memref<1x128xi32, #tpu.memory_space<vmem>> -> memref<128xi32, #tpu.memory_space<vmem>>
      %dma_start3A_232 = tpu.memref_slice %arg3[%add3A_28] : memref<16384xi32, #tpu.memory_space<hbm>> -> memref<128xi32, #tpu.memory_space<hbm>>
      tpu.enqueue_dma source(%dma_start3A_232 : memref<128xi32, #tpu.memory_space<hbm>>) target(%dma_start3A_231 : memref<128xi32, #tpu.memory_space<vmem>>) target_semaphore(%run_scoped3A_224 : memref<!tpu.dma_semaphore, #tpu.memory_space<semaphore_mem>>)
      %dma_wait3A_233 = arith.constant 0 : i32
      %dma_wait3A_234 = tpu.memref_slice %arg7[%run_scoped3A_29, %dma_wait3A_233] : memref<4x128xi32, #tpu.memory_space<vmem>> -> memref<1x128xi32, #tpu.memory_space<vmem>>
      %dma_wait3A_235 = tpu.memref_squeeze %dma_wait3A_234 : memref<1x128xi32, #tpu.memory_space<vmem>> -> memref<128xi32, #tpu.memory_space<vmem>>
      %dma_wait3A_236 = tpu.memref_slice %arg3[%add3A_28] : memref<16384xi32, #tpu.memory_space<hbm>> -> memref<128xi32, #tpu.memory_space<hbm>>
      %dma_wait3A_237 = arith.constant 0 : i32
      %dma_wait3A_238 = tpu.memref_slice %arg7[%run_scoped3A_29, %dma_wait3A_237] : memref<4x128xi32, #tpu.memory_space<vmem>> -> memref<1x128xi32, #tpu.memory_space<vmem>>
      %dma_wait3A_239 = tpu.memref_squeeze %dma_wait3A_238 : memref<1x128xi32, #tpu.memory_space<vmem>> -> memref<128xi32, #tpu.memory_space<vmem>>
      %dma_wait3A_240 = tpu.memref_slice %arg3[%add3A_28] : memref<16384xi32, #tpu.memory_space<hbm>> -> memref<128xi32, #tpu.memory_space<hbm>>
      tpu.wait_dma2 semaphore(%run_scoped3A_224 : memref<!tpu.dma_semaphore, #tpu.memory_space<semaphore_mem>>) src(%dma_wait3A_240 : memref<128xi32, #tpu.memory_space<hbm>>) dst(%dma_wait3A_239 : memref<128xi32, #tpu.memory_space<vmem>>)
      tpu.yield
    }) : () -> ()
    %add3A_30 = arith.constant 384 : i32
    %add3A_31 = arith.addi %mul3A_9, %add3A_30 : i32
    %run_scoped3A_32 = arith.constant 3 : i32
    "tpu.region"() ({
      %run_scoped3A_224 = tpu.sem_alloc : memref<!tpu.dma_semaphore, #tpu.memory_space<semaphore_mem>>
      %dma_start3A_225 = arith.constant 0 : i32
      %dma_start3A_226 = tpu.memref_slice %arg8[%run_scoped3A_32, %dma_start3A_225] : memref<4x128xi32, #tpu.memory_space<vmem>> -> memref<1x128xi32, #tpu.memory_space<vmem>>
      %dma_start3A_227 = tpu.memref_squeeze %dma_start3A_226 : memref<1x128xi32, #tpu.memory_space<vmem>> -> memref<128xi32, #tpu.memory_space<vmem>>
      %dma_start3A_228 = tpu.memref_slice %arg4[%add3A_31] : memref<16384xi32, #tpu.memory_space<hbm>> -> memref<128xi32, #tpu.memory_space<hbm>>
      %dma_start3A_229 = arith.constant 0 : i32
      %dma_start3A_230 = tpu.memref_slice %arg8[%run_scoped3A_32, %dma_start3A_229] : memref<4x128xi32, #tpu.memory_space<vmem>> -> memref<1x128xi32, #tpu.memory_space<vmem>>
      %dma_start3A_231 = tpu.memref_squeeze %dma_start3A_230 : memref<1x128xi32, #tpu.memory_space<vmem>> -> memref<128xi32, #tpu.memory_space<vmem>>
      %dma_start3A_232 = tpu.memref_slice %arg4[%add3A_31] : memref<16384xi32, #tpu.memory_space<hbm>> -> memref<128xi32, #tpu.memory_space<hbm>>
      tpu.enqueue_dma source(%dma_start3A_232 : memref<128xi32, #tpu.memory_space<hbm>>) target(%dma_start3A_231 : memref<128xi32, #tpu.memory_space<vmem>>) target_semaphore(%run_scoped3A_224 : memref<!tpu.dma_semaphore, #tpu.memory_space<semaphore_mem>>)
      %dma_wait3A_233 = arith.constant 0 : i32
      %dma_wait3A_234 = tpu.memref_slice %arg8[%run_scoped3A_32, %dma_wait3A_233] : memref<4x128xi32, #tpu.memory_space<vmem>> -> memref<1x128xi32, #tpu.memory_space<vmem>>
      %dma_wait3A_235 = tpu.memref_squeeze %dma_wait3A_234 : memref<1x128xi32, #tpu.memory_space<vmem>> -> memref<128xi32, #tpu.memory_space<vmem>>
      %dma_wait3A_236 = tpu.memref_slice %arg4[%add3A_31] : memref<16384xi32, #tpu.memory_space<hbm>> -> memref<128xi32, #tpu.memory_space<hbm>>
      %dma_wait3A_237 = arith.constant 0 : i32
      %dma_wait3A_238 = tpu.memref_slice %arg8[%run_scoped3A_32, %dma_wait3A_237] : memref<4x128xi32, #tpu.memory_space<vmem>> -> memref<1x128xi32, #tpu.memory_space<vmem>>
      %dma_wait3A_239 = tpu.memref_squeeze %dma_wait3A_238 : memref<1x128xi32, #tpu.memory_space<vmem>> -> memref<128xi32, #tpu.memory_space<vmem>>
      %dma_wait3A_240 = tpu.memref_slice %arg4[%add3A_31] : memref<16384xi32, #tpu.memory_space<hbm>> -> memref<128xi32, #tpu.memory_space<hbm>>
      tpu.wait_dma2 semaphore(%run_scoped3A_224 : memref<!tpu.dma_semaphore, #tpu.memory_space<semaphore_mem>>) src(%dma_wait3A_240 : memref<128xi32, #tpu.memory_space<hbm>>) dst(%dma_wait3A_239 : memref<128xi32, #tpu.memory_space<vmem>>)
      tpu.yield
    }) : () -> ()
    %barrier3A = arith.constant 0 : index
    tpu.barrier barrier_id(%barrier3A)
    %dma_start3A = arith.constant 0 : i32
    %dma_start3A_33 = arith.constant 0 : i32
    %dma_start3A_34 = arith.constant 0 : i32
    %dma_start3A_35 = arith.constant 0 : i32
    %dma_start3A_36 = tpu.memref_slice %arg9[%dma_start3A_33, %dma_start3A_34, %dma_start3A_35] : memref<4x128x64xf32, #tpu.memory_space<vmem>> -> memref<1x128x64xf32, #tpu.memory_space<vmem>>
    %dma_start3A_37 = tpu.memref_squeeze %dma_start3A_36 : memref<1x128x64xf32, #tpu.memory_space<vmem>> -> memref<128x64xf32, #tpu.memory_space<vmem>>
    %dma_start3A_38 = arith.constant 0 : i32
    %dma_start3A_39 = tpu.memref_slice %arg7[%dma_start3A, %dma_start3A_38] : memref<4x128xi32, #tpu.memory_space<vmem>> -> memref<1x128xi32, #tpu.memory_space<vmem>>
    %dma_start3A_40 = tpu.memref_squeeze %dma_start3A_39 : memref<1x128xi32, #tpu.memory_space<vmem>> -> memref<128xi32, #tpu.memory_space<vmem>>
    %dma_start3A_41 = arith.constant 0 : i32
    %dma_start3A_42 = arith.constant 0 : i32
    %dma_start3A_43 = tpu.memref_slice %arg2[%dma_start3A_41, %dma_start3A_42] : memref<4096x64xf32, #tpu.memory_space<hbm>> -> memref<4096x64xf32, #tpu.memory_space<hbm>>
    tpu.enqueue_indirect_dma source(%dma_start3A_43 : memref<4096x64xf32, #tpu.memory_space<hbm>>) target(%dma_start3A_37 : memref<128x64xf32, #tpu.memory_space<vmem>>) offsets(%dma_start3A_40 : memref<128xi32, #tpu.memory_space<vmem>>) semaphore(%arg11 : memref<!tpu.dma_semaphore, #tpu.memory_space<semaphore_mem>>)
    %dma_start3A_44 = arith.constant 1 : i32
    %dma_start3A_45 = arith.constant 1 : i32
    %dma_start3A_46 = arith.constant 0 : i32
    %dma_start3A_47 = arith.constant 0 : i32
    %dma_start3A_48 = tpu.memref_slice %arg9[%dma_start3A_45, %dma_start3A_46, %dma_start3A_47] : memref<4x128x64xf32, #tpu.memory_space<vmem>> -> memref<1x128x64xf32, #tpu.memory_space<vmem>>
    %dma_start3A_49 = tpu.memref_squeeze %dma_start3A_48 : memref<1x128x64xf32, #tpu.memory_space<vmem>> -> memref<128x64xf32, #tpu.memory_space<vmem>>
    %dma_start3A_50 = arith.constant 0 : i32
    %dma_start3A_51 = tpu.memref_slice %arg7[%dma_start3A_44, %dma_start3A_50] : memref<4x128xi32, #tpu.memory_space<vmem>> -> memref<1x128xi32, #tpu.memory_space<vmem>>
    %dma_start3A_52 = tpu.memref_squeeze %dma_start3A_51 : memref<1x128xi32, #tpu.memory_space<vmem>> -> memref<128xi32, #tpu.memory_space<vmem>>
    %dma_start3A_53 = arith.constant 0 : i32
    %dma_start3A_54 = arith.constant 0 : i32
    %dma_start3A_55 = tpu.memref_slice %arg2[%dma_start3A_53, %dma_start3A_54] : memref<4096x64xf32, #tpu.memory_space<hbm>> -> memref<4096x64xf32, #tpu.memory_space<hbm>>
    tpu.enqueue_indirect_dma source(%dma_start3A_55 : memref<4096x64xf32, #tpu.memory_space<hbm>>) target(%dma_start3A_49 : memref<128x64xf32, #tpu.memory_space<vmem>>) offsets(%dma_start3A_52 : memref<128xi32, #tpu.memory_space<vmem>>) semaphore(%arg12 : memref<!tpu.dma_semaphore, #tpu.memory_space<semaphore_mem>>)
    %dma_start3A_56 = arith.constant 2 : i32
    %dma_start3A_57 = arith.constant 2 : i32
    %dma_start3A_58 = arith.constant 0 : i32
    %dma_start3A_59 = arith.constant 0 : i32
    %dma_start3A_60 = tpu.memref_slice %arg9[%dma_start3A_57, %dma_start3A_58, %dma_start3A_59] : memref<4x128x64xf32, #tpu.memory_space<vmem>> -> memref<1x128x64xf32, #tpu.memory_space<vmem>>
    %dma_start3A_61 = tpu.memref_squeeze %dma_start3A_60 : memref<1x128x64xf32, #tpu.memory_space<vmem>> -> memref<128x64xf32, #tpu.memory_space<vmem>>
    %dma_start3A_62 = arith.constant 0 : i32
    %dma_start3A_63 = tpu.memref_slice %arg7[%dma_start3A_56, %dma_start3A_62] : memref<4x128xi32, #tpu.memory_space<vmem>> -> memref<1x128xi32, #tpu.memory_space<vmem>>
    %dma_start3A_64 = tpu.memref_squeeze %dma_start3A_63 : memref<1x128xi32, #tpu.memory_space<vmem>> -> memref<128xi32, #tpu.memory_space<vmem>>
    %dma_start3A_65 = arith.constant 0 : i32
    %dma_start3A_66 = arith.constant 0 : i32
    %dma_start3A_67 = tpu.memref_slice %arg2[%dma_start3A_65, %dma_start3A_66] : memref<4096x64xf32, #tpu.memory_space<hbm>> -> memref<4096x64xf32, #tpu.memory_space<hbm>>
    tpu.enqueue_indirect_dma source(%dma_start3A_67 : memref<4096x64xf32, #tpu.memory_space<hbm>>) target(%dma_start3A_61 : memref<128x64xf32, #tpu.memory_space<vmem>>) offsets(%dma_start3A_64 : memref<128xi32, #tpu.memory_space<vmem>>) semaphore(%arg13 : memref<!tpu.dma_semaphore, #tpu.memory_space<semaphore_mem>>)
    %dma_start3A_68 = arith.constant 3 : i32
    %dma_start3A_69 = arith.constant 3 : i32
    %dma_start3A_70 = arith.constant 0 : i32
    %dma_start3A_71 = arith.constant 0 : i32
    %dma_start3A_72 = tpu.memref_slice %arg9[%dma_start3A_69, %dma_start3A_70, %dma_start3A_71] : memref<4x128x64xf32, #tpu.memory_space<vmem>> -> memref<1x128x64xf32, #tpu.memory_space<vmem>>
    %dma_start3A_73 = tpu.memref_squeeze %dma_start3A_72 : memref<1x128x64xf32, #tpu.memory_space<vmem>> -> memref<128x64xf32, #tpu.memory_space<vmem>>
    %dma_start3A_74 = arith.constant 0 : i32
    %dma_start3A_75 = tpu.memref_slice %arg7[%dma_start3A_68, %dma_start3A_74] : memref<4x128xi32, #tpu.memory_space<vmem>> -> memref<1x128xi32, #tpu.memory_space<vmem>>
    %dma_start3A_76 = tpu.memref_squeeze %dma_start3A_75 : memref<1x128xi32, #tpu.memory_space<vmem>> -> memref<128xi32, #tpu.memory_space<vmem>>
    %dma_start3A_77 = arith.constant 0 : i32
    %dma_start3A_78 = arith.constant 0 : i32
    %dma_start3A_79 = tpu.memref_slice %arg2[%dma_start3A_77, %dma_start3A_78] : memref<4096x64xf32, #tpu.memory_space<hbm>> -> memref<4096x64xf32, #tpu.memory_space<hbm>>
    tpu.enqueue_indirect_dma source(%dma_start3A_79 : memref<4096x64xf32, #tpu.memory_space<hbm>>) target(%dma_start3A_73 : memref<128x64xf32, #tpu.memory_space<vmem>>) offsets(%dma_start3A_76 : memref<128xi32, #tpu.memory_space<vmem>>) semaphore(%arg14 : memref<!tpu.dma_semaphore, #tpu.memory_space<semaphore_mem>>)
    %dma_wait3A = arith.constant 0 : i32
    %dma_wait3A_80 = arith.constant 0 : i32
    %dma_wait3A_81 = arith.constant 0 : i32
    %dma_wait3A_82 = arith.constant 0 : i32
    %dma_wait3A_83 = tpu.memref_slice %arg9[%dma_wait3A_80, %dma_wait3A_81, %dma_wait3A_82] : memref<4x128x64xf32, #tpu.memory_space<vmem>> -> memref<1x128x64xf32, #tpu.memory_space<vmem>>
    %dma_wait3A_84 = tpu.memref_squeeze %dma_wait3A_83 : memref<1x128x64xf32, #tpu.memory_space<vmem>> -> memref<128x64xf32, #tpu.memory_space<vmem>>
    %dma_wait3A_85 = arith.constant 0 : i32
    %dma_wait3A_86 = tpu.memref_slice %arg7[%dma_wait3A, %dma_wait3A_85] : memref<4x128xi32, #tpu.memory_space<vmem>> -> memref<1x128xi32, #tpu.memory_space<vmem>>
    %dma_wait3A_87 = tpu.memref_squeeze %dma_wait3A_86 : memref<1x128xi32, #tpu.memory_space<vmem>> -> memref<128xi32, #tpu.memory_space<vmem>>
    %dma_wait3A_88 = arith.constant 0 : i32
    %dma_wait3A_89 = arith.constant 0 : i32
    %dma_wait3A_90 = tpu.memref_slice %arg2[%dma_wait3A_88, %dma_wait3A_89] : memref<4096x64xf32, #tpu.memory_space<hbm>> -> memref<4096x64xf32, #tpu.memory_space<hbm>>
    tpu.wait_indirect_dma semaphore(%arg11 : memref<!tpu.dma_semaphore, #tpu.memory_space<semaphore_mem>>) src(%dma_wait3A_90 : memref<4096x64xf32, #tpu.memory_space<hbm>>) dst(%dma_wait3A_84 : memref<128x64xf32, #tpu.memory_space<vmem>>)
    %dma_start3A_91 = arith.constant 0 : i32
    %dma_start3A_92 = arith.constant 0 : i32
    %dma_start3A_93 = arith.constant 0 : i32
    %dma_start3A_94 = arith.constant 0 : i32
    %dma_start3A_95 = tpu.memref_slice %arg9[%dma_start3A_91, %dma_start3A_93, %dma_start3A_94] : memref<4x128x64xf32, #tpu.memory_space<vmem>> -> memref<1x128x64xf32, #tpu.memory_space<vmem>>
    %dma_start3A_96 = tpu.memref_squeeze %dma_start3A_95 : memref<1x128x64xf32, #tpu.memory_space<vmem>> -> memref<128x64xf32, #tpu.memory_space<vmem>>
    %dma_start3A_97 = arith.constant 0 : i32
    %dma_start3A_98 = tpu.memref_slice %arg8[%dma_start3A_92, %dma_start3A_97] : memref<4x128xi32, #tpu.memory_space<vmem>> -> memref<1x128xi32, #tpu.memory_space<vmem>>
    %dma_start3A_99 = tpu.memref_squeeze %dma_start3A_98 : memref<1x128xi32, #tpu.memory_space<vmem>> -> memref<128xi32, #tpu.memory_space<vmem>>
    %dma_start3A_100 = arith.constant 0 : i32
    %dma_start3A_101 = arith.constant 0 : i32
    %dma_start3A_102 = tpu.memref_slice %arg6[%dma_start3A_100, %dma_start3A_101] : memref<4096x64xf32, #tpu.memory_space<vmem_shared>> -> memref<4096x64xf32, #tpu.memory_space<vmem_shared>>
    tpu.enqueue_indirect_dma source(%dma_start3A_96 : memref<128x64xf32, #tpu.memory_space<vmem>>) target(%dma_start3A_102 : memref<4096x64xf32, #tpu.memory_space<vmem_shared>>) offsets(%dma_start3A_99 : memref<128xi32, #tpu.memory_space<vmem>>) semaphore(%arg15 : memref<!tpu.dma_semaphore, #tpu.memory_space<semaphore_mem>>) {add = true}
    %dma_wait3A_103 = arith.constant 1 : i32
    %dma_wait3A_104 = arith.constant 1 : i32
    %dma_wait3A_105 = arith.constant 0 : i32
    %dma_wait3A_106 = arith.constant 0 : i32
    %dma_wait3A_107 = tpu.memref_slice %arg9[%dma_wait3A_104, %dma_wait3A_105, %dma_wait3A_106] : memref<4x128x64xf32, #tpu.memory_space<vmem>> -> memref<1x128x64xf32, #tpu.memory_space<vmem>>
    %dma_wait3A_108 = tpu.memref_squeeze %dma_wait3A_107 : memref<1x128x64xf32, #tpu.memory_space<vmem>> -> memref<128x64xf32, #tpu.memory_space<vmem>>
    %dma_wait3A_109 = arith.constant 0 : i32
    %dma_wait3A_110 = tpu.memref_slice %arg7[%dma_wait3A_103, %dma_wait3A_109] : memref<4x128xi32, #tpu.memory_space<vmem>> -> memref<1x128xi32, #tpu.memory_space<vmem>>
    %dma_wait3A_111 = tpu.memref_squeeze %dma_wait3A_110 : memref<1x128xi32, #tpu.memory_space<vmem>> -> memref<128xi32, #tpu.memory_space<vmem>>
    %dma_wait3A_112 = arith.constant 0 : i32
    %dma_wait3A_113 = arith.constant 0 : i32
    %dma_wait3A_114 = tpu.memref_slice %arg2[%dma_wait3A_112, %dma_wait3A_113] : memref<4096x64xf32, #tpu.memory_space<hbm>> -> memref<4096x64xf32, #tpu.memory_space<hbm>>
    tpu.wait_indirect_dma semaphore(%arg12 : memref<!tpu.dma_semaphore, #tpu.memory_space<semaphore_mem>>) src(%dma_wait3A_114 : memref<4096x64xf32, #tpu.memory_space<hbm>>) dst(%dma_wait3A_108 : memref<128x64xf32, #tpu.memory_space<vmem>>)
    %dma_start3A_115 = arith.constant 1 : i32
    %dma_start3A_116 = arith.constant 1 : i32
    %dma_start3A_117 = arith.constant 0 : i32
    %dma_start3A_118 = arith.constant 0 : i32
    %dma_start3A_119 = tpu.memref_slice %arg9[%dma_start3A_115, %dma_start3A_117, %dma_start3A_118] : memref<4x128x64xf32, #tpu.memory_space<vmem>> -> memref<1x128x64xf32, #tpu.memory_space<vmem>>
    %dma_start3A_120 = tpu.memref_squeeze %dma_start3A_119 : memref<1x128x64xf32, #tpu.memory_space<vmem>> -> memref<128x64xf32, #tpu.memory_space<vmem>>
    %dma_start3A_121 = arith.constant 0 : i32
    %dma_start3A_122 = tpu.memref_slice %arg8[%dma_start3A_116, %dma_start3A_121] : memref<4x128xi32, #tpu.memory_space<vmem>> -> memref<1x128xi32, #tpu.memory_space<vmem>>
    %dma_start3A_123 = tpu.memref_squeeze %dma_start3A_122 : memref<1x128xi32, #tpu.memory_space<vmem>> -> memref<128xi32, #tpu.memory_space<vmem>>
    %dma_start3A_124 = arith.constant 0 : i32
    %dma_start3A_125 = arith.constant 0 : i32
    %dma_start3A_126 = tpu.memref_slice %arg6[%dma_start3A_124, %dma_start3A_125] : memref<4096x64xf32, #tpu.memory_space<vmem_shared>> -> memref<4096x64xf32, #tpu.memory_space<vmem_shared>>
    tpu.enqueue_indirect_dma source(%dma_start3A_120 : memref<128x64xf32, #tpu.memory_space<vmem>>) target(%dma_start3A_126 : memref<4096x64xf32, #tpu.memory_space<vmem_shared>>) offsets(%dma_start3A_123 : memref<128xi32, #tpu.memory_space<vmem>>) semaphore(%arg15 : memref<!tpu.dma_semaphore, #tpu.memory_space<semaphore_mem>>) {add = true}
    %dma_wait3A_127 = arith.constant 2 : i32
    %dma_wait3A_128 = arith.constant 2 : i32
    %dma_wait3A_129 = arith.constant 0 : i32
    %dma_wait3A_130 = arith.constant 0 : i32
    %dma_wait3A_131 = tpu.memref_slice %arg9[%dma_wait3A_128, %dma_wait3A_129, %dma_wait3A_130] : memref<4x128x64xf32, #tpu.memory_space<vmem>> -> memref<1x128x64xf32, #tpu.memory_space<vmem>>
    %dma_wait3A_132 = tpu.memref_squeeze %dma_wait3A_131 : memref<1x128x64xf32, #tpu.memory_space<vmem>> -> memref<128x64xf32, #tpu.memory_space<vmem>>
    %dma_wait3A_133 = arith.constant 0 : i32
    %dma_wait3A_134 = tpu.memref_slice %arg7[%dma_wait3A_127, %dma_wait3A_133] : memref<4x128xi32, #tpu.memory_space<vmem>> -> memref<1x128xi32, #tpu.memory_space<vmem>>
    %dma_wait3A_135 = tpu.memref_squeeze %dma_wait3A_134 : memref<1x128xi32, #tpu.memory_space<vmem>> -> memref<128xi32, #tpu.memory_space<vmem>>
    %dma_wait3A_136 = arith.constant 0 : i32
    %dma_wait3A_137 = arith.constant 0 : i32
    %dma_wait3A_138 = tpu.memref_slice %arg2[%dma_wait3A_136, %dma_wait3A_137] : memref<4096x64xf32, #tpu.memory_space<hbm>> -> memref<4096x64xf32, #tpu.memory_space<hbm>>
    tpu.wait_indirect_dma semaphore(%arg13 : memref<!tpu.dma_semaphore, #tpu.memory_space<semaphore_mem>>) src(%dma_wait3A_138 : memref<4096x64xf32, #tpu.memory_space<hbm>>) dst(%dma_wait3A_132 : memref<128x64xf32, #tpu.memory_space<vmem>>)
    %dma_start3A_139 = arith.constant 2 : i32
    %dma_start3A_140 = arith.constant 2 : i32
    %dma_start3A_141 = arith.constant 0 : i32
    %dma_start3A_142 = arith.constant 0 : i32
    %dma_start3A_143 = tpu.memref_slice %arg9[%dma_start3A_139, %dma_start3A_141, %dma_start3A_142] : memref<4x128x64xf32, #tpu.memory_space<vmem>> -> memref<1x128x64xf32, #tpu.memory_space<vmem>>
    %dma_start3A_144 = tpu.memref_squeeze %dma_start3A_143 : memref<1x128x64xf32, #tpu.memory_space<vmem>> -> memref<128x64xf32, #tpu.memory_space<vmem>>
    %dma_start3A_145 = arith.constant 0 : i32
    %dma_start3A_146 = tpu.memref_slice %arg8[%dma_start3A_140, %dma_start3A_145] : memref<4x128xi32, #tpu.memory_space<vmem>> -> memref<1x128xi32, #tpu.memory_space<vmem>>
    %dma_start3A_147 = tpu.memref_squeeze %dma_start3A_146 : memref<1x128xi32, #tpu.memory_space<vmem>> -> memref<128xi32, #tpu.memory_space<vmem>>
    %dma_start3A_148 = arith.constant 0 : i32
    %dma_start3A_149 = arith.constant 0 : i32
    %dma_start3A_150 = tpu.memref_slice %arg6[%dma_start3A_148, %dma_start3A_149] : memref<4096x64xf32, #tpu.memory_space<vmem_shared>> -> memref<4096x64xf32, #tpu.memory_space<vmem_shared>>
    tpu.enqueue_indirect_dma source(%dma_start3A_144 : memref<128x64xf32, #tpu.memory_space<vmem>>) target(%dma_start3A_150 : memref<4096x64xf32, #tpu.memory_space<vmem_shared>>) offsets(%dma_start3A_147 : memref<128xi32, #tpu.memory_space<vmem>>) semaphore(%arg15 : memref<!tpu.dma_semaphore, #tpu.memory_space<semaphore_mem>>) {add = true}
    %dma_wait3A_151 = arith.constant 3 : i32
    %dma_wait3A_152 = arith.constant 3 : i32
    %dma_wait3A_153 = arith.constant 0 : i32
    %dma_wait3A_154 = arith.constant 0 : i32
    %dma_wait3A_155 = tpu.memref_slice %arg9[%dma_wait3A_152, %dma_wait3A_153, %dma_wait3A_154] : memref<4x128x64xf32, #tpu.memory_space<vmem>> -> memref<1x128x64xf32, #tpu.memory_space<vmem>>
    %dma_wait3A_156 = tpu.memref_squeeze %dma_wait3A_155 : memref<1x128x64xf32, #tpu.memory_space<vmem>> -> memref<128x64xf32, #tpu.memory_space<vmem>>
    %dma_wait3A_157 = arith.constant 0 : i32
    %dma_wait3A_158 = tpu.memref_slice %arg7[%dma_wait3A_151, %dma_wait3A_157] : memref<4x128xi32, #tpu.memory_space<vmem>> -> memref<1x128xi32, #tpu.memory_space<vmem>>
    %dma_wait3A_159 = tpu.memref_squeeze %dma_wait3A_158 : memref<1x128xi32, #tpu.memory_space<vmem>> -> memref<128xi32, #tpu.memory_space<vmem>>
    %dma_wait3A_160 = arith.constant 0 : i32
    %dma_wait3A_161 = arith.constant 0 : i32
    %dma_wait3A_162 = tpu.memref_slice %arg2[%dma_wait3A_160, %dma_wait3A_161] : memref<4096x64xf32, #tpu.memory_space<hbm>> -> memref<4096x64xf32, #tpu.memory_space<hbm>>
    tpu.wait_indirect_dma semaphore(%arg14 : memref<!tpu.dma_semaphore, #tpu.memory_space<semaphore_mem>>) src(%dma_wait3A_162 : memref<4096x64xf32, #tpu.memory_space<hbm>>) dst(%dma_wait3A_156 : memref<128x64xf32, #tpu.memory_space<vmem>>)
    %dma_start3A_163 = arith.constant 3 : i32
    %dma_start3A_164 = arith.constant 3 : i32
    %dma_start3A_165 = arith.constant 0 : i32
    %dma_start3A_166 = arith.constant 0 : i32
    %dma_start3A_167 = tpu.memref_slice %arg9[%dma_start3A_163, %dma_start3A_165, %dma_start3A_166] : memref<4x128x64xf32, #tpu.memory_space<vmem>> -> memref<1x128x64xf32, #tpu.memory_space<vmem>>
    %dma_start3A_168 = tpu.memref_squeeze %dma_start3A_167 : memref<1x128x64xf32, #tpu.memory_space<vmem>> -> memref<128x64xf32, #tpu.memory_space<vmem>>
    %dma_start3A_169 = arith.constant 0 : i32
    %dma_start3A_170 = tpu.memref_slice %arg8[%dma_start3A_164, %dma_start3A_169] : memref<4x128xi32, #tpu.memory_space<vmem>> -> memref<1x128xi32, #tpu.memory_space<vmem>>
    %dma_start3A_171 = tpu.memref_squeeze %dma_start3A_170 : memref<1x128xi32, #tpu.memory_space<vmem>> -> memref<128xi32, #tpu.memory_space<vmem>>
    %dma_start3A_172 = arith.constant 0 : i32
    %dma_start3A_173 = arith.constant 0 : i32
    %dma_start3A_174 = tpu.memref_slice %arg6[%dma_start3A_172, %dma_start3A_173] : memref<4096x64xf32, #tpu.memory_space<vmem_shared>> -> memref<4096x64xf32, #tpu.memory_space<vmem_shared>>
    tpu.enqueue_indirect_dma source(%dma_start3A_168 : memref<128x64xf32, #tpu.memory_space<vmem>>) target(%dma_start3A_174 : memref<4096x64xf32, #tpu.memory_space<vmem_shared>>) offsets(%dma_start3A_171 : memref<128xi32, #tpu.memory_space<vmem>>) semaphore(%arg15 : memref<!tpu.dma_semaphore, #tpu.memory_space<semaphore_mem>>) {add = true}
    %dma_wait3A_175 = arith.constant 0 : i32
    %dma_wait3A_176 = arith.constant 0 : i32
    %dma_wait3A_177 = arith.constant 0 : i32
    %dma_wait3A_178 = arith.constant 0 : i32
    %dma_wait3A_179 = tpu.memref_slice %arg9[%dma_wait3A_175, %dma_wait3A_177, %dma_wait3A_178] : memref<4x128x64xf32, #tpu.memory_space<vmem>> -> memref<1x128x64xf32, #tpu.memory_space<vmem>>
    %dma_wait3A_180 = tpu.memref_squeeze %dma_wait3A_179 : memref<1x128x64xf32, #tpu.memory_space<vmem>> -> memref<128x64xf32, #tpu.memory_space<vmem>>
    %dma_wait3A_181 = arith.constant 0 : i32
    %dma_wait3A_182 = tpu.memref_slice %arg8[%dma_wait3A_176, %dma_wait3A_181] : memref<4x128xi32, #tpu.memory_space<vmem>> -> memref<1x128xi32, #tpu.memory_space<vmem>>
    %dma_wait3A_183 = tpu.memref_squeeze %dma_wait3A_182 : memref<1x128xi32, #tpu.memory_space<vmem>> -> memref<128xi32, #tpu.memory_space<vmem>>
    %dma_wait3A_184 = arith.constant 0 : i32
    %dma_wait3A_185 = arith.constant 0 : i32
    %dma_wait3A_186 = tpu.memref_slice %arg6[%dma_wait3A_184, %dma_wait3A_185] : memref<4096x64xf32, #tpu.memory_space<vmem_shared>> -> memref<4096x64xf32, #tpu.memory_space<vmem_shared>>
    tpu.wait_indirect_dma semaphore(%arg15 : memref<!tpu.dma_semaphore, #tpu.memory_space<semaphore_mem>>) src(%dma_wait3A_180 : memref<128x64xf32, #tpu.memory_space<vmem>>) dst(%dma_wait3A_186 : memref<4096x64xf32, #tpu.memory_space<vmem_shared>>)
    %dma_wait3A_187 = arith.constant 1 : i32
    %dma_wait3A_188 = arith.constant 1 : i32
    %dma_wait3A_189 = arith.constant 0 : i32
    %dma_wait3A_190 = arith.constant 0 : i32
    %dma_wait3A_191 = tpu.memref_slice %arg9[%dma_wait3A_187, %dma_wait3A_189, %dma_wait3A_190] : memref<4x128x64xf32, #tpu.memory_space<vmem>> -> memref<1x128x64xf32, #tpu.memory_space<vmem>>
    %dma_wait3A_192 = tpu.memref_squeeze %dma_wait3A_191 : memref<1x128x64xf32, #tpu.memory_space<vmem>> -> memref<128x64xf32, #tpu.memory_space<vmem>>
    %dma_wait3A_193 = arith.constant 0 : i32
    %dma_wait3A_194 = tpu.memref_slice %arg8[%dma_wait3A_188, %dma_wait3A_193] : memref<4x128xi32, #tpu.memory_space<vmem>> -> memref<1x128xi32, #tpu.memory_space<vmem>>
    %dma_wait3A_195 = tpu.memref_squeeze %dma_wait3A_194 : memref<1x128xi32, #tpu.memory_space<vmem>> -> memref<128xi32, #tpu.memory_space<vmem>>
    %dma_wait3A_196 = arith.constant 0 : i32
    %dma_wait3A_197 = arith.constant 0 : i32
    %dma_wait3A_198 = tpu.memref_slice %arg6[%dma_wait3A_196, %dma_wait3A_197] : memref<4096x64xf32, #tpu.memory_space<vmem_shared>> -> memref<4096x64xf32, #tpu.memory_space<vmem_shared>>
    tpu.wait_indirect_dma semaphore(%arg15 : memref<!tpu.dma_semaphore, #tpu.memory_space<semaphore_mem>>) src(%dma_wait3A_192 : memref<128x64xf32, #tpu.memory_space<vmem>>) dst(%dma_wait3A_198 : memref<4096x64xf32, #tpu.memory_space<vmem_shared>>)
    %dma_wait3A_199 = arith.constant 2 : i32
    %dma_wait3A_200 = arith.constant 2 : i32
    %dma_wait3A_201 = arith.constant 0 : i32
    %dma_wait3A_202 = arith.constant 0 : i32
    %dma_wait3A_203 = tpu.memref_slice %arg9[%dma_wait3A_199, %dma_wait3A_201, %dma_wait3A_202] : memref<4x128x64xf32, #tpu.memory_space<vmem>> -> memref<1x128x64xf32, #tpu.memory_space<vmem>>
    %dma_wait3A_204 = tpu.memref_squeeze %dma_wait3A_203 : memref<1x128x64xf32, #tpu.memory_space<vmem>> -> memref<128x64xf32, #tpu.memory_space<vmem>>
    %dma_wait3A_205 = arith.constant 0 : i32
    %dma_wait3A_206 = tpu.memref_slice %arg8[%dma_wait3A_200, %dma_wait3A_205] : memref<4x128xi32, #tpu.memory_space<vmem>> -> memref<1x128xi32, #tpu.memory_space<vmem>>
    %dma_wait3A_207 = tpu.memref_squeeze %dma_wait3A_206 : memref<1x128xi32, #tpu.memory_space<vmem>> -> memref<128xi32, #tpu.memory_space<vmem>>
    %dma_wait3A_208 = arith.constant 0 : i32
    %dma_wait3A_209 = arith.constant 0 : i32
    %dma_wait3A_210 = tpu.memref_slice %arg6[%dma_wait3A_208, %dma_wait3A_209] : memref<4096x64xf32, #tpu.memory_space<vmem_shared>> -> memref<4096x64xf32, #tpu.memory_space<vmem_shared>>
    tpu.wait_indirect_dma semaphore(%arg15 : memref<!tpu.dma_semaphore, #tpu.memory_space<semaphore_mem>>) src(%dma_wait3A_204 : memref<128x64xf32, #tpu.memory_space<vmem>>) dst(%dma_wait3A_210 : memref<4096x64xf32, #tpu.memory_space<vmem_shared>>)
    %dma_wait3A_211 = arith.constant 3 : i32
    %dma_wait3A_212 = arith.constant 3 : i32
    %dma_wait3A_213 = arith.constant 0 : i32
    %dma_wait3A_214 = arith.constant 0 : i32
    %dma_wait3A_215 = tpu.memref_slice %arg9[%dma_wait3A_211, %dma_wait3A_213, %dma_wait3A_214] : memref<4x128x64xf32, #tpu.memory_space<vmem>> -> memref<1x128x64xf32, #tpu.memory_space<vmem>>
    %dma_wait3A_216 = tpu.memref_squeeze %dma_wait3A_215 : memref<1x128x64xf32, #tpu.memory_space<vmem>> -> memref<128x64xf32, #tpu.memory_space<vmem>>
    %dma_wait3A_217 = arith.constant 0 : i32
    %dma_wait3A_218 = tpu.memref_slice %arg8[%dma_wait3A_212, %dma_wait3A_217] : memref<4x128xi32, #tpu.memory_space<vmem>> -> memref<1x128xi32, #tpu.memory_space<vmem>>
    %dma_wait3A_219 = tpu.memref_squeeze %dma_wait3A_218 : memref<1x128xi32, #tpu.memory_space<vmem>> -> memref<128xi32, #tpu.memory_space<vmem>>
    %dma_wait3A_220 = arith.constant 0 : i32
    %dma_wait3A_221 = arith.constant 0 : i32
    %dma_wait3A_222 = tpu.memref_slice %arg6[%dma_wait3A_220, %dma_wait3A_221] : memref<4096x64xf32, #tpu.memory_space<vmem_shared>> -> memref<4096x64xf32, #tpu.memory_space<vmem_shared>>
    tpu.wait_indirect_dma semaphore(%arg15 : memref<!tpu.dma_semaphore, #tpu.memory_space<semaphore_mem>>) src(%dma_wait3A_216 : memref<128x64xf32, #tpu.memory_space<vmem>>) dst(%dma_wait3A_222 : memref<4096x64xf32, #tpu.memory_space<vmem_shared>>)
    %barrier3A_223 = arith.constant 0 : index
    tpu.barrier barrier_id(%barrier3A_223)
    "tpu.region"() ({
      %run_scoped3A_224 = tpu.sem_alloc : memref<!tpu.dma_semaphore, #tpu.memory_space<semaphore_mem>>
      %dma_start3A_225 = arith.constant 0 : i32
      %dma_start3A_226 = tpu.memref_slice %arg5[%arg0, %mul3A_0, %dma_start3A_225] : memref<2x4096x64xf32, #tpu.memory_space<hbm>> -> memref<1x256x64xf32, #tpu.memory_space<hbm>>
      %dma_start3A_227 = tpu.memref_squeeze %dma_start3A_226 : memref<1x256x64xf32, #tpu.memory_space<hbm>> -> memref<256x64xf32, #tpu.memory_space<hbm>>
      %dma_start3A_228 = arith.constant 0 : i32
      %dma_start3A_229 = tpu.memref_slice %arg6[%mul3A_0, %dma_start3A_228] : memref<4096x64xf32, #tpu.memory_space<vmem_shared>> -> memref<256x64xf32, #tpu.memory_space<vmem_shared>>
      tpu.enqueue_dma source(%dma_start3A_229 : memref<256x64xf32, #tpu.memory_space<vmem_shared>>) target(%dma_start3A_227 : memref<256x64xf32, #tpu.memory_space<hbm>>) target_semaphore(%run_scoped3A_224 : memref<!tpu.dma_semaphore, #tpu.memory_space<semaphore_mem>>)
      %dma_wait3A_230 = arith.constant 0 : i32
      %dma_wait3A_231 = tpu.memref_slice %arg5[%arg0, %mul3A_0, %dma_wait3A_230] : memref<2x4096x64xf32, #tpu.memory_space<hbm>> -> memref<1x256x64xf32, #tpu.memory_space<hbm>>
      %dma_wait3A_232 = tpu.memref_squeeze %dma_wait3A_231 : memref<1x256x64xf32, #tpu.memory_space<hbm>> -> memref<256x64xf32, #tpu.memory_space<hbm>>
      %dma_wait3A_233 = arith.constant 0 : i32
      %dma_wait3A_234 = tpu.memref_slice %arg6[%mul3A_0, %dma_wait3A_233] : memref<4096x64xf32, #tpu.memory_space<vmem_shared>> -> memref<256x64xf32, #tpu.memory_space<vmem_shared>>
      tpu.wait_dma2 semaphore(%run_scoped3A_224 : memref<!tpu.dma_semaphore, #tpu.memory_space<semaphore_mem>>) src(%dma_wait3A_234 : memref<256x64xf32, #tpu.memory_space<vmem_shared>>) dst(%dma_wait3A_232 : memref<256x64xf32, #tpu.memory_space<hbm>>)
      tpu.yield
    }) : () -> ()
    return
  }
}

#map = affine_map<(d0, d1) -> (0, 0)>
#map1 = affine_map<(d0, d1) -> (0)>
#map2 = affine_map<(d0, d1) -> (0, 0, 0)>
module attributes {stable_mosaic.version = 14 : i64} {
  func.func @_gcn_scatter(%arg0: i32, %arg1: i32, %arg2: memref<4096x64xf32, #tpu.memory_space<hbm>>, %arg3: memref<16384xi32, #tpu.memory_space<hbm>>, %arg4: memref<16384xi32, #tpu.memory_space<hbm>>, %arg5: memref<2x4096x64xf32, #tpu.memory_space<hbm>>, %arg6: memref<4096x64xf32, #tpu.memory_space<vmem_shared>>, %arg7: memref<4x128xi32, #tpu.memory_space<vmem>>, %arg8: memref<4x128xi32, #tpu.memory_space<vmem>>, %arg9: memref<4x128x64xf32, #tpu.memory_space<vmem>>, %arg10: memref<256x64xf32, #tpu.memory_space<vmem>>, %arg11: memref<!tpu.dma_semaphore, #tpu.memory_space<semaphore_mem>>, %arg12: memref<!tpu.dma_semaphore, #tpu.memory_space<semaphore_mem>>, %arg13: memref<!tpu.dma_semaphore, #tpu.memory_space<semaphore_mem>>, %arg14: memref<!tpu.dma_semaphore, #tpu.memory_space<semaphore_mem>>, %arg15: memref<!tpu.dma_semaphore, #tpu.memory_space<semaphore_mem>>) attributes {dimension_semantics = [#tpu.dimension_semantics<core_parallel>, #tpu.dimension_semantics<subcore_parallel>], iteration_bounds = array<i64: 2, 16>, scalar_prefetch = 0 : i64, scratch_operands = 10 : i64, tpu.core_type = #tpu.core_type<sc_vector_subcore>, window_params = [{transform_indices = #map}, {transform_indices = #map1}, {transform_indices = #map1}, {transform_indices = #map2}]} {
    %mul3A = arith.constant 256 : i32
    %mul3A_0 = arith.muli %arg1, %mul3A : i32
    %scan3A = arith.constant 0 : i32
    %scan3A_1 = arith.constant 0 : i32
    %scan3A_2 = arith.constant 256 : i32
    %scan3A_3 = arith.addi %scan3A_1, %scan3A_2 : i32
    %scan3A_4 = arith.constant 1 : i32
    scf.for %scan3A_224 = %scan3A_1 to %scan3A_3 step %scan3A_4  : i32 {
      %broadcast_in_dim3A = arith.constant 0.000000e+00 : f32
      %broadcast_in_dim3A_225 = vector.broadcast %broadcast_in_dim3A : f32 to vector<16xf32>
      %swap3A = arith.index_cast %scan3A_224 : i32 to index
      %swap3A_226 = arith.constant 0 : index
      %swap3A_227 = tpu.vector_load %arg10[%swap3A, %swap3A_226] {strides = array<i32>} : memref<256x64xf32, #tpu.memory_space<vmem>>, vector<16xf32>,
      tpu.vector_store %arg10[%swap3A, %swap3A_226], %broadcast_in_dim3A_225 {strides = array<i32>} : memref<256x64xf32, #tpu.memory_space<vmem>>, vector<16xf32>,
      %broadcast_in_dim3A_228 = arith.constant 0.000000e+00 : f32
      %broadcast_in_dim3A_229 = vector.broadcast %broadcast_in_dim3A_228 : f32 to vector<16xf32>
      %swap3A_230 = arith.index_cast %scan3A_224 : i32 to index
      %swap3A_231 = arith.constant 16 : index
      %swap3A_232 = tpu.vector_load %arg10[%swap3A_230, %swap3A_231] {strides = array<i32>} : memref<256x64xf32, #tpu.memory_space<vmem>>, vector<16xf32>,
      tpu.vector_store %arg10[%swap3A_230, %swap3A_231], %broadcast_in_dim3A_229 {strides = array<i32>} : memref<256x64xf32, #tpu.memory_space<vmem>>, vector<16xf32>,
      %broadcast_in_dim3A_233 = arith.constant 0.000000e+00 : f32
      %broadcast_in_dim3A_234 = vector.broadcast %broadcast_in_dim3A_233 : f32 to vector<16xf32>
      %swap3A_235 = arith.index_cast %scan3A_224 : i32 to index
      %swap3A_236 = arith.constant 32 : index
      %swap3A_237 = tpu.vector_load %arg10[%swap3A_235, %swap3A_236] {strides = array<i32>} : memref<256x64xf32, #tpu.memory_space<vmem>>, vector<16xf32>,
      tpu.vector_store %arg10[%swap3A_235, %swap3A_236], %broadcast_in_dim3A_234 {strides = array<i32>} : memref<256x64xf32, #tpu.memory_space<vmem>>, vector<16xf32>,
      %broadcast_in_dim3A_238 = arith.constant 0.000000e+00 : f32
      %broadcast_in_dim3A_239 = vector.broadcast %broadcast_in_dim3A_238 : f32 to vector<16xf32>
      %swap3A_240 = arith.index_cast %scan3A_224 : i32 to index
      %swap3A_241 = arith.constant 48 : index
      %swap3A_242 = tpu.vector_load %arg10[%swap3A_240, %swap3A_241] {strides = array<i32>} : memref<256x64xf32, #tpu.memory_space<vmem>>, vector<16xf32>,
      tpu.vector_store %arg10[%swap3A_240, %swap3A_241], %broadcast_in_dim3A_239 {strides = array<i32>} : memref<256x64xf32, #tpu.memory_space<vmem>>, vector<16xf32>,
    }
    %scan3A_5 = arith.constant 256 : i32
    "tpu.region"() ({
      %run_scoped3A_224 = tpu.sem_alloc : memref<!tpu.dma_semaphore, #tpu.memory_space<semaphore_mem>>
      %dma_start3A_225 = arith.constant 0 : i32
      %dma_start3A_226 = tpu.memref_slice %arg6[%mul3A_0, %dma_start3A_225] : memref<4096x64xf32, #tpu.memory_space<vmem_shared>> -> memref<256x64xf32, #tpu.memory_space<vmem_shared>>
      %dma_start3A_227 = arith.constant 0 : i32
      %dma_start3A_228 = tpu.memref_slice %arg6[%mul3A_0, %dma_start3A_227] : memref<4096x64xf32, #tpu.memory_space<vmem_shared>> -> memref<256x64xf32, #tpu.memory_space<vmem_shared>>
      tpu.enqueue_dma source(%arg10 : memref<256x64xf32, #tpu.memory_space<vmem>>) target(%dma_start3A_228 : memref<256x64xf32, #tpu.memory_space<vmem_shared>>) target_semaphore(%run_scoped3A_224 : memref<!tpu.dma_semaphore, #tpu.memory_space<semaphore_mem>>)
      %dma_wait3A_229 = arith.constant 0 : i32
      %dma_wait3A_230 = tpu.memref_slice %arg6[%mul3A_0, %dma_wait3A_229] : memref<4096x64xf32, #tpu.memory_space<vmem_shared>> -> memref<256x64xf32, #tpu.memory_space<vmem_shared>>
      %dma_wait3A_231 = arith.constant 0 : i32
      %dma_wait3A_232 = tpu.memref_slice %arg6[%mul3A_0, %dma_wait3A_231] : memref<4096x64xf32, #tpu.memory_space<vmem_shared>> -> memref<256x64xf32, #tpu.memory_space<vmem_shared>>
      tpu.wait_dma2 semaphore(%run_scoped3A_224 : memref<!tpu.dma_semaphore, #tpu.memory_space<semaphore_mem>>) src(%arg10 : memref<256x64xf32, #tpu.memory_space<vmem>>) dst(%dma_wait3A_232 : memref<256x64xf32, #tpu.memory_space<vmem_shared>>)
      tpu.yield
    }) : () -> ()
    %mul3A_6 = arith.constant 16 : i32
    %mul3A_7 = arith.muli %arg0, %mul3A_6 : i32
    %add3A = arith.addi %mul3A_7, %arg1 : i32
    %mul3A_8 = arith.constant 512 : i32
    %mul3A_9 = arith.muli %add3A, %mul3A_8 : i32
    %add3A_10 = arith.constant 0 : i32
    %add3A_11 = arith.addi %mul3A_9, %add3A_10 : i32
    %run_scoped3A = arith.constant 0 : i32
    "tpu.region"() ({
      %run_scoped3A_224 = tpu.sem_alloc : memref<!tpu.dma_semaphore, #tpu.memory_space<semaphore_mem>>
      %dma_start3A_225 = arith.constant 0 : i32
      %dma_start3A_226 = tpu.memref_slice %arg7[%run_scoped3A, %dma_start3A_225] : memref<4x128xi32, #tpu.memory_space<vmem>> -> memref<1x128xi32, #tpu.memory_space<vmem>>
      %dma_start3A_227 = tpu.memref_squeeze %dma_start3A_226 : memref<1x128xi32, #tpu.memory_space<vmem>> -> memref<128xi32, #tpu.memory_space<vmem>>
      %dma_start3A_228 = tpu.memref_slice %arg3[%add3A_11] : memref<16384xi32, #tpu.memory_space<hbm>> -> memref<128xi32, #tpu.memory_space<hbm>>
      %dma_start3A_229 = arith.constant 0 : i32
      %dma_start3A_230 = tpu.memref_slice %arg7[%run_scoped3A, %dma_start3A_229] : memref<4x128xi32, #tpu.memory_space<vmem>> -> memref<1x128xi32, #tpu.memory_space<vmem>>
      %dma_start3A_231 = tpu.memref_squeeze %dma_start3A_230 : memref<1x128xi32, #tpu.memory_space<vmem>> -> memref<128xi32, #tpu.memory_space<vmem>>
      %dma_start3A_232 = tpu.memref_slice %arg3[%add3A_11] : memref<16384xi32, #tpu.memory_space<hbm>> -> memref<128xi32, #tpu.memory_space<hbm>>
      tpu.enqueue_dma source(%dma_start3A_232 : memref<128xi32, #tpu.memory_space<hbm>>) target(%dma_start3A_231 : memref<128xi32, #tpu.memory_space<vmem>>) target_semaphore(%run_scoped3A_224 : memref<!tpu.dma_semaphore, #tpu.memory_space<semaphore_mem>>)
      %dma_wait3A_233 = arith.constant 0 : i32
      %dma_wait3A_234 = tpu.memref_slice %arg7[%run_scoped3A, %dma_wait3A_233] : memref<4x128xi32, #tpu.memory_space<vmem>> -> memref<1x128xi32, #tpu.memory_space<vmem>>
      %dma_wait3A_235 = tpu.memref_squeeze %dma_wait3A_234 : memref<1x128xi32, #tpu.memory_space<vmem>> -> memref<128xi32, #tpu.memory_space<vmem>>
      %dma_wait3A_236 = tpu.memref_slice %arg3[%add3A_11] : memref<16384xi32, #tpu.memory_space<hbm>> -> memref<128xi32, #tpu.memory_space<hbm>>
      %dma_wait3A_237 = arith.constant 0 : i32
      %dma_wait3A_238 = tpu.memref_slice %arg7[%run_scoped3A, %dma_wait3A_237] : memref<4x128xi32, #tpu.memory_space<vmem>> -> memref<1x128xi32, #tpu.memory_space<vmem>>
      %dma_wait3A_239 = tpu.memref_squeeze %dma_wait3A_238 : memref<1x128xi32, #tpu.memory_space<vmem>> -> memref<128xi32, #tpu.memory_space<vmem>>
      %dma_wait3A_240 = tpu.memref_slice %arg3[%add3A_11] : memref<16384xi32, #tpu.memory_space<hbm>> -> memref<128xi32, #tpu.memory_space<hbm>>
      tpu.wait_dma2 semaphore(%run_scoped3A_224 : memref<!tpu.dma_semaphore, #tpu.memory_space<semaphore_mem>>) src(%dma_wait3A_240 : memref<128xi32, #tpu.memory_space<hbm>>) dst(%dma_wait3A_239 : memref<128xi32, #tpu.memory_space<vmem>>)
      tpu.yield
    }) : () -> ()
    %add3A_12 = arith.constant 0 : i32
    %add3A_13 = arith.addi %mul3A_9, %add3A_12 : i32
    %run_scoped3A_14 = arith.constant 0 : i32
    "tpu.region"() ({
      %run_scoped3A_224 = tpu.sem_alloc : memref<!tpu.dma_semaphore, #tpu.memory_space<semaphore_mem>>
      %dma_start3A_225 = arith.constant 0 : i32
      %dma_start3A_226 = tpu.memref_slice %arg8[%run_scoped3A_14, %dma_start3A_225] : memref<4x128xi32, #tpu.memory_space<vmem>> -> memref<1x128xi32, #tpu.memory_space<vmem>>
      %dma_start3A_227 = tpu.memref_squeeze %dma_start3A_226 : memref<1x128xi32, #tpu.memory_space<vmem>> -> memref<128xi32, #tpu.memory_space<vmem>>
      %dma_start3A_228 = tpu.memref_slice %arg4[%add3A_13] : memref<16384xi32, #tpu.memory_space<hbm>> -> memref<128xi32, #tpu.memory_space<hbm>>
      %dma_start3A_229 = arith.constant 0 : i32
      %dma_start3A_230 = tpu.memref_slice %arg8[%run_scoped3A_14, %dma_start3A_229] : memref<4x128xi32, #tpu.memory_space<vmem>> -> memref<1x128xi32, #tpu.memory_space<vmem>>
      %dma_start3A_231 = tpu.memref_squeeze %dma_start3A_230 : memref<1x128xi32, #tpu.memory_space<vmem>> -> memref<128xi32, #tpu.memory_space<vmem>>
      %dma_start3A_232 = tpu.memref_slice %arg4[%add3A_13] : memref<16384xi32, #tpu.memory_space<hbm>> -> memref<128xi32, #tpu.memory_space<hbm>>
      tpu.enqueue_dma source(%dma_start3A_232 : memref<128xi32, #tpu.memory_space<hbm>>) target(%dma_start3A_231 : memref<128xi32, #tpu.memory_space<vmem>>) target_semaphore(%run_scoped3A_224 : memref<!tpu.dma_semaphore, #tpu.memory_space<semaphore_mem>>)
      %dma_wait3A_233 = arith.constant 0 : i32
      %dma_wait3A_234 = tpu.memref_slice %arg8[%run_scoped3A_14, %dma_wait3A_233] : memref<4x128xi32, #tpu.memory_space<vmem>> -> memref<1x128xi32, #tpu.memory_space<vmem>>
      %dma_wait3A_235 = tpu.memref_squeeze %dma_wait3A_234 : memref<1x128xi32, #tpu.memory_space<vmem>> -> memref<128xi32, #tpu.memory_space<vmem>>
      %dma_wait3A_236 = tpu.memref_slice %arg4[%add3A_13] : memref<16384xi32, #tpu.memory_space<hbm>> -> memref<128xi32, #tpu.memory_space<hbm>>
      %dma_wait3A_237 = arith.constant 0 : i32
      %dma_wait3A_238 = tpu.memref_slice %arg8[%run_scoped3A_14, %dma_wait3A_237] : memref<4x128xi32, #tpu.memory_space<vmem>> -> memref<1x128xi32, #tpu.memory_space<vmem>>
      %dma_wait3A_239 = tpu.memref_squeeze %dma_wait3A_238 : memref<1x128xi32, #tpu.memory_space<vmem>> -> memref<128xi32, #tpu.memory_space<vmem>>
      %dma_wait3A_240 = tpu.memref_slice %arg4[%add3A_13] : memref<16384xi32, #tpu.memory_space<hbm>> -> memref<128xi32, #tpu.memory_space<hbm>>
      tpu.wait_dma2 semaphore(%run_scoped3A_224 : memref<!tpu.dma_semaphore, #tpu.memory_space<semaphore_mem>>) src(%dma_wait3A_240 : memref<128xi32, #tpu.memory_space<hbm>>) dst(%dma_wait3A_239 : memref<128xi32, #tpu.memory_space<vmem>>)
      tpu.yield
    }) : () -> ()
    %add3A_15 = arith.constant 128 : i32
    %add3A_16 = arith.addi %mul3A_9, %add3A_15 : i32
    %run_scoped3A_17 = arith.constant 1 : i32
    "tpu.region"() ({
      %run_scoped3A_224 = tpu.sem_alloc : memref<!tpu.dma_semaphore, #tpu.memory_space<semaphore_mem>>
      %dma_start3A_225 = arith.constant 0 : i32
      %dma_start3A_226 = tpu.memref_slice %arg7[%run_scoped3A_17, %dma_start3A_225] : memref<4x128xi32, #tpu.memory_space<vmem>> -> memref<1x128xi32, #tpu.memory_space<vmem>>
      %dma_start3A_227 = tpu.memref_squeeze %dma_start3A_226 : memref<1x128xi32, #tpu.memory_space<vmem>> -> memref<128xi32, #tpu.memory_space<vmem>>
      %dma_start3A_228 = tpu.memref_slice %arg3[%add3A_16] : memref<16384xi32, #tpu.memory_space<hbm>> -> memref<128xi32, #tpu.memory_space<hbm>>
      %dma_start3A_229 = arith.constant 0 : i32
      %dma_start3A_230 = tpu.memref_slice %arg7[%run_scoped3A_17, %dma_start3A_229] : memref<4x128xi32, #tpu.memory_space<vmem>> -> memref<1x128xi32, #tpu.memory_space<vmem>>
      %dma_start3A_231 = tpu.memref_squeeze %dma_start3A_230 : memref<1x128xi32, #tpu.memory_space<vmem>> -> memref<128xi32, #tpu.memory_space<vmem>>
      %dma_start3A_232 = tpu.memref_slice %arg3[%add3A_16] : memref<16384xi32, #tpu.memory_space<hbm>> -> memref<128xi32, #tpu.memory_space<hbm>>
      tpu.enqueue_dma source(%dma_start3A_232 : memref<128xi32, #tpu.memory_space<hbm>>) target(%dma_start3A_231 : memref<128xi32, #tpu.memory_space<vmem>>) target_semaphore(%run_scoped3A_224 : memref<!tpu.dma_semaphore, #tpu.memory_space<semaphore_mem>>)
      %dma_wait3A_233 = arith.constant 0 : i32
      %dma_wait3A_234 = tpu.memref_slice %arg7[%run_scoped3A_17, %dma_wait3A_233] : memref<4x128xi32, #tpu.memory_space<vmem>> -> memref<1x128xi32, #tpu.memory_space<vmem>>
      %dma_wait3A_235 = tpu.memref_squeeze %dma_wait3A_234 : memref<1x128xi32, #tpu.memory_space<vmem>> -> memref<128xi32, #tpu.memory_space<vmem>>
      %dma_wait3A_236 = tpu.memref_slice %arg3[%add3A_16] : memref<16384xi32, #tpu.memory_space<hbm>> -> memref<128xi32, #tpu.memory_space<hbm>>
      %dma_wait3A_237 = arith.constant 0 : i32
      %dma_wait3A_238 = tpu.memref_slice %arg7[%run_scoped3A_17, %dma_wait3A_237] : memref<4x128xi32, #tpu.memory_space<vmem>> -> memref<1x128xi32, #tpu.memory_space<vmem>>
      %dma_wait3A_239 = tpu.memref_squeeze %dma_wait3A_238 : memref<1x128xi32, #tpu.memory_space<vmem>> -> memref<128xi32, #tpu.memory_space<vmem>>
      %dma_wait3A_240 = tpu.memref_slice %arg3[%add3A_16] : memref<16384xi32, #tpu.memory_space<hbm>> -> memref<128xi32, #tpu.memory_space<hbm>>
      tpu.wait_dma2 semaphore(%run_scoped3A_224 : memref<!tpu.dma_semaphore, #tpu.memory_space<semaphore_mem>>) src(%dma_wait3A_240 : memref<128xi32, #tpu.memory_space<hbm>>) dst(%dma_wait3A_239 : memref<128xi32, #tpu.memory_space<vmem>>)
      tpu.yield
    }) : () -> ()
    %add3A_18 = arith.constant 128 : i32
    %add3A_19 = arith.addi %mul3A_9, %add3A_18 : i32
    %run_scoped3A_20 = arith.constant 1 : i32
    "tpu.region"() ({
      %run_scoped3A_224 = tpu.sem_alloc : memref<!tpu.dma_semaphore, #tpu.memory_space<semaphore_mem>>
      %dma_start3A_225 = arith.constant 0 : i32
      %dma_start3A_226 = tpu.memref_slice %arg8[%run_scoped3A_20, %dma_start3A_225] : memref<4x128xi32, #tpu.memory_space<vmem>> -> memref<1x128xi32, #tpu.memory_space<vmem>>
      %dma_start3A_227 = tpu.memref_squeeze %dma_start3A_226 : memref<1x128xi32, #tpu.memory_space<vmem>> -> memref<128xi32, #tpu.memory_space<vmem>>
      %dma_start3A_228 = tpu.memref_slice %arg4[%add3A_19] : memref<16384xi32, #tpu.memory_space<hbm>> -> memref<128xi32, #tpu.memory_space<hbm>>
      %dma_start3A_229 = arith.constant 0 : i32
      %dma_start3A_230 = tpu.memref_slice %arg8[%run_scoped3A_20, %dma_start3A_229] : memref<4x128xi32, #tpu.memory_space<vmem>> -> memref<1x128xi32, #tpu.memory_space<vmem>>
      %dma_start3A_231 = tpu.memref_squeeze %dma_start3A_230 : memref<1x128xi32, #tpu.memory_space<vmem>> -> memref<128xi32, #tpu.memory_space<vmem>>
      %dma_start3A_232 = tpu.memref_slice %arg4[%add3A_19] : memref<16384xi32, #tpu.memory_space<hbm>> -> memref<128xi32, #tpu.memory_space<hbm>>
      tpu.enqueue_dma source(%dma_start3A_232 : memref<128xi32, #tpu.memory_space<hbm>>) target(%dma_start3A_231 : memref<128xi32, #tpu.memory_space<vmem>>) target_semaphore(%run_scoped3A_224 : memref<!tpu.dma_semaphore, #tpu.memory_space<semaphore_mem>>)
      %dma_wait3A_233 = arith.constant 0 : i32
      %dma_wait3A_234 = tpu.memref_slice %arg8[%run_scoped3A_20, %dma_wait3A_233] : memref<4x128xi32, #tpu.memory_space<vmem>> -> memref<1x128xi32, #tpu.memory_space<vmem>>
      %dma_wait3A_235 = tpu.memref_squeeze %dma_wait3A_234 : memref<1x128xi32, #tpu.memory_space<vmem>> -> memref<128xi32, #tpu.memory_space<vmem>>
      %dma_wait3A_236 = tpu.memref_slice %arg4[%add3A_19] : memref<16384xi32, #tpu.memory_space<hbm>> -> memref<128xi32, #tpu.memory_space<hbm>>
      %dma_wait3A_237 = arith.constant 0 : i32
      %dma_wait3A_238 = tpu.memref_slice %arg8[%run_scoped3A_20, %dma_wait3A_237] : memref<4x128xi32, #tpu.memory_space<vmem>> -> memref<1x128xi32, #tpu.memory_space<vmem>>
      %dma_wait3A_239 = tpu.memref_squeeze %dma_wait3A_238 : memref<1x128xi32, #tpu.memory_space<vmem>> -> memref<128xi32, #tpu.memory_space<vmem>>
      %dma_wait3A_240 = tpu.memref_slice %arg4[%add3A_19] : memref<16384xi32, #tpu.memory_space<hbm>> -> memref<128xi32, #tpu.memory_space<hbm>>
      tpu.wait_dma2 semaphore(%run_scoped3A_224 : memref<!tpu.dma_semaphore, #tpu.memory_space<semaphore_mem>>) src(%dma_wait3A_240 : memref<128xi32, #tpu.memory_space<hbm>>) dst(%dma_wait3A_239 : memref<128xi32, #tpu.memory_space<vmem>>)
      tpu.yield
    }) : () -> ()
    %add3A_21 = arith.constant 256 : i32
    %add3A_22 = arith.addi %mul3A_9, %add3A_21 : i32
    %run_scoped3A_23 = arith.constant 2 : i32
    "tpu.region"() ({
      %run_scoped3A_224 = tpu.sem_alloc : memref<!tpu.dma_semaphore, #tpu.memory_space<semaphore_mem>>
      %dma_start3A_225 = arith.constant 0 : i32
      %dma_start3A_226 = tpu.memref_slice %arg7[%run_scoped3A_23, %dma_start3A_225] : memref<4x128xi32, #tpu.memory_space<vmem>> -> memref<1x128xi32, #tpu.memory_space<vmem>>
      %dma_start3A_227 = tpu.memref_squeeze %dma_start3A_226 : memref<1x128xi32, #tpu.memory_space<vmem>> -> memref<128xi32, #tpu.memory_space<vmem>>
      %dma_start3A_228 = tpu.memref_slice %arg3[%add3A_22] : memref<16384xi32, #tpu.memory_space<hbm>> -> memref<128xi32, #tpu.memory_space<hbm>>
      %dma_start3A_229 = arith.constant 0 : i32
      %dma_start3A_230 = tpu.memref_slice %arg7[%run_scoped3A_23, %dma_start3A_229] : memref<4x128xi32, #tpu.memory_space<vmem>> -> memref<1x128xi32, #tpu.memory_space<vmem>>
      %dma_start3A_231 = tpu.memref_squeeze %dma_start3A_230 : memref<1x128xi32, #tpu.memory_space<vmem>> -> memref<128xi32, #tpu.memory_space<vmem>>
      %dma_start3A_232 = tpu.memref_slice %arg3[%add3A_22] : memref<16384xi32, #tpu.memory_space<hbm>> -> memref<128xi32, #tpu.memory_space<hbm>>
      tpu.enqueue_dma source(%dma_start3A_232 : memref<128xi32, #tpu.memory_space<hbm>>) target(%dma_start3A_231 : memref<128xi32, #tpu.memory_space<vmem>>) target_semaphore(%run_scoped3A_224 : memref<!tpu.dma_semaphore, #tpu.memory_space<semaphore_mem>>)
      %dma_wait3A_233 = arith.constant 0 : i32
      %dma_wait3A_234 = tpu.memref_slice %arg7[%run_scoped3A_23, %dma_wait3A_233] : memref<4x128xi32, #tpu.memory_space<vmem>> -> memref<1x128xi32, #tpu.memory_space<vmem>>
      %dma_wait3A_235 = tpu.memref_squeeze %dma_wait3A_234 : memref<1x128xi32, #tpu.memory_space<vmem>> -> memref<128xi32, #tpu.memory_space<vmem>>
      %dma_wait3A_236 = tpu.memref_slice %arg3[%add3A_22] : memref<16384xi32, #tpu.memory_space<hbm>> -> memref<128xi32, #tpu.memory_space<hbm>>
      %dma_wait3A_237 = arith.constant 0 : i32
      %dma_wait3A_238 = tpu.memref_slice %arg7[%run_scoped3A_23, %dma_wait3A_237] : memref<4x128xi32, #tpu.memory_space<vmem>> -> memref<1x128xi32, #tpu.memory_space<vmem>>
      %dma_wait3A_239 = tpu.memref_squeeze %dma_wait3A_238 : memref<1x128xi32, #tpu.memory_space<vmem>> -> memref<128xi32, #tpu.memory_space<vmem>>
      %dma_wait3A_240 = tpu.memref_slice %arg3[%add3A_22] : memref<16384xi32, #tpu.memory_space<hbm>> -> memref<128xi32, #tpu.memory_space<hbm>>
      tpu.wait_dma2 semaphore(%run_scoped3A_224 : memref<!tpu.dma_semaphore, #tpu.memory_space<semaphore_mem>>) src(%dma_wait3A_240 : memref<128xi32, #tpu.memory_space<hbm>>) dst(%dma_wait3A_239 : memref<128xi32, #tpu.memory_space<vmem>>)
      tpu.yield
    }) : () -> ()
    %add3A_24 = arith.constant 256 : i32
    %add3A_25 = arith.addi %mul3A_9, %add3A_24 : i32
    %run_scoped3A_26 = arith.constant 2 : i32
    "tpu.region"() ({
      %run_scoped3A_224 = tpu.sem_alloc : memref<!tpu.dma_semaphore, #tpu.memory_space<semaphore_mem>>
      %dma_start3A_225 = arith.constant 0 : i32
      %dma_start3A_226 = tpu.memref_slice %arg8[%run_scoped3A_26, %dma_start3A_225] : memref<4x128xi32, #tpu.memory_space<vmem>> -> memref<1x128xi32, #tpu.memory_space<vmem>>
      %dma_start3A_227 = tpu.memref_squeeze %dma_start3A_226 : memref<1x128xi32, #tpu.memory_space<vmem>> -> memref<128xi32, #tpu.memory_space<vmem>>
      %dma_start3A_228 = tpu.memref_slice %arg4[%add3A_25] : memref<16384xi32, #tpu.memory_space<hbm>> -> memref<128xi32, #tpu.memory_space<hbm>>
      %dma_start3A_229 = arith.constant 0 : i32
      %dma_start3A_230 = tpu.memref_slice %arg8[%run_scoped3A_26, %dma_start3A_229] : memref<4x128xi32, #tpu.memory_space<vmem>> -> memref<1x128xi32, #tpu.memory_space<vmem>>
      %dma_start3A_231 = tpu.memref_squeeze %dma_start3A_230 : memref<1x128xi32, #tpu.memory_space<vmem>> -> memref<128xi32, #tpu.memory_space<vmem>>
      %dma_start3A_232 = tpu.memref_slice %arg4[%add3A_25] : memref<16384xi32, #tpu.memory_space<hbm>> -> memref<128xi32, #tpu.memory_space<hbm>>
      tpu.enqueue_dma source(%dma_start3A_232 : memref<128xi32, #tpu.memory_space<hbm>>) target(%dma_start3A_231 : memref<128xi32, #tpu.memory_space<vmem>>) target_semaphore(%run_scoped3A_224 : memref<!tpu.dma_semaphore, #tpu.memory_space<semaphore_mem>>)
      %dma_wait3A_233 = arith.constant 0 : i32
      %dma_wait3A_234 = tpu.memref_slice %arg8[%run_scoped3A_26, %dma_wait3A_233] : memref<4x128xi32, #tpu.memory_space<vmem>> -> memref<1x128xi32, #tpu.memory_space<vmem>>
      %dma_wait3A_235 = tpu.memref_squeeze %dma_wait3A_234 : memref<1x128xi32, #tpu.memory_space<vmem>> -> memref<128xi32, #tpu.memory_space<vmem>>
      %dma_wait3A_236 = tpu.memref_slice %arg4[%add3A_25] : memref<16384xi32, #tpu.memory_space<hbm>> -> memref<128xi32, #tpu.memory_space<hbm>>
      %dma_wait3A_237 = arith.constant 0 : i32
      %dma_wait3A_238 = tpu.memref_slice %arg8[%run_scoped3A_26, %dma_wait3A_237] : memref<4x128xi32, #tpu.memory_space<vmem>> -> memref<1x128xi32, #tpu.memory_space<vmem>>
      %dma_wait3A_239 = tpu.memref_squeeze %dma_wait3A_238 : memref<1x128xi32, #tpu.memory_space<vmem>> -> memref<128xi32, #tpu.memory_space<vmem>>
      %dma_wait3A_240 = tpu.memref_slice %arg4[%add3A_25] : memref<16384xi32, #tpu.memory_space<hbm>> -> memref<128xi32, #tpu.memory_space<hbm>>
      tpu.wait_dma2 semaphore(%run_scoped3A_224 : memref<!tpu.dma_semaphore, #tpu.memory_space<semaphore_mem>>) src(%dma_wait3A_240 : memref<128xi32, #tpu.memory_space<hbm>>) dst(%dma_wait3A_239 : memref<128xi32, #tpu.memory_space<vmem>>)
      tpu.yield
    }) : () -> ()
    %add3A_27 = arith.constant 384 : i32
    %add3A_28 = arith.addi %mul3A_9, %add3A_27 : i32
    %run_scoped3A_29 = arith.constant 3 : i32
    "tpu.region"() ({
      %run_scoped3A_224 = tpu.sem_alloc : memref<!tpu.dma_semaphore, #tpu.memory_space<semaphore_mem>>
      %dma_start3A_225 = arith.constant 0 : i32
      %dma_start3A_226 = tpu.memref_slice %arg7[%run_scoped3A_29, %dma_start3A_225] : memref<4x128xi32, #tpu.memory_space<vmem>> -> memref<1x128xi32, #tpu.memory_space<vmem>>
      %dma_start3A_227 = tpu.memref_squeeze %dma_start3A_226 : memref<1x128xi32, #tpu.memory_space<vmem>> -> memref<128xi32, #tpu.memory_space<vmem>>
      %dma_start3A_228 = tpu.memref_slice %arg3[%add3A_28] : memref<16384xi32, #tpu.memory_space<hbm>> -> memref<128xi32, #tpu.memory_space<hbm>>
      %dma_start3A_229 = arith.constant 0 : i32
      %dma_start3A_230 = tpu.memref_slice %arg7[%run_scoped3A_29, %dma_start3A_229] : memref<4x128xi32, #tpu.memory_space<vmem>> -> memref<1x128xi32, #tpu.memory_space<vmem>>
      %dma_start3A_231 = tpu.memref_squeeze %dma_start3A_230 : memref<1x128xi32, #tpu.memory_space<vmem>> -> memref<128xi32, #tpu.memory_space<vmem>>
      %dma_start3A_232 = tpu.memref_slice %arg3[%add3A_28] : memref<16384xi32, #tpu.memory_space<hbm>> -> memref<128xi32, #tpu.memory_space<hbm>>
      tpu.enqueue_dma source(%dma_start3A_232 : memref<128xi32, #tpu.memory_space<hbm>>) target(%dma_start3A_231 : memref<128xi32, #tpu.memory_space<vmem>>) target_semaphore(%run_scoped3A_224 : memref<!tpu.dma_semaphore, #tpu.memory_space<semaphore_mem>>)
      %dma_wait3A_233 = arith.constant 0 : i32
      %dma_wait3A_234 = tpu.memref_slice %arg7[%run_scoped3A_29, %dma_wait3A_233] : memref<4x128xi32, #tpu.memory_space<vmem>> -> memref<1x128xi32, #tpu.memory_space<vmem>>
      %dma_wait3A_235 = tpu.memref_squeeze %dma_wait3A_234 : memref<1x128xi32, #tpu.memory_space<vmem>> -> memref<128xi32, #tpu.memory_space<vmem>>
      %dma_wait3A_236 = tpu.memref_slice %arg3[%add3A_28] : memref<16384xi32, #tpu.memory_space<hbm>> -> memref<128xi32, #tpu.memory_space<hbm>>
      %dma_wait3A_237 = arith.constant 0 : i32
      %dma_wait3A_238 = tpu.memref_slice %arg7[%run_scoped3A_29, %dma_wait3A_237] : memref<4x128xi32, #tpu.memory_space<vmem>> -> memref<1x128xi32, #tpu.memory_space<vmem>>
      %dma_wait3A_239 = tpu.memref_squeeze %dma_wait3A_238 : memref<1x128xi32, #tpu.memory_space<vmem>> -> memref<128xi32, #tpu.memory_space<vmem>>
      %dma_wait3A_240 = tpu.memref_slice %arg3[%add3A_28] : memref<16384xi32, #tpu.memory_space<hbm>> -> memref<128xi32, #tpu.memory_space<hbm>>
      tpu.wait_dma2 semaphore(%run_scoped3A_224 : memref<!tpu.dma_semaphore, #tpu.memory_space<semaphore_mem>>) src(%dma_wait3A_240 : memref<128xi32, #tpu.memory_space<hbm>>) dst(%dma_wait3A_239 : memref<128xi32, #tpu.memory_space<vmem>>)
      tpu.yield
    }) : () -> ()
    %add3A_30 = arith.constant 384 : i32
    %add3A_31 = arith.addi %mul3A_9, %add3A_30 : i32
    %run_scoped3A_32 = arith.constant 3 : i32
    "tpu.region"() ({
      %run_scoped3A_224 = tpu.sem_alloc : memref<!tpu.dma_semaphore, #tpu.memory_space<semaphore_mem>>
      %dma_start3A_225 = arith.constant 0 : i32
      %dma_start3A_226 = tpu.memref_slice %arg8[%run_scoped3A_32, %dma_start3A_225] : memref<4x128xi32, #tpu.memory_space<vmem>> -> memref<1x128xi32, #tpu.memory_space<vmem>>
      %dma_start3A_227 = tpu.memref_squeeze %dma_start3A_226 : memref<1x128xi32, #tpu.memory_space<vmem>> -> memref<128xi32, #tpu.memory_space<vmem>>
      %dma_start3A_228 = tpu.memref_slice %arg4[%add3A_31] : memref<16384xi32, #tpu.memory_space<hbm>> -> memref<128xi32, #tpu.memory_space<hbm>>
      %dma_start3A_229 = arith.constant 0 : i32
      %dma_start3A_230 = tpu.memref_slice %arg8[%run_scoped3A_32, %dma_start3A_229] : memref<4x128xi32, #tpu.memory_space<vmem>> -> memref<1x128xi32, #tpu.memory_space<vmem>>
      %dma_start3A_231 = tpu.memref_squeeze %dma_start3A_230 : memref<1x128xi32, #tpu.memory_space<vmem>> -> memref<128xi32, #tpu.memory_space<vmem>>
      %dma_start3A_232 = tpu.memref_slice %arg4[%add3A_31] : memref<16384xi32, #tpu.memory_space<hbm>> -> memref<128xi32, #tpu.memory_space<hbm>>
      tpu.enqueue_dma source(%dma_start3A_232 : memref<128xi32, #tpu.memory_space<hbm>>) target(%dma_start3A_231 : memref<128xi32, #tpu.memory_space<vmem>>) target_semaphore(%run_scoped3A_224 : memref<!tpu.dma_semaphore, #tpu.memory_space<semaphore_mem>>)
      %dma_wait3A_233 = arith.constant 0 : i32
      %dma_wait3A_234 = tpu.memref_slice %arg8[%run_scoped3A_32, %dma_wait3A_233] : memref<4x128xi32, #tpu.memory_space<vmem>> -> memref<1x128xi32, #tpu.memory_space<vmem>>
      %dma_wait3A_235 = tpu.memref_squeeze %dma_wait3A_234 : memref<1x128xi32, #tpu.memory_space<vmem>> -> memref<128xi32, #tpu.memory_space<vmem>>
      %dma_wait3A_236 = tpu.memref_slice %arg4[%add3A_31] : memref<16384xi32, #tpu.memory_space<hbm>> -> memref<128xi32, #tpu.memory_space<hbm>>
      %dma_wait3A_237 = arith.constant 0 : i32
      %dma_wait3A_238 = tpu.memref_slice %arg8[%run_scoped3A_32, %dma_wait3A_237] : memref<4x128xi32, #tpu.memory_space<vmem>> -> memref<1x128xi32, #tpu.memory_space<vmem>>
      %dma_wait3A_239 = tpu.memref_squeeze %dma_wait3A_238 : memref<1x128xi32, #tpu.memory_space<vmem>> -> memref<128xi32, #tpu.memory_space<vmem>>
      %dma_wait3A_240 = tpu.memref_slice %arg4[%add3A_31] : memref<16384xi32, #tpu.memory_space<hbm>> -> memref<128xi32, #tpu.memory_space<hbm>>
      tpu.wait_dma2 semaphore(%run_scoped3A_224 : memref<!tpu.dma_semaphore, #tpu.memory_space<semaphore_mem>>) src(%dma_wait3A_240 : memref<128xi32, #tpu.memory_space<hbm>>) dst(%dma_wait3A_239 : memref<128xi32, #tpu.memory_space<vmem>>)
      tpu.yield
    }) : () -> ()
    %barrier3A = arith.constant 0 : index
    tpu.barrier barrier_id(%barrier3A)
    %dma_start3A = arith.constant 0 : i32
    %dma_start3A_33 = arith.constant 0 : i32
    %dma_start3A_34 = arith.constant 0 : i32
    %dma_start3A_35 = arith.constant 0 : i32
    %dma_start3A_36 = tpu.memref_slice %arg9[%dma_start3A_33, %dma_start3A_34, %dma_start3A_35] : memref<4x128x64xf32, #tpu.memory_space<vmem>> -> memref<1x128x64xf32, #tpu.memory_space<vmem>>
    %dma_start3A_37 = tpu.memref_squeeze %dma_start3A_36 : memref<1x128x64xf32, #tpu.memory_space<vmem>> -> memref<128x64xf32, #tpu.memory_space<vmem>>
    %dma_start3A_38 = arith.constant 0 : i32
    %dma_start3A_39 = tpu.memref_slice %arg7[%dma_start3A, %dma_start3A_38] : memref<4x128xi32, #tpu.memory_space<vmem>> -> memref<1x128xi32, #tpu.memory_space<vmem>>
    %dma_start3A_40 = tpu.memref_squeeze %dma_start3A_39 : memref<1x128xi32, #tpu.memory_space<vmem>> -> memref<128xi32, #tpu.memory_space<vmem>>
    %dma_start3A_41 = arith.constant 0 : i32
    %dma_start3A_42 = arith.constant 0 : i32
    %dma_start3A_43 = tpu.memref_slice %arg2[%dma_start3A_41, %dma_start3A_42] : memref<4096x64xf32, #tpu.memory_space<hbm>> -> memref<4096x64xf32, #tpu.memory_space<hbm>>
    tpu.enqueue_indirect_dma source(%dma_start3A_43 : memref<4096x64xf32, #tpu.memory_space<hbm>>) target(%dma_start3A_37 : memref<128x64xf32, #tpu.memory_space<vmem>>) offsets(%dma_start3A_40 : memref<128xi32, #tpu.memory_space<vmem>>) semaphore(%arg11 : memref<!tpu.dma_semaphore, #tpu.memory_space<semaphore_mem>>)
    %dma_start3A_44 = arith.constant 1 : i32
    %dma_start3A_45 = arith.constant 1 : i32
    %dma_start3A_46 = arith.constant 0 : i32
    %dma_start3A_47 = arith.constant 0 : i32
    %dma_start3A_48 = tpu.memref_slice %arg9[%dma_start3A_45, %dma_start3A_46, %dma_start3A_47] : memref<4x128x64xf32, #tpu.memory_space<vmem>> -> memref<1x128x64xf32, #tpu.memory_space<vmem>>
    %dma_start3A_49 = tpu.memref_squeeze %dma_start3A_48 : memref<1x128x64xf32, #tpu.memory_space<vmem>> -> memref<128x64xf32, #tpu.memory_space<vmem>>
    %dma_start3A_50 = arith.constant 0 : i32
    %dma_start3A_51 = tpu.memref_slice %arg7[%dma_start3A_44, %dma_start3A_50] : memref<4x128xi32, #tpu.memory_space<vmem>> -> memref<1x128xi32, #tpu.memory_space<vmem>>
    %dma_start3A_52 = tpu.memref_squeeze %dma_start3A_51 : memref<1x128xi32, #tpu.memory_space<vmem>> -> memref<128xi32, #tpu.memory_space<vmem>>
    %dma_start3A_53 = arith.constant 0 : i32
    %dma_start3A_54 = arith.constant 0 : i32
    %dma_start3A_55 = tpu.memref_slice %arg2[%dma_start3A_53, %dma_start3A_54] : memref<4096x64xf32, #tpu.memory_space<hbm>> -> memref<4096x64xf32, #tpu.memory_space<hbm>>
    tpu.enqueue_indirect_dma source(%dma_start3A_55 : memref<4096x64xf32, #tpu.memory_space<hbm>>) target(%dma_start3A_49 : memref<128x64xf32, #tpu.memory_space<vmem>>) offsets(%dma_start3A_52 : memref<128xi32, #tpu.memory_space<vmem>>) semaphore(%arg12 : memref<!tpu.dma_semaphore, #tpu.memory_space<semaphore_mem>>)
    %dma_start3A_56 = arith.constant 2 : i32
    %dma_start3A_57 = arith.constant 2 : i32
    %dma_start3A_58 = arith.constant 0 : i32
    %dma_start3A_59 = arith.constant 0 : i32
    %dma_start3A_60 = tpu.memref_slice %arg9[%dma_start3A_57, %dma_start3A_58, %dma_start3A_59] : memref<4x128x64xf32, #tpu.memory_space<vmem>> -> memref<1x128x64xf32, #tpu.memory_space<vmem>>
    %dma_start3A_61 = tpu.memref_squeeze %dma_start3A_60 : memref<1x128x64xf32, #tpu.memory_space<vmem>> -> memref<128x64xf32, #tpu.memory_space<vmem>>
    %dma_start3A_62 = arith.constant 0 : i32
    %dma_start3A_63 = tpu.memref_slice %arg7[%dma_start3A_56, %dma_start3A_62] : memref<4x128xi32, #tpu.memory_space<vmem>> -> memref<1x128xi32, #tpu.memory_space<vmem>>
    %dma_start3A_64 = tpu.memref_squeeze %dma_start3A_63 : memref<1x128xi32, #tpu.memory_space<vmem>> -> memref<128xi32, #tpu.memory_space<vmem>>
    %dma_start3A_65 = arith.constant 0 : i32
    %dma_start3A_66 = arith.constant 0 : i32
    %dma_start3A_67 = tpu.memref_slice %arg2[%dma_start3A_65, %dma_start3A_66] : memref<4096x64xf32, #tpu.memory_space<hbm>> -> memref<4096x64xf32, #tpu.memory_space<hbm>>
    tpu.enqueue_indirect_dma source(%dma_start3A_67 : memref<4096x64xf32, #tpu.memory_space<hbm>>) target(%dma_start3A_61 : memref<128x64xf32, #tpu.memory_space<vmem>>) offsets(%dma_start3A_64 : memref<128xi32, #tpu.memory_space<vmem>>) semaphore(%arg13 : memref<!tpu.dma_semaphore, #tpu.memory_space<semaphore_mem>>)
    %dma_start3A_68 = arith.constant 3 : i32
    %dma_start3A_69 = arith.constant 3 : i32
    %dma_start3A_70 = arith.constant 0 : i32
    %dma_start3A_71 = arith.constant 0 : i32
    %dma_start3A_72 = tpu.memref_slice %arg9[%dma_start3A_69, %dma_start3A_70, %dma_start3A_71] : memref<4x128x64xf32, #tpu.memory_space<vmem>> -> memref<1x128x64xf32, #tpu.memory_space<vmem>>
    %dma_start3A_73 = tpu.memref_squeeze %dma_start3A_72 : memref<1x128x64xf32, #tpu.memory_space<vmem>> -> memref<128x64xf32, #tpu.memory_space<vmem>>
    %dma_start3A_74 = arith.constant 0 : i32
    %dma_start3A_75 = tpu.memref_slice %arg7[%dma_start3A_68, %dma_start3A_74] : memref<4x128xi32, #tpu.memory_space<vmem>> -> memref<1x128xi32, #tpu.memory_space<vmem>>
    %dma_start3A_76 = tpu.memref_squeeze %dma_start3A_75 : memref<1x128xi32, #tpu.memory_space<vmem>> -> memref<128xi32, #tpu.memory_space<vmem>>
    %dma_start3A_77 = arith.constant 0 : i32
    %dma_start3A_78 = arith.constant 0 : i32
    %dma_start3A_79 = tpu.memref_slice %arg2[%dma_start3A_77, %dma_start3A_78] : memref<4096x64xf32, #tpu.memory_space<hbm>> -> memref<4096x64xf32, #tpu.memory_space<hbm>>
    tpu.enqueue_indirect_dma source(%dma_start3A_79 : memref<4096x64xf32, #tpu.memory_space<hbm>>) target(%dma_start3A_73 : memref<128x64xf32, #tpu.memory_space<vmem>>) offsets(%dma_start3A_76 : memref<128xi32, #tpu.memory_space<vmem>>) semaphore(%arg14 : memref<!tpu.dma_semaphore, #tpu.memory_space<semaphore_mem>>)
    %dma_wait3A = arith.constant 0 : i32
    %dma_wait3A_80 = arith.constant 0 : i32
    %dma_wait3A_81 = arith.constant 0 : i32
    %dma_wait3A_82 = arith.constant 0 : i32
    %dma_wait3A_83 = tpu.memref_slice %arg9[%dma_wait3A_80, %dma_wait3A_81, %dma_wait3A_82] : memref<4x128x64xf32, #tpu.memory_space<vmem>> -> memref<1x128x64xf32, #tpu.memory_space<vmem>>
    %dma_wait3A_84 = tpu.memref_squeeze %dma_wait3A_83 : memref<1x128x64xf32, #tpu.memory_space<vmem>> -> memref<128x64xf32, #tpu.memory_space<vmem>>
    %dma_wait3A_85 = arith.constant 0 : i32
    %dma_wait3A_86 = tpu.memref_slice %arg7[%dma_wait3A, %dma_wait3A_85] : memref<4x128xi32, #tpu.memory_space<vmem>> -> memref<1x128xi32, #tpu.memory_space<vmem>>
    %dma_wait3A_87 = tpu.memref_squeeze %dma_wait3A_86 : memref<1x128xi32, #tpu.memory_space<vmem>> -> memref<128xi32, #tpu.memory_space<vmem>>
    %dma_wait3A_88 = arith.constant 0 : i32
    %dma_wait3A_89 = arith.constant 0 : i32
    %dma_wait3A_90 = tpu.memref_slice %arg2[%dma_wait3A_88, %dma_wait3A_89] : memref<4096x64xf32, #tpu.memory_space<hbm>> -> memref<4096x64xf32, #tpu.memory_space<hbm>>
    tpu.wait_indirect_dma semaphore(%arg11 : memref<!tpu.dma_semaphore, #tpu.memory_space<semaphore_mem>>) src(%dma_wait3A_90 : memref<4096x64xf32, #tpu.memory_space<hbm>>) dst(%dma_wait3A_84 : memref<128x64xf32, #tpu.memory_space<vmem>>)
    %dma_start3A_91 = arith.constant 0 : i32
    %dma_start3A_92 = arith.constant 0 : i32
    %dma_start3A_93 = arith.constant 0 : i32
    %dma_start3A_94 = arith.constant 0 : i32
    %dma_start3A_95 = tpu.memref_slice %arg9[%dma_start3A_91, %dma_start3A_93, %dma_start3A_94] : memref<4x128x64xf32, #tpu.memory_space<vmem>> -> memref<1x128x64xf32, #tpu.memory_space<vmem>>
    %dma_start3A_96 = tpu.memref_squeeze %dma_start3A_95 : memref<1x128x64xf32, #tpu.memory_space<vmem>> -> memref<128x64xf32, #tpu.memory_space<vmem>>
    %dma_start3A_97 = arith.constant 0 : i32
    %dma_start3A_98 = tpu.memref_slice %arg8[%dma_start3A_92, %dma_start3A_97] : memref<4x128xi32, #tpu.memory_space<vmem>> -> memref<1x128xi32, #tpu.memory_space<vmem>>
    %dma_start3A_99 = tpu.memref_squeeze %dma_start3A_98 : memref<1x128xi32, #tpu.memory_space<vmem>> -> memref<128xi32, #tpu.memory_space<vmem>>
    %dma_start3A_100 = arith.constant 0 : i32
    %dma_start3A_101 = arith.constant 0 : i32
    %dma_start3A_102 = tpu.memref_slice %arg6[%dma_start3A_100, %dma_start3A_101] : memref<4096x64xf32, #tpu.memory_space<vmem_shared>> -> memref<4096x64xf32, #tpu.memory_space<vmem_shared>>
    tpu.enqueue_indirect_dma source(%dma_start3A_96 : memref<128x64xf32, #tpu.memory_space<vmem>>) target(%dma_start3A_102 : memref<4096x64xf32, #tpu.memory_space<vmem_shared>>) offsets(%dma_start3A_99 : memref<128xi32, #tpu.memory_space<vmem>>) semaphore(%arg15 : memref<!tpu.dma_semaphore, #tpu.memory_space<semaphore_mem>>) {add = true}
    %dma_wait3A_103 = arith.constant 1 : i32
    %dma_wait3A_104 = arith.constant 1 : i32
    %dma_wait3A_105 = arith.constant 0 : i32
    %dma_wait3A_106 = arith.constant 0 : i32
    %dma_wait3A_107 = tpu.memref_slice %arg9[%dma_wait3A_104, %dma_wait3A_105, %dma_wait3A_106] : memref<4x128x64xf32, #tpu.memory_space<vmem>> -> memref<1x128x64xf32, #tpu.memory_space<vmem>>
    %dma_wait3A_108 = tpu.memref_squeeze %dma_wait3A_107 : memref<1x128x64xf32, #tpu.memory_space<vmem>> -> memref<128x64xf32, #tpu.memory_space<vmem>>
    %dma_wait3A_109 = arith.constant 0 : i32
    %dma_wait3A_110 = tpu.memref_slice %arg7[%dma_wait3A_103, %dma_wait3A_109] : memref<4x128xi32, #tpu.memory_space<vmem>> -> memref<1x128xi32, #tpu.memory_space<vmem>>
    %dma_wait3A_111 = tpu.memref_squeeze %dma_wait3A_110 : memref<1x128xi32, #tpu.memory_space<vmem>> -> memref<128xi32, #tpu.memory_space<vmem>>
    %dma_wait3A_112 = arith.constant 0 : i32
    %dma_wait3A_113 = arith.constant 0 : i32
    %dma_wait3A_114 = tpu.memref_slice %arg2[%dma_wait3A_112, %dma_wait3A_113] : memref<4096x64xf32, #tpu.memory_space<hbm>> -> memref<4096x64xf32, #tpu.memory_space<hbm>>
    tpu.wait_indirect_dma semaphore(%arg12 : memref<!tpu.dma_semaphore, #tpu.memory_space<semaphore_mem>>) src(%dma_wait3A_114 : memref<4096x64xf32, #tpu.memory_space<hbm>>) dst(%dma_wait3A_108 : memref<128x64xf32, #tpu.memory_space<vmem>>)
    %dma_start3A_115 = arith.constant 1 : i32
    %dma_start3A_116 = arith.constant 1 : i32
    %dma_start3A_117 = arith.constant 0 : i32
    %dma_start3A_118 = arith.constant 0 : i32
    %dma_start3A_119 = tpu.memref_slice %arg9[%dma_start3A_115, %dma_start3A_117, %dma_start3A_118] : memref<4x128x64xf32, #tpu.memory_space<vmem>> -> memref<1x128x64xf32, #tpu.memory_space<vmem>>
    %dma_start3A_120 = tpu.memref_squeeze %dma_start3A_119 : memref<1x128x64xf32, #tpu.memory_space<vmem>> -> memref<128x64xf32, #tpu.memory_space<vmem>>
    %dma_start3A_121 = arith.constant 0 : i32
    %dma_start3A_122 = tpu.memref_slice %arg8[%dma_start3A_116, %dma_start3A_121] : memref<4x128xi32, #tpu.memory_space<vmem>> -> memref<1x128xi32, #tpu.memory_space<vmem>>
    %dma_start3A_123 = tpu.memref_squeeze %dma_start3A_122 : memref<1x128xi32, #tpu.memory_space<vmem>> -> memref<128xi32, #tpu.memory_space<vmem>>
    %dma_start3A_124 = arith.constant 0 : i32
    %dma_start3A_125 = arith.constant 0 : i32
    %dma_start3A_126 = tpu.memref_slice %arg6[%dma_start3A_124, %dma_start3A_125] : memref<4096x64xf32, #tpu.memory_space<vmem_shared>> -> memref<4096x64xf32, #tpu.memory_space<vmem_shared>>
    tpu.enqueue_indirect_dma source(%dma_start3A_120 : memref<128x64xf32, #tpu.memory_space<vmem>>) target(%dma_start3A_126 : memref<4096x64xf32, #tpu.memory_space<vmem_shared>>) offsets(%dma_start3A_123 : memref<128xi32, #tpu.memory_space<vmem>>) semaphore(%arg15 : memref<!tpu.dma_semaphore, #tpu.memory_space<semaphore_mem>>) {add = true}
    %dma_wait3A_127 = arith.constant 2 : i32
    %dma_wait3A_128 = arith.constant 2 : i32
    %dma_wait3A_129 = arith.constant 0 : i32
    %dma_wait3A_130 = arith.constant 0 : i32
    %dma_wait3A_131 = tpu.memref_slice %arg9[%dma_wait3A_128, %dma_wait3A_129, %dma_wait3A_130] : memref<4x128x64xf32, #tpu.memory_space<vmem>> -> memref<1x128x64xf32, #tpu.memory_space<vmem>>
    %dma_wait3A_132 = tpu.memref_squeeze %dma_wait3A_131 : memref<1x128x64xf32, #tpu.memory_space<vmem>> -> memref<128x64xf32, #tpu.memory_space<vmem>>
    %dma_wait3A_133 = arith.constant 0 : i32
    %dma_wait3A_134 = tpu.memref_slice %arg7[%dma_wait3A_127, %dma_wait3A_133] : memref<4x128xi32, #tpu.memory_space<vmem>> -> memref<1x128xi32, #tpu.memory_space<vmem>>
    %dma_wait3A_135 = tpu.memref_squeeze %dma_wait3A_134 : memref<1x128xi32, #tpu.memory_space<vmem>> -> memref<128xi32, #tpu.memory_space<vmem>>
    %dma_wait3A_136 = arith.constant 0 : i32
    %dma_wait3A_137 = arith.constant 0 : i32
    %dma_wait3A_138 = tpu.memref_slice %arg2[%dma_wait3A_136, %dma_wait3A_137] : memref<4096x64xf32, #tpu.memory_space<hbm>> -> memref<4096x64xf32, #tpu.memory_space<hbm>>
    tpu.wait_indirect_dma semaphore(%arg13 : memref<!tpu.dma_semaphore, #tpu.memory_space<semaphore_mem>>) src(%dma_wait3A_138 : memref<4096x64xf32, #tpu.memory_space<hbm>>) dst(%dma_wait3A_132 : memref<128x64xf32, #tpu.memory_space<vmem>>)
    %dma_start3A_139 = arith.constant 2 : i32
    %dma_start3A_140 = arith.constant 2 : i32
    %dma_start3A_141 = arith.constant 0 : i32
    %dma_start3A_142 = arith.constant 0 : i32
    %dma_start3A_143 = tpu.memref_slice %arg9[%dma_start3A_139, %dma_start3A_141, %dma_start3A_142] : memref<4x128x64xf32, #tpu.memory_space<vmem>> -> memref<1x128x64xf32, #tpu.memory_space<vmem>>
    %dma_start3A_144 = tpu.memref_squeeze %dma_start3A_143 : memref<1x128x64xf32, #tpu.memory_space<vmem>> -> memref<128x64xf32, #tpu.memory_space<vmem>>
    %dma_start3A_145 = arith.constant 0 : i32
    %dma_start3A_146 = tpu.memref_slice %arg8[%dma_start3A_140, %dma_start3A_145] : memref<4x128xi32, #tpu.memory_space<vmem>> -> memref<1x128xi32, #tpu.memory_space<vmem>>
    %dma_start3A_147 = tpu.memref_squeeze %dma_start3A_146 : memref<1x128xi32, #tpu.memory_space<vmem>> -> memref<128xi32, #tpu.memory_space<vmem>>
    %dma_start3A_148 = arith.constant 0 : i32
    %dma_start3A_149 = arith.constant 0 : i32
    %dma_start3A_150 = tpu.memref_slice %arg6[%dma_start3A_148, %dma_start3A_149] : memref<4096x64xf32, #tpu.memory_space<vmem_shared>> -> memref<4096x64xf32, #tpu.memory_space<vmem_shared>>
    tpu.enqueue_indirect_dma source(%dma_start3A_144 : memref<128x64xf32, #tpu.memory_space<vmem>>) target(%dma_start3A_150 : memref<4096x64xf32, #tpu.memory_space<vmem_shared>>) offsets(%dma_start3A_147 : memref<128xi32, #tpu.memory_space<vmem>>) semaphore(%arg15 : memref<!tpu.dma_semaphore, #tpu.memory_space<semaphore_mem>>) {add = true}
    %dma_wait3A_151 = arith.constant 3 : i32
    %dma_wait3A_152 = arith.constant 3 : i32
    %dma_wait3A_153 = arith.constant 0 : i32
    %dma_wait3A_154 = arith.constant 0 : i32
    %dma_wait3A_155 = tpu.memref_slice %arg9[%dma_wait3A_152, %dma_wait3A_153, %dma_wait3A_154] : memref<4x128x64xf32, #tpu.memory_space<vmem>> -> memref<1x128x64xf32, #tpu.memory_space<vmem>>
    %dma_wait3A_156 = tpu.memref_squeeze %dma_wait3A_155 : memref<1x128x64xf32, #tpu.memory_space<vmem>> -> memref<128x64xf32, #tpu.memory_space<vmem>>
    %dma_wait3A_157 = arith.constant 0 : i32
    %dma_wait3A_158 = tpu.memref_slice %arg7[%dma_wait3A_151, %dma_wait3A_157] : memref<4x128xi32, #tpu.memory_space<vmem>> -> memref<1x128xi32, #tpu.memory_space<vmem>>
    %dma_wait3A_159 = tpu.memref_squeeze %dma_wait3A_158 : memref<1x128xi32, #tpu.memory_space<vmem>> -> memref<128xi32, #tpu.memory_space<vmem>>
    %dma_wait3A_160 = arith.constant 0 : i32
    %dma_wait3A_161 = arith.constant 0 : i32
    %dma_wait3A_162 = tpu.memref_slice %arg2[%dma_wait3A_160, %dma_wait3A_161] : memref<4096x64xf32, #tpu.memory_space<hbm>> -> memref<4096x64xf32, #tpu.memory_space<hbm>>
    tpu.wait_indirect_dma semaphore(%arg14 : memref<!tpu.dma_semaphore, #tpu.memory_space<semaphore_mem>>) src(%dma_wait3A_162 : memref<4096x64xf32, #tpu.memory_space<hbm>>) dst(%dma_wait3A_156 : memref<128x64xf32, #tpu.memory_space<vmem>>)
    %dma_start3A_163 = arith.constant 3 : i32
    %dma_start3A_164 = arith.constant 3 : i32
    %dma_start3A_165 = arith.constant 0 : i32
    %dma_start3A_166 = arith.constant 0 : i32
    %dma_start3A_167 = tpu.memref_slice %arg9[%dma_start3A_163, %dma_start3A_165, %dma_start3A_166] : memref<4x128x64xf32, #tpu.memory_space<vmem>> -> memref<1x128x64xf32, #tpu.memory_space<vmem>>
    %dma_start3A_168 = tpu.memref_squeeze %dma_start3A_167 : memref<1x128x64xf32, #tpu.memory_space<vmem>> -> memref<128x64xf32, #tpu.memory_space<vmem>>
    %dma_start3A_169 = arith.constant 0 : i32
    %dma_start3A_170 = tpu.memref_slice %arg8[%dma_start3A_164, %dma_start3A_169] : memref<4x128xi32, #tpu.memory_space<vmem>> -> memref<1x128xi32, #tpu.memory_space<vmem>>
    %dma_start3A_171 = tpu.memref_squeeze %dma_start3A_170 : memref<1x128xi32, #tpu.memory_space<vmem>> -> memref<128xi32, #tpu.memory_space<vmem>>
    %dma_start3A_172 = arith.constant 0 : i32
    %dma_start3A_173 = arith.constant 0 : i32
    %dma_start3A_174 = tpu.memref_slice %arg6[%dma_start3A_172, %dma_start3A_173] : memref<4096x64xf32, #tpu.memory_space<vmem_shared>> -> memref<4096x64xf32, #tpu.memory_space<vmem_shared>>
    tpu.enqueue_indirect_dma source(%dma_start3A_168 : memref<128x64xf32, #tpu.memory_space<vmem>>) target(%dma_start3A_174 : memref<4096x64xf32, #tpu.memory_space<vmem_shared>>) offsets(%dma_start3A_171 : memref<128xi32, #tpu.memory_space<vmem>>) semaphore(%arg15 : memref<!tpu.dma_semaphore, #tpu.memory_space<semaphore_mem>>) {add = true}
    %dma_wait3A_175 = arith.constant 0 : i32
    %dma_wait3A_176 = arith.constant 0 : i32
    %dma_wait3A_177 = arith.constant 0 : i32
    %dma_wait3A_178 = arith.constant 0 : i32
    %dma_wait3A_179 = tpu.memref_slice %arg9[%dma_wait3A_175, %dma_wait3A_177, %dma_wait3A_178] : memref<4x128x64xf32, #tpu.memory_space<vmem>> -> memref<1x128x64xf32, #tpu.memory_space<vmem>>
    %dma_wait3A_180 = tpu.memref_squeeze %dma_wait3A_179 : memref<1x128x64xf32, #tpu.memory_space<vmem>> -> memref<128x64xf32, #tpu.memory_space<vmem>>
    %dma_wait3A_181 = arith.constant 0 : i32
    %dma_wait3A_182 = tpu.memref_slice %arg8[%dma_wait3A_176, %dma_wait3A_181] : memref<4x128xi32, #tpu.memory_space<vmem>> -> memref<1x128xi32, #tpu.memory_space<vmem>>
    %dma_wait3A_183 = tpu.memref_squeeze %dma_wait3A_182 : memref<1x128xi32, #tpu.memory_space<vmem>> -> memref<128xi32, #tpu.memory_space<vmem>>
    %dma_wait3A_184 = arith.constant 0 : i32
    %dma_wait3A_185 = arith.constant 0 : i32
    %dma_wait3A_186 = tpu.memref_slice %arg6[%dma_wait3A_184, %dma_wait3A_185] : memref<4096x64xf32, #tpu.memory_space<vmem_shared>> -> memref<4096x64xf32, #tpu.memory_space<vmem_shared>>
    tpu.wait_indirect_dma semaphore(%arg15 : memref<!tpu.dma_semaphore, #tpu.memory_space<semaphore_mem>>) src(%dma_wait3A_180 : memref<128x64xf32, #tpu.memory_space<vmem>>) dst(%dma_wait3A_186 : memref<4096x64xf32, #tpu.memory_space<vmem_shared>>)
    %dma_wait3A_187 = arith.constant 1 : i32
    %dma_wait3A_188 = arith.constant 1 : i32
    %dma_wait3A_189 = arith.constant 0 : i32
    %dma_wait3A_190 = arith.constant 0 : i32
    %dma_wait3A_191 = tpu.memref_slice %arg9[%dma_wait3A_187, %dma_wait3A_189, %dma_wait3A_190] : memref<4x128x64xf32, #tpu.memory_space<vmem>> -> memref<1x128x64xf32, #tpu.memory_space<vmem>>
    %dma_wait3A_192 = tpu.memref_squeeze %dma_wait3A_191 : memref<1x128x64xf32, #tpu.memory_space<vmem>> -> memref<128x64xf32, #tpu.memory_space<vmem>>
    %dma_wait3A_193 = arith.constant 0 : i32
    %dma_wait3A_194 = tpu.memref_slice %arg8[%dma_wait3A_188, %dma_wait3A_193] : memref<4x128xi32, #tpu.memory_space<vmem>> -> memref<1x128xi32, #tpu.memory_space<vmem>>
    %dma_wait3A_195 = tpu.memref_squeeze %dma_wait3A_194 : memref<1x128xi32, #tpu.memory_space<vmem>> -> memref<128xi32, #tpu.memory_space<vmem>>
    %dma_wait3A_196 = arith.constant 0 : i32
    %dma_wait3A_197 = arith.constant 0 : i32
    %dma_wait3A_198 = tpu.memref_slice %arg6[%dma_wait3A_196, %dma_wait3A_197] : memref<4096x64xf32, #tpu.memory_space<vmem_shared>> -> memref<4096x64xf32, #tpu.memory_space<vmem_shared>>
    tpu.wait_indirect_dma semaphore(%arg15 : memref<!tpu.dma_semaphore, #tpu.memory_space<semaphore_mem>>) src(%dma_wait3A_192 : memref<128x64xf32, #tpu.memory_space<vmem>>) dst(%dma_wait3A_198 : memref<4096x64xf32, #tpu.memory_space<vmem_shared>>)
    %dma_wait3A_199 = arith.constant 2 : i32
    %dma_wait3A_200 = arith.constant 2 : i32
    %dma_wait3A_201 = arith.constant 0 : i32
    %dma_wait3A_202 = arith.constant 0 : i32
    %dma_wait3A_203 = tpu.memref_slice %arg9[%dma_wait3A_199, %dma_wait3A_201, %dma_wait3A_202] : memref<4x128x64xf32, #tpu.memory_space<vmem>> -> memref<1x128x64xf32, #tpu.memory_space<vmem>>
    %dma_wait3A_204 = tpu.memref_squeeze %dma_wait3A_203 : memref<1x128x64xf32, #tpu.memory_space<vmem>> -> memref<128x64xf32, #tpu.memory_space<vmem>>
    %dma_wait3A_205 = arith.constant 0 : i32
    %dma_wait3A_206 = tpu.memref_slice %arg8[%dma_wait3A_200, %dma_wait3A_205] : memref<4x128xi32, #tpu.memory_space<vmem>> -> memref<1x128xi32, #tpu.memory_space<vmem>>
    %dma_wait3A_207 = tpu.memref_squeeze %dma_wait3A_206 : memref<1x128xi32, #tpu.memory_space<vmem>> -> memref<128xi32, #tpu.memory_space<vmem>>
    %dma_wait3A_208 = arith.constant 0 : i32
    %dma_wait3A_209 = arith.constant 0 : i32
    %dma_wait3A_210 = tpu.memref_slice %arg6[%dma_wait3A_208, %dma_wait3A_209] : memref<4096x64xf32, #tpu.memory_space<vmem_shared>> -> memref<4096x64xf32, #tpu.memory_space<vmem_shared>>
    tpu.wait_indirect_dma semaphore(%arg15 : memref<!tpu.dma_semaphore, #tpu.memory_space<semaphore_mem>>) src(%dma_wait3A_204 : memref<128x64xf32, #tpu.memory_space<vmem>>) dst(%dma_wait3A_210 : memref<4096x64xf32, #tpu.memory_space<vmem_shared>>)
    %dma_wait3A_211 = arith.constant 3 : i32
    %dma_wait3A_212 = arith.constant 3 : i32
    %dma_wait3A_213 = arith.constant 0 : i32
    %dma_wait3A_214 = arith.constant 0 : i32
    %dma_wait3A_215 = tpu.memref_slice %arg9[%dma_wait3A_211, %dma_wait3A_213, %dma_wait3A_214] : memref<4x128x64xf32, #tpu.memory_space<vmem>> -> memref<1x128x64xf32, #tpu.memory_space<vmem>>
    %dma_wait3A_216 = tpu.memref_squeeze %dma_wait3A_215 : memref<1x128x64xf32, #tpu.memory_space<vmem>> -> memref<128x64xf32, #tpu.memory_space<vmem>>
    %dma_wait3A_217 = arith.constant 0 : i32
    %dma_wait3A_218 = tpu.memref_slice %arg8[%dma_wait3A_212, %dma_wait3A_217] : memref<4x128xi32, #tpu.memory_space<vmem>> -> memref<1x128xi32, #tpu.memory_space<vmem>>
    %dma_wait3A_219 = tpu.memref_squeeze %dma_wait3A_218 : memref<1x128xi32, #tpu.memory_space<vmem>> -> memref<128xi32, #tpu.memory_space<vmem>>
    %dma_wait3A_220 = arith.constant 0 : i32
    %dma_wait3A_221 = arith.constant 0 : i32
    %dma_wait3A_222 = tpu.memref_slice %arg6[%dma_wait3A_220, %dma_wait3A_221] : memref<4096x64xf32, #tpu.memory_space<vmem_shared>> -> memref<4096x64xf32, #tpu.memory_space<vmem_shared>>
    tpu.wait_indirect_dma semaphore(%arg15 : memref<!tpu.dma_semaphore, #tpu.memory_space<semaphore_mem>>) src(%dma_wait3A_216 : memref<128x64xf32, #tpu.memory_space<vmem>>) dst(%dma_wait3A_222 : memref<4096x64xf32, #tpu.memory_space<vmem_shared>>)
    %barrier3A_223 = arith.constant 0 : index
    tpu.barrier barrier_id(%barrier3A_223)
    "tpu.region"() ({
      %run_scoped3A_224 = tpu.sem_alloc : memref<!tpu.dma_semaphore, #tpu.memory_space<semaphore_mem>>
      %dma_start3A_225 = arith.constant 0 : i32
      %dma_start3A_226 = tpu.memref_slice %arg5[%arg0, %mul3A_0, %dma_start3A_225] : memref<2x4096x64xf32, #tpu.memory_space<hbm>> -> memref<1x256x64xf32, #tpu.memory_space<hbm>>
      %dma_start3A_227 = tpu.memref_squeeze %dma_start3A_226 : memref<1x256x64xf32, #tpu.memory_space<hbm>> -> memref<256x64xf32, #tpu.memory_space<hbm>>
      %dma_start3A_228 = arith.constant 0 : i32
      %dma_start3A_229 = tpu.memref_slice %arg6[%mul3A_0, %dma_start3A_228] : memref<4096x64xf32, #tpu.memory_space<vmem_shared>> -> memref<256x64xf32, #tpu.memory_space<vmem_shared>>
      tpu.enqueue_dma source(%dma_start3A_229 : memref<256x64xf32, #tpu.memory_space<vmem_shared>>) target(%dma_start3A_227 : memref<256x64xf32, #tpu.memory_space<hbm>>) target_semaphore(%run_scoped3A_224 : memref<!tpu.dma_semaphore, #tpu.memory_space<semaphore_mem>>)
      %dma_wait3A_230 = arith.constant 0 : i32
      %dma_wait3A_231 = tpu.memref_slice %arg5[%arg0, %mul3A_0, %dma_wait3A_230] : memref<2x4096x64xf32, #tpu.memory_space<hbm>> -> memref<1x256x64xf32, #tpu.memory_space<hbm>>
      %dma_wait3A_232 = tpu.memref_squeeze %dma_wait3A_231 : memref<1x256x64xf32, #tpu.memory_space<hbm>> -> memref<256x64xf32, #tpu.memory_space<hbm>>
      %dma_wait3A_233 = arith.constant 0 : i32
      %dma_wait3A_234 = tpu.memref_slice %arg6[%mul3A_0, %dma_wait3A_233] : memref<4096x64xf32, #tpu.memory_space<vmem_shared>> -> memref<256x64xf32, #tpu.memory_space<vmem_shared>>
      tpu.wait_dma2 semaphore(%run_scoped3A_224 : memref<!tpu.dma_semaphore, #tpu.memory_space<semaphore_mem>>) src(%dma_wait3A_234 : memref<256x64xf32, #tpu.memory_space<vmem_shared>>) dst(%dma_wait3A_232 : memref<256x64xf32, #tpu.memory_space<hbm>>)
      tpu.yield
    }) : () -> ()
    return
  }
}

#map = affine_map<(d0, d1) -> (0, 0)>
#map1 = affine_map<(d0, d1) -> (0)>
#map2 = affine_map<(d0, d1) -> (0, 0, 0)>
module attributes {stable_mosaic.version = 14 : i64} {
  func.func @_gcn_scatter(%arg0: i32, %arg1: i32, %arg2: memref<4096x64xf32, #tpu.memory_space<hbm>>, %arg3: memref<16384xi32, #tpu.memory_space<hbm>>, %arg4: memref<16384xi32, #tpu.memory_space<hbm>>, %arg5: memref<2x4096x64xf32, #tpu.memory_space<hbm>>, %arg6: memref<4096x64xf32, #tpu.memory_space<vmem_shared>>, %arg7: memref<4x128xi32, #tpu.memory_space<vmem>>, %arg8: memref<4x128xi32, #tpu.memory_space<vmem>>, %arg9: memref<4x128x64xf32, #tpu.memory_space<vmem>>, %arg10: memref<256x64xf32, #tpu.memory_space<vmem>>, %arg11: memref<!tpu.dma_semaphore, #tpu.memory_space<semaphore_mem>>, %arg12: memref<!tpu.dma_semaphore, #tpu.memory_space<semaphore_mem>>, %arg13: memref<!tpu.dma_semaphore, #tpu.memory_space<semaphore_mem>>, %arg14: memref<!tpu.dma_semaphore, #tpu.memory_space<semaphore_mem>>, %arg15: memref<!tpu.dma_semaphore, #tpu.memory_space<semaphore_mem>>) attributes {dimension_semantics = [#tpu.dimension_semantics<core_parallel>, #tpu.dimension_semantics<subcore_parallel>], iteration_bounds = array<i64: 2, 16>, scalar_prefetch = 0 : i64, scratch_operands = 10 : i64, tpu.core_type = #tpu.core_type<sc_vector_subcore>, window_params = [{transform_indices = #map}, {transform_indices = #map1}, {transform_indices = #map1}, {transform_indices = #map2}]} {
    %mul3A = arith.constant 256 : i32
    %mul3A_0 = arith.muli %arg1, %mul3A : i32
    %scan3A = arith.constant 0 : i32
    %scan3A_1 = arith.constant 0 : i32
    %scan3A_2 = arith.constant 256 : i32
    %scan3A_3 = arith.addi %scan3A_1, %scan3A_2 : i32
    %scan3A_4 = arith.constant 1 : i32
    scf.for %scan3A_224 = %scan3A_1 to %scan3A_3 step %scan3A_4  : i32 {
      %broadcast_in_dim3A = arith.constant 0.000000e+00 : f32
      %broadcast_in_dim3A_225 = vector.broadcast %broadcast_in_dim3A : f32 to vector<16xf32>
      %swap3A = arith.index_cast %scan3A_224 : i32 to index
      %swap3A_226 = arith.constant 0 : index
      %swap3A_227 = tpu.vector_load %arg10[%swap3A, %swap3A_226] {strides = array<i32>} : memref<256x64xf32, #tpu.memory_space<vmem>>, vector<16xf32>,
      tpu.vector_store %arg10[%swap3A, %swap3A_226], %broadcast_in_dim3A_225 {strides = array<i32>} : memref<256x64xf32, #tpu.memory_space<vmem>>, vector<16xf32>,
      %broadcast_in_dim3A_228 = arith.constant 0.000000e+00 : f32
      %broadcast_in_dim3A_229 = vector.broadcast %broadcast_in_dim3A_228 : f32 to vector<16xf32>
      %swap3A_230 = arith.index_cast %scan3A_224 : i32 to index
      %swap3A_231 = arith.constant 16 : index
      %swap3A_232 = tpu.vector_load %arg10[%swap3A_230, %swap3A_231] {strides = array<i32>} : memref<256x64xf32, #tpu.memory_space<vmem>>, vector<16xf32>,
      tpu.vector_store %arg10[%swap3A_230, %swap3A_231], %broadcast_in_dim3A_229 {strides = array<i32>} : memref<256x64xf32, #tpu.memory_space<vmem>>, vector<16xf32>,
      %broadcast_in_dim3A_233 = arith.constant 0.000000e+00 : f32
      %broadcast_in_dim3A_234 = vector.broadcast %broadcast_in_dim3A_233 : f32 to vector<16xf32>
      %swap3A_235 = arith.index_cast %scan3A_224 : i32 to index
      %swap3A_236 = arith.constant 32 : index
      %swap3A_237 = tpu.vector_load %arg10[%swap3A_235, %swap3A_236] {strides = array<i32>} : memref<256x64xf32, #tpu.memory_space<vmem>>, vector<16xf32>,
      tpu.vector_store %arg10[%swap3A_235, %swap3A_236], %broadcast_in_dim3A_234 {strides = array<i32>} : memref<256x64xf32, #tpu.memory_space<vmem>>, vector<16xf32>,
      %broadcast_in_dim3A_238 = arith.constant 0.000000e+00 : f32
      %broadcast_in_dim3A_239 = vector.broadcast %broadcast_in_dim3A_238 : f32 to vector<16xf32>
      %swap3A_240 = arith.index_cast %scan3A_224 : i32 to index
      %swap3A_241 = arith.constant 48 : index
      %swap3A_242 = tpu.vector_load %arg10[%swap3A_240, %swap3A_241] {strides = array<i32>} : memref<256x64xf32, #tpu.memory_space<vmem>>, vector<16xf32>,
      tpu.vector_store %arg10[%swap3A_240, %swap3A_241], %broadcast_in_dim3A_239 {strides = array<i32>} : memref<256x64xf32, #tpu.memory_space<vmem>>, vector<16xf32>,
    }
    %scan3A_5 = arith.constant 256 : i32
    "tpu.region"() ({
      %run_scoped3A_224 = tpu.sem_alloc : memref<!tpu.dma_semaphore, #tpu.memory_space<semaphore_mem>>
      %dma_start3A_225 = arith.constant 0 : i32
      %dma_start3A_226 = tpu.memref_slice %arg6[%mul3A_0, %dma_start3A_225] : memref<4096x64xf32, #tpu.memory_space<vmem_shared>> -> memref<256x64xf32, #tpu.memory_space<vmem_shared>>
      %dma_start3A_227 = arith.constant 0 : i32
      %dma_start3A_228 = tpu.memref_slice %arg6[%mul3A_0, %dma_start3A_227] : memref<4096x64xf32, #tpu.memory_space<vmem_shared>> -> memref<256x64xf32, #tpu.memory_space<vmem_shared>>
      tpu.enqueue_dma source(%arg10 : memref<256x64xf32, #tpu.memory_space<vmem>>) target(%dma_start3A_228 : memref<256x64xf32, #tpu.memory_space<vmem_shared>>) target_semaphore(%run_scoped3A_224 : memref<!tpu.dma_semaphore, #tpu.memory_space<semaphore_mem>>)
      %dma_wait3A_229 = arith.constant 0 : i32
      %dma_wait3A_230 = tpu.memref_slice %arg6[%mul3A_0, %dma_wait3A_229] : memref<4096x64xf32, #tpu.memory_space<vmem_shared>> -> memref<256x64xf32, #tpu.memory_space<vmem_shared>>
      %dma_wait3A_231 = arith.constant 0 : i32
      %dma_wait3A_232 = tpu.memref_slice %arg6[%mul3A_0, %dma_wait3A_231] : memref<4096x64xf32, #tpu.memory_space<vmem_shared>> -> memref<256x64xf32, #tpu.memory_space<vmem_shared>>
      tpu.wait_dma2 semaphore(%run_scoped3A_224 : memref<!tpu.dma_semaphore, #tpu.memory_space<semaphore_mem>>) src(%arg10 : memref<256x64xf32, #tpu.memory_space<vmem>>) dst(%dma_wait3A_232 : memref<256x64xf32, #tpu.memory_space<vmem_shared>>)
      tpu.yield
    }) : () -> ()
    %mul3A_6 = arith.constant 16 : i32
    %mul3A_7 = arith.muli %arg0, %mul3A_6 : i32
    %add3A = arith.addi %mul3A_7, %arg1 : i32
    %mul3A_8 = arith.constant 512 : i32
    %mul3A_9 = arith.muli %add3A, %mul3A_8 : i32
    %add3A_10 = arith.constant 0 : i32
    %add3A_11 = arith.addi %mul3A_9, %add3A_10 : i32
    %run_scoped3A = arith.constant 0 : i32
    "tpu.region"() ({
      %run_scoped3A_224 = tpu.sem_alloc : memref<!tpu.dma_semaphore, #tpu.memory_space<semaphore_mem>>
      %dma_start3A_225 = arith.constant 0 : i32
      %dma_start3A_226 = tpu.memref_slice %arg7[%run_scoped3A, %dma_start3A_225] : memref<4x128xi32, #tpu.memory_space<vmem>> -> memref<1x128xi32, #tpu.memory_space<vmem>>
      %dma_start3A_227 = tpu.memref_squeeze %dma_start3A_226 : memref<1x128xi32, #tpu.memory_space<vmem>> -> memref<128xi32, #tpu.memory_space<vmem>>
      %dma_start3A_228 = tpu.memref_slice %arg3[%add3A_11] : memref<16384xi32, #tpu.memory_space<hbm>> -> memref<128xi32, #tpu.memory_space<hbm>>
      %dma_start3A_229 = arith.constant 0 : i32
      %dma_start3A_230 = tpu.memref_slice %arg7[%run_scoped3A, %dma_start3A_229] : memref<4x128xi32, #tpu.memory_space<vmem>> -> memref<1x128xi32, #tpu.memory_space<vmem>>
      %dma_start3A_231 = tpu.memref_squeeze %dma_start3A_230 : memref<1x128xi32, #tpu.memory_space<vmem>> -> memref<128xi32, #tpu.memory_space<vmem>>
      %dma_start3A_232 = tpu.memref_slice %arg3[%add3A_11] : memref<16384xi32, #tpu.memory_space<hbm>> -> memref<128xi32, #tpu.memory_space<hbm>>
      tpu.enqueue_dma source(%dma_start3A_232 : memref<128xi32, #tpu.memory_space<hbm>>) target(%dma_start3A_231 : memref<128xi32, #tpu.memory_space<vmem>>) target_semaphore(%run_scoped3A_224 : memref<!tpu.dma_semaphore, #tpu.memory_space<semaphore_mem>>)
      %dma_wait3A_233 = arith.constant 0 : i32
      %dma_wait3A_234 = tpu.memref_slice %arg7[%run_scoped3A, %dma_wait3A_233] : memref<4x128xi32, #tpu.memory_space<vmem>> -> memref<1x128xi32, #tpu.memory_space<vmem>>
      %dma_wait3A_235 = tpu.memref_squeeze %dma_wait3A_234 : memref<1x128xi32, #tpu.memory_space<vmem>> -> memref<128xi32, #tpu.memory_space<vmem>>
      %dma_wait3A_236 = tpu.memref_slice %arg3[%add3A_11] : memref<16384xi32, #tpu.memory_space<hbm>> -> memref<128xi32, #tpu.memory_space<hbm>>
      %dma_wait3A_237 = arith.constant 0 : i32
      %dma_wait3A_238 = tpu.memref_slice %arg7[%run_scoped3A, %dma_wait3A_237] : memref<4x128xi32, #tpu.memory_space<vmem>> -> memref<1x128xi32, #tpu.memory_space<vmem>>
      %dma_wait3A_239 = tpu.memref_squeeze %dma_wait3A_238 : memref<1x128xi32, #tpu.memory_space<vmem>> -> memref<128xi32, #tpu.memory_space<vmem>>
      %dma_wait3A_240 = tpu.memref_slice %arg3[%add3A_11] : memref<16384xi32, #tpu.memory_space<hbm>> -> memref<128xi32, #tpu.memory_space<hbm>>
      tpu.wait_dma2 semaphore(%run_scoped3A_224 : memref<!tpu.dma_semaphore, #tpu.memory_space<semaphore_mem>>) src(%dma_wait3A_240 : memref<128xi32, #tpu.memory_space<hbm>>) dst(%dma_wait3A_239 : memref<128xi32, #tpu.memory_space<vmem>>)
      tpu.yield
    }) : () -> ()
    %add3A_12 = arith.constant 0 : i32
    %add3A_13 = arith.addi %mul3A_9, %add3A_12 : i32
    %run_scoped3A_14 = arith.constant 0 : i32
    "tpu.region"() ({
      %run_scoped3A_224 = tpu.sem_alloc : memref<!tpu.dma_semaphore, #tpu.memory_space<semaphore_mem>>
      %dma_start3A_225 = arith.constant 0 : i32
      %dma_start3A_226 = tpu.memref_slice %arg8[%run_scoped3A_14, %dma_start3A_225] : memref<4x128xi32, #tpu.memory_space<vmem>> -> memref<1x128xi32, #tpu.memory_space<vmem>>
      %dma_start3A_227 = tpu.memref_squeeze %dma_start3A_226 : memref<1x128xi32, #tpu.memory_space<vmem>> -> memref<128xi32, #tpu.memory_space<vmem>>
      %dma_start3A_228 = tpu.memref_slice %arg4[%add3A_13] : memref<16384xi32, #tpu.memory_space<hbm>> -> memref<128xi32, #tpu.memory_space<hbm>>
      %dma_start3A_229 = arith.constant 0 : i32
      %dma_start3A_230 = tpu.memref_slice %arg8[%run_scoped3A_14, %dma_start3A_229] : memref<4x128xi32, #tpu.memory_space<vmem>> -> memref<1x128xi32, #tpu.memory_space<vmem>>
      %dma_start3A_231 = tpu.memref_squeeze %dma_start3A_230 : memref<1x128xi32, #tpu.memory_space<vmem>> -> memref<128xi32, #tpu.memory_space<vmem>>
      %dma_start3A_232 = tpu.memref_slice %arg4[%add3A_13] : memref<16384xi32, #tpu.memory_space<hbm>> -> memref<128xi32, #tpu.memory_space<hbm>>
      tpu.enqueue_dma source(%dma_start3A_232 : memref<128xi32, #tpu.memory_space<hbm>>) target(%dma_start3A_231 : memref<128xi32, #tpu.memory_space<vmem>>) target_semaphore(%run_scoped3A_224 : memref<!tpu.dma_semaphore, #tpu.memory_space<semaphore_mem>>)
      %dma_wait3A_233 = arith.constant 0 : i32
      %dma_wait3A_234 = tpu.memref_slice %arg8[%run_scoped3A_14, %dma_wait3A_233] : memref<4x128xi32, #tpu.memory_space<vmem>> -> memref<1x128xi32, #tpu.memory_space<vmem>>
      %dma_wait3A_235 = tpu.memref_squeeze %dma_wait3A_234 : memref<1x128xi32, #tpu.memory_space<vmem>> -> memref<128xi32, #tpu.memory_space<vmem>>
      %dma_wait3A_236 = tpu.memref_slice %arg4[%add3A_13] : memref<16384xi32, #tpu.memory_space<hbm>> -> memref<128xi32, #tpu.memory_space<hbm>>
      %dma_wait3A_237 = arith.constant 0 : i32
      %dma_wait3A_238 = tpu.memref_slice %arg8[%run_scoped3A_14, %dma_wait3A_237] : memref<4x128xi32, #tpu.memory_space<vmem>> -> memref<1x128xi32, #tpu.memory_space<vmem>>
      %dma_wait3A_239 = tpu.memref_squeeze %dma_wait3A_238 : memref<1x128xi32, #tpu.memory_space<vmem>> -> memref<128xi32, #tpu.memory_space<vmem>>
      %dma_wait3A_240 = tpu.memref_slice %arg4[%add3A_13] : memref<16384xi32, #tpu.memory_space<hbm>> -> memref<128xi32, #tpu.memory_space<hbm>>
      tpu.wait_dma2 semaphore(%run_scoped3A_224 : memref<!tpu.dma_semaphore, #tpu.memory_space<semaphore_mem>>) src(%dma_wait3A_240 : memref<128xi32, #tpu.memory_space<hbm>>) dst(%dma_wait3A_239 : memref<128xi32, #tpu.memory_space<vmem>>)
      tpu.yield
    }) : () -> ()
    %add3A_15 = arith.constant 128 : i32
    %add3A_16 = arith.addi %mul3A_9, %add3A_15 : i32
    %run_scoped3A_17 = arith.constant 1 : i32
    "tpu.region"() ({
      %run_scoped3A_224 = tpu.sem_alloc : memref<!tpu.dma_semaphore, #tpu.memory_space<semaphore_mem>>
      %dma_start3A_225 = arith.constant 0 : i32
      %dma_start3A_226 = tpu.memref_slice %arg7[%run_scoped3A_17, %dma_start3A_225] : memref<4x128xi32, #tpu.memory_space<vmem>> -> memref<1x128xi32, #tpu.memory_space<vmem>>
      %dma_start3A_227 = tpu.memref_squeeze %dma_start3A_226 : memref<1x128xi32, #tpu.memory_space<vmem>> -> memref<128xi32, #tpu.memory_space<vmem>>
      %dma_start3A_228 = tpu.memref_slice %arg3[%add3A_16] : memref<16384xi32, #tpu.memory_space<hbm>> -> memref<128xi32, #tpu.memory_space<hbm>>
      %dma_start3A_229 = arith.constant 0 : i32
      %dma_start3A_230 = tpu.memref_slice %arg7[%run_scoped3A_17, %dma_start3A_229] : memref<4x128xi32, #tpu.memory_space<vmem>> -> memref<1x128xi32, #tpu.memory_space<vmem>>
      %dma_start3A_231 = tpu.memref_squeeze %dma_start3A_230 : memref<1x128xi32, #tpu.memory_space<vmem>> -> memref<128xi32, #tpu.memory_space<vmem>>
      %dma_start3A_232 = tpu.memref_slice %arg3[%add3A_16] : memref<16384xi32, #tpu.memory_space<hbm>> -> memref<128xi32, #tpu.memory_space<hbm>>
      tpu.enqueue_dma source(%dma_start3A_232 : memref<128xi32, #tpu.memory_space<hbm>>) target(%dma_start3A_231 : memref<128xi32, #tpu.memory_space<vmem>>) target_semaphore(%run_scoped3A_224 : memref<!tpu.dma_semaphore, #tpu.memory_space<semaphore_mem>>)
      %dma_wait3A_233 = arith.constant 0 : i32
      %dma_wait3A_234 = tpu.memref_slice %arg7[%run_scoped3A_17, %dma_wait3A_233] : memref<4x128xi32, #tpu.memory_space<vmem>> -> memref<1x128xi32, #tpu.memory_space<vmem>>
      %dma_wait3A_235 = tpu.memref_squeeze %dma_wait3A_234 : memref<1x128xi32, #tpu.memory_space<vmem>> -> memref<128xi32, #tpu.memory_space<vmem>>
      %dma_wait3A_236 = tpu.memref_slice %arg3[%add3A_16] : memref<16384xi32, #tpu.memory_space<hbm>> -> memref<128xi32, #tpu.memory_space<hbm>>
      %dma_wait3A_237 = arith.constant 0 : i32
      %dma_wait3A_238 = tpu.memref_slice %arg7[%run_scoped3A_17, %dma_wait3A_237] : memref<4x128xi32, #tpu.memory_space<vmem>> -> memref<1x128xi32, #tpu.memory_space<vmem>>
      %dma_wait3A_239 = tpu.memref_squeeze %dma_wait3A_238 : memref<1x128xi32, #tpu.memory_space<vmem>> -> memref<128xi32, #tpu.memory_space<vmem>>
      %dma_wait3A_240 = tpu.memref_slice %arg3[%add3A_16] : memref<16384xi32, #tpu.memory_space<hbm>> -> memref<128xi32, #tpu.memory_space<hbm>>
      tpu.wait_dma2 semaphore(%run_scoped3A_224 : memref<!tpu.dma_semaphore, #tpu.memory_space<semaphore_mem>>) src(%dma_wait3A_240 : memref<128xi32, #tpu.memory_space<hbm>>) dst(%dma_wait3A_239 : memref<128xi32, #tpu.memory_space<vmem>>)
      tpu.yield
    }) : () -> ()
    %add3A_18 = arith.constant 128 : i32
    %add3A_19 = arith.addi %mul3A_9, %add3A_18 : i32
    %run_scoped3A_20 = arith.constant 1 : i32
    "tpu.region"() ({
      %run_scoped3A_224 = tpu.sem_alloc : memref<!tpu.dma_semaphore, #tpu.memory_space<semaphore_mem>>
      %dma_start3A_225 = arith.constant 0 : i32
      %dma_start3A_226 = tpu.memref_slice %arg8[%run_scoped3A_20, %dma_start3A_225] : memref<4x128xi32, #tpu.memory_space<vmem>> -> memref<1x128xi32, #tpu.memory_space<vmem>>
      %dma_start3A_227 = tpu.memref_squeeze %dma_start3A_226 : memref<1x128xi32, #tpu.memory_space<vmem>> -> memref<128xi32, #tpu.memory_space<vmem>>
      %dma_start3A_228 = tpu.memref_slice %arg4[%add3A_19] : memref<16384xi32, #tpu.memory_space<hbm>> -> memref<128xi32, #tpu.memory_space<hbm>>
      %dma_start3A_229 = arith.constant 0 : i32
      %dma_start3A_230 = tpu.memref_slice %arg8[%run_scoped3A_20, %dma_start3A_229] : memref<4x128xi32, #tpu.memory_space<vmem>> -> memref<1x128xi32, #tpu.memory_space<vmem>>
      %dma_start3A_231 = tpu.memref_squeeze %dma_start3A_230 : memref<1x128xi32, #tpu.memory_space<vmem>> -> memref<128xi32, #tpu.memory_space<vmem>>
      %dma_start3A_232 = tpu.memref_slice %arg4[%add3A_19] : memref<16384xi32, #tpu.memory_space<hbm>> -> memref<128xi32, #tpu.memory_space<hbm>>
      tpu.enqueue_dma source(%dma_start3A_232 : memref<128xi32, #tpu.memory_space<hbm>>) target(%dma_start3A_231 : memref<128xi32, #tpu.memory_space<vmem>>) target_semaphore(%run_scoped3A_224 : memref<!tpu.dma_semaphore, #tpu.memory_space<semaphore_mem>>)
      %dma_wait3A_233 = arith.constant 0 : i32
      %dma_wait3A_234 = tpu.memref_slice %arg8[%run_scoped3A_20, %dma_wait3A_233] : memref<4x128xi32, #tpu.memory_space<vmem>> -> memref<1x128xi32, #tpu.memory_space<vmem>>
      %dma_wait3A_235 = tpu.memref_squeeze %dma_wait3A_234 : memref<1x128xi32, #tpu.memory_space<vmem>> -> memref<128xi32, #tpu.memory_space<vmem>>
      %dma_wait3A_236 = tpu.memref_slice %arg4[%add3A_19] : memref<16384xi32, #tpu.memory_space<hbm>> -> memref<128xi32, #tpu.memory_space<hbm>>
      %dma_wait3A_237 = arith.constant 0 : i32
      %dma_wait3A_238 = tpu.memref_slice %arg8[%run_scoped3A_20, %dma_wait3A_237] : memref<4x128xi32, #tpu.memory_space<vmem>> -> memref<1x128xi32, #tpu.memory_space<vmem>>
      %dma_wait3A_239 = tpu.memref_squeeze %dma_wait3A_238 : memref<1x128xi32, #tpu.memory_space<vmem>> -> memref<128xi32, #tpu.memory_space<vmem>>
      %dma_wait3A_240 = tpu.memref_slice %arg4[%add3A_19] : memref<16384xi32, #tpu.memory_space<hbm>> -> memref<128xi32, #tpu.memory_space<hbm>>
      tpu.wait_dma2 semaphore(%run_scoped3A_224 : memref<!tpu.dma_semaphore, #tpu.memory_space<semaphore_mem>>) src(%dma_wait3A_240 : memref<128xi32, #tpu.memory_space<hbm>>) dst(%dma_wait3A_239 : memref<128xi32, #tpu.memory_space<vmem>>)
      tpu.yield
    }) : () -> ()
    %add3A_21 = arith.constant 256 : i32
    %add3A_22 = arith.addi %mul3A_9, %add3A_21 : i32
    %run_scoped3A_23 = arith.constant 2 : i32
    "tpu.region"() ({
      %run_scoped3A_224 = tpu.sem_alloc : memref<!tpu.dma_semaphore, #tpu.memory_space<semaphore_mem>>
      %dma_start3A_225 = arith.constant 0 : i32
      %dma_start3A_226 = tpu.memref_slice %arg7[%run_scoped3A_23, %dma_start3A_225] : memref<4x128xi32, #tpu.memory_space<vmem>> -> memref<1x128xi32, #tpu.memory_space<vmem>>
      %dma_start3A_227 = tpu.memref_squeeze %dma_start3A_226 : memref<1x128xi32, #tpu.memory_space<vmem>> -> memref<128xi32, #tpu.memory_space<vmem>>
      %dma_start3A_228 = tpu.memref_slice %arg3[%add3A_22] : memref<16384xi32, #tpu.memory_space<hbm>> -> memref<128xi32, #tpu.memory_space<hbm>>
      %dma_start3A_229 = arith.constant 0 : i32
      %dma_start3A_230 = tpu.memref_slice %arg7[%run_scoped3A_23, %dma_start3A_229] : memref<4x128xi32, #tpu.memory_space<vmem>> -> memref<1x128xi32, #tpu.memory_space<vmem>>
      %dma_start3A_231 = tpu.memref_squeeze %dma_start3A_230 : memref<1x128xi32, #tpu.memory_space<vmem>> -> memref<128xi32, #tpu.memory_space<vmem>>
      %dma_start3A_232 = tpu.memref_slice %arg3[%add3A_22] : memref<16384xi32, #tpu.memory_space<hbm>> -> memref<128xi32, #tpu.memory_space<hbm>>
      tpu.enqueue_dma source(%dma_start3A_232 : memref<128xi32, #tpu.memory_space<hbm>>) target(%dma_start3A_231 : memref<128xi32, #tpu.memory_space<vmem>>) target_semaphore(%run_scoped3A_224 : memref<!tpu.dma_semaphore, #tpu.memory_space<semaphore_mem>>)
      %dma_wait3A_233 = arith.constant 0 : i32
      %dma_wait3A_234 = tpu.memref_slice %arg7[%run_scoped3A_23, %dma_wait3A_233] : memref<4x128xi32, #tpu.memory_space<vmem>> -> memref<1x128xi32, #tpu.memory_space<vmem>>
      %dma_wait3A_235 = tpu.memref_squeeze %dma_wait3A_234 : memref<1x128xi32, #tpu.memory_space<vmem>> -> memref<128xi32, #tpu.memory_space<vmem>>
      %dma_wait3A_236 = tpu.memref_slice %arg3[%add3A_22] : memref<16384xi32, #tpu.memory_space<hbm>> -> memref<128xi32, #tpu.memory_space<hbm>>
      %dma_wait3A_237 = arith.constant 0 : i32
      %dma_wait3A_238 = tpu.memref_slice %arg7[%run_scoped3A_23, %dma_wait3A_237] : memref<4x128xi32, #tpu.memory_space<vmem>> -> memref<1x128xi32, #tpu.memory_space<vmem>>
      %dma_wait3A_239 = tpu.memref_squeeze %dma_wait3A_238 : memref<1x128xi32, #tpu.memory_space<vmem>> -> memref<128xi32, #tpu.memory_space<vmem>>
      %dma_wait3A_240 = tpu.memref_slice %arg3[%add3A_22] : memref<16384xi32, #tpu.memory_space<hbm>> -> memref<128xi32, #tpu.memory_space<hbm>>
      tpu.wait_dma2 semaphore(%run_scoped3A_224 : memref<!tpu.dma_semaphore, #tpu.memory_space<semaphore_mem>>) src(%dma_wait3A_240 : memref<128xi32, #tpu.memory_space<hbm>>) dst(%dma_wait3A_239 : memref<128xi32, #tpu.memory_space<vmem>>)
      tpu.yield
    }) : () -> ()
    %add3A_24 = arith.constant 256 : i32
    %add3A_25 = arith.addi %mul3A_9, %add3A_24 : i32
    %run_scoped3A_26 = arith.constant 2 : i32
    "tpu.region"() ({
      %run_scoped3A_224 = tpu.sem_alloc : memref<!tpu.dma_semaphore, #tpu.memory_space<semaphore_mem>>
      %dma_start3A_225 = arith.constant 0 : i32
      %dma_start3A_226 = tpu.memref_slice %arg8[%run_scoped3A_26, %dma_start3A_225] : memref<4x128xi32, #tpu.memory_space<vmem>> -> memref<1x128xi32, #tpu.memory_space<vmem>>
      %dma_start3A_227 = tpu.memref_squeeze %dma_start3A_226 : memref<1x128xi32, #tpu.memory_space<vmem>> -> memref<128xi32, #tpu.memory_space<vmem>>
      %dma_start3A_228 = tpu.memref_slice %arg4[%add3A_25] : memref<16384xi32, #tpu.memory_space<hbm>> -> memref<128xi32, #tpu.memory_space<hbm>>
      %dma_start3A_229 = arith.constant 0 : i32
      %dma_start3A_230 = tpu.memref_slice %arg8[%run_scoped3A_26, %dma_start3A_229] : memref<4x128xi32, #tpu.memory_space<vmem>> -> memref<1x128xi32, #tpu.memory_space<vmem>>
      %dma_start3A_231 = tpu.memref_squeeze %dma_start3A_230 : memref<1x128xi32, #tpu.memory_space<vmem>> -> memref<128xi32, #tpu.memory_space<vmem>>
      %dma_start3A_232 = tpu.memref_slice %arg4[%add3A_25] : memref<16384xi32, #tpu.memory_space<hbm>> -> memref<128xi32, #tpu.memory_space<hbm>>
      tpu.enqueue_dma source(%dma_start3A_232 : memref<128xi32, #tpu.memory_space<hbm>>) target(%dma_start3A_231 : memref<128xi32, #tpu.memory_space<vmem>>) target_semaphore(%run_scoped3A_224 : memref<!tpu.dma_semaphore, #tpu.memory_space<semaphore_mem>>)
      %dma_wait3A_233 = arith.constant 0 : i32
      %dma_wait3A_234 = tpu.memref_slice %arg8[%run_scoped3A_26, %dma_wait3A_233] : memref<4x128xi32, #tpu.memory_space<vmem>> -> memref<1x128xi32, #tpu.memory_space<vmem>>
      %dma_wait3A_235 = tpu.memref_squeeze %dma_wait3A_234 : memref<1x128xi32, #tpu.memory_space<vmem>> -> memref<128xi32, #tpu.memory_space<vmem>>
      %dma_wait3A_236 = tpu.memref_slice %arg4[%add3A_25] : memref<16384xi32, #tpu.memory_space<hbm>> -> memref<128xi32, #tpu.memory_space<hbm>>
      %dma_wait3A_237 = arith.constant 0 : i32
      %dma_wait3A_238 = tpu.memref_slice %arg8[%run_scoped3A_26, %dma_wait3A_237] : memref<4x128xi32, #tpu.memory_space<vmem>> -> memref<1x128xi32, #tpu.memory_space<vmem>>
      %dma_wait3A_239 = tpu.memref_squeeze %dma_wait3A_238 : memref<1x128xi32, #tpu.memory_space<vmem>> -> memref<128xi32, #tpu.memory_space<vmem>>
      %dma_wait3A_240 = tpu.memref_slice %arg4[%add3A_25] : memref<16384xi32, #tpu.memory_space<hbm>> -> memref<128xi32, #tpu.memory_space<hbm>>
      tpu.wait_dma2 semaphore(%run_scoped3A_224 : memref<!tpu.dma_semaphore, #tpu.memory_space<semaphore_mem>>) src(%dma_wait3A_240 : memref<128xi32, #tpu.memory_space<hbm>>) dst(%dma_wait3A_239 : memref<128xi32, #tpu.memory_space<vmem>>)
      tpu.yield
    }) : () -> ()
    %add3A_27 = arith.constant 384 : i32
    %add3A_28 = arith.addi %mul3A_9, %add3A_27 : i32
    %run_scoped3A_29 = arith.constant 3 : i32
    "tpu.region"() ({
      %run_scoped3A_224 = tpu.sem_alloc : memref<!tpu.dma_semaphore, #tpu.memory_space<semaphore_mem>>
      %dma_start3A_225 = arith.constant 0 : i32
      %dma_start3A_226 = tpu.memref_slice %arg7[%run_scoped3A_29, %dma_start3A_225] : memref<4x128xi32, #tpu.memory_space<vmem>> -> memref<1x128xi32, #tpu.memory_space<vmem>>
      %dma_start3A_227 = tpu.memref_squeeze %dma_start3A_226 : memref<1x128xi32, #tpu.memory_space<vmem>> -> memref<128xi32, #tpu.memory_space<vmem>>
      %dma_start3A_228 = tpu.memref_slice %arg3[%add3A_28] : memref<16384xi32, #tpu.memory_space<hbm>> -> memref<128xi32, #tpu.memory_space<hbm>>
      %dma_start3A_229 = arith.constant 0 : i32
      %dma_start3A_230 = tpu.memref_slice %arg7[%run_scoped3A_29, %dma_start3A_229] : memref<4x128xi32, #tpu.memory_space<vmem>> -> memref<1x128xi32, #tpu.memory_space<vmem>>
      %dma_start3A_231 = tpu.memref_squeeze %dma_start3A_230 : memref<1x128xi32, #tpu.memory_space<vmem>> -> memref<128xi32, #tpu.memory_space<vmem>>
      %dma_start3A_232 = tpu.memref_slice %arg3[%add3A_28] : memref<16384xi32, #tpu.memory_space<hbm>> -> memref<128xi32, #tpu.memory_space<hbm>>
      tpu.enqueue_dma source(%dma_start3A_232 : memref<128xi32, #tpu.memory_space<hbm>>) target(%dma_start3A_231 : memref<128xi32, #tpu.memory_space<vmem>>) target_semaphore(%run_scoped3A_224 : memref<!tpu.dma_semaphore, #tpu.memory_space<semaphore_mem>>)
      %dma_wait3A_233 = arith.constant 0 : i32
      %dma_wait3A_234 = tpu.memref_slice %arg7[%run_scoped3A_29, %dma_wait3A_233] : memref<4x128xi32, #tpu.memory_space<vmem>> -> memref<1x128xi32, #tpu.memory_space<vmem>>
      %dma_wait3A_235 = tpu.memref_squeeze %dma_wait3A_234 : memref<1x128xi32, #tpu.memory_space<vmem>> -> memref<128xi32, #tpu.memory_space<vmem>>
      %dma_wait3A_236 = tpu.memref_slice %arg3[%add3A_28] : memref<16384xi32, #tpu.memory_space<hbm>> -> memref<128xi32, #tpu.memory_space<hbm>>
      %dma_wait3A_237 = arith.constant 0 : i32
      %dma_wait3A_238 = tpu.memref_slice %arg7[%run_scoped3A_29, %dma_wait3A_237] : memref<4x128xi32, #tpu.memory_space<vmem>> -> memref<1x128xi32, #tpu.memory_space<vmem>>
      %dma_wait3A_239 = tpu.memref_squeeze %dma_wait3A_238 : memref<1x128xi32, #tpu.memory_space<vmem>> -> memref<128xi32, #tpu.memory_space<vmem>>
      %dma_wait3A_240 = tpu.memref_slice %arg3[%add3A_28] : memref<16384xi32, #tpu.memory_space<hbm>> -> memref<128xi32, #tpu.memory_space<hbm>>
      tpu.wait_dma2 semaphore(%run_scoped3A_224 : memref<!tpu.dma_semaphore, #tpu.memory_space<semaphore_mem>>) src(%dma_wait3A_240 : memref<128xi32, #tpu.memory_space<hbm>>) dst(%dma_wait3A_239 : memref<128xi32, #tpu.memory_space<vmem>>)
      tpu.yield
    }) : () -> ()
    %add3A_30 = arith.constant 384 : i32
    %add3A_31 = arith.addi %mul3A_9, %add3A_30 : i32
    %run_scoped3A_32 = arith.constant 3 : i32
    "tpu.region"() ({
      %run_scoped3A_224 = tpu.sem_alloc : memref<!tpu.dma_semaphore, #tpu.memory_space<semaphore_mem>>
      %dma_start3A_225 = arith.constant 0 : i32
      %dma_start3A_226 = tpu.memref_slice %arg8[%run_scoped3A_32, %dma_start3A_225] : memref<4x128xi32, #tpu.memory_space<vmem>> -> memref<1x128xi32, #tpu.memory_space<vmem>>
      %dma_start3A_227 = tpu.memref_squeeze %dma_start3A_226 : memref<1x128xi32, #tpu.memory_space<vmem>> -> memref<128xi32, #tpu.memory_space<vmem>>
      %dma_start3A_228 = tpu.memref_slice %arg4[%add3A_31] : memref<16384xi32, #tpu.memory_space<hbm>> -> memref<128xi32, #tpu.memory_space<hbm>>
      %dma_start3A_229 = arith.constant 0 : i32
      %dma_start3A_230 = tpu.memref_slice %arg8[%run_scoped3A_32, %dma_start3A_229] : memref<4x128xi32, #tpu.memory_space<vmem>> -> memref<1x128xi32, #tpu.memory_space<vmem>>
      %dma_start3A_231 = tpu.memref_squeeze %dma_start3A_230 : memref<1x128xi32, #tpu.memory_space<vmem>> -> memref<128xi32, #tpu.memory_space<vmem>>
      %dma_start3A_232 = tpu.memref_slice %arg4[%add3A_31] : memref<16384xi32, #tpu.memory_space<hbm>> -> memref<128xi32, #tpu.memory_space<hbm>>
      tpu.enqueue_dma source(%dma_start3A_232 : memref<128xi32, #tpu.memory_space<hbm>>) target(%dma_start3A_231 : memref<128xi32, #tpu.memory_space<vmem>>) target_semaphore(%run_scoped3A_224 : memref<!tpu.dma_semaphore, #tpu.memory_space<semaphore_mem>>)
      %dma_wait3A_233 = arith.constant 0 : i32
      %dma_wait3A_234 = tpu.memref_slice %arg8[%run_scoped3A_32, %dma_wait3A_233] : memref<4x128xi32, #tpu.memory_space<vmem>> -> memref<1x128xi32, #tpu.memory_space<vmem>>
      %dma_wait3A_235 = tpu.memref_squeeze %dma_wait3A_234 : memref<1x128xi32, #tpu.memory_space<vmem>> -> memref<128xi32, #tpu.memory_space<vmem>>
      %dma_wait3A_236 = tpu.memref_slice %arg4[%add3A_31] : memref<16384xi32, #tpu.memory_space<hbm>> -> memref<128xi32, #tpu.memory_space<hbm>>
      %dma_wait3A_237 = arith.constant 0 : i32
      %dma_wait3A_238 = tpu.memref_slice %arg8[%run_scoped3A_32, %dma_wait3A_237] : memref<4x128xi32, #tpu.memory_space<vmem>> -> memref<1x128xi32, #tpu.memory_space<vmem>>
      %dma_wait3A_239 = tpu.memref_squeeze %dma_wait3A_238 : memref<1x128xi32, #tpu.memory_space<vmem>> -> memref<128xi32, #tpu.memory_space<vmem>>
      %dma_wait3A_240 = tpu.memref_slice %arg4[%add3A_31] : memref<16384xi32, #tpu.memory_space<hbm>> -> memref<128xi32, #tpu.memory_space<hbm>>
      tpu.wait_dma2 semaphore(%run_scoped3A_224 : memref<!tpu.dma_semaphore, #tpu.memory_space<semaphore_mem>>) src(%dma_wait3A_240 : memref<128xi32, #tpu.memory_space<hbm>>) dst(%dma_wait3A_239 : memref<128xi32, #tpu.memory_space<vmem>>)
      tpu.yield
    }) : () -> ()
    %barrier3A = arith.constant 0 : index
    tpu.barrier barrier_id(%barrier3A)
    %dma_start3A = arith.constant 0 : i32
    %dma_start3A_33 = arith.constant 0 : i32
    %dma_start3A_34 = arith.constant 0 : i32
    %dma_start3A_35 = arith.constant 0 : i32
    %dma_start3A_36 = tpu.memref_slice %arg9[%dma_start3A_33, %dma_start3A_34, %dma_start3A_35] : memref<4x128x64xf32, #tpu.memory_space<vmem>> -> memref<1x128x64xf32, #tpu.memory_space<vmem>>
    %dma_start3A_37 = tpu.memref_squeeze %dma_start3A_36 : memref<1x128x64xf32, #tpu.memory_space<vmem>> -> memref<128x64xf32, #tpu.memory_space<vmem>>
    %dma_start3A_38 = arith.constant 0 : i32
    %dma_start3A_39 = tpu.memref_slice %arg7[%dma_start3A, %dma_start3A_38] : memref<4x128xi32, #tpu.memory_space<vmem>> -> memref<1x128xi32, #tpu.memory_space<vmem>>
    %dma_start3A_40 = tpu.memref_squeeze %dma_start3A_39 : memref<1x128xi32, #tpu.memory_space<vmem>> -> memref<128xi32, #tpu.memory_space<vmem>>
    %dma_start3A_41 = arith.constant 0 : i32
    %dma_start3A_42 = arith.constant 0 : i32
    %dma_start3A_43 = tpu.memref_slice %arg2[%dma_start3A_41, %dma_start3A_42] : memref<4096x64xf32, #tpu.memory_space<hbm>> -> memref<4096x64xf32, #tpu.memory_space<hbm>>
    tpu.enqueue_indirect_dma source(%dma_start3A_43 : memref<4096x64xf32, #tpu.memory_space<hbm>>) target(%dma_start3A_37 : memref<128x64xf32, #tpu.memory_space<vmem>>) offsets(%dma_start3A_40 : memref<128xi32, #tpu.memory_space<vmem>>) semaphore(%arg11 : memref<!tpu.dma_semaphore, #tpu.memory_space<semaphore_mem>>)
    %dma_start3A_44 = arith.constant 1 : i32
    %dma_start3A_45 = arith.constant 1 : i32
    %dma_start3A_46 = arith.constant 0 : i32
    %dma_start3A_47 = arith.constant 0 : i32
    %dma_start3A_48 = tpu.memref_slice %arg9[%dma_start3A_45, %dma_start3A_46, %dma_start3A_47] : memref<4x128x64xf32, #tpu.memory_space<vmem>> -> memref<1x128x64xf32, #tpu.memory_space<vmem>>
    %dma_start3A_49 = tpu.memref_squeeze %dma_start3A_48 : memref<1x128x64xf32, #tpu.memory_space<vmem>> -> memref<128x64xf32, #tpu.memory_space<vmem>>
    %dma_start3A_50 = arith.constant 0 : i32
    %dma_start3A_51 = tpu.memref_slice %arg7[%dma_start3A_44, %dma_start3A_50] : memref<4x128xi32, #tpu.memory_space<vmem>> -> memref<1x128xi32, #tpu.memory_space<vmem>>
    %dma_start3A_52 = tpu.memref_squeeze %dma_start3A_51 : memref<1x128xi32, #tpu.memory_space<vmem>> -> memref<128xi32, #tpu.memory_space<vmem>>
    %dma_start3A_53 = arith.constant 0 : i32
    %dma_start3A_54 = arith.constant 0 : i32
    %dma_start3A_55 = tpu.memref_slice %arg2[%dma_start3A_53, %dma_start3A_54] : memref<4096x64xf32, #tpu.memory_space<hbm>> -> memref<4096x64xf32, #tpu.memory_space<hbm>>
    tpu.enqueue_indirect_dma source(%dma_start3A_55 : memref<4096x64xf32, #tpu.memory_space<hbm>>) target(%dma_start3A_49 : memref<128x64xf32, #tpu.memory_space<vmem>>) offsets(%dma_start3A_52 : memref<128xi32, #tpu.memory_space<vmem>>) semaphore(%arg12 : memref<!tpu.dma_semaphore, #tpu.memory_space<semaphore_mem>>)
    %dma_start3A_56 = arith.constant 2 : i32
    %dma_start3A_57 = arith.constant 2 : i32
    %dma_start3A_58 = arith.constant 0 : i32
    %dma_start3A_59 = arith.constant 0 : i32
    %dma_start3A_60 = tpu.memref_slice %arg9[%dma_start3A_57, %dma_start3A_58, %dma_start3A_59] : memref<4x128x64xf32, #tpu.memory_space<vmem>> -> memref<1x128x64xf32, #tpu.memory_space<vmem>>
    %dma_start3A_61 = tpu.memref_squeeze %dma_start3A_60 : memref<1x128x64xf32, #tpu.memory_space<vmem>> -> memref<128x64xf32, #tpu.memory_space<vmem>>
    %dma_start3A_62 = arith.constant 0 : i32
    %dma_start3A_63 = tpu.memref_slice %arg7[%dma_start3A_56, %dma_start3A_62] : memref<4x128xi32, #tpu.memory_space<vmem>> -> memref<1x128xi32, #tpu.memory_space<vmem>>
    %dma_start3A_64 = tpu.memref_squeeze %dma_start3A_63 : memref<1x128xi32, #tpu.memory_space<vmem>> -> memref<128xi32, #tpu.memory_space<vmem>>
    %dma_start3A_65 = arith.constant 0 : i32
    %dma_start3A_66 = arith.constant 0 : i32
    %dma_start3A_67 = tpu.memref_slice %arg2[%dma_start3A_65, %dma_start3A_66] : memref<4096x64xf32, #tpu.memory_space<hbm>> -> memref<4096x64xf32, #tpu.memory_space<hbm>>
    tpu.enqueue_indirect_dma source(%dma_start3A_67 : memref<4096x64xf32, #tpu.memory_space<hbm>>) target(%dma_start3A_61 : memref<128x64xf32, #tpu.memory_space<vmem>>) offsets(%dma_start3A_64 : memref<128xi32, #tpu.memory_space<vmem>>) semaphore(%arg13 : memref<!tpu.dma_semaphore, #tpu.memory_space<semaphore_mem>>)
    %dma_start3A_68 = arith.constant 3 : i32
    %dma_start3A_69 = arith.constant 3 : i32
    %dma_start3A_70 = arith.constant 0 : i32
    %dma_start3A_71 = arith.constant 0 : i32
    %dma_start3A_72 = tpu.memref_slice %arg9[%dma_start3A_69, %dma_start3A_70, %dma_start3A_71] : memref<4x128x64xf32, #tpu.memory_space<vmem>> -> memref<1x128x64xf32, #tpu.memory_space<vmem>>
    %dma_start3A_73 = tpu.memref_squeeze %dma_start3A_72 : memref<1x128x64xf32, #tpu.memory_space<vmem>> -> memref<128x64xf32, #tpu.memory_space<vmem>>
    %dma_start3A_74 = arith.constant 0 : i32
    %dma_start3A_75 = tpu.memref_slice %arg7[%dma_start3A_68, %dma_start3A_74] : memref<4x128xi32, #tpu.memory_space<vmem>> -> memref<1x128xi32, #tpu.memory_space<vmem>>
    %dma_start3A_76 = tpu.memref_squeeze %dma_start3A_75 : memref<1x128xi32, #tpu.memory_space<vmem>> -> memref<128xi32, #tpu.memory_space<vmem>>
    %dma_start3A_77 = arith.constant 0 : i32
    %dma_start3A_78 = arith.constant 0 : i32
    %dma_start3A_79 = tpu.memref_slice %arg2[%dma_start3A_77, %dma_start3A_78] : memref<4096x64xf32, #tpu.memory_space<hbm>> -> memref<4096x64xf32, #tpu.memory_space<hbm>>
    tpu.enqueue_indirect_dma source(%dma_start3A_79 : memref<4096x64xf32, #tpu.memory_space<hbm>>) target(%dma_start3A_73 : memref<128x64xf32, #tpu.memory_space<vmem>>) offsets(%dma_start3A_76 : memref<128xi32, #tpu.memory_space<vmem>>) semaphore(%arg14 : memref<!tpu.dma_semaphore, #tpu.memory_space<semaphore_mem>>)
    %dma_wait3A = arith.constant 0 : i32
    %dma_wait3A_80 = arith.constant 0 : i32
    %dma_wait3A_81 = arith.constant 0 : i32
    %dma_wait3A_82 = arith.constant 0 : i32
    %dma_wait3A_83 = tpu.memref_slice %arg9[%dma_wait3A_80, %dma_wait3A_81, %dma_wait3A_82] : memref<4x128x64xf32, #tpu.memory_space<vmem>> -> memref<1x128x64xf32, #tpu.memory_space<vmem>>
    %dma_wait3A_84 = tpu.memref_squeeze %dma_wait3A_83 : memref<1x128x64xf32, #tpu.memory_space<vmem>> -> memref<128x64xf32, #tpu.memory_space<vmem>>
    %dma_wait3A_85 = arith.constant 0 : i32
    %dma_wait3A_86 = tpu.memref_slice %arg7[%dma_wait3A, %dma_wait3A_85] : memref<4x128xi32, #tpu.memory_space<vmem>> -> memref<1x128xi32, #tpu.memory_space<vmem>>
    %dma_wait3A_87 = tpu.memref_squeeze %dma_wait3A_86 : memref<1x128xi32, #tpu.memory_space<vmem>> -> memref<128xi32, #tpu.memory_space<vmem>>
    %dma_wait3A_88 = arith.constant 0 : i32
    %dma_wait3A_89 = arith.constant 0 : i32
    %dma_wait3A_90 = tpu.memref_slice %arg2[%dma_wait3A_88, %dma_wait3A_89] : memref<4096x64xf32, #tpu.memory_space<hbm>> -> memref<4096x64xf32, #tpu.memory_space<hbm>>
    tpu.wait_indirect_dma semaphore(%arg11 : memref<!tpu.dma_semaphore, #tpu.memory_space<semaphore_mem>>) src(%dma_wait3A_90 : memref<4096x64xf32, #tpu.memory_space<hbm>>) dst(%dma_wait3A_84 : memref<128x64xf32, #tpu.memory_space<vmem>>)
    %dma_start3A_91 = arith.constant 0 : i32
    %dma_start3A_92 = arith.constant 0 : i32
    %dma_start3A_93 = arith.constant 0 : i32
    %dma_start3A_94 = arith.constant 0 : i32
    %dma_start3A_95 = tpu.memref_slice %arg9[%dma_start3A_91, %dma_start3A_93, %dma_start3A_94] : memref<4x128x64xf32, #tpu.memory_space<vmem>> -> memref<1x128x64xf32, #tpu.memory_space<vmem>>
    %dma_start3A_96 = tpu.memref_squeeze %dma_start3A_95 : memref<1x128x64xf32, #tpu.memory_space<vmem>> -> memref<128x64xf32, #tpu.memory_space<vmem>>
    %dma_start3A_97 = arith.constant 0 : i32
    %dma_start3A_98 = tpu.memref_slice %arg8[%dma_start3A_92, %dma_start3A_97] : memref<4x128xi32, #tpu.memory_space<vmem>> -> memref<1x128xi32, #tpu.memory_space<vmem>>
    %dma_start3A_99 = tpu.memref_squeeze %dma_start3A_98 : memref<1x128xi32, #tpu.memory_space<vmem>> -> memref<128xi32, #tpu.memory_space<vmem>>
    %dma_start3A_100 = arith.constant 0 : i32
    %dma_start3A_101 = arith.constant 0 : i32
    %dma_start3A_102 = tpu.memref_slice %arg6[%dma_start3A_100, %dma_start3A_101] : memref<4096x64xf32, #tpu.memory_space<vmem_shared>> -> memref<4096x64xf32, #tpu.memory_space<vmem_shared>>
    tpu.enqueue_indirect_dma source(%dma_start3A_96 : memref<128x64xf32, #tpu.memory_space<vmem>>) target(%dma_start3A_102 : memref<4096x64xf32, #tpu.memory_space<vmem_shared>>) offsets(%dma_start3A_99 : memref<128xi32, #tpu.memory_space<vmem>>) semaphore(%arg15 : memref<!tpu.dma_semaphore, #tpu.memory_space<semaphore_mem>>) {add = true}
    %dma_wait3A_103 = arith.constant 1 : i32
    %dma_wait3A_104 = arith.constant 1 : i32
    %dma_wait3A_105 = arith.constant 0 : i32
    %dma_wait3A_106 = arith.constant 0 : i32
    %dma_wait3A_107 = tpu.memref_slice %arg9[%dma_wait3A_104, %dma_wait3A_105, %dma_wait3A_106] : memref<4x128x64xf32, #tpu.memory_space<vmem>> -> memref<1x128x64xf32, #tpu.memory_space<vmem>>
    %dma_wait3A_108 = tpu.memref_squeeze %dma_wait3A_107 : memref<1x128x64xf32, #tpu.memory_space<vmem>> -> memref<128x64xf32, #tpu.memory_space<vmem>>
    %dma_wait3A_109 = arith.constant 0 : i32
    %dma_wait3A_110 = tpu.memref_slice %arg7[%dma_wait3A_103, %dma_wait3A_109] : memref<4x128xi32, #tpu.memory_space<vmem>> -> memref<1x128xi32, #tpu.memory_space<vmem>>
    %dma_wait3A_111 = tpu.memref_squeeze %dma_wait3A_110 : memref<1x128xi32, #tpu.memory_space<vmem>> -> memref<128xi32, #tpu.memory_space<vmem>>
    %dma_wait3A_112 = arith.constant 0 : i32
    %dma_wait3A_113 = arith.constant 0 : i32
    %dma_wait3A_114 = tpu.memref_slice %arg2[%dma_wait3A_112, %dma_wait3A_113] : memref<4096x64xf32, #tpu.memory_space<hbm>> -> memref<4096x64xf32, #tpu.memory_space<hbm>>
    tpu.wait_indirect_dma semaphore(%arg12 : memref<!tpu.dma_semaphore, #tpu.memory_space<semaphore_mem>>) src(%dma_wait3A_114 : memref<4096x64xf32, #tpu.memory_space<hbm>>) dst(%dma_wait3A_108 : memref<128x64xf32, #tpu.memory_space<vmem>>)
    %dma_start3A_115 = arith.constant 1 : i32
    %dma_start3A_116 = arith.constant 1 : i32
    %dma_start3A_117 = arith.constant 0 : i32
    %dma_start3A_118 = arith.constant 0 : i32
    %dma_start3A_119 = tpu.memref_slice %arg9[%dma_start3A_115, %dma_start3A_117, %dma_start3A_118] : memref<4x128x64xf32, #tpu.memory_space<vmem>> -> memref<1x128x64xf32, #tpu.memory_space<vmem>>
    %dma_start3A_120 = tpu.memref_squeeze %dma_start3A_119 : memref<1x128x64xf32, #tpu.memory_space<vmem>> -> memref<128x64xf32, #tpu.memory_space<vmem>>
    %dma_start3A_121 = arith.constant 0 : i32
    %dma_start3A_122 = tpu.memref_slice %arg8[%dma_start3A_116, %dma_start3A_121] : memref<4x128xi32, #tpu.memory_space<vmem>> -> memref<1x128xi32, #tpu.memory_space<vmem>>
    %dma_start3A_123 = tpu.memref_squeeze %dma_start3A_122 : memref<1x128xi32, #tpu.memory_space<vmem>> -> memref<128xi32, #tpu.memory_space<vmem>>
    %dma_start3A_124 = arith.constant 0 : i32
    %dma_start3A_125 = arith.constant 0 : i32
    %dma_start3A_126 = tpu.memref_slice %arg6[%dma_start3A_124, %dma_start3A_125] : memref<4096x64xf32, #tpu.memory_space<vmem_shared>> -> memref<4096x64xf32, #tpu.memory_space<vmem_shared>>
    tpu.enqueue_indirect_dma source(%dma_start3A_120 : memref<128x64xf32, #tpu.memory_space<vmem>>) target(%dma_start3A_126 : memref<4096x64xf32, #tpu.memory_space<vmem_shared>>) offsets(%dma_start3A_123 : memref<128xi32, #tpu.memory_space<vmem>>) semaphore(%arg15 : memref<!tpu.dma_semaphore, #tpu.memory_space<semaphore_mem>>) {add = true}
    %dma_wait3A_127 = arith.constant 2 : i32
    %dma_wait3A_128 = arith.constant 2 : i32
    %dma_wait3A_129 = arith.constant 0 : i32
    %dma_wait3A_130 = arith.constant 0 : i32
    %dma_wait3A_131 = tpu.memref_slice %arg9[%dma_wait3A_128, %dma_wait3A_129, %dma_wait3A_130] : memref<4x128x64xf32, #tpu.memory_space<vmem>> -> memref<1x128x64xf32, #tpu.memory_space<vmem>>
    %dma_wait3A_132 = tpu.memref_squeeze %dma_wait3A_131 : memref<1x128x64xf32, #tpu.memory_space<vmem>> -> memref<128x64xf32, #tpu.memory_space<vmem>>
    %dma_wait3A_133 = arith.constant 0 : i32
    %dma_wait3A_134 = tpu.memref_slice %arg7[%dma_wait3A_127, %dma_wait3A_133] : memref<4x128xi32, #tpu.memory_space<vmem>> -> memref<1x128xi32, #tpu.memory_space<vmem>>
    %dma_wait3A_135 = tpu.memref_squeeze %dma_wait3A_134 : memref<1x128xi32, #tpu.memory_space<vmem>> -> memref<128xi32, #tpu.memory_space<vmem>>
    %dma_wait3A_136 = arith.constant 0 : i32
    %dma_wait3A_137 = arith.constant 0 : i32
    %dma_wait3A_138 = tpu.memref_slice %arg2[%dma_wait3A_136, %dma_wait3A_137] : memref<4096x64xf32, #tpu.memory_space<hbm>> -> memref<4096x64xf32, #tpu.memory_space<hbm>>
    tpu.wait_indirect_dma semaphore(%arg13 : memref<!tpu.dma_semaphore, #tpu.memory_space<semaphore_mem>>) src(%dma_wait3A_138 : memref<4096x64xf32, #tpu.memory_space<hbm>>) dst(%dma_wait3A_132 : memref<128x64xf32, #tpu.memory_space<vmem>>)
    %dma_start3A_139 = arith.constant 2 : i32
    %dma_start3A_140 = arith.constant 2 : i32
    %dma_start3A_141 = arith.constant 0 : i32
    %dma_start3A_142 = arith.constant 0 : i32
    %dma_start3A_143 = tpu.memref_slice %arg9[%dma_start3A_139, %dma_start3A_141, %dma_start3A_142] : memref<4x128x64xf32, #tpu.memory_space<vmem>> -> memref<1x128x64xf32, #tpu.memory_space<vmem>>
    %dma_start3A_144 = tpu.memref_squeeze %dma_start3A_143 : memref<1x128x64xf32, #tpu.memory_space<vmem>> -> memref<128x64xf32, #tpu.memory_space<vmem>>
    %dma_start3A_145 = arith.constant 0 : i32
    %dma_start3A_146 = tpu.memref_slice %arg8[%dma_start3A_140, %dma_start3A_145] : memref<4x128xi32, #tpu.memory_space<vmem>> -> memref<1x128xi32, #tpu.memory_space<vmem>>
    %dma_start3A_147 = tpu.memref_squeeze %dma_start3A_146 : memref<1x128xi32, #tpu.memory_space<vmem>> -> memref<128xi32, #tpu.memory_space<vmem>>
    %dma_start3A_148 = arith.constant 0 : i32
    %dma_start3A_149 = arith.constant 0 : i32
    %dma_start3A_150 = tpu.memref_slice %arg6[%dma_start3A_148, %dma_start3A_149] : memref<4096x64xf32, #tpu.memory_space<vmem_shared>> -> memref<4096x64xf32, #tpu.memory_space<vmem_shared>>
    tpu.enqueue_indirect_dma source(%dma_start3A_144 : memref<128x64xf32, #tpu.memory_space<vmem>>) target(%dma_start3A_150 : memref<4096x64xf32, #tpu.memory_space<vmem_shared>>) offsets(%dma_start3A_147 : memref<128xi32, #tpu.memory_space<vmem>>) semaphore(%arg15 : memref<!tpu.dma_semaphore, #tpu.memory_space<semaphore_mem>>) {add = true}
    %dma_wait3A_151 = arith.constant 3 : i32
    %dma_wait3A_152 = arith.constant 3 : i32
    %dma_wait3A_153 = arith.constant 0 : i32
    %dma_wait3A_154 = arith.constant 0 : i32
    %dma_wait3A_155 = tpu.memref_slice %arg9[%dma_wait3A_152, %dma_wait3A_153, %dma_wait3A_154] : memref<4x128x64xf32, #tpu.memory_space<vmem>> -> memref<1x128x64xf32, #tpu.memory_space<vmem>>
    %dma_wait3A_156 = tpu.memref_squeeze %dma_wait3A_155 : memref<1x128x64xf32, #tpu.memory_space<vmem>> -> memref<128x64xf32, #tpu.memory_space<vmem>>
    %dma_wait3A_157 = arith.constant 0 : i32
    %dma_wait3A_158 = tpu.memref_slice %arg7[%dma_wait3A_151, %dma_wait3A_157] : memref<4x128xi32, #tpu.memory_space<vmem>> -> memref<1x128xi32, #tpu.memory_space<vmem>>
    %dma_wait3A_159 = tpu.memref_squeeze %dma_wait3A_158 : memref<1x128xi32, #tpu.memory_space<vmem>> -> memref<128xi32, #tpu.memory_space<vmem>>
    %dma_wait3A_160 = arith.constant 0 : i32
    %dma_wait3A_161 = arith.constant 0 : i32
    %dma_wait3A_162 = tpu.memref_slice %arg2[%dma_wait3A_160, %dma_wait3A_161] : memref<4096x64xf32, #tpu.memory_space<hbm>> -> memref<4096x64xf32, #tpu.memory_space<hbm>>
    tpu.wait_indirect_dma semaphore(%arg14 : memref<!tpu.dma_semaphore, #tpu.memory_space<semaphore_mem>>) src(%dma_wait3A_162 : memref<4096x64xf32, #tpu.memory_space<hbm>>) dst(%dma_wait3A_156 : memref<128x64xf32, #tpu.memory_space<vmem>>)
    %dma_start3A_163 = arith.constant 3 : i32
    %dma_start3A_164 = arith.constant 3 : i32
    %dma_start3A_165 = arith.constant 0 : i32
    %dma_start3A_166 = arith.constant 0 : i32
    %dma_start3A_167 = tpu.memref_slice %arg9[%dma_start3A_163, %dma_start3A_165, %dma_start3A_166] : memref<4x128x64xf32, #tpu.memory_space<vmem>> -> memref<1x128x64xf32, #tpu.memory_space<vmem>>
    %dma_start3A_168 = tpu.memref_squeeze %dma_start3A_167 : memref<1x128x64xf32, #tpu.memory_space<vmem>> -> memref<128x64xf32, #tpu.memory_space<vmem>>
    %dma_start3A_169 = arith.constant 0 : i32
    %dma_start3A_170 = tpu.memref_slice %arg8[%dma_start3A_164, %dma_start3A_169] : memref<4x128xi32, #tpu.memory_space<vmem>> -> memref<1x128xi32, #tpu.memory_space<vmem>>
    %dma_start3A_171 = tpu.memref_squeeze %dma_start3A_170 : memref<1x128xi32, #tpu.memory_space<vmem>> -> memref<128xi32, #tpu.memory_space<vmem>>
    %dma_start3A_172 = arith.constant 0 : i32
    %dma_start3A_173 = arith.constant 0 : i32
    %dma_start3A_174 = tpu.memref_slice %arg6[%dma_start3A_172, %dma_start3A_173] : memref<4096x64xf32, #tpu.memory_space<vmem_shared>> -> memref<4096x64xf32, #tpu.memory_space<vmem_shared>>
    tpu.enqueue_indirect_dma source(%dma_start3A_168 : memref<128x64xf32, #tpu.memory_space<vmem>>) target(%dma_start3A_174 : memref<4096x64xf32, #tpu.memory_space<vmem_shared>>) offsets(%dma_start3A_171 : memref<128xi32, #tpu.memory_space<vmem>>) semaphore(%arg15 : memref<!tpu.dma_semaphore, #tpu.memory_space<semaphore_mem>>) {add = true}
    %dma_wait3A_175 = arith.constant 0 : i32
    %dma_wait3A_176 = arith.constant 0 : i32
    %dma_wait3A_177 = arith.constant 0 : i32
    %dma_wait3A_178 = arith.constant 0 : i32
    %dma_wait3A_179 = tpu.memref_slice %arg9[%dma_wait3A_175, %dma_wait3A_177, %dma_wait3A_178] : memref<4x128x64xf32, #tpu.memory_space<vmem>> -> memref<1x128x64xf32, #tpu.memory_space<vmem>>
    %dma_wait3A_180 = tpu.memref_squeeze %dma_wait3A_179 : memref<1x128x64xf32, #tpu.memory_space<vmem>> -> memref<128x64xf32, #tpu.memory_space<vmem>>
    %dma_wait3A_181 = arith.constant 0 : i32
    %dma_wait3A_182 = tpu.memref_slice %arg8[%dma_wait3A_176, %dma_wait3A_181] : memref<4x128xi32, #tpu.memory_space<vmem>> -> memref<1x128xi32, #tpu.memory_space<vmem>>
    %dma_wait3A_183 = tpu.memref_squeeze %dma_wait3A_182 : memref<1x128xi32, #tpu.memory_space<vmem>> -> memref<128xi32, #tpu.memory_space<vmem>>
    %dma_wait3A_184 = arith.constant 0 : i32
    %dma_wait3A_185 = arith.constant 0 : i32
    %dma_wait3A_186 = tpu.memref_slice %arg6[%dma_wait3A_184, %dma_wait3A_185] : memref<4096x64xf32, #tpu.memory_space<vmem_shared>> -> memref<4096x64xf32, #tpu.memory_space<vmem_shared>>
    tpu.wait_indirect_dma semaphore(%arg15 : memref<!tpu.dma_semaphore, #tpu.memory_space<semaphore_mem>>) src(%dma_wait3A_180 : memref<128x64xf32, #tpu.memory_space<vmem>>) dst(%dma_wait3A_186 : memref<4096x64xf32, #tpu.memory_space<vmem_shared>>)
    %dma_wait3A_187 = arith.constant 1 : i32
    %dma_wait3A_188 = arith.constant 1 : i32
    %dma_wait3A_189 = arith.constant 0 : i32
    %dma_wait3A_190 = arith.constant 0 : i32
    %dma_wait3A_191 = tpu.memref_slice %arg9[%dma_wait3A_187, %dma_wait3A_189, %dma_wait3A_190] : memref<4x128x64xf32, #tpu.memory_space<vmem>> -> memref<1x128x64xf32, #tpu.memory_space<vmem>>
    %dma_wait3A_192 = tpu.memref_squeeze %dma_wait3A_191 : memref<1x128x64xf32, #tpu.memory_space<vmem>> -> memref<128x64xf32, #tpu.memory_space<vmem>>
    %dma_wait3A_193 = arith.constant 0 : i32
    %dma_wait3A_194 = tpu.memref_slice %arg8[%dma_wait3A_188, %dma_wait3A_193] : memref<4x128xi32, #tpu.memory_space<vmem>> -> memref<1x128xi32, #tpu.memory_space<vmem>>
    %dma_wait3A_195 = tpu.memref_squeeze %dma_wait3A_194 : memref<1x128xi32, #tpu.memory_space<vmem>> -> memref<128xi32, #tpu.memory_space<vmem>>
    %dma_wait3A_196 = arith.constant 0 : i32
    %dma_wait3A_197 = arith.constant 0 : i32
    %dma_wait3A_198 = tpu.memref_slice %arg6[%dma_wait3A_196, %dma_wait3A_197] : memref<4096x64xf32, #tpu.memory_space<vmem_shared>> -> memref<4096x64xf32, #tpu.memory_space<vmem_shared>>
    tpu.wait_indirect_dma semaphore(%arg15 : memref<!tpu.dma_semaphore, #tpu.memory_space<semaphore_mem>>) src(%dma_wait3A_192 : memref<128x64xf32, #tpu.memory_space<vmem>>) dst(%dma_wait3A_198 : memref<4096x64xf32, #tpu.memory_space<vmem_shared>>)
    %dma_wait3A_199 = arith.constant 2 : i32
    %dma_wait3A_200 = arith.constant 2 : i32
    %dma_wait3A_201 = arith.constant 0 : i32
    %dma_wait3A_202 = arith.constant 0 : i32
    %dma_wait3A_203 = tpu.memref_slice %arg9[%dma_wait3A_199, %dma_wait3A_201, %dma_wait3A_202] : memref<4x128x64xf32, #tpu.memory_space<vmem>> -> memref<1x128x64xf32, #tpu.memory_space<vmem>>
    %dma_wait3A_204 = tpu.memref_squeeze %dma_wait3A_203 : memref<1x128x64xf32, #tpu.memory_space<vmem>> -> memref<128x64xf32, #tpu.memory_space<vmem>>
    %dma_wait3A_205 = arith.constant 0 : i32
    %dma_wait3A_206 = tpu.memref_slice %arg8[%dma_wait3A_200, %dma_wait3A_205] : memref<4x128xi32, #tpu.memory_space<vmem>> -> memref<1x128xi32, #tpu.memory_space<vmem>>
    %dma_wait3A_207 = tpu.memref_squeeze %dma_wait3A_206 : memref<1x128xi32, #tpu.memory_space<vmem>> -> memref<128xi32, #tpu.memory_space<vmem>>
    %dma_wait3A_208 = arith.constant 0 : i32
    %dma_wait3A_209 = arith.constant 0 : i32
    %dma_wait3A_210 = tpu.memref_slice %arg6[%dma_wait3A_208, %dma_wait3A_209] : memref<4096x64xf32, #tpu.memory_space<vmem_shared>> -> memref<4096x64xf32, #tpu.memory_space<vmem_shared>>
    tpu.wait_indirect_dma semaphore(%arg15 : memref<!tpu.dma_semaphore, #tpu.memory_space<semaphore_mem>>) src(%dma_wait3A_204 : memref<128x64xf32, #tpu.memory_space<vmem>>) dst(%dma_wait3A_210 : memref<4096x64xf32, #tpu.memory_space<vmem_shared>>)
    %dma_wait3A_211 = arith.constant 3 : i32
    %dma_wait3A_212 = arith.constant 3 : i32
    %dma_wait3A_213 = arith.constant 0 : i32
    %dma_wait3A_214 = arith.constant 0 : i32
    %dma_wait3A_215 = tpu.memref_slice %arg9[%dma_wait3A_211, %dma_wait3A_213, %dma_wait3A_214] : memref<4x128x64xf32, #tpu.memory_space<vmem>> -> memref<1x128x64xf32, #tpu.memory_space<vmem>>
    %dma_wait3A_216 = tpu.memref_squeeze %dma_wait3A_215 : memref<1x128x64xf32, #tpu.memory_space<vmem>> -> memref<128x64xf32, #tpu.memory_space<vmem>>
    %dma_wait3A_217 = arith.constant 0 : i32
    %dma_wait3A_218 = tpu.memref_slice %arg8[%dma_wait3A_212, %dma_wait3A_217] : memref<4x128xi32, #tpu.memory_space<vmem>> -> memref<1x128xi32, #tpu.memory_space<vmem>>
    %dma_wait3A_219 = tpu.memref_squeeze %dma_wait3A_218 : memref<1x128xi32, #tpu.memory_space<vmem>> -> memref<128xi32, #tpu.memory_space<vmem>>
    %dma_wait3A_220 = arith.constant 0 : i32
    %dma_wait3A_221 = arith.constant 0 : i32
    %dma_wait3A_222 = tpu.memref_slice %arg6[%dma_wait3A_220, %dma_wait3A_221] : memref<4096x64xf32, #tpu.memory_space<vmem_shared>> -> memref<4096x64xf32, #tpu.memory_space<vmem_shared>>
    tpu.wait_indirect_dma semaphore(%arg15 : memref<!tpu.dma_semaphore, #tpu.memory_space<semaphore_mem>>) src(%dma_wait3A_216 : memref<128x64xf32, #tpu.memory_space<vmem>>) dst(%dma_wait3A_222 : memref<4096x64xf32, #tpu.memory_space<vmem_shared>>)
    %barrier3A_223 = arith.constant 0 : index
    tpu.barrier barrier_id(%barrier3A_223)
    "tpu.region"() ({
      %run_scoped3A_224 = tpu.sem_alloc : memref<!tpu.dma_semaphore, #tpu.memory_space<semaphore_mem>>
      %dma_start3A_225 = arith.constant 0 : i32
      %dma_start3A_226 = tpu.memref_slice %arg5[%arg0, %mul3A_0, %dma_start3A_225] : memref<2x4096x64xf32, #tpu.memory_space<hbm>> -> memref<1x256x64xf32, #tpu.memory_space<hbm>>
      %dma_start3A_227 = tpu.memref_squeeze %dma_start3A_226 : memref<1x256x64xf32, #tpu.memory_space<hbm>> -> memref<256x64xf32, #tpu.memory_space<hbm>>
      %dma_start3A_228 = arith.constant 0 : i32
      %dma_start3A_229 = tpu.memref_slice %arg6[%mul3A_0, %dma_start3A_228] : memref<4096x64xf32, #tpu.memory_space<vmem_shared>> -> memref<256x64xf32, #tpu.memory_space<vmem_shared>>
      tpu.enqueue_dma source(%dma_start3A_229 : memref<256x64xf32, #tpu.memory_space<vmem_shared>>) target(%dma_start3A_227 : memref<256x64xf32, #tpu.memory_space<hbm>>) target_semaphore(%run_scoped3A_224 : memref<!tpu.dma_semaphore, #tpu.memory_space<semaphore_mem>>)
      %dma_wait3A_230 = arith.constant 0 : i32
      %dma_wait3A_231 = tpu.memref_slice %arg5[%arg0, %mul3A_0, %dma_wait3A_230] : memref<2x4096x64xf32, #tpu.memory_space<hbm>> -> memref<1x256x64xf32, #tpu.memory_space<hbm>>
      %dma_wait3A_232 = tpu.memref_squeeze %dma_wait3A_231 : memref<1x256x64xf32, #tpu.memory_space<hbm>> -> memref<256x64xf32, #tpu.memory_space<hbm>>
      %dma_wait3A_233 = arith.constant 0 : i32
      %dma_wait3A_234 = tpu.memref_slice %arg6[%mul3A_0, %dma_wait3A_233] : memref<4096x64xf32, #tpu.memory_space<vmem_shared>> -> memref<256x64xf32, #tpu.memory_space<vmem_shared>>
      tpu.wait_dma2 semaphore(%run_scoped3A_224 : memref<!tpu.dma_semaphore, #tpu.memory_space<semaphore_mem>>) src(%dma_wait3A_234 : memref<256x64xf32, #tpu.memory_space<vmem_shared>>) dst(%dma_wait3A_232 : memref<256x64xf32, #tpu.memory_space<hbm>>)
      tpu.yield
    }) : () -> ()
    return
  }
}

module attributes {stable_mosaic.version = 14 : i64} {
  func.func @_tc_first_body(%arg0: memref<4096x78xf32, #tpu.memory_space<vmem>>, %arg1: memref<78x64xf32, #tpu.memory_space<vmem>>, %arg2: memref<2x4096x16xf32, #tpu.memory_space<vmem>>, %arg3: memref<4096x64xf32, #tpu.memory_space<vmem>>) attributes {dimension_semantics = [], scalar_prefetch = 0 : i64, scratch_operands = 0 : i64, tpu.core_type = #tpu.core_type<tc>} {
    %get3A = arith.constant 0 : index
    %get3A_0 = arith.constant 0 : index
    %get3A_1 = vector.load %arg0[%get3A, %get3A_0] : memref<4096x78xf32, #tpu.memory_space<vmem>>, vector<4096x78xf32>
    %get3A_2 = arith.constant 0 : index
    %get3A_3 = arith.constant 0 : index
    %get3A_4 = vector.load %arg1[%get3A_2, %get3A_3] : memref<78x64xf32, #tpu.memory_space<vmem>>, vector<78x64xf32>
    %dot_general3A = arith.constant dense<0.000000e+00> : vector<4096x64xf32>
    %dot_general3A_5 = tpu.matmul %get3A_1, %get3A_4, %dot_general3A {dimension_numbers = #tpu.dot_dimension_numbers<[1], [0], [0], [1], [0, 0, 1, 1], [], []>, transpose_lhs_hint = false} : vector<4096x78xf32>, vector<78x64xf32>, vector<4096x64xf32> -> vector<4096x64xf32>
    %get3A_6 = arith.constant 0 : index
    %get3A_7 = arith.constant 0 : index
    %get3A_8 = arith.constant 0 : index
    %get3A_9 = vector.load %arg2[%get3A_6, %get3A_7, %get3A_8] : memref<2x4096x16xf32, #tpu.memory_space<vmem>>, vector<2x4096x16xf32>
    %slice3A = vector.extract_strided_slice %get3A_9 {offsets = [0, 0, 0], sizes = [1, 4096, 1], strides = [1, 1, 1]} : vector<2x4096x16xf32> to vector<1x4096x1xf32>
    %squeeze3A = vector.shape_cast %slice3A : vector<1x4096x1xf32> to vector<4096xf32>
    %slice3A_10 = vector.extract_strided_slice %get3A_9 {offsets = [1, 0, 0], sizes = [1, 4096, 1], strides = [1, 1, 1]} : vector<2x4096x16xf32> to vector<1x4096x1xf32>
    %squeeze3A_11 = vector.shape_cast %slice3A_10 : vector<1x4096x1xf32> to vector<4096xf32>
    %add3A = arith.addf %squeeze3A, %squeeze3A_11 : vector<4096xf32>
    %add3A_12 = arith.constant 1.000000e+00 : f32
    %add3A_13 = vector.broadcast %add3A_12 : f32 to vector<4096xf32>
    %add3A_14 = arith.addf %add3A, %add3A_13 : vector<4096xf32>
    %max3A = arith.constant 1.000000e+00 : f32
    %max3A_15 = vector.broadcast %max3A : f32 to vector<4096xf32>
    %max3A_16 = arith.maximumf %add3A_14, %max3A_15 : vector<4096xf32>
    %rsqrt3A = math.rsqrt %max3A_16 : vector<4096xf32>
    %broadcast_in_dim3A = vector.shape_cast %rsqrt3A : vector<4096xf32> to vector<4096x1xf32>
    %mul3A = vector.broadcast %broadcast_in_dim3A : vector<4096x1xf32> to vector<4096x64xf32>
    %mul3A_17 = arith.mulf %dot_general3A_5, %mul3A : vector<4096x64xf32>
    %swap3A = arith.constant 0 : index
    %swap3A_18 = arith.constant 0 : index
    %swap3A_19 = vector.load %arg3[%swap3A, %swap3A_18] : memref<4096x64xf32, #tpu.memory_space<vmem>>, vector<4096x64xf32>
    tpu.vector_store %arg3[%swap3A, %swap3A_18], %mul3A_17 {strides = array<i32>} : memref<4096x64xf32, #tpu.memory_space<vmem>>, vector<4096x64xf32>,
    return
  }
}

module attributes {stable_mosaic.version = 14 : i64} {
  func.func @_tc_mid_body(%arg0: memref<2x4096x64xf32, #tpu.memory_space<vmem>>, %arg1: memref<4096x64xf32, #tpu.memory_space<vmem>>, %arg2: memref<1x64xf32, #tpu.memory_space<vmem>>, %arg3: memref<64x64xf32, #tpu.memory_space<vmem>>, %arg4: memref<2x4096x16xf32, #tpu.memory_space<vmem>>, %arg5: memref<4096x64xf32, #tpu.memory_space<vmem>>) attributes {dimension_semantics = [], scalar_prefetch = 0 : i64, scratch_operands = 0 : i64, tpu.core_type = #tpu.core_type<tc>} {
    %get3A = arith.constant 0 : index
    %get3A_0 = arith.constant 0 : index
    %get3A_1 = arith.constant 0 : index
    %get3A_2 = vector.load %arg4[%get3A, %get3A_0, %get3A_1] : memref<2x4096x16xf32, #tpu.memory_space<vmem>>, vector<2x4096x16xf32>
    %slice3A = vector.extract_strided_slice %get3A_2 {offsets = [0, 0, 0], sizes = [1, 4096, 1], strides = [1, 1, 1]} : vector<2x4096x16xf32> to vector<1x4096x1xf32>
    %squeeze3A = vector.shape_cast %slice3A : vector<1x4096x1xf32> to vector<4096xf32>
    %slice3A_3 = vector.extract_strided_slice %get3A_2 {offsets = [1, 0, 0], sizes = [1, 4096, 1], strides = [1, 1, 1]} : vector<2x4096x16xf32> to vector<1x4096x1xf32>
    %squeeze3A_4 = vector.shape_cast %slice3A_3 : vector<1x4096x1xf32> to vector<4096xf32>
    %add3A = arith.addf %squeeze3A, %squeeze3A_4 : vector<4096xf32>
    %add3A_5 = arith.constant 1.000000e+00 : f32
    %add3A_6 = vector.broadcast %add3A_5 : f32 to vector<4096xf32>
    %add3A_7 = arith.addf %add3A, %add3A_6 : vector<4096xf32>
    %max3A = arith.constant 1.000000e+00 : f32
    %max3A_8 = vector.broadcast %max3A : f32 to vector<4096xf32>
    %max3A_9 = arith.maximumf %add3A_7, %max3A_8 : vector<4096xf32>
    %rsqrt3A = math.rsqrt %max3A_9 : vector<4096xf32>
    %get3A_10 = arith.constant 0 : index
    %get3A_11 = arith.constant 0 : index
    %get3A_12 = arith.constant 0 : index
    %get3A_13 = vector.load %arg0[%get3A_10, %get3A_11, %get3A_12] : memref<2x4096x64xf32, #tpu.memory_space<vmem>>, vector<2x4096x64xf32>
    %broadcast_in_dim3A = vector.shape_cast %rsqrt3A : vector<4096xf32> to vector<4096x1xf32>
    %slice3A_14 = vector.extract_strided_slice %get3A_13 {offsets = [0, 0, 0], sizes = [1, 4096, 64], strides = [1, 1, 1]} : vector<2x4096x64xf32> to vector<1x4096x64xf32>
    %squeeze3A_15 = vector.shape_cast %slice3A_14 : vector<1x4096x64xf32> to vector<4096x64xf32>
    %slice3A_16 = vector.extract_strided_slice %get3A_13 {offsets = [1, 0, 0], sizes = [1, 4096, 64], strides = [1, 1, 1]} : vector<2x4096x64xf32> to vector<1x4096x64xf32>
    %squeeze3A_17 = vector.shape_cast %slice3A_16 : vector<1x4096x64xf32> to vector<4096x64xf32>
    %add3A_18 = arith.addf %squeeze3A_15, %squeeze3A_17 : vector<4096x64xf32>
    %get3A_19 = arith.constant 0 : index
    %get3A_20 = arith.constant 0 : index
    %get3A_21 = vector.load %arg1[%get3A_19, %get3A_20] : memref<4096x64xf32, #tpu.memory_space<vmem>>, vector<4096x64xf32>
    %add3A_22 = arith.addf %add3A_18, %get3A_21 : vector<4096x64xf32>
    %mul3A = vector.broadcast %broadcast_in_dim3A : vector<4096x1xf32> to vector<4096x64xf32>
    %mul3A_23 = arith.mulf %mul3A, %add3A_22 : vector<4096x64xf32>
    %get3A_24 = arith.constant 0 : index
    %get3A_25 = arith.constant 0 : index
    %get3A_26 = vector.load %arg2[%get3A_24, %get3A_25] : memref<1x64xf32, #tpu.memory_space<vmem>>, vector<1x64xf32>
    %add3A_27 = vector.broadcast %get3A_26 : vector<1x64xf32> to vector<4096x64xf32>
    %add3A_28 = arith.addf %mul3A_23, %add3A_27 : vector<4096x64xf32>
    %max3A_29 = arith.constant 0.000000e+00 : f32
    %max3A_30 = vector.broadcast %max3A_29 : f32 to vector<4096x64xf32>
    %max3A_31 = arith.maximumf %add3A_28, %max3A_30 : vector<4096x64xf32>
    %get3A_32 = arith.constant 0 : index
    %get3A_33 = arith.constant 0 : index
    %get3A_34 = vector.load %arg3[%get3A_32, %get3A_33] : memref<64x64xf32, #tpu.memory_space<vmem>>, vector<64x64xf32>
    %dot_general3A = arith.constant dense<0.000000e+00> : vector<4096x64xf32>
    %dot_general3A_35 = tpu.matmul %max3A_31, %get3A_34, %dot_general3A {dimension_numbers = #tpu.dot_dimension_numbers<[1], [0], [0], [1], [0, 0, 1, 1], [], []>, transpose_lhs_hint = false} : vector<4096x64xf32>, vector<64x64xf32>, vector<4096x64xf32> -> vector<4096x64xf32>
    %broadcast_in_dim3A_36 = vector.shape_cast %rsqrt3A : vector<4096xf32> to vector<4096x1xf32>
    %mul3A_37 = vector.broadcast %broadcast_in_dim3A_36 : vector<4096x1xf32> to vector<4096x64xf32>
    %mul3A_38 = arith.mulf %dot_general3A_35, %mul3A_37 : vector<4096x64xf32>
    %swap3A = arith.constant 0 : index
    %swap3A_39 = arith.constant 0 : index
    %swap3A_40 = vector.load %arg5[%swap3A, %swap3A_39] : memref<4096x64xf32, #tpu.memory_space<vmem>>, vector<4096x64xf32>
    tpu.vector_store %arg5[%swap3A, %swap3A_39], %mul3A_38 {strides = array<i32>} : memref<4096x64xf32, #tpu.memory_space<vmem>>, vector<4096x64xf32>,
    return
  }
}

module attributes {stable_mosaic.version = 14 : i64} {
  func.func @_tc_cnn_body(%arg0: i32, %arg1: memref<1x2x512xi32, #tpu.memory_space<vmem>>, %arg2: memref<32x128xf32, #tpu.memory_space<vmem>>, %arg3: memref<4x128x64xf32, #tpu.memory_space<vmem>>, %arg4: memref<1x64xf32, #tpu.memory_space<vmem>>, %arg5: memref<8x64x64xf32, #tpu.memory_space<vmem>>, %arg6: memref<1x64xf32, #tpu.memory_space<vmem>>, %arg7: memref<12x64x64xf32, #tpu.memory_space<vmem>>, %arg8: memref<1x64xf32, #tpu.memory_space<vmem>>, %arg9: memref<1x2x64xf32, #tpu.memory_space<vmem>>) attributes {dimension_semantics = [#tpu.dimension_semantics<arbitrary>], iteration_bounds = array<i64: 8>, scalar_prefetch = 0 : i64, scratch_operands = 0 : i64, tpu.core_type = #tpu.core_type<tc>, window_params = [{transform_indices = @transform_0, window_bounds = array<i64: 1, 2, 512>}, {pipeline_mode = #tpu.pipeline_mode<synchronous>, transform_indices = @transform_1, window_bounds = array<i64: 32, 128>}, {pipeline_mode = #tpu.pipeline_mode<synchronous>, transform_indices = @transform_2, window_bounds = array<i64: 4, 128, 64>}, {pipeline_mode = #tpu.pipeline_mode<synchronous>, transform_indices = @transform_3, window_bounds = array<i64: 1, 64>}, {pipeline_mode = #tpu.pipeline_mode<synchronous>, transform_indices = @transform_4, window_bounds = array<i64: 8, 64, 64>}, {pipeline_mode = #tpu.pipeline_mode<synchronous>, transform_indices = @transform_5, window_bounds = array<i64: 1, 64>}, {pipeline_mode = #tpu.pipeline_mode<synchronous>, transform_indices = @transform_6, window_bounds = array<i64: 12, 64, 64>}, {pipeline_mode = #tpu.pipeline_mode<synchronous>, transform_indices = @transform_7, window_bounds = array<i64: 1, 64>}, {transform_indices = @transform_8, window_bounds = array<i64: 1, 2, 64>}]} {
    %get3A = arith.constant 0 : index
    %get3A_0 = arith.constant 0 : index
    %get3A_1 = arith.constant 0 : index
    %get3A_2 = vector.load %arg1[%get3A, %get3A_0, %get3A_1] : memref<1x2x512xi32, #tpu.memory_space<vmem>>, vector<1x2x512xi32>
    %get3A_3 = vector.shape_cast %get3A_2 : vector<1x2x512xi32> to vector<2x512xi32>
    %broadcast_in_dim3A = vector.shape_cast %get3A_3 : vector<2x512xi32> to vector<2x512x1xi32>
    %iota3A = tpu.iota {dimensions = array<i32: 2>} : vector<2x512x32xi32>
    %eq3A = vector.broadcast %broadcast_in_dim3A : vector<2x512x1xi32> to vector<2x512x32xi32>
    %eq3A_4 = arith.cmpi eq, %eq3A, %iota3A : vector<2x512x32xi32>
    %convert_element_type3A = arith.extui %eq3A_4 : vector<2x512x32xi1> to vector<2x512x32xi32>
    %convert_element_type3A_5 = arith.sitofp %convert_element_type3A : vector<2x512x32xi32> to vector<2x512x32xf32>
    %reshape3A = vector.shape_cast %convert_element_type3A_5 : vector<2x512x32xf32> to vector<1024x32xf32>
    %get3A_6 = arith.constant 0 : index
    %get3A_7 = arith.constant 0 : index
    %get3A_8 = vector.load %arg2[%get3A_6, %get3A_7] : memref<32x128xf32, #tpu.memory_space<vmem>>, vector<32x128xf32>
    %dot_general3A = arith.constant dense<0.000000e+00> : vector<1024x128xf32>
    %dot_general3A_9 = tpu.matmul %reshape3A, %get3A_8, %dot_general3A {dimension_numbers = #tpu.dot_dimension_numbers<[1], [0], [0], [1], [0, 0, 1, 1], [], []>, transpose_lhs_hint = false} : vector<1024x32xf32>, vector<32x128xf32>, vector<1024x128xf32> -> vector<1024x128xf32>
    %broadcast_in_dim3A_10 = arith.constant 0.000000e+00 : f32
    %broadcast_in_dim3A_11 = vector.broadcast %broadcast_in_dim3A_10 : f32 to vector<2x8x128xf32>
    %reshape3A_12 = vector.shape_cast %dot_general3A_9 : vector<1024x128xf32> to vector<2x512x128xf32>
    %broadcast_in_dim3A_13 = arith.constant 0.000000e+00 : f32
    %broadcast_in_dim3A_14 = vector.broadcast %broadcast_in_dim3A_13 : f32 to vector<2x16x128xf32>
    %concatenate3A = tpu.concatenate %broadcast_in_dim3A_11, %reshape3A_12, %broadcast_in_dim3A_14 in 1 : vector<2x8x128xf32>, vector<2x512x128xf32>, vector<2x16x128xf32> -> vector<2x536x128xf32>
    %reshape3A_15 = vector.shape_cast %concatenate3A : vector<2x536x128xf32> to vector<1072x128xf32>
    %iota3A_16 = tpu.iota {dimensions = array<i32: 0>} : vector<1072x1xi32>
    %rem3A = arith.constant 536 : i32
    %rem3A_17 = vector.broadcast %rem3A : i32 to vector<1072x1xi32>
    %rem3A_18 = arith.remsi %iota3A_16, %rem3A_17 : vector<1072x1xi32>
    %get3A_19 = arith.constant 0 : index
    %get3A_20 = arith.constant 0 : index
    %get3A_21 = vector.load %arg4[%get3A_19, %get3A_20] : memref<1x64xf32, #tpu.memory_space<vmem>>, vector<1x64xf32>
    %get3A_22 = arith.constant 0 : index
    %get3A_23 = arith.constant 0 : index
    %get3A_24 = arith.constant 0 : index
    %get3A_25 = vector.load %arg3[%get3A_22, %get3A_23, %get3A_24] : memref<4x128x64xf32, #tpu.memory_space<vmem>>, vector<4x128x64xf32>
    %slice3A = vector.extract_strided_slice %reshape3A_15 {offsets = [1, 0], sizes = [1071, 128], strides = [1, 1]} : vector<1072x128xf32> to vector<1071x128xf32>
    %slice3A_26 = vector.extract_strided_slice %reshape3A_15 {offsets = [0, 0], sizes = [1, 128], strides = [1, 1]} : vector<1072x128xf32> to vector<1x128xf32>
    %concatenate3A_27 = tpu.concatenate %slice3A, %slice3A_26 in 0 : vector<1071x128xf32>, vector<1x128xf32> -> vector<1072x128xf32>
    %slice3A_28 = vector.extract_strided_slice %concatenate3A_27 {offsets = [1, 0], sizes = [1071, 128], strides = [1, 1]} : vector<1072x128xf32> to vector<1071x128xf32>
    %slice3A_29 = vector.extract_strided_slice %concatenate3A_27 {offsets = [0, 0], sizes = [1, 128], strides = [1, 1]} : vector<1072x128xf32> to vector<1x128xf32>
    %concatenate3A_30 = tpu.concatenate %slice3A_28, %slice3A_29 in 0 : vector<1071x128xf32>, vector<1x128xf32> -> vector<1072x128xf32>
    %slice3A_31 = vector.extract_strided_slice %concatenate3A_30 {offsets = [1, 0], sizes = [1071, 128], strides = [1, 1]} : vector<1072x128xf32> to vector<1071x128xf32>
    %slice3A_32 = vector.extract_strided_slice %concatenate3A_30 {offsets = [0, 0], sizes = [1, 128], strides = [1, 1]} : vector<1072x128xf32> to vector<1x128xf32>
    %concatenate3A_33 = tpu.concatenate %slice3A_31, %slice3A_32 in 0 : vector<1071x128xf32>, vector<1x128xf32> -> vector<1072x128xf32>
    %broadcast_in_dim3A_34 = arith.constant 0.000000e+00 : f32
    %broadcast_in_dim3A_35 = vector.broadcast %broadcast_in_dim3A_34 : f32 to vector<1072x64xf32>
    %broadcast_in_dim3A_36 = arith.constant 0.000000e+00 : f32
    %broadcast_in_dim3A_37 = vector.broadcast %broadcast_in_dim3A_36 : f32 to vector<1072x64xf32>
    %slice3A_38 = vector.extract_strided_slice %get3A_25 {offsets = [0, 0, 0], sizes = [1, 128, 64], strides = [1, 1, 1]} : vector<4x128x64xf32> to vector<1x128x64xf32>
    %squeeze3A = vector.shape_cast %slice3A_38 : vector<1x128x64xf32> to vector<128x64xf32>
    %dot_general3A_39 = arith.constant dense<0.000000e+00> : vector<1072x64xf32>
    %dot_general3A_40 = tpu.matmul %reshape3A_15, %squeeze3A, %dot_general3A_39 {dimension_numbers = #tpu.dot_dimension_numbers<[1], [0], [0], [1], [0, 0, 1, 1], [], []>, transpose_lhs_hint = false} : vector<1072x128xf32>, vector<128x64xf32>, vector<1072x64xf32> -> vector<1072x64xf32>
    %add3A = arith.addf %broadcast_in_dim3A_37, %dot_general3A_40 : vector<1072x64xf32>
    %slice3A_41 = vector.extract_strided_slice %get3A_25 {offsets = [1, 0, 0], sizes = [1, 128, 64], strides = [1, 1, 1]} : vector<4x128x64xf32> to vector<1x128x64xf32>
    %squeeze3A_42 = vector.shape_cast %slice3A_41 : vector<1x128x64xf32> to vector<128x64xf32>
    %dot_general3A_43 = arith.constant dense<0.000000e+00> : vector<1072x64xf32>
    %dot_general3A_44 = tpu.matmul %concatenate3A_27, %squeeze3A_42, %dot_general3A_43 {dimension_numbers = #tpu.dot_dimension_numbers<[1], [0], [0], [1], [0, 0, 1, 1], [], []>, transpose_lhs_hint = false} : vector<1072x128xf32>, vector<128x64xf32>, vector<1072x64xf32> -> vector<1072x64xf32>
    %add3A_45 = arith.addf %add3A, %dot_general3A_44 : vector<1072x64xf32>
    %slice3A_46 = vector.extract_strided_slice %get3A_25 {offsets = [2, 0, 0], sizes = [1, 128, 64], strides = [1, 1, 1]} : vector<4x128x64xf32> to vector<1x128x64xf32>
    %squeeze3A_47 = vector.shape_cast %slice3A_46 : vector<1x128x64xf32> to vector<128x64xf32>
    %dot_general3A_48 = arith.constant dense<0.000000e+00> : vector<1072x64xf32>
    %dot_general3A_49 = tpu.matmul %concatenate3A_30, %squeeze3A_47, %dot_general3A_48 {dimension_numbers = #tpu.dot_dimension_numbers<[1], [0], [0], [1], [0, 0, 1, 1], [], []>, transpose_lhs_hint = false} : vector<1072x128xf32>, vector<128x64xf32>, vector<1072x64xf32> -> vector<1072x64xf32>
    %add3A_50 = arith.addf %add3A_45, %dot_general3A_49 : vector<1072x64xf32>
    %slice3A_51 = vector.extract_strided_slice %get3A_25 {offsets = [3, 0, 0], sizes = [1, 128, 64], strides = [1, 1, 1]} : vector<4x128x64xf32> to vector<1x128x64xf32>
    %squeeze3A_52 = vector.shape_cast %slice3A_51 : vector<1x128x64xf32> to vector<128x64xf32>
    %dot_general3A_53 = arith.constant dense<0.000000e+00> : vector<1072x64xf32>
    %dot_general3A_54 = tpu.matmul %concatenate3A_33, %squeeze3A_52, %dot_general3A_53 {dimension_numbers = #tpu.dot_dimension_numbers<[1], [0], [0], [1], [0, 0, 1, 1], [], []>, transpose_lhs_hint = false} : vector<1072x128xf32>, vector<128x64xf32>, vector<1072x64xf32> -> vector<1072x64xf32>
    %add3A_55 = arith.addf %add3A_50, %dot_general3A_54 : vector<1072x64xf32>
    %slice3A_56 = vector.extract_strided_slice %add3A_55 {offsets = [1070, 0], sizes = [2, 64], strides = [1, 1]} : vector<1072x64xf32> to vector<2x64xf32>
    %slice3A_57 = vector.extract_strided_slice %add3A_55 {offsets = [0, 0], sizes = [1070, 64], strides = [1, 1]} : vector<1072x64xf32> to vector<1070x64xf32>
    %concatenate3A_58 = tpu.concatenate %slice3A_56, %slice3A_57 in 0 : vector<2x64xf32>, vector<1070x64xf32> -> vector<1072x64xf32>
    %add3A_59 = arith.addf %broadcast_in_dim3A_35, %concatenate3A_58 : vector<1072x64xf32>
    %add3A_60 = vector.broadcast %get3A_21 : vector<1x64xf32> to vector<1072x64xf32>
    %add3A_61 = arith.addf %add3A_59, %add3A_60 : vector<1072x64xf32>
    %max3A = arith.constant 0.000000e+00 : f32
    %max3A_62 = vector.broadcast %max3A : f32 to vector<1072x64xf32>
    %max3A_63 = arith.maximumf %add3A_61, %max3A_62 : vector<1072x64xf32>
    %ge3A = arith.constant 8 : i32
    %ge3A_64 = vector.broadcast %ge3A : i32 to vector<1072x1xi32>
    %ge3A_65 = arith.cmpi sge, %rem3A_18, %ge3A_64 : vector<1072x1xi32>
    %lt3A = arith.constant 521 : i32
    %lt3A_66 = vector.broadcast %lt3A : i32 to vector<1072x1xi32>
    %lt3A_67 = arith.cmpi slt, %rem3A_18, %lt3A_66 : vector<1072x1xi32>
    %and3A = arith.andi %ge3A_65, %lt3A_67 : vector<1072x1xi1>
    %jit3A = arith.constant 0.000000e+00 : f32
    %broadcast_in_dim3A_68 = vector.shape_cast %and3A : vector<1072x1xi1> to vector<1072x1xi1>
    %broadcast_in_dim3A_69 = vector.broadcast %broadcast_in_dim3A_68 : vector<1072x1xi1> to vector<1072x64xi1>
    %broadcast_in_dim3A_70 = vector.broadcast %jit3A : f32 to vector<1072x64xf32>
    %select_n3A = arith.select %broadcast_in_dim3A_69, %max3A_63, %broadcast_in_dim3A_70 : vector<1072x64xi1>, vector<1072x64xf32>
    %get3A_71 = arith.constant 0 : index
    %get3A_72 = arith.constant 0 : index
    %get3A_73 = vector.load %arg6[%get3A_71, %get3A_72] : memref<1x64xf32, #tpu.memory_space<vmem>>, vector<1x64xf32>
    %get3A_74 = arith.constant 0 : index
    %get3A_75 = arith.constant 0 : index
    %get3A_76 = arith.constant 0 : index
    %get3A_77 = vector.load %arg5[%get3A_74, %get3A_75, %get3A_76] : memref<8x64x64xf32, #tpu.memory_space<vmem>>, vector<8x64x64xf32>
    %slice3A_78 = vector.extract_strided_slice %select_n3A {offsets = [1, 0], sizes = [1071, 64], strides = [1, 1]} : vector<1072x64xf32> to vector<1071x64xf32>
    %slice3A_79 = vector.extract_strided_slice %select_n3A {offsets = [0, 0], sizes = [1, 64], strides = [1, 1]} : vector<1072x64xf32> to vector<1x64xf32>
    %concatenate3A_80 = tpu.concatenate %slice3A_78, %slice3A_79 in 0 : vector<1071x64xf32>, vector<1x64xf32> -> vector<1072x64xf32>
    %slice3A_81 = vector.extract_strided_slice %concatenate3A_80 {offsets = [1, 0], sizes = [1071, 64], strides = [1, 1]} : vector<1072x64xf32> to vector<1071x64xf32>
    %slice3A_82 = vector.extract_strided_slice %concatenate3A_80 {offsets = [0, 0], sizes = [1, 64], strides = [1, 1]} : vector<1072x64xf32> to vector<1x64xf32>
    %concatenate3A_83 = tpu.concatenate %slice3A_81, %slice3A_82 in 0 : vector<1071x64xf32>, vector<1x64xf32> -> vector<1072x64xf32>
    %slice3A_84 = vector.extract_strided_slice %concatenate3A_83 {offsets = [1, 0], sizes = [1071, 64], strides = [1, 1]} : vector<1072x64xf32> to vector<1071x64xf32>
    %slice3A_85 = vector.extract_strided_slice %concatenate3A_83 {offsets = [0, 0], sizes = [1, 64], strides = [1, 1]} : vector<1072x64xf32> to vector<1x64xf32>
    %concatenate3A_86 = tpu.concatenate %slice3A_84, %slice3A_85 in 0 : vector<1071x64xf32>, vector<1x64xf32> -> vector<1072x64xf32>
    %broadcast_in_dim3A_87 = arith.constant 0.000000e+00 : f32
    %broadcast_in_dim3A_88 = vector.broadcast %broadcast_in_dim3A_87 : f32 to vector<1072x64xf32>
    %broadcast_in_dim3A_89 = arith.constant 0.000000e+00 : f32
    %broadcast_in_dim3A_90 = vector.broadcast %broadcast_in_dim3A_89 : f32 to vector<1072x64xf32>
    %slice3A_91 = vector.extract_strided_slice %get3A_77 {offsets = [0, 0, 0], sizes = [1, 64, 64], strides = [1, 1, 1]} : vector<8x64x64xf32> to vector<1x64x64xf32>
    %squeeze3A_92 = vector.shape_cast %slice3A_91 : vector<1x64x64xf32> to vector<64x64xf32>
    %dot_general3A_93 = arith.constant dense<0.000000e+00> : vector<1072x64xf32>
    %dot_general3A_94 = tpu.matmul %select_n3A, %squeeze3A_92, %dot_general3A_93 {dimension_numbers = #tpu.dot_dimension_numbers<[1], [0], [0], [1], [0, 0, 1, 1], [], []>, transpose_lhs_hint = false} : vector<1072x64xf32>, vector<64x64xf32>, vector<1072x64xf32> -> vector<1072x64xf32>
    %add3A_95 = arith.addf %broadcast_in_dim3A_90, %dot_general3A_94 : vector<1072x64xf32>
    %slice3A_96 = vector.extract_strided_slice %get3A_77 {offsets = [1, 0, 0], sizes = [1, 64, 64], strides = [1, 1, 1]} : vector<8x64x64xf32> to vector<1x64x64xf32>
    %squeeze3A_97 = vector.shape_cast %slice3A_96 : vector<1x64x64xf32> to vector<64x64xf32>
    %dot_general3A_98 = arith.constant dense<0.000000e+00> : vector<1072x64xf32>
    %dot_general3A_99 = tpu.matmul %concatenate3A_80, %squeeze3A_97, %dot_general3A_98 {dimension_numbers = #tpu.dot_dimension_numbers<[1], [0], [0], [1], [0, 0, 1, 1], [], []>, transpose_lhs_hint = false} : vector<1072x64xf32>, vector<64x64xf32>, vector<1072x64xf32> -> vector<1072x64xf32>
    %add3A_100 = arith.addf %add3A_95, %dot_general3A_99 : vector<1072x64xf32>
    %slice3A_101 = vector.extract_strided_slice %get3A_77 {offsets = [2, 0, 0], sizes = [1, 64, 64], strides = [1, 1, 1]} : vector<8x64x64xf32> to vector<1x64x64xf32>
    %squeeze3A_102 = vector.shape_cast %slice3A_101 : vector<1x64x64xf32> to vector<64x64xf32>
    %dot_general3A_103 = arith.constant dense<0.000000e+00> : vector<1072x64xf32>
    %dot_general3A_104 = tpu.matmul %concatenate3A_83, %squeeze3A_102, %dot_general3A_103 {dimension_numbers = #tpu.dot_dimension_numbers<[1], [0], [0], [1], [0, 0, 1, 1], [], []>, transpose_lhs_hint = false} : vector<1072x64xf32>, vector<64x64xf32>, vector<1072x64xf32> -> vector<1072x64xf32>
    %add3A_105 = arith.addf %add3A_100, %dot_general3A_104 : vector<1072x64xf32>
    %slice3A_106 = vector.extract_strided_slice %get3A_77 {offsets = [3, 0, 0], sizes = [1, 64, 64], strides = [1, 1, 1]} : vector<8x64x64xf32> to vector<1x64x64xf32>
    %squeeze3A_107 = vector.shape_cast %slice3A_106 : vector<1x64x64xf32> to vector<64x64xf32>
    %dot_general3A_108 = arith.constant dense<0.000000e+00> : vector<1072x64xf32>
    %dot_general3A_109 = tpu.matmul %concatenate3A_86, %squeeze3A_107, %dot_general3A_108 {dimension_numbers = #tpu.dot_dimension_numbers<[1], [0], [0], [1], [0, 0, 1, 1], [], []>, transpose_lhs_hint = false} : vector<1072x64xf32>, vector<64x64xf32>, vector<1072x64xf32> -> vector<1072x64xf32>
    %add3A_110 = arith.addf %add3A_105, %dot_general3A_109 : vector<1072x64xf32>
    %slice3A_111 = vector.extract_strided_slice %add3A_110 {offsets = [1068, 0], sizes = [4, 64], strides = [1, 1]} : vector<1072x64xf32> to vector<4x64xf32>
    %slice3A_112 = vector.extract_strided_slice %add3A_110 {offsets = [0, 0], sizes = [1068, 64], strides = [1, 1]} : vector<1072x64xf32> to vector<1068x64xf32>
    %concatenate3A_113 = tpu.concatenate %slice3A_111, %slice3A_112 in 0 : vector<4x64xf32>, vector<1068x64xf32> -> vector<1072x64xf32>
    %add3A_114 = arith.addf %broadcast_in_dim3A_88, %concatenate3A_113 : vector<1072x64xf32>
    %broadcast_in_dim3A_115 = arith.constant 0.000000e+00 : f32
    %broadcast_in_dim3A_116 = vector.broadcast %broadcast_in_dim3A_115 : f32 to vector<1072x64xf32>
    %slice3A_117 = vector.extract_strided_slice %get3A_77 {offsets = [4, 0, 0], sizes = [1, 64, 64], strides = [1, 1, 1]} : vector<8x64x64xf32> to vector<1x64x64xf32>
    %squeeze3A_118 = vector.shape_cast %slice3A_117 : vector<1x64x64xf32> to vector<64x64xf32>
    %dot_general3A_119 = arith.constant dense<0.000000e+00> : vector<1072x64xf32>
    %dot_general3A_120 = tpu.matmul %select_n3A, %squeeze3A_118, %dot_general3A_119 {dimension_numbers = #tpu.dot_dimension_numbers<[1], [0], [0], [1], [0, 0, 1, 1], [], []>, transpose_lhs_hint = false} : vector<1072x64xf32>, vector<64x64xf32>, vector<1072x64xf32> -> vector<1072x64xf32>
    %add3A_121 = arith.addf %broadcast_in_dim3A_116, %dot_general3A_120 : vector<1072x64xf32>
    %slice3A_122 = vector.extract_strided_slice %get3A_77 {offsets = [5, 0, 0], sizes = [1, 64, 64], strides = [1, 1, 1]} : vector<8x64x64xf32> to vector<1x64x64xf32>
    %squeeze3A_123 = vector.shape_cast %slice3A_122 : vector<1x64x64xf32> to vector<64x64xf32>
    %dot_general3A_124 = arith.constant dense<0.000000e+00> : vector<1072x64xf32>
    %dot_general3A_125 = tpu.matmul %concatenate3A_80, %squeeze3A_123, %dot_general3A_124 {dimension_numbers = #tpu.dot_dimension_numbers<[1], [0], [0], [1], [0, 0, 1, 1], [], []>, transpose_lhs_hint = false} : vector<1072x64xf32>, vector<64x64xf32>, vector<1072x64xf32> -> vector<1072x64xf32>
    %add3A_126 = arith.addf %add3A_121, %dot_general3A_125 : vector<1072x64xf32>
    %slice3A_127 = vector.extract_strided_slice %get3A_77 {offsets = [6, 0, 0], sizes = [1, 64, 64], strides = [1, 1, 1]} : vector<8x64x64xf32> to vector<1x64x64xf32>
    %squeeze3A_128 = vector.shape_cast %slice3A_127 : vector<1x64x64xf32> to vector<64x64xf32>
    %dot_general3A_129 = arith.constant dense<0.000000e+00> : vector<1072x64xf32>
    %dot_general3A_130 = tpu.matmul %concatenate3A_83, %squeeze3A_128, %dot_general3A_129 {dimension_numbers = #tpu.dot_dimension_numbers<[1], [0], [0], [1], [0, 0, 1, 1], [], []>, transpose_lhs_hint = false} : vector<1072x64xf32>, vector<64x64xf32>, vector<1072x64xf32> -> vector<1072x64xf32>
    %add3A_131 = arith.addf %add3A_126, %dot_general3A_130 : vector<1072x64xf32>
    %slice3A_132 = vector.extract_strided_slice %get3A_77 {offsets = [7, 0, 0], sizes = [1, 64, 64], strides = [1, 1, 1]} : vector<8x64x64xf32> to vector<1x64x64xf32>
    %squeeze3A_133 = vector.shape_cast %slice3A_132 : vector<1x64x64xf32> to vector<64x64xf32>
    %dot_general3A_134 = arith.constant dense<0.000000e+00> : vector<1072x64xf32>
    %dot_general3A_135 = tpu.matmul %concatenate3A_86, %squeeze3A_133, %dot_general3A_134 {dimension_numbers = #tpu.dot_dimension_numbers<[1], [0], [0], [1], [0, 0, 1, 1], [], []>, transpose_lhs_hint = false} : vector<1072x64xf32>, vector<64x64xf32>, vector<1072x64xf32> -> vector<1072x64xf32>
    %add3A_136 = arith.addf %add3A_131, %dot_general3A_135 : vector<1072x64xf32>
    %add3A_137 = arith.addf %add3A_114, %add3A_136 : vector<1072x64xf32>
    %add3A_138 = vector.broadcast %get3A_73 : vector<1x64xf32> to vector<1072x64xf32>
    %add3A_139 = arith.addf %add3A_137, %add3A_138 : vector<1072x64xf32>
    %max3A_140 = arith.constant 0.000000e+00 : f32
    %max3A_141 = vector.broadcast %max3A_140 : f32 to vector<1072x64xf32>
    %max3A_142 = arith.maximumf %add3A_139, %max3A_141 : vector<1072x64xf32>
    %ge3A_143 = arith.constant 8 : i32
    %ge3A_144 = vector.broadcast %ge3A_143 : i32 to vector<1072x1xi32>
    %ge3A_145 = arith.cmpi sge, %rem3A_18, %ge3A_144 : vector<1072x1xi32>
    %lt3A_146 = arith.constant 522 : i32
    %lt3A_147 = vector.broadcast %lt3A_146 : i32 to vector<1072x1xi32>
    %lt3A_148 = arith.cmpi slt, %rem3A_18, %lt3A_147 : vector<1072x1xi32>
    %and3A_149 = arith.andi %ge3A_145, %lt3A_148 : vector<1072x1xi1>
    %jit3A_150 = arith.constant 0.000000e+00 : f32
    %broadcast_in_dim3A_151 = vector.shape_cast %and3A_149 : vector<1072x1xi1> to vector<1072x1xi1>
    %broadcast_in_dim3A_152 = vector.broadcast %broadcast_in_dim3A_151 : vector<1072x1xi1> to vector<1072x64xi1>
    %broadcast_in_dim3A_153 = vector.broadcast %jit3A_150 : f32 to vector<1072x64xf32>
    %select_n3A_154 = arith.select %broadcast_in_dim3A_152, %max3A_142, %broadcast_in_dim3A_153 : vector<1072x64xi1>, vector<1072x64xf32>
    %get3A_155 = arith.constant 0 : index
    %get3A_156 = arith.constant 0 : index
    %get3A_157 = vector.load %arg8[%get3A_155, %get3A_156] : memref<1x64xf32, #tpu.memory_space<vmem>>, vector<1x64xf32>
    %get3A_158 = arith.constant 0 : index
    %get3A_159 = arith.constant 0 : index
    %get3A_160 = arith.constant 0 : index
    %get3A_161 = vector.load %arg7[%get3A_158, %get3A_159, %get3A_160] : memref<12x64x64xf32, #tpu.memory_space<vmem>>, vector<12x64x64xf32>
    %slice3A_162 = vector.extract_strided_slice %select_n3A_154 {offsets = [1, 0], sizes = [1071, 64], strides = [1, 1]} : vector<1072x64xf32> to vector<1071x64xf32>
    %slice3A_163 = vector.extract_strided_slice %select_n3A_154 {offsets = [0, 0], sizes = [1, 64], strides = [1, 1]} : vector<1072x64xf32> to vector<1x64xf32>
    %concatenate3A_164 = tpu.concatenate %slice3A_162, %slice3A_163 in 0 : vector<1071x64xf32>, vector<1x64xf32> -> vector<1072x64xf32>
    %slice3A_165 = vector.extract_strided_slice %concatenate3A_164 {offsets = [1, 0], sizes = [1071, 64], strides = [1, 1]} : vector<1072x64xf32> to vector<1071x64xf32>
    %slice3A_166 = vector.extract_strided_slice %concatenate3A_164 {offsets = [0, 0], sizes = [1, 64], strides = [1, 1]} : vector<1072x64xf32> to vector<1x64xf32>
    %concatenate3A_167 = tpu.concatenate %slice3A_165, %slice3A_166 in 0 : vector<1071x64xf32>, vector<1x64xf32> -> vector<1072x64xf32>
    %slice3A_168 = vector.extract_strided_slice %concatenate3A_167 {offsets = [1, 0], sizes = [1071, 64], strides = [1, 1]} : vector<1072x64xf32> to vector<1071x64xf32>
    %slice3A_169 = vector.extract_strided_slice %concatenate3A_167 {offsets = [0, 0], sizes = [1, 64], strides = [1, 1]} : vector<1072x64xf32> to vector<1x64xf32>
    %concatenate3A_170 = tpu.concatenate %slice3A_168, %slice3A_169 in 0 : vector<1071x64xf32>, vector<1x64xf32> -> vector<1072x64xf32>
    %broadcast_in_dim3A_171 = arith.constant 0.000000e+00 : f32
    %broadcast_in_dim3A_172 = vector.broadcast %broadcast_in_dim3A_171 : f32 to vector<1072x64xf32>
    %broadcast_in_dim3A_173 = arith.constant 0.000000e+00 : f32
    %broadcast_in_dim3A_174 = vector.broadcast %broadcast_in_dim3A_173 : f32 to vector<1072x64xf32>
    %slice3A_175 = vector.extract_strided_slice %get3A_161 {offsets = [0, 0, 0], sizes = [1, 64, 64], strides = [1, 1, 1]} : vector<12x64x64xf32> to vector<1x64x64xf32>
    %squeeze3A_176 = vector.shape_cast %slice3A_175 : vector<1x64x64xf32> to vector<64x64xf32>
    %dot_general3A_177 = arith.constant dense<0.000000e+00> : vector<1072x64xf32>
    %dot_general3A_178 = tpu.matmul %select_n3A_154, %squeeze3A_176, %dot_general3A_177 {dimension_numbers = #tpu.dot_dimension_numbers<[1], [0], [0], [1], [0, 0, 1, 1], [], []>, transpose_lhs_hint = false} : vector<1072x64xf32>, vector<64x64xf32>, vector<1072x64xf32> -> vector<1072x64xf32>
    %add3A_179 = arith.addf %broadcast_in_dim3A_174, %dot_general3A_178 : vector<1072x64xf32>
    %slice3A_180 = vector.extract_strided_slice %get3A_161 {offsets = [1, 0, 0], sizes = [1, 64, 64], strides = [1, 1, 1]} : vector<12x64x64xf32> to vector<1x64x64xf32>
    %squeeze3A_181 = vector.shape_cast %slice3A_180 : vector<1x64x64xf32> to vector<64x64xf32>
    %dot_general3A_182 = arith.constant dense<0.000000e+00> : vector<1072x64xf32>
    %dot_general3A_183 = tpu.matmul %concatenate3A_164, %squeeze3A_181, %dot_general3A_182 {dimension_numbers = #tpu.dot_dimension_numbers<[1], [0], [0], [1], [0, 0, 1, 1], [], []>, transpose_lhs_hint = false} : vector<1072x64xf32>, vector<64x64xf32>, vector<1072x64xf32> -> vector<1072x64xf32>
    %add3A_184 = arith.addf %add3A_179, %dot_general3A_183 : vector<1072x64xf32>
    %slice3A_185 = vector.extract_strided_slice %get3A_161 {offsets = [2, 0, 0], sizes = [1, 64, 64], strides = [1, 1, 1]} : vector<12x64x64xf32> to vector<1x64x64xf32>
    %squeeze3A_186 = vector.shape_cast %slice3A_185 : vector<1x64x64xf32> to vector<64x64xf32>
    %dot_general3A_187 = arith.constant dense<0.000000e+00> : vector<1072x64xf32>
    %dot_general3A_188 = tpu.matmul %concatenate3A_167, %squeeze3A_186, %dot_general3A_187 {dimension_numbers = #tpu.dot_dimension_numbers<[1], [0], [0], [1], [0, 0, 1, 1], [], []>, transpose_lhs_hint = false} : vector<1072x64xf32>, vector<64x64xf32>, vector<1072x64xf32> -> vector<1072x64xf32>
    %add3A_189 = arith.addf %add3A_184, %dot_general3A_188 : vector<1072x64xf32>
    %slice3A_190 = vector.extract_strided_slice %get3A_161 {offsets = [3, 0, 0], sizes = [1, 64, 64], strides = [1, 1, 1]} : vector<12x64x64xf32> to vector<1x64x64xf32>
    %squeeze3A_191 = vector.shape_cast %slice3A_190 : vector<1x64x64xf32> to vector<64x64xf32>
    %dot_general3A_192 = arith.constant dense<0.000000e+00> : vector<1072x64xf32>
    %dot_general3A_193 = tpu.matmul %concatenate3A_170, %squeeze3A_191, %dot_general3A_192 {dimension_numbers = #tpu.dot_dimension_numbers<[1], [0], [0], [1], [0, 0, 1, 1], [], []>, transpose_lhs_hint = false} : vector<1072x64xf32>, vector<64x64xf32>, vector<1072x64xf32> -> vector<1072x64xf32>
    %add3A_194 = arith.addf %add3A_189, %dot_general3A_193 : vector<1072x64xf32>
    %slice3A_195 = vector.extract_strided_slice %add3A_194 {offsets = [1066, 0], sizes = [6, 64], strides = [1, 1]} : vector<1072x64xf32> to vector<6x64xf32>
    %slice3A_196 = vector.extract_strided_slice %add3A_194 {offsets = [0, 0], sizes = [1066, 64], strides = [1, 1]} : vector<1072x64xf32> to vector<1066x64xf32>
    %concatenate3A_197 = tpu.concatenate %slice3A_195, %slice3A_196 in 0 : vector<6x64xf32>, vector<1066x64xf32> -> vector<1072x64xf32>
    %add3A_198 = arith.addf %broadcast_in_dim3A_172, %concatenate3A_197 : vector<1072x64xf32>
    %broadcast_in_dim3A_199 = arith.constant 0.000000e+00 : f32
    %broadcast_in_dim3A_200 = vector.broadcast %broadcast_in_dim3A_199 : f32 to vector<1072x64xf32>
    %slice3A_201 = vector.extract_strided_slice %get3A_161 {offsets = [4, 0, 0], sizes = [1, 64, 64], strides = [1, 1, 1]} : vector<12x64x64xf32> to vector<1x64x64xf32>
    %squeeze3A_202 = vector.shape_cast %slice3A_201 : vector<1x64x64xf32> to vector<64x64xf32>
    %dot_general3A_203 = arith.constant dense<0.000000e+00> : vector<1072x64xf32>
    %dot_general3A_204 = tpu.matmul %select_n3A_154, %squeeze3A_202, %dot_general3A_203 {dimension_numbers = #tpu.dot_dimension_numbers<[1], [0], [0], [1], [0, 0, 1, 1], [], []>, transpose_lhs_hint = false} : vector<1072x64xf32>, vector<64x64xf32>, vector<1072x64xf32> -> vector<1072x64xf32>
    %add3A_205 = arith.addf %broadcast_in_dim3A_200, %dot_general3A_204 : vector<1072x64xf32>
    %slice3A_206 = vector.extract_strided_slice %get3A_161 {offsets = [5, 0, 0], sizes = [1, 64, 64], strides = [1, 1, 1]} : vector<12x64x64xf32> to vector<1x64x64xf32>
    %squeeze3A_207 = vector.shape_cast %slice3A_206 : vector<1x64x64xf32> to vector<64x64xf32>
    %dot_general3A_208 = arith.constant dense<0.000000e+00> : vector<1072x64xf32>
    %dot_general3A_209 = tpu.matmul %concatenate3A_164, %squeeze3A_207, %dot_general3A_208 {dimension_numbers = #tpu.dot_dimension_numbers<[1], [0], [0], [1], [0, 0, 1, 1], [], []>, transpose_lhs_hint = false} : vector<1072x64xf32>, vector<64x64xf32>, vector<1072x64xf32> -> vector<1072x64xf32>
    %add3A_210 = arith.addf %add3A_205, %dot_general3A_209 : vector<1072x64xf32>
    %slice3A_211 = vector.extract_strided_slice %get3A_161 {offsets = [6, 0, 0], sizes = [1, 64, 64], strides = [1, 1, 1]} : vector<12x64x64xf32> to vector<1x64x64xf32>
    %squeeze3A_212 = vector.shape_cast %slice3A_211 : vector<1x64x64xf32> to vector<64x64xf32>
    %dot_general3A_213 = arith.constant dense<0.000000e+00> : vector<1072x64xf32>
    %dot_general3A_214 = tpu.matmul %concatenate3A_167, %squeeze3A_212, %dot_general3A_213 {dimension_numbers = #tpu.dot_dimension_numbers<[1], [0], [0], [1], [0, 0, 1, 1], [], []>, transpose_lhs_hint = false} : vector<1072x64xf32>, vector<64x64xf32>, vector<1072x64xf32> -> vector<1072x64xf32>
    %add3A_215 = arith.addf %add3A_210, %dot_general3A_214 : vector<1072x64xf32>
    %slice3A_216 = vector.extract_strided_slice %get3A_161 {offsets = [7, 0, 0], sizes = [1, 64, 64], strides = [1, 1, 1]} : vector<12x64x64xf32> to vector<1x64x64xf32>
    %squeeze3A_217 = vector.shape_cast %slice3A_216 : vector<1x64x64xf32> to vector<64x64xf32>
    %dot_general3A_218 = arith.constant dense<0.000000e+00> : vector<1072x64xf32>
    %dot_general3A_219 = tpu.matmul %concatenate3A_170, %squeeze3A_217, %dot_general3A_218 {dimension_numbers = #tpu.dot_dimension_numbers<[1], [0], [0], [1], [0, 0, 1, 1], [], []>, transpose_lhs_hint = false} : vector<1072x64xf32>, vector<64x64xf32>, vector<1072x64xf32> -> vector<1072x64xf32>
    %add3A_220 = arith.addf %add3A_215, %dot_general3A_219 : vector<1072x64xf32>
    %slice3A_221 = vector.extract_strided_slice %add3A_220 {offsets = [1070, 0], sizes = [2, 64], strides = [1, 1]} : vector<1072x64xf32> to vector<2x64xf32>
    %slice3A_222 = vector.extract_strided_slice %add3A_220 {offsets = [0, 0], sizes = [1070, 64], strides = [1, 1]} : vector<1072x64xf32> to vector<1070x64xf32>
    %concatenate3A_223 = tpu.concatenate %slice3A_221, %slice3A_222 in 0 : vector<2x64xf32>, vector<1070x64xf32> -> vector<1072x64xf32>
    %add3A_224 = arith.addf %add3A_198, %concatenate3A_223 : vector<1072x64xf32>
    %broadcast_in_dim3A_225 = arith.constant 0.000000e+00 : f32
    %broadcast_in_dim3A_226 = vector.broadcast %broadcast_in_dim3A_225 : f32 to vector<1072x64xf32>
    %slice3A_227 = vector.extract_strided_slice %get3A_161 {offsets = [8, 0, 0], sizes = [1, 64, 64], strides = [1, 1, 1]} : vector<12x64x64xf32> to vector<1x64x64xf32>
    %squeeze3A_228 = vector.shape_cast %slice3A_227 : vector<1x64x64xf32> to vector<64x64xf32>
    %dot_general3A_229 = arith.constant dense<0.000000e+00> : vector<1072x64xf32>
    %dot_general3A_230 = tpu.matmul %select_n3A_154, %squeeze3A_228, %dot_general3A_229 {dimension_numbers = #tpu.dot_dimension_numbers<[1], [0], [0], [1], [0, 0, 1, 1], [], []>, transpose_lhs_hint = false} : vector<1072x64xf32>, vector<64x64xf32>, vector<1072x64xf32> -> vector<1072x64xf32>
    %add3A_231 = arith.addf %broadcast_in_dim3A_226, %dot_general3A_230 : vector<1072x64xf32>
    %slice3A_232 = vector.extract_strided_slice %get3A_161 {offsets = [9, 0, 0], sizes = [1, 64, 64], strides = [1, 1, 1]} : vector<12x64x64xf32> to vector<1x64x64xf32>
    %squeeze3A_233 = vector.shape_cast %slice3A_232 : vector<1x64x64xf32> to vector<64x64xf32>
    %dot_general3A_234 = arith.constant dense<0.000000e+00> : vector<1072x64xf32>
    %dot_general3A_235 = tpu.matmul %concatenate3A_164, %squeeze3A_233, %dot_general3A_234 {dimension_numbers = #tpu.dot_dimension_numbers<[1], [0], [0], [1], [0, 0, 1, 1], [], []>, transpose_lhs_hint = false} : vector<1072x64xf32>, vector<64x64xf32>, vector<1072x64xf32> -> vector<1072x64xf32>
    %add3A_236 = arith.addf %add3A_231, %dot_general3A_235 : vector<1072x64xf32>
    %slice3A_237 = vector.extract_strided_slice %get3A_161 {offsets = [10, 0, 0], sizes = [1, 64, 64], strides = [1, 1, 1]} : vector<12x64x64xf32> to vector<1x64x64xf32>
    %squeeze3A_238 = vector.shape_cast %slice3A_237 : vector<1x64x64xf32> to vector<64x64xf32>
    %dot_general3A_239 = arith.constant dense<0.000000e+00> : vector<1072x64xf32>
    %dot_general3A_240 = tpu.matmul %concatenate3A_167, %squeeze3A_238, %dot_general3A_239 {dimension_numbers = #tpu.dot_dimension_numbers<[1], [0], [0], [1], [0, 0, 1, 1], [], []>, transpose_lhs_hint = false} : vector<1072x64xf32>, vector<64x64xf32>, vector<1072x64xf32> -> vector<1072x64xf32>
    %add3A_241 = arith.addf %add3A_236, %dot_general3A_240 : vector<1072x64xf32>
    %slice3A_242 = vector.extract_strided_slice %get3A_161 {offsets = [11, 0, 0], sizes = [1, 64, 64], strides = [1, 1, 1]} : vector<12x64x64xf32> to vector<1x64x64xf32>
    %squeeze3A_243 = vector.shape_cast %slice3A_242 : vector<1x64x64xf32> to vector<64x64xf32>
    %dot_general3A_244 = arith.constant dense<0.000000e+00> : vector<1072x64xf32>
    %dot_general3A_245 = tpu.matmul %concatenate3A_170, %squeeze3A_243, %dot_general3A_244 {dimension_numbers = #tpu.dot_dimension_numbers<[1], [0], [0], [1], [0, 0, 1, 1], [], []>, transpose_lhs_hint = false} : vector<1072x64xf32>, vector<64x64xf32>, vector<1072x64xf32> -> vector<1072x64xf32>
    %add3A_246 = arith.addf %add3A_241, %dot_general3A_245 : vector<1072x64xf32>
    %slice3A_247 = vector.extract_strided_slice %add3A_246 {offsets = [2, 0], sizes = [1070, 64], strides = [1, 1]} : vector<1072x64xf32> to vector<1070x64xf32>
    %slice3A_248 = vector.extract_strided_slice %add3A_246 {offsets = [0, 0], sizes = [2, 64], strides = [1, 1]} : vector<1072x64xf32> to vector<2x64xf32>
    %concatenate3A_249 = tpu.concatenate %slice3A_247, %slice3A_248 in 0 : vector<1070x64xf32>, vector<2x64xf32> -> vector<1072x64xf32>
    %add3A_250 = arith.addf %add3A_224, %concatenate3A_249 : vector<1072x64xf32>
    %add3A_251 = vector.broadcast %get3A_157 : vector<1x64xf32> to vector<1072x64xf32>
    %add3A_252 = arith.addf %add3A_250, %add3A_251 : vector<1072x64xf32>
    %max3A_253 = arith.constant 0.000000e+00 : f32
    %max3A_254 = vector.broadcast %max3A_253 : f32 to vector<1072x64xf32>
    %max3A_255 = arith.maximumf %add3A_252, %max3A_254 : vector<1072x64xf32>
    %ge3A_256 = arith.constant 8 : i32
    %ge3A_257 = vector.broadcast %ge3A_256 : i32 to vector<1072x1xi32>
    %ge3A_258 = arith.cmpi sge, %rem3A_18, %ge3A_257 : vector<1072x1xi32>
    %lt3A_259 = arith.constant 523 : i32
    %lt3A_260 = vector.broadcast %lt3A_259 : i32 to vector<1072x1xi32>
    %lt3A_261 = arith.cmpi slt, %rem3A_18, %lt3A_260 : vector<1072x1xi32>
    %and3A_262 = arith.andi %ge3A_258, %lt3A_261 : vector<1072x1xi1>
    %jit3A_263 = arith.constant 0.000000e+00 : f32
    %broadcast_in_dim3A_264 = vector.shape_cast %and3A_262 : vector<1072x1xi1> to vector<1072x1xi1>
    %broadcast_in_dim3A_265 = vector.broadcast %broadcast_in_dim3A_264 : vector<1072x1xi1> to vector<1072x64xi1>
    %broadcast_in_dim3A_266 = vector.broadcast %jit3A_263 : f32 to vector<1072x64xf32>
    %select_n3A_267 = arith.select %broadcast_in_dim3A_265, %max3A_255, %broadcast_in_dim3A_266 : vector<1072x64xi1>, vector<1072x64xf32>
    %reshape3A_268 = vector.shape_cast %select_n3A_267 : vector<1072x64xf32> to vector<2x536x64xf32>
    %reduce_sum3A = arith.constant dense<0.000000e+00> : vector<2x64xf32>
    %reduce_sum3A_269 = vector.multi_reduction <add>, %reshape3A_268, %reduce_sum3A [1] : vector<2x536x64xf32> to vector<2x64xf32>
    %div3A = arith.constant 5.150000e+02 : f32
    %div3A_270 = vector.broadcast %div3A : f32 to vector<2x64xf32>
    %div3A_271 = arith.divf %reduce_sum3A_269, %div3A_270 : vector<2x64xf32>
    %swap3A = arith.constant 0 : index
    %swap3A_272 = arith.constant 0 : index
    %swap3A_273 = arith.constant 0 : index
    %swap3A_274 = vector.load %arg9[%swap3A, %swap3A_272, %swap3A_273] : memref<1x2x64xf32, #tpu.memory_space<vmem>>, vector<1x2x64xf32>
    %swap3A_275 = vector.shape_cast %swap3A_274 : vector<1x2x64xf32> to vector<2x64xf32>
    %swap3A_276 = vector.shape_cast %div3A_271 : vector<2x64xf32> to vector<1x2x64xf32>
    tpu.vector_store %arg9[%swap3A, %swap3A_272, %swap3A_273], %swap3A_276 {strides = array<i32>} : memref<1x2x64xf32, #tpu.memory_space<vmem>>, vector<1x2x64xf32>,
    return
  }
  func.func @transform_0(%arg0: i32) -> (i32, i32, i32) {
    %c0_i32 = arith.constant 0 : i32
    %c0_i32_0 = arith.constant 0 : i32
    %c0_i32_1 = arith.constant 0 : i32
    return %arg0, %c0_i32, %c0_i32_0 : i32, i32, i32
  }
  func.func @transform_1(%arg0: i32) -> (i32, i32) {
    %c0_i32 = arith.constant 0 : i32
    %c0_i32_0 = arith.constant 0 : i32
    %c0_i32_1 = arith.constant 0 : i32
    return %c0_i32, %c0_i32_0 : i32, i32
  }
  func.func @transform_2(%arg0: i32) -> (i32, i32, i32) {
    %c0_i32 = arith.constant 0 : i32
    %c0_i32_0 = arith.constant 0 : i32
    %c0_i32_1 = arith.constant 0 : i32
    %c0_i32_2 = arith.constant 0 : i32
    return %c0_i32, %c0_i32_0, %c0_i32_1 : i32, i32, i32
  }
  func.func @transform_3(%arg0: i32) -> (i32, i32) {
    %c0_i32 = arith.constant 0 : i32
    %c0_i32_0 = arith.constant 0 : i32
    %c0_i32_1 = arith.constant 0 : i32
    return %c0_i32, %c0_i32_0 : i32, i32
  }
  func.func @transform_4(%arg0: i32) -> (i32, i32, i32) {
    %c0_i32 = arith.constant 0 : i32
    %c0_i32_0 = arith.constant 0 : i32
    %c0_i32_1 = arith.constant 0 : i32
    %c0_i32_2 = arith.constant 0 : i32
    return %c0_i32, %c0_i32_0, %c0_i32_1 : i32, i32, i32
  }
  func.func @transform_5(%arg0: i32) -> (i32, i32) {
    %c0_i32 = arith.constant 0 : i32
    %c0_i32_0 = arith.constant 0 : i32
    %c0_i32_1 = arith.constant 0 : i32
    return %c0_i32, %c0_i32_0 : i32, i32
  }
  func.func @transform_6(%arg0: i32) -> (i32, i32, i32) {
    %c0_i32 = arith.constant 0 : i32
    %c0_i32_0 = arith.constant 0 : i32
    %c0_i32_1 = arith.constant 0 : i32
    %c0_i32_2 = arith.constant 0 : i32
    return %c0_i32, %c0_i32_0, %c0_i32_1 : i32, i32, i32
  }
  func.func @transform_7(%arg0: i32) -> (i32, i32) {
    %c0_i32 = arith.constant 0 : i32
    %c0_i32_0 = arith.constant 0 : i32
    %c0_i32_1 = arith.constant 0 : i32
    return %c0_i32, %c0_i32_0 : i32, i32
  }
  func.func @transform_8(%arg0: i32) -> (i32, i32, i32) {
    %c0_i32 = arith.constant 0 : i32
    %c0_i32_0 = arith.constant 0 : i32
    %c0_i32_1 = arith.constant 0 : i32
    return %arg0, %c0_i32, %c0_i32_0 : i32, i32, i32
  }
}

module attributes {stable_mosaic.version = 14 : i64} {
  func.func @_tc_final_body(%arg0: memref<2x4096x64xf32, #tpu.memory_space<vmem>>, %arg1: memref<4096x64xf32, #tpu.memory_space<vmem>>, %arg2: memref<1x64xf32, #tpu.memory_space<vmem>>, %arg3: memref<2x4096x16xf32, #tpu.memory_space<vmem>>, %arg4: memref<1x4096xi32, #tpu.memory_space<vmem>>, %arg5: memref<16x64xf32, #tpu.memory_space<vmem>>, %arg6: memref<128x256xf32, #tpu.memory_space<vmem>>, %arg7: memref<1x256xf32, #tpu.memory_space<vmem>>, %arg8: memref<256x128xf32, #tpu.memory_space<vmem>>, %arg9: memref<1x128xf32, #tpu.memory_space<vmem>>, %arg10: memref<1x128xf32, #tpu.memory_space<vmem>>, %arg11: memref<1x1xf32, #tpu.memory_space<vmem>>, %arg12: memref<1x16xf32, #tpu.memory_space<vmem>>) attributes {dimension_semantics = [], scalar_prefetch = 0 : i64, scratch_operands = 0 : i64, tpu.core_type = #tpu.core_type<tc>} {
    %get3A = arith.constant 0 : index
    %get3A_0 = arith.constant 0 : index
    %get3A_1 = vector.load %arg5[%get3A, %get3A_0] : memref<16x64xf32, #tpu.memory_space<vmem>>, vector<16x64xf32>
    %get3A_2 = arith.constant 0 : index
    %get3A_3 = arith.constant 0 : index
    %get3A_4 = arith.constant 0 : index
    %get3A_5 = vector.load %arg3[%get3A_2, %get3A_3, %get3A_4] : memref<2x4096x16xf32, #tpu.memory_space<vmem>>, vector<2x4096x16xf32>
    %slice3A = vector.extract_strided_slice %get3A_5 {offsets = [0, 0, 0], sizes = [1, 4096, 1], strides = [1, 1, 1]} : vector<2x4096x16xf32> to vector<1x4096x1xf32>
    %squeeze3A = vector.shape_cast %slice3A : vector<1x4096x1xf32> to vector<4096xf32>
    %slice3A_6 = vector.extract_strided_slice %get3A_5 {offsets = [1, 0, 0], sizes = [1, 4096, 1], strides = [1, 1, 1]} : vector<2x4096x16xf32> to vector<1x4096x1xf32>
    %squeeze3A_7 = vector.shape_cast %slice3A_6 : vector<1x4096x1xf32> to vector<4096xf32>
    %add3A = arith.addf %squeeze3A, %squeeze3A_7 : vector<4096xf32>
    %add3A_8 = arith.constant 1.000000e+00 : f32
    %add3A_9 = vector.broadcast %add3A_8 : f32 to vector<4096xf32>
    %add3A_10 = arith.addf %add3A, %add3A_9 : vector<4096xf32>
    %max3A = arith.constant 1.000000e+00 : f32
    %max3A_11 = vector.broadcast %max3A : f32 to vector<4096xf32>
    %max3A_12 = arith.maximumf %add3A_10, %max3A_11 : vector<4096xf32>
    %rsqrt3A = math.rsqrt %max3A_12 : vector<4096xf32>
    %get3A_13 = arith.constant 0 : index
    %get3A_14 = arith.constant 0 : index
    %get3A_15 = arith.constant 0 : index
    %get3A_16 = vector.load %arg0[%get3A_13, %get3A_14, %get3A_15] : memref<2x4096x64xf32, #tpu.memory_space<vmem>>, vector<2x4096x64xf32>
    %broadcast_in_dim3A = vector.shape_cast %rsqrt3A : vector<4096xf32> to vector<4096x1xf32>
    %slice3A_17 = vector.extract_strided_slice %get3A_16 {offsets = [0, 0, 0], sizes = [1, 4096, 64], strides = [1, 1, 1]} : vector<2x4096x64xf32> to vector<1x4096x64xf32>
    %squeeze3A_18 = vector.shape_cast %slice3A_17 : vector<1x4096x64xf32> to vector<4096x64xf32>
    %slice3A_19 = vector.extract_strided_slice %get3A_16 {offsets = [1, 0, 0], sizes = [1, 4096, 64], strides = [1, 1, 1]} : vector<2x4096x64xf32> to vector<1x4096x64xf32>
    %squeeze3A_20 = vector.shape_cast %slice3A_19 : vector<1x4096x64xf32> to vector<4096x64xf32>
    %add3A_21 = arith.addf %squeeze3A_18, %squeeze3A_20 : vector<4096x64xf32>
    %get3A_22 = arith.constant 0 : index
    %get3A_23 = arith.constant 0 : index
    %get3A_24 = vector.load %arg1[%get3A_22, %get3A_23] : memref<4096x64xf32, #tpu.memory_space<vmem>>, vector<4096x64xf32>
    %add3A_25 = arith.addf %add3A_21, %get3A_24 : vector<4096x64xf32>
    %mul3A = vector.broadcast %broadcast_in_dim3A : vector<4096x1xf32> to vector<4096x64xf32>
    %mul3A_26 = arith.mulf %mul3A, %add3A_25 : vector<4096x64xf32>
    %get3A_27 = arith.constant 0 : index
    %get3A_28 = arith.constant 0 : index
    %get3A_29 = vector.load %arg2[%get3A_27, %get3A_28] : memref<1x64xf32, #tpu.memory_space<vmem>>, vector<1x64xf32>
    %add3A_30 = vector.broadcast %get3A_29 : vector<1x64xf32> to vector<4096x64xf32>
    %add3A_31 = arith.addf %mul3A_26, %add3A_30 : vector<4096x64xf32>
    %max3A_32 = arith.constant 0.000000e+00 : f32
    %max3A_33 = vector.broadcast %max3A_32 : f32 to vector<4096x64xf32>
    %max3A_34 = arith.maximumf %add3A_31, %max3A_33 : vector<4096x64xf32>
    %get3A_35 = arith.constant 0 : index
    %get3A_36 = arith.constant 0 : index
    %get3A_37 = vector.load %arg4[%get3A_35, %get3A_36] : memref<1x4096xi32, #tpu.memory_space<vmem>>, vector<1x4096xi32>
    %iota3A = tpu.iota {dimensions = array<i32: 0>} : vector<16x4096xi32>
    %eq3A = vector.broadcast %get3A_37 : vector<1x4096xi32> to vector<16x4096xi32>
    %eq3A_38 = arith.cmpi eq, %eq3A, %iota3A : vector<16x4096xi32>
    %convert_element_type3A = arith.extui %eq3A_38 : vector<16x4096xi1> to vector<16x4096xi32>
    %convert_element_type3A_39 = arith.sitofp %convert_element_type3A : vector<16x4096xi32> to vector<16x4096xf32>
    %dot_general3A = arith.constant dense<0.000000e+00> : vector<16x64xf32>
    %dot_general3A_40 = tpu.matmul %convert_element_type3A_39, %max3A_34, %dot_general3A {dimension_numbers = #tpu.dot_dimension_numbers<[1], [0], [0], [1], [0, 0, 1, 1], [], []>, transpose_lhs_hint = false} : vector<16x4096xf32>, vector<4096x64xf32>, vector<16x64xf32> -> vector<16x64xf32>
    %div3A = arith.constant 5.150000e+02 : f32
    %div3A_41 = vector.broadcast %div3A : f32 to vector<16x64xf32>
    %div3A_42 = arith.divf %dot_general3A_40, %div3A_41 : vector<16x64xf32>
    %concatenate3A = tpu.concatenate %div3A_42, %get3A_1 in 1 : vector<16x64xf32>, vector<16x64xf32> -> vector<16x128xf32>
    %get3A_43 = arith.constant 0 : index
    %get3A_44 = arith.constant 0 : index
    %get3A_45 = vector.load %arg6[%get3A_43, %get3A_44] : memref<128x256xf32, #tpu.memory_space<vmem>>, vector<128x256xf32>
    %dot_general3A_46 = arith.constant dense<0.000000e+00> : vector<16x256xf32>
    %dot_general3A_47 = tpu.matmul %concatenate3A, %get3A_45, %dot_general3A_46 {dimension_numbers = #tpu.dot_dimension_numbers<[1], [0], [0], [1], [0, 0, 1, 1], [], []>, transpose_lhs_hint = false} : vector<16x128xf32>, vector<128x256xf32>, vector<16x256xf32> -> vector<16x256xf32>
    %get3A_48 = arith.constant 0 : index
    %get3A_49 = arith.constant 0 : index
    %get3A_50 = vector.load %arg7[%get3A_48, %get3A_49] : memref<1x256xf32, #tpu.memory_space<vmem>>, vector<1x256xf32>
    %add3A_51 = vector.broadcast %get3A_50 : vector<1x256xf32> to vector<16x256xf32>
    %add3A_52 = arith.addf %dot_general3A_47, %add3A_51 : vector<16x256xf32>
    %max3A_53 = arith.constant 0.000000e+00 : f32
    %max3A_54 = vector.broadcast %max3A_53 : f32 to vector<16x256xf32>
    %max3A_55 = arith.maximumf %add3A_52, %max3A_54 : vector<16x256xf32>
    %get3A_56 = arith.constant 0 : index
    %get3A_57 = arith.constant 0 : index
    %get3A_58 = vector.load %arg8[%get3A_56, %get3A_57] : memref<256x128xf32, #tpu.memory_space<vmem>>, vector<256x128xf32>
    %dot_general3A_59 = arith.constant dense<0.000000e+00> : vector<16x128xf32>
    %dot_general3A_60 = tpu.matmul %max3A_55, %get3A_58, %dot_general3A_59 {dimension_numbers = #tpu.dot_dimension_numbers<[1], [0], [0], [1], [0, 0, 1, 1], [], []>, transpose_lhs_hint = false} : vector<16x256xf32>, vector<256x128xf32>, vector<16x128xf32> -> vector<16x128xf32>
    %get3A_61 = arith.constant 0 : index
    %get3A_62 = arith.constant 0 : index
    %get3A_63 = vector.load %arg9[%get3A_61, %get3A_62] : memref<1x128xf32, #tpu.memory_space<vmem>>, vector<1x128xf32>
    %add3A_64 = vector.broadcast %get3A_63 : vector<1x128xf32> to vector<16x128xf32>
    %add3A_65 = arith.addf %dot_general3A_60, %add3A_64 : vector<16x128xf32>
    %max3A_66 = arith.constant 0.000000e+00 : f32
    %max3A_67 = vector.broadcast %max3A_66 : f32 to vector<16x128xf32>
    %max3A_68 = arith.maximumf %add3A_65, %max3A_67 : vector<16x128xf32>
    %get3A_69 = arith.constant 0 : index
    %get3A_70 = arith.constant 0 : index
    %get3A_71 = vector.load %arg10[%get3A_69, %get3A_70] : memref<1x128xf32, #tpu.memory_space<vmem>>, vector<1x128xf32>
    %mul3A_72 = vector.broadcast %get3A_71 : vector<1x128xf32> to vector<16x128xf32>
    %mul3A_73 = arith.mulf %max3A_68, %mul3A_72 : vector<16x128xf32>
    %reduce_sum3A = arith.constant dense<0.000000e+00> : vector<16xf32>
    %reduce_sum3A_74 = vector.multi_reduction <add>, %mul3A_73, %reduce_sum3A [1] : vector<16x128xf32> to vector<16xf32>
    %get3A_75 = arith.constant 0 : index
    %get3A_76 = arith.constant 0 : index
    %get3A_77 = vector.load %arg11[%get3A_75, %get3A_76] : memref<1x1xf32, #tpu.memory_space<vmem>>, vector<1x1xf32>
    %get3A_78 = vector.extract %get3A_77[0, 0] : f32 from vector<1x1xf32>
    %add3A_79 = vector.broadcast %get3A_78 : f32 to vector<16xf32>
    %add3A_80 = arith.addf %reduce_sum3A_74, %add3A_79 : vector<16xf32>
    %broadcast_in_dim3A_81 = vector.shape_cast %add3A_80 : vector<16xf32> to vector<1x16xf32>
    %swap3A = arith.constant 0 : index
    %swap3A_82 = arith.constant 0 : index
    %swap3A_83 = vector.load %arg12[%swap3A, %swap3A_82] : memref<1x16xf32, #tpu.memory_space<vmem>>, vector<1x16xf32>
    tpu.vector_store %arg12[%swap3A, %swap3A_82], %broadcast_in_dim3A_81 {strides = array<i32>} : memref<1x16xf32, #tpu.memory_space<vmem>>, vector<1x16xf32>,
    return
  }
}

</mosaic_0001>

<sc_bundles>
// kernel: kernel.11.cloned.1.call-start
scs
__scs_entry_jumppad:
0x0: {  	(pc) =	sbr.rel $0x88, $3  }
0x1: {  	(tag) =	ssettag $0x0;
	lr =	simm.s32 $0x1  }
0x2: {  	[smem:$0x3F8A] =	sst lr;
	_ =	strace $0xD0000000  }
0x3: {  	_ = 	snop  }
0x4: {  	_ = 	snop  }
0x5: {  	_ = 	snop  }
0x6: {  	_ = 	snop  }
0x7: {  	_ = 	snop  }
__scs_overlays_trampoline_lowered:
0x8: {  	[smem:$0x3F99] =	sst s0  }
0x9: {  	[smem:$0x3F9A] =	sst s1  }
0xa: {  	[smem:$0x3F9B] =	sst s2  }
0xb: {  	[smem:$0x3F9C] =	sst s3  }
0xc: {  	[smem:$0x3F9D] =	sst s4  }
0xd: {  	[smem:$0x3F9E] =	sst s5  }
0xe: {  	[smem:$0x3F9F] =	sst s6  }
0xf: {  	[smem:$0x3FA0] =	sst s7  }
0x10: {  	[smem:$0x3FA1] =	sst s8  }
0x11: {  	[smem:$0x3FA2] =	sst s9;
	s0 =	simm.s32 @!p0 $0x0  }
0x12: {  	s1 =	sld [smem:$0x3F88];
	s0 =	simm.s32 @p0 $0x1  }
0x13: {  	[smem:$0x3FA3] =	sst s0;
	s0 =	simm.s32 @!p1 $0x0  }
0x14: {  	s2 =	sld [smem:$0x3F87];
	s0 =	simm.s32 @p1 $0x1  }
0x15: {  	[smem:$0x3FA4] =	sst s0;
	s0 =	simm.s32 @!p2 $0x0  }
0x16: {  	s3 =	sld [smem:$0x3FDB];
	s0 =	simm.s32 @p2 $0x1  }
0x17: {  	s4 =	simm.s32 $0x1BF5;
	[smem:$0x3FA6] =	sst s0  }
0x18: {  	s0 =	sld [smem:$0x3F89];
	_ =	swait.ge [sflag:s4], $0x0  }
0x19: {  	s7 =	sld [smem:$0x3F8A]  }
0x1a: {  	s8 =	sadd.s32 $0xFFFFE003, lr  }
0x1b: {  	s9 =	sadd.s32 $0xFFFFFEF7, lr;
	s5 =	simm.s32 $0xFFFFFFFF;
	p2 =	slt.u32 s8, $0xFFFFF086  }
0x1c: {  	p1 =	slt.u32 s9, $0xF7A;
	s5 =	simm.s32 @!p2 $0x0  }
0x1d: {  	s5 =	simm.s32 @p1 $0x1;
	p0 =	seq.s32 s7, s2  }
0x1e: {  	s7 =	smul.u32 @!p0 $0xF7A, s2;
	p2 =	seq.s32 @!p0 s5, $0x0  }
0x1f: {  	s9 =	smul.u32 $0xF7A, s1;
	s8 =	simm.s32 @!p0 $0x1BF5;
	p2 =	por !p2, p0  }
0x20: {  	[sflag:s8] =	ssyncset.s32 @!p0 $0xFFFFF086;
	s6 =	sadd.s32 @!p0 s3, s7;
	s7 =	simm.s32 @!p0 $0x108  }
0x21: {  	s3 =	sadd.s32 s3, s9;
	s6 =	sadd.s32 @!p0 $0x88, s6;
	s7 =	simm.s32 @p2 $0x1082  }
0x22: {  	[simem:s7], [sflag:s8] =	dma.local @!p0 [hbm:s6], $0xF7A  }
0x23: {  	s9 =	sor.u32 $0xD0000000, s2;
	s6 =	simm.s32 $0x108;
	_ =	swait.ge @!p0 [sflag:s8], $0x0  }
0x24: {  	s3 =	sadd.s32 $0x88, s3;
	s6 =	simm.s32 @!p1 $0x1082;
	[sflag:s4] =	ssyncset.s32 $0xFFFFF086  }
0x25: {  	[simem:s6], [sflag:s4] =	dma.local [hbm:s3], $0xF7A  }
0x26: {  	[smem:$0x3F8A] =	sst s1;
	(tag) =	ssettag s2;
	_ =	strace s9  }
0x27: {  	s1 =	sld [smem:$0x3F9A]  }
0x28: {  	s2 =	sld [smem:$0x3F9B]  }
0x29: {  	s4 =	sld [smem:$0x3F9D]  }
0x2a: {  	p0 =	seq.s32 s5, $0x0;
	s5 =	sld [smem:$0x3F9E]  }
0x2b: {  	s6 =	sld [smem:$0x3F9F]  }
0x2c: {  	s7 =	sld [smem:$0x3FA0]  }
0x2d: {  	s3 =	simm.s32 $0x108;
	s8 =	sld [smem:$0x3FA1]  }
0x2e: {  	s3 =	simm.s32 @!p0 $0x1082;
	s9 =	sld [smem:$0x3FA2]  }
0x2f: {  	lr =	sadd.s32 s0, s3;
	s0 =	sld [smem:$0x3F99]  }
0x30: {  	s3 =	sld [smem:$0x3F9C]  }
0x31: {  	[smem:$0x3FA5] =	sst s10  }
0x32: {  	s10 =	sld [smem:$0x3FA3];
	_ =	sdelay $0x3  }
0x33: {  	p0 =	seq.s32 s10, $0x1;
	s10 =	sld [smem:$0x3FA5];
	_ =	sdelay $0x3  }
0x34: {  	[smem:$0x3FA5] =	sst s10  }
0x35: {  	s10 =	sld [smem:$0x3FA4];
	_ =	sdelay $0x3  }
0x36: {  	p1 =	seq.s32 s10, $0x1;
	s10 =	sld [smem:$0x3FA5];
	_ =	sdelay $0x3  }
0x37: {  	[smem:$0x3FA5] =	sst s10  }
0x38: {  	s10 =	sld [smem:$0x3FA6]  }
0x39: {  	_ = 	snop;
	(pc) =	sbr.ind lr, $3  }
0x3a: {  	_ = 	snop  }
0x3b: {  	_ = 	snop  }
0x3c: {  	p2 =	seq.s32 s10, $0x1;
	s10 =	sld [smem:$0x3FA5]  }
0x3d: {  	_ =	shalt  }
0x3e: {  	_ =	shalt  }
0x3f: {  	_ =	shalt  }
0x40: {  	_ =	shalt  }
0x41: {  	_ =	shalt  }
0x42: {  	_ =	shalt  }
0x43: {  	_ =	shalt  }
0x44: {  	_ =	shalt  }
0x45: {  	_ =	shalt  }
0x46: {  	_ =	shalt  }
0x47: {  	_ =	shalt  }
0x48: {  	_ =	shalt  }
0x49: {  	_ =	shalt  }
0x4a: {  	_ =	shalt  }
0x4b: {  	_ =	shalt  }
0x4c: {  	_ =	shalt  }
0x4d: {  	_ =	shalt  }
0x4e: {  	_ =	shalt  }
0x4f: {  	_ =	shalt  }
0x50: {  	_ =	shalt  }
0x51: {  	_ =	shalt  }
0x52: {  	_ =	shalt  }
0x53: {  	_ =	shalt  }
0x54: {  	_ =	shalt  }
0x55: {  	_ =	shalt  }
0x56: {  	_ =	shalt  }
0x57: {  	_ =	shalt  }
0x58: {  	_ =	shalt  }
0x59: {  	_ =	shalt  }
0x5a: {  	_ =	shalt  }
0x5b: {  	_ =	shalt  }
0x5c: {  	_ =	shalt  }
0x5d: {  	_ =	shalt  }
0x5e: {  	_ =	shalt  }
0x5f: {  	_ =	shalt  }
0x60: {  	_ =	shalt  }
0x61: {  	_ =	shalt  }
0x62: {  	_ =	shalt  }
0x63: {  	_ =	shalt  }
0x64: {  	_ =	shalt  }
0x65: {  	_ =	shalt  }
0x66: {  	_ =	shalt  }
0x67: {  	_ =	shalt  }
0x68: {  	_ =	shalt  }
0x69: {  	_ =	shalt  }
0x6a: {  	_ =	shalt  }
0x6b: {  	_ =	shalt  }
0x6c: {  	_ =	shalt  }
0x6d: {  	_ =	shalt  }
0x6e: {  	_ =	shalt  }
0x6f: {  	_ =	shalt  }
0x70: {  	_ =	shalt  }
0x71: {  	_ =	shalt  }
0x72: {  	_ =	shalt  }
0x73: {  	_ =	shalt  }
0x74: {  	_ =	shalt  }
0x75: {  	_ =	shalt  }
0x76: {  	_ =	shalt  }
0x77: {  	_ =	shalt  }
0x78: {  	_ =	shalt  }
0x79: {  	_ =	shalt  }
0x7a: {  	_ =	shalt  }
0x7b: {  	_ =	shalt  }
0x7c: {  	_ =	shalt  }
0x7d: {  	_ =	shalt  }
0x7e: {  	_ =	shalt  }
0x7f: {  	_ =	shalt  }
0x80: {  	_ =	shalt  }
0x81: {  	_ =	shalt  }
0x82: {  	_ =	shalt  }
0x83: {  	_ =	shalt  }
0x84: {  	_ =	shalt  }
0x85: {  	_ =	shalt  }
0x86: {  	_ =	shalt  }
0x87: {  	_ =	shalt  }
.Lfunc_end0:
.L_simem_size_0:
called_computation_lowered:
.L_overlay_start_0:
0x88: {  	s2 =	sld [smem:$0x3FD9]  }
0x89: {  	s3 =	sld [smem:$0x3FFE];
	_ =	sdelay $0x1  }
0x8a: {  	s1 =	srdreg.scid  }
0x8b: {  	s0 =	sand.u32 $0x1, s1  }
0x8c: {  	s16 =	sshll.u32 s0, $0xA;
	s2 =	sadd.s32 s3, s2  }
0x8d: {  	s2 =	sadd.s32 s2, s16  }
0x8e: {  	[smem:$0x3FB1] =	sst s2  }
0x8f: {  	_ = 	snop  }
0x90: {  	(tm) =	ssettm $0x1  }
0x91: {  	s17 =	sld [smem:$0x3FFB];
	_ =	sdelay $0x3  }
0x92: {  	_ =	strace s17  }
0x93: {  	s2 =	sld [smem:$0x3FFC];
	_ =	sdelay $0x3  }
0x94: {  	_ =	strace s2  }
0x95: {  	s2 =	sld [smem:$0x3FFD];
	_ =	sdelay $0x3  }
0x96: {  	_ =	strace s2  }
0x97: {  	_ =	strace $0x8FFFFFFF  }
0x98: {  	s18 =	sld [smem:$0x3FDB];
	_ =	sdelay $0x1  }
0x99: {  	s19 =	simm.s32 $_scs_section_size  }
0x9a: {  	s4 =	simm.s32 $_size__tile_overlayer_lowered;
	s5 =	simm.s32 $_tile_overlayer_lowered  }
0x9b: {  	s22 =	simm.s32 $0x1BFF;
	s21 =	sshll.u32 s5, $0x1;
	s2 =	sadd.s32 s19, s18  }
0x9c: {  	s6 =	simm.s32 $0x0;
	s20 =	sshll.u32 s4, $0x1;
	s4 =	sadd.s32 s21, s2  }
0x9d: {  	[timem:s6], [sflag:s22] =	dma.local [hbm:s4], s20  }
0x9e: {  	_ =	swait.ge [sflag:s22], s20  }
0x9f: {  	s3 =	ssub.s32 $0x0, s20;
	[sflag:s22] =	ssyncset.done $0x0  }
0xa0: {  	[sflag:s22] =	ssyncadd.s32 s3;
	_ =	sdelay $0x1  }
0xa1: {  	s23 =	simm.s32 $0x1B8B  }
0xa2: {  	_ =	swait.ge [sflag:s23], $0x1  }
0xa3: {  	[sflag:s23] =	ssyncset.done $0x0  }
0xa4: {  	s25 =	simm.s32 $0x1B8E;
	s24 =	sld [smem:$0x3FFE];
	[sflag:s23] =	ssyncadd.s32 $0xFFFFFFFF  }
0xa5: {  	s26 =	simm.s32 $execute0_lowered;
	[smem:$0x3FD2] =	sst s25  }
0xa6: {  	s4 =	sshll.u32 s26, $0x1;
	_ =	strace $0x80000046;
	[dreg:$0x1] =	wrdreg $0xFFFFFFFF  }
0xa7: {  	s28 =	simm.s32 $_size_execute0_lowered;
	s2 =	sadd.s32 s2, s4;
	[dreg:$0x0] =	wrdreg $0x0  }
0xa8: {  	s4 =	sshll.u32 s28, $0x1;
	[dreg:$0x2] =	wrdreg s2  }
0xa9: {  	[dreg:$0x3] =	wrdreg s4  }
0xaa: {  	[dreg:$0x4] =	wrdreg $0xC0  }
0xab: {  	_ =	task [dreg:s6], $0x5FFFF  }
0xac: {  	[dreg:$0x1] =	wrdreg $0xFFFFFFFF  }
0xad: {  	[dreg:$0x0] =	wrdreg $0x60  }
0xae: {  	[dreg:$0x2] =	wrdreg s24  }
0xaf: {  	[dreg:$0x3] =	wrdreg $0x0  }
0xb0: {  	[dreg:$0x4] =	wrdreg $0x9  }
0xb1: {  	_ =	task.clear_ibuf [dreg:s6], $0x5FFFF;
	_ =	strace $0x90000046  }
0xb2: {  	s29 =	simm.s32 $0x9;
	_ =	strace $0x80000048  }
0xb3: {  	_ =	swait.ge [sflag:s29], $0x1  }
0xb4: {  	[sflag:s29] =	ssyncadd.s32 $0xFFFFFFFF  }
0xb5: {  	_ =	strace $0x90000048  }
0xb6: {  	_ =	sfence  }
0xb7: {  	s30 =	sld [smem:$0x0];
	_ =	sdelay $0x2  }
0xb8: {  	s31 =	sshll.u32 s1, $0xD;
	s1 =	sshrl.u32 s1, $0x2  }
0xb9: {  	s3 =	sand.u32 $0x4000, s31;
	s1 =	sadd.s32 s1, s30  }
0xba: {  	s0 =	sor.u32 s3, s0;
	s1 =	sshll.u32 s1, $0x11  }
0xbb: {  	s0 =	sor.u32 s1, s0  }
0xbc: {  	s0 =	sadd.s32 $0x8F2B, s0  }
0xbd: {  	[sflag:s0] =	ssyncadd.remote.s32 $0x1  }
0xbe: {  	_ =	sfence.sel $0xFFFF  }
0xbf: {  	[dreg:$0x0] =	wrdreg $0xFFFFFFFF;
	(pc) =	sbr.abs _section_cstart, $3  }
0xc0: {  	[dreg:$0x1] =	wrdreg $0xFFFFFFFF  }
0xc1: {  	_ =	task.clear_ibuf [dreg:s6], $0x2FFFF;
	_ =	strace $0x9FFFFFFF  }
0xc2: {  	(tm) =	ssettm $0x7FFFFFFF  }
0xc3: {  	_ =	shalt  }
tec
execute0_lowered:
.L_overlay_start_1:
0x0: {  	(tag) =	ssettag $0x1  }
0x1: {  	s4 =	rddreg [dreg:$0x0]  }
0x2: {  	s1 =	rddreg [dreg:$0x1]  }
0x3: {  	s0 =	rddreg [dreg:$0x2]  }
0x4: {  	s3 =	simm.s32 $0x0;
	s5 =	srdreg.scid;
	s2 =	stileid.u32  }
0x5: {  	s13 =	simm.s32 $0x1000;
	s14 =	simm.s32 $0x1080;
	s15 =	simm.s32 $0x1100  }
0x6: {  	s16 =	simm.s32 $0x1180;
	s17 =	simm.s32 $0x80;
	s18 =	simm.s32 $0x1200  }
0x7: {  	s21 =	simm.s32 $0x0;
	[smem:$0x7FF] =	sst s3;
	s5 =	sand.u32 $0x1, s5  }
0x8: {  	s7 =	sshll.u32 s2, $0xC;
	s19 =	sshll.u32 s2, $0x6;
	_ =	strace $0x80000047  }
0x9: {  	s6 =	sshll.u32 s5, $0xA;
	s8 =	sshll.u32 s5, $0x10;
	s5 =	ssub.s32 $0x2, s5  }
0xa: {  	s8 =	sor.u32 s7, s8;
	s6 =	sor.u32 s19, s6;
	s9 =	sshrl.u32 s5, $0x1  }
0xb: {  	s19 =	sor.u32 $0x1C01, s19;
	s8 =	sshrl.u32 s8, $0x3;
	s10 =	sadd.s32 s6, s4  }
0xc: {  	s12 =	ssub.s32 s5, s9;
	s11 =	sadd.s32 s8, s4;
	s4 =	sadd.s32 s7, s1  }
0xd: {  	s5 =	sadd.s32 $0x4400, s10;
	s6 =	sadd.s32 $0x4410, s10;
	s7 =	sadd.s32 $0x4420, s10  }
0xe: {  	s8 =	sadd.s32 $0x4430, s10;
	s10 =	smax.u32 s12, $0x1;
	s12 =	simm.s32 $0x1  }
0xf: {  	v0 =	vimm.f32 $1.000000000e+00;
	v1 =	vimm.f32 $0.0e+00;
	s9 =	sadd.s32 $0x4C00, s11;
	s11 =	simm.s32 $0x1A00;
	s20 =	sshrl.u32 s4, $0x3  }
.LBB2_1:
0x10: {  	s22 =	simm.s32 $0x40;
	s23 =	simm.s32 $0x0  }
.LBB2_2:
0x11: {  	p0 =	sne.s32 s22, $0x1FC0;
	[tilespmem:s23+$0x2200] =	vst v1;
	s24 =	smov.u32 s22;
	s22 =	sadd.s32 $0x40, s22  }
.Ltmp0:
0x12: {  	[tilespmem:s23+$0x1200] =	vst v0;
	(pc) =	sbr.rel @p0 .LBB2_2-.Ltmp0, $2  }
0x13: {  	[tilespmem:s23+$0x1A00] =	vst v1;
	_ =	sdelay $0x2  }
0x14: {  	s23 =	sshra.s32 s24, $0x2  }
0x15: {  	[tilespmem:s23+$0x2200] =	vst v1  }
0x16: {  	[tilespmem:s23+$0x1200] =	vst v0  }
0x17: {  	[tilespmem:s23+$0x1A00] =	vst v1  }
0x18: {  	[spmem:s4] =	stream.linear.scatter [tilespmem:s11], [sflag:$0x1], $0x1000, $0x38;
	[tilespmem:$0x2A00] =	vst v63  }
0x19: {  	_ =	swait.ge [sflag:s12], $0x1000  }
0x1a: {  	[sflag:s12] =	ssyncset.done $0x0  }
0x1b: {  	[sflag:s12] =	ssyncadd.s32 $0xFFFFF000  }
0x1c: {  	[tilespmem:s13], [sflag:$0x1] =	stream.linear.gather [hbm4b:s5+s3], $0x80, $0x38;
	[tilespmem:$0x2A00] =	vst v63  }
0x1d: {  	_ =	swait.ge [sflag:s12], $0x80  }
0x1e: {  	[sflag:s12] =	ssyncset.done $0x0  }
0x1f: {  	[sflag:s12] =	ssyncadd.s32 $0xFFFFFF80  }
0x20: {  	[tilespmem:s14], [sflag:$0x1] =	stream.linear.gather [hbm4b:s6+s3], $0x80, $0x38;
	[tilespmem:$0x2A00] =	vst v63  }
0x21: {  	_ =	swait.ge [sflag:s12], $0x80  }
0x22: {  	[sflag:s12] =	ssyncset.done $0x0  }
0x23: {  	[sflag:s12] =	ssyncadd.s32 $0xFFFFFF80  }
0x24: {  	[tilespmem:s15], [sflag:$0x1] =	stream.linear.gather [hbm4b:s7+s3], $0x80, $0x38;
	[tilespmem:$0x2A00] =	vst v63  }
0x25: {  	_ =	swait.ge [sflag:s12], $0x80  }
0x26: {  	[sflag:s12] =	ssyncset.done $0x0  }
0x27: {  	[sflag:s12] =	ssyncadd.s32 $0xFFFFFF80  }
0x28: {  	[tilespmem:s16], [sflag:$0x1] =	stream.linear.gather [hbm4b:s8+s3], $0x80, $0x38;
	[tilespmem:$0x2A00] =	vst v63  }
0x29: {  	_ =	swait.ge [sflag:s12], $0x80  }
0x2a: {  	[sflag:s12] =	ssyncset.done $0x0  }
0x2b: {  	[sflag:s12] =	ssyncadd.s32 $0xFFFFFF80  }
0x2c: {  	[bflag:$0x0] =	sbarrier.arrive $0xFFFF  }
0x2d: {  	[spmem:s1] =	stream.indirect.scatter.add.f32 [tilespmem:s18], [sflag:$0x1], $0x10, s13, s17, $0xb8;
	[tilespmem:$0x2A00] =	vst v63  }
0x2e: {  	_ =	swait.ge [sflag:s12], $0x800  }
0x2f: {  	[sflag:s12] =	ssyncset.done $0x0  }
0x30: {  	[sflag:s12] =	ssyncadd.s32 $0xFFFFF800  }
0x31: {  	[spmem:s1] =	stream.indirect.scatter.add.f32 [tilespmem:s18], [sflag:$0x1], $0x10, s14, s17, $0xb8;
	[tilespmem:$0x2A00] =	vst v63  }
0x32: {  	_ =	swait.ge [sflag:s12], $0x800  }
0x33: {  	[sflag:s12] =	ssyncset.done $0x0  }
0x34: {  	[sflag:s12] =	ssyncadd.s32 $0xFFFFF800  }
0x35: {  	[spmem:s1] =	stream.indirect.scatter.add.f32 [tilespmem:s18], [sflag:$0x1], $0x10, s15, s17, $0xb8;
	[tilespmem:$0x2A00] =	vst v63  }
0x36: {  	_ =	swait.ge [sflag:s12], $0x800  }
0x37: {  	[sflag:s12] =	ssyncset.done $0x0  }
0x38: {  	[sflag:s12] =	ssyncadd.s32 $0xFFFFF800  }
0x39: {  	[spmem:s1] =	stream.indirect.scatter.add.f32 [tilespmem:s18], [sflag:$0x1], $0x10, s16, s17, $0xb8;
	[tilespmem:$0x2A00] =	vst v63  }
0x3a: {  	_ =	swait.ge [sflag:s12], $0x800  }
0x3b: {  	s21 =	sadd.s32 $0x1, s21;
	[sflag:s12] =	ssyncset.done $0x0  }
0x3c: {  	p0 =	sne.s32 s21, s10;
	[sflag:s12] =	ssyncadd.s32 $0xFFFFF800  }
.Ltmp1:
0x3d: {  	[bflag:$0x0] =	sbarrier.arrive $0xFFFF;
	(pc) =	sbr.rel @p0 .LBB2_1-.Ltmp1, $4  }
0x3e: {  	[hbm:s9], [sflag:s19] =	dma.local [spmem:s20], $0x200  }
0x3f: {  	_ =	swait.ge [sflag:s12], $0x200  }
0x40: {  	[sflag:s12] =	ssyncset.done $0x0  }
0x41: {  	[sflag:s12] =	ssyncadd.s32 $0xFFFFFE00  }
0x42: {  	_ =	sfence.sel $0x180000  }
0x43: {  	[bflag:$0x0] =	sbarrier.arrive $0xFFFF  }
0x44: {  	p0 =	sne.s32 s2, $0x0;
	_ =	strace $0x90000047  }
0x45: {  	s0 =	sadd.s32 @!p0 $0x100000, s0;
	[bflag:$0x2] =	sbarrier.arrive $0xFFFF  }
0x46: {  	[sflag:s0] =	ssyncadd.tile.s32 @!p0 $0x1;
	_ =	shalt  }
.Lfunc_end2:
_tile_overlayer_lowered:
.L_overlay_start_2:
0x47: {  	(tag) =	ssettag $0x2  }
0x48: {  	s0 =	rddreg [dreg:$0x0];
	s2 =	stileid.u32  }
0x49: {  	s1 =	rddreg [dreg:$0x1];
	p0 =	sne.s32 s2, $0x0  }
0x4a: {  	s3 =	rddreg [dreg:$0x2];
	[bflag:$0x3] =	sbarrier.arrive $0xFFFF;
	s2 =	simm.s32 @!p0 $0x1C01  }
0x4b: {  	[timem:s3], [sflag:s2] =	dma.local @!p0 [hbm:s0], s1  }
0x4c: {  	s0 =	simm.s32 @!p0 $0x1  }
0x4d: {  	_ =	swait.ge @!p0 [sflag:s0], s1  }
0x4e: {  	s1 =	ssub.s32 @!p0 $0x0, s1;
	[sflag:s0] =	ssyncset.done @!p0 $0x0  }
0x4f: {  	[sflag:s0] =	ssyncadd.s32 @!p0 s1  }
0x50: {  	[bflag:$0x3] =	sbarrier.arrive $0xFFFF  }
0x51: {  	_ =	shalt  }

// kernel: kernel.14.cloned.1.call-start
scs
__scs_entry_jumppad:
0x0: {  	(pc) =	sbr.rel $0x88, $3  }
0x1: {  	(tag) =	ssettag $0x0;
	lr =	simm.s32 $0x1  }
0x2: {  	[smem:$0x3F8A] =	sst lr;
	_ =	strace $0xD0000000  }
0x3: {  	_ = 	snop  }
0x4: {  	_ = 	snop  }
0x5: {  	_ = 	snop  }
0x6: {  	_ = 	snop  }
0x7: {  	_ = 	snop  }
__scs_overlays_trampoline_lowered:
0x8: {  	[smem:$0x3F99] =	sst s0  }
0x9: {  	[smem:$0x3F9A] =	sst s1  }
0xa: {  	[smem:$0x3F9B] =	sst s2  }
0xb: {  	[smem:$0x3F9C] =	sst s3  }
0xc: {  	[smem:$0x3F9D] =	sst s4  }
0xd: {  	[smem:$0x3F9E] =	sst s5  }
0xe: {  	[smem:$0x3F9F] =	sst s6  }
0xf: {  	[smem:$0x3FA0] =	sst s7  }
0x10: {  	[smem:$0x3FA1] =	sst s8  }
0x11: {  	[smem:$0x3FA2] =	sst s9;
	s0 =	simm.s32 @!p0 $0x0  }
0x12: {  	s1 =	sld [smem:$0x3F88];
	s0 =	simm.s32 @p0 $0x1  }
0x13: {  	[smem:$0x3FA3] =	sst s0;
	s0 =	simm.s32 @!p1 $0x0  }
0x14: {  	s2 =	sld [smem:$0x3F87];
	s0 =	simm.s32 @p1 $0x1  }
0x15: {  	[smem:$0x3FA4] =	sst s0;
	s0 =	simm.s32 @!p2 $0x0  }
0x16: {  	s3 =	sld [smem:$0x3FDB];
	s0 =	simm.s32 @p2 $0x1  }
0x17: {  	s4 =	simm.s32 $0x1BF5;
	[smem:$0x3FA6] =	sst s0  }
0x18: {  	s0 =	sld [smem:$0x3F89];
	_ =	swait.ge [sflag:s4], $0x0  }
0x19: {  	s7 =	sld [smem:$0x3F8A]  }
0x1a: {  	s8 =	sadd.s32 $0xFFFFE003, lr  }
0x1b: {  	s9 =	sadd.s32 $0xFFFFFEF7, lr;
	s5 =	simm.s32 $0xFFFFFFFF;
	p2 =	slt.u32 s8, $0xFFFFF086  }
0x1c: {  	p1 =	slt.u32 s9, $0xF7A;
	s5 =	simm.s32 @!p2 $0x0  }
0x1d: {  	s5 =	simm.s32 @p1 $0x1;
	p0 =	seq.s32 s7, s2  }
0x1e: {  	s7 =	smul.u32 @!p0 $0xF7A, s2;
	p2 =	seq.s32 @!p0 s5, $0x0  }
0x1f: {  	s9 =	smul.u32 $0xF7A, s1;
	s8 =	simm.s32 @!p0 $0x1BF5;
	p2 =	por !p2, p0  }
0x20: {  	[sflag:s8] =	ssyncset.s32 @!p0 $0xFFFFF086;
	s6 =	sadd.s32 @!p0 s3, s7;
	s7 =	simm.s32 @!p0 $0x108  }
0x21: {  	s3 =	sadd.s32 s3, s9;
	s6 =	sadd.s32 @!p0 $0x88, s6;
	s7 =	simm.s32 @p2 $0x1082  }
0x22: {  	[simem:s7], [sflag:s8] =	dma.local @!p0 [hbm:s6], $0xF7A  }
0x23: {  	s9 =	sor.u32 $0xD0000000, s2;
	s6 =	simm.s32 $0x108;
	_ =	swait.ge @!p0 [sflag:s8], $0x0  }
0x24: {  	s3 =	sadd.s32 $0x88, s3;
	s6 =	simm.s32 @!p1 $0x1082;
	[sflag:s4] =	ssyncset.s32 $0xFFFFF086  }
0x25: {  	[simem:s6], [sflag:s4] =	dma.local [hbm:s3], $0xF7A  }
0x26: {  	[smem:$0x3F8A] =	sst s1;
	(tag) =	ssettag s2;
	_ =	strace s9  }
0x27: {  	s1 =	sld [smem:$0x3F9A]  }
0x28: {  	s2 =	sld [smem:$0x3F9B]  }
0x29: {  	s4 =	sld [smem:$0x3F9D]  }
0x2a: {  	p0 =	seq.s32 s5, $0x0;
	s5 =	sld [smem:$0x3F9E]  }
0x2b: {  	s6 =	sld [smem:$0x3F9F]  }
0x2c: {  	s7 =	sld [smem:$0x3FA0]  }
0x2d: {  	s3 =	simm.s32 $0x108;
	s8 =	sld [smem:$0x3FA1]  }
0x2e: {  	s3 =	simm.s32 @!p0 $0x1082;
	s9 =	sld [smem:$0x3FA2]  }
0x2f: {  	lr =	sadd.s32 s0, s3;
	s0 =	sld [smem:$0x3F99]  }
0x30: {  	s3 =	sld [smem:$0x3F9C]  }
0x31: {  	[smem:$0x3FA5] =	sst s10  }
0x32: {  	s10 =	sld [smem:$0x3FA3];
	_ =	sdelay $0x3  }
0x33: {  	p0 =	seq.s32 s10, $0x1;
	s10 =	sld [smem:$0x3FA5];
	_ =	sdelay $0x3  }
0x34: {  	[smem:$0x3FA5] =	sst s10  }
0x35: {  	s10 =	sld [smem:$0x3FA4];
	_ =	sdelay $0x3  }
0x36: {  	p1 =	seq.s32 s10, $0x1;
	s10 =	sld [smem:$0x3FA5];
	_ =	sdelay $0x3  }
0x37: {  	[smem:$0x3FA5] =	sst s10  }
0x38: {  	s10 =	sld [smem:$0x3FA6]  }
0x39: {  	_ = 	snop;
	(pc) =	sbr.ind lr, $3  }
0x3a: {  	_ = 	snop  }
0x3b: {  	_ = 	snop  }
0x3c: {  	p2 =	seq.s32 s10, $0x1;
	s10 =	sld [smem:$0x3FA5]  }
0x3d: {  	_ =	shalt  }
0x3e: {  	_ =	shalt  }
0x3f: {  	_ =	shalt  }
0x40: {  	_ =	shalt  }
0x41: {  	_ =	shalt  }
0x42: {  	_ =	shalt  }
0x43: {  	_ =	shalt  }
0x44: {  	_ =	shalt  }
0x45: {  	_ =	shalt  }
0x46: {  	_ =	shalt  }
0x47: {  	_ =	shalt  }
0x48: {  	_ =	shalt  }
0x49: {  	_ =	shalt  }
0x4a: {  	_ =	shalt  }
0x4b: {  	_ =	shalt  }
0x4c: {  	_ =	shalt  }
0x4d: {  	_ =	shalt  }
0x4e: {  	_ =	shalt  }
0x4f: {  	_ =	shalt  }
0x50: {  	_ =	shalt  }
0x51: {  	_ =	shalt  }
0x52: {  	_ =	shalt  }
0x53: {  	_ =	shalt  }
0x54: {  	_ =	shalt  }
0x55: {  	_ =	shalt  }
0x56: {  	_ =	shalt  }
0x57: {  	_ =	shalt  }
0x58: {  	_ =	shalt  }
0x59: {  	_ =	shalt  }
0x5a: {  	_ =	shalt  }
0x5b: {  	_ =	shalt  }
0x5c: {  	_ =	shalt  }
0x5d: {  	_ =	shalt  }
0x5e: {  	_ =	shalt  }
0x5f: {  	_ =	shalt  }
0x60: {  	_ =	shalt  }
0x61: {  	_ =	shalt  }
0x62: {  	_ =	shalt  }
0x63: {  	_ =	shalt  }
0x64: {  	_ =	shalt  }
0x65: {  	_ =	shalt  }
0x66: {  	_ =	shalt  }
0x67: {  	_ =	shalt  }
0x68: {  	_ =	shalt  }
0x69: {  	_ =	shalt  }
0x6a: {  	_ =	shalt  }
0x6b: {  	_ =	shalt  }
0x6c: {  	_ =	shalt  }
0x6d: {  	_ =	shalt  }
0x6e: {  	_ =	shalt  }
0x6f: {  	_ =	shalt  }
0x70: {  	_ =	shalt  }
0x71: {  	_ =	shalt  }
0x72: {  	_ =	shalt  }
0x73: {  	_ =	shalt  }
0x74: {  	_ =	shalt  }
0x75: {  	_ =	shalt  }
0x76: {  	_ =	shalt  }
0x77: {  	_ =	shalt  }
0x78: {  	_ =	shalt  }
0x79: {  	_ =	shalt  }
0x7a: {  	_ =	shalt  }
0x7b: {  	_ =	shalt  }
0x7c: {  	_ =	shalt  }
0x7d: {  	_ =	shalt  }
0x7e: {  	_ =	shalt  }
0x7f: {  	_ =	shalt  }
0x80: {  	_ =	shalt  }
0x81: {  	_ =	shalt  }
0x82: {  	_ =	shalt  }
0x83: {  	_ =	shalt  }
0x84: {  	_ =	shalt  }
0x85: {  	_ =	shalt  }
0x86: {  	_ =	shalt  }
0x87: {  	_ =	shalt  }
.Lfunc_end0:
.L_simem_size_0:
called_computation.1_lowered:
.L_overlay_start_0:
0x88: {  	s2 =	sld [smem:$0x3FD9]  }
0x89: {  	s3 =	sld [smem:$0x3FFE];
	_ =	sdelay $0x1  }
0x8a: {  	s1 =	srdreg.scid  }
0x8b: {  	s0 =	sand.u32 $0x1, s1  }
0x8c: {  	s16 =	sshll.u32 s0, $0xA;
	s2 =	sadd.s32 s3, s2  }
0x8d: {  	s2 =	sadd.s32 s2, s16  }
0x8e: {  	[smem:$0x3FB1] =	sst s2  }
0x8f: {  	_ = 	snop  }
0x90: {  	(tm) =	ssettm $0x1  }
0x91: {  	s17 =	sld [smem:$0x3FFB];
	_ =	sdelay $0x3  }
0x92: {  	_ =	strace s17  }
0x93: {  	s2 =	sld [smem:$0x3FFC];
	_ =	sdelay $0x3  }
0x94: {  	_ =	strace s2  }
0x95: {  	s2 =	sld [smem:$0x3FFD];
	_ =	sdelay $0x3  }
0x96: {  	_ =	strace s2  }
0x97: {  	_ =	strace $0x8FFFFFFF  }
0x98: {  	s18 =	sld [smem:$0x3FDB];
	_ =	sdelay $0x1  }
0x99: {  	s19 =	simm.s32 $_scs_section_size  }
0x9a: {  	s4 =	simm.s32 $_size__tile_overlayer_lowered;
	s5 =	simm.s32 $_tile_overlayer_lowered  }
0x9b: {  	s22 =	simm.s32 $0x1BFF;
	s21 =	sshll.u32 s5, $0x1;
	s2 =	sadd.s32 s19, s18  }
0x9c: {  	s6 =	simm.s32 $0x0;
	s20 =	sshll.u32 s4, $0x1;
	s4 =	sadd.s32 s21, s2  }
0x9d: {  	[timem:s6], [sflag:s22] =	dma.local [hbm:s4], s20  }
0x9e: {  	_ =	swait.ge [sflag:s22], s20  }
0x9f: {  	s3 =	ssub.s32 $0x0, s20;
	[sflag:s22] =	ssyncset.done $0x0  }
0xa0: {  	[sflag:s22] =	ssyncadd.s32 s3;
	_ =	sdelay $0x1  }
0xa1: {  	s23 =	simm.s32 $0x1B8B  }
0xa2: {  	_ =	swait.ge [sflag:s23], $0x1  }
0xa3: {  	[sflag:s23] =	ssyncset.done $0x0  }
0xa4: {  	s25 =	simm.s32 $0x1B8E;
	s24 =	sld [smem:$0x3FFE];
	[sflag:s23] =	ssyncadd.s32 $0xFFFFFFFF  }
0xa5: {  	s26 =	simm.s32 $execute0_lowered;
	[smem:$0x3FD2] =	sst s25  }
0xa6: {  	s4 =	sshll.u32 s26, $0x1;
	_ =	strace $0x80000049;
	[dreg:$0x1] =	wrdreg $0xFFFFFFFF  }
0xa7: {  	s28 =	simm.s32 $_size_execute0_lowered;
	s2 =	sadd.s32 s2, s4;
	[dreg:$0x0] =	wrdreg $0x0  }
0xa8: {  	s4 =	sshll.u32 s28, $0x1;
	[dreg:$0x2] =	wrdreg s2  }
0xa9: {  	[dreg:$0x3] =	wrdreg s4  }
0xaa: {  	[dreg:$0x4] =	wrdreg $0xC0  }
0xab: {  	_ =	task [dreg:s6], $0x5FFFF  }
0xac: {  	[dreg:$0x1] =	wrdreg $0xFFFFFFFF  }
0xad: {  	[dreg:$0x0] =	wrdreg $0x60  }
0xae: {  	[dreg:$0x2] =	wrdreg s24  }
0xaf: {  	[dreg:$0x3] =	wrdreg $0x0  }
0xb0: {  	[dreg:$0x4] =	wrdreg $0x9  }
0xb1: {  	_ =	task.clear_ibuf [dreg:s6], $0x5FFFF;
	_ =	strace $0x90000049  }
0xb2: {  	s29 =	simm.s32 $0x9;
	_ =	strace $0x8000004B  }
0xb3: {  	_ =	swait.ge [sflag:s29], $0x1  }
0xb4: {  	[sflag:s29] =	ssyncadd.s32 $0xFFFFFFFF  }
0xb5: {  	_ =	strace $0x9000004B  }
0xb6: {  	_ =	sfence  }
0xb7: {  	s30 =	sld [smem:$0x0];
	_ =	sdelay $0x2  }
0xb8: {  	s31 =	sshll.u32 s1, $0xD;
	s1 =	sshrl.u32 s1, $0x2  }
0xb9: {  	s3 =	sand.u32 $0x4000, s31;
	s1 =	sadd.s32 s1, s30  }
0xba: {  	s0 =	sor.u32 s3, s0;
	s1 =	sshll.u32 s1, $0x11  }
0xbb: {  	s0 =	sor.u32 s1, s0  }
0xbc: {  	s0 =	sadd.s32 $0x8F2B, s0  }
0xbd: {  	[sflag:s0] =	ssyncadd.remote.s32 $0x1  }
0xbe: {  	_ =	sfence.sel $0xFFFF  }
0xbf: {  	[dreg:$0x0] =	wrdreg $0xFFFFFFFF;
	(pc) =	sbr.abs _section_cstart, $3  }
0xc0: {  	[dreg:$0x1] =	wrdreg $0xFFFFFFFF  }
0xc1: {  	_ =	task.clear_ibuf [dreg:s6], $0x2FFFF;
	_ =	strace $0x9FFFFFFF  }
0xc2: {  	(tm) =	ssettm $0x7FFFFFFF  }
0xc3: {  	_ =	shalt  }
tec
execute0_lowered:
.L_overlay_start_1:
0x0: {  	(tag) =	ssettag $0x1  }
0x1: {  	s0 =	rddreg [dreg:$0x0]  }
0x2: {  	s2 =	rddreg [dreg:$0x1];
	s1 =	srdreg.scid  }
0x3: {  	s3 =	simm.s32 $0x0;
	s10 =	stileid.u32;
	s18 =	simm.s32 $0x6  }
0x4: {  	s19 =	simm.s32 $0x4000;
	s20 =	simm.s32 $0x4200;
	s28 =	simm.s32 $0x80  }
0x5: {  	s29 =	simm.s32 $0x4400;
	s30 =	simm.s32 $0x6400;
	s31 =	simm.s32 $0x8400  }
0x6: {  	s17 =	simm.s32 $0x2;
	s1 =	sand.u32 $0x1, s1;
	[smem:$0x7FF] =	sst s3  }
0x7: {  	s5 =	sshll.u32 s10, $0xE;
	s4 =	sadd.s32 $0x4C00, s0;
	s7 =	sadd.s32 $0x3C00, s0  }
0x8: {  	s8 =	sadd.s32 $0x4400, s0;
	s10 =	sshll.u32 s10, $0x6;
	s6 =	sshll.u32 s1, $0x12  }
0x9: {  	_ =	strace $0x8000004A;
	s9 =	ssub.s32 $0x2, s1;
	s1 =	sshll.u32 s1, $0xA  }
0xa: {  	[dreg:$0x3] =	wrdreg s10;
	s6 =	sor.u32 s5, s6;
	s21 =	sshrl.u32 s9, $0x1  }
0xb: {  	s1 =	sor.u32 s10, s1;
	s6 =	sshrl.u32 s6, $0x3;
	s9 =	ssub.s32 s9, s21  }
0xc: {  	s22 =	sor.u32 $0x10, s1;
	s10 =	sadd.s32 s7, s1;
	s23 =	sadd.s32 s8, s1  }
0xd: {  	s25 =	sor.u32 $0x20, s1;
	s1 =	sor.u32 $0x30, s1;
	s21 =	simm.s32 $0x4080  }
0xe: {  	s0 =	sadd.s32 s6, s0;
	s6 =	sadd.s32 s5, s2;
	[dreg:$0x4] =	wrdreg s10  }
0xf: {  	[dreg:$0x5] =	wrdreg s23;
	s24 =	sadd.s32 s7, s22;
	s5 =	sadd.s32 s8, s22  }
0x10: {  	s26 =	sadd.s32 s7, s25;
	s13 =	sadd.s32 s7, s1;
	s14 =	sadd.s32 s8, s1  }
0x11: {  	s16 =	smax.u32 s9, $0x1;
	s22 =	simm.s32 $0x4280;
	[dreg:$0x6] =	wrdreg s24  }
0x12: {  	s23 =	simm.s32 $0x4100;
	s1 =	simm.s32 $0x1;
	[dreg:$0x7] =	wrdreg s5  }
0x13: {  	s7 =	simm.s32 $0x4;
	s9 =	simm.s32 $0x0;
	[dreg:$0x8] =	wrdreg s26  }
0x14: {  	s5 =	sadd.s32 s8, s25;
	s15 =	sadd.s32 $0xCC00, s0;
	s24 =	simm.s32 $0x4300  }
0x15: {  	s25 =	simm.s32 $0x4180;
	s26 =	simm.s32 $0x4380;
	s0 =	simm.s32 $0xA400  }
0x16: {  	v0 =	vimm.f32 $0.0e+00;
	s8 =	simm.s32 $0x5;
	[dreg:$0x9] =	wrdreg s5;
	s5 =	simm.s32 $0x3  }
.LBB2_1:
0x17: {  	s11 =	simm.s32 $0x100;
	s10 =	simm.s32 $0x0  }
.LBB2_2:
0x18: {  	p0 =	sne.s32 s11, $0xFF00;
	[tilespmem:s10+$0xC430] =	vst v0;
	s12 =	smov.u32 s11;
	s11 =	sadd.s32 $0x100, s11  }
.Ltmp0:
0x19: {  	[tilespmem:s10+$0xC420] =	vst v0;
	(pc) =	sbr.rel @p0 .LBB2_2-.Ltmp0, $3  }
0x1a: {  	[tilespmem:s10+$0xC400] =	vst v0  }
0x1b: {  	[tilespmem:s10+$0xC410] =	vst v0;
	_ =	sdelay $0x1  }
0x1c: {  	s10 =	sshra.s32 s12, $0x2  }
0x1d: {  	[tilespmem:s10+$0xC430] =	vst v0  }
0x1e: {  	[tilespmem:s10+$0xC420] =	vst v0  }
0x1f: {  	[tilespmem:s10+$0xC400] =	vst v0  }
0x20: {  	[tilespmem:s10+$0xC410] =	vst v0;
	s11 =	simm.s32 $0xC400  }
0x21: {  	[spmem:s6] =	stream.linear.scatter [tilespmem:s11], [sflag:$0x6], $0x4000, $0x38;
	[tilespmem:$0x10400] =	vst v63  }
0x22: {  	_ =	swait.ge [sflag:s18], $0x4000  }
0x23: {  	[sflag:s18] =	ssyncset.done $0x0  }
0x24: {  	s12 =	rddreg [dreg:$0x4];
	[sflag:s18] =	ssyncadd.s32 $0xFFFFC000  }
0x25: {  	[tilespmem:s19], [sflag:$0x6] =	stream.linear.gather [hbm4b:s12+s3], $0x80, $0x38;
	[tilespmem:$0x10400] =	vst v63  }
0x26: {  	_ =	swait.ge [sflag:s18], $0x80  }
0x27: {  	[sflag:s18] =	ssyncset.done $0x0  }
0x28: {  	s11 =	rddreg [dreg:$0x5];
	[sflag:s18] =	ssyncadd.s32 $0xFFFFFF80  }
0x29: {  	[tilespmem:s20], [sflag:$0x6] =	stream.linear.gather [hbm4b:s11+s3], $0x80, $0x38;
	[tilespmem:$0x10400] =	vst v63  }
0x2a: {  	_ =	swait.ge [sflag:s18], $0x80  }
0x2b: {  	[sflag:s18] =	ssyncset.done $0x0  }
0x2c: {  	s12 =	rddreg [dreg:$0x6];
	[sflag:s18] =	ssyncadd.s32 $0xFFFFFF80  }
0x2d: {  	[tilespmem:s21], [sflag:$0x6] =	stream.linear.gather [hbm4b:s12+s3], $0x80, $0x38;
	[tilespmem:$0x10400] =	vst v63  }
0x2e: {  	_ =	swait.ge [sflag:s18], $0x80  }
0x2f: {  	[sflag:s18] =	ssyncset.done $0x0  }
0x30: {  	s11 =	rddreg [dreg:$0x7];
	[sflag:s18] =	ssyncadd.s32 $0xFFFFFF80  }
0x31: {  	[tilespmem:s22], [sflag:$0x6] =	stream.linear.gather [hbm4b:s11+s3], $0x80, $0x38;
	[tilespmem:$0x10400] =	vst v63  }
0x32: {  	_ =	swait.ge [sflag:s18], $0x80  }
0x33: {  	[sflag:s18] =	ssyncset.done $0x0  }
0x34: {  	s12 =	rddreg [dreg:$0x8];
	[sflag:s18] =	ssyncadd.s32 $0xFFFFFF80  }
0x35: {  	[tilespmem:s23], [sflag:$0x6] =	stream.linear.gather [hbm4b:s12+s3], $0x80, $0x38;
	[tilespmem:$0x10400] =	vst v63  }
0x36: {  	_ =	swait.ge [sflag:s18], $0x80  }
0x37: {  	[sflag:s18] =	ssyncset.done $0x0  }
0x38: {  	s11 =	rddreg [dreg:$0x9];
	[sflag:s18] =	ssyncadd.s32 $0xFFFFFF80  }
0x39: {  	[tilespmem:s24], [sflag:$0x6] =	stream.linear.gather [hbm4b:s11+s3], $0x80, $0x38;
	[tilespmem:$0x10400] =	vst v63  }
0x3a: {  	_ =	swait.ge [sflag:s18], $0x80  }
0x3b: {  	[sflag:s18] =	ssyncset.done $0x0  }
0x3c: {  	[sflag:s18] =	ssyncadd.s32 $0xFFFFFF80  }
0x3d: {  	[tilespmem:s25], [sflag:$0x6] =	stream.linear.gather [hbm4b:s13+s3], $0x80, $0x38;
	[tilespmem:$0x10400] =	vst v63  }
0x3e: {  	_ =	swait.ge [sflag:s18], $0x80  }
0x3f: {  	[sflag:s18] =	ssyncset.done $0x0  }
0x40: {  	[sflag:s18] =	ssyncadd.s32 $0xFFFFFF80  }
0x41: {  	[tilespmem:s26], [sflag:$0x6] =	stream.linear.gather [hbm4b:s14+s3], $0x80, $0x38;
	[tilespmem:$0x10400] =	vst v63  }
0x42: {  	_ =	swait.ge [sflag:s18], $0x80  }
0x43: {  	[sflag:s18] =	ssyncset.done $0x0  }
0x44: {  	[sflag:s18] =	ssyncadd.s32 $0xFFFFFF80  }
0x45: {  	[bflag:$0x0] =	sbarrier.arrive $0xFFFF  }
0x46: {  	[tilespmem:s29], [sflag:$0x1] =	stream.indirect.gather [hbm4b:s4+s28], $0x40, s19, s28, $0xb8;
	[tilespmem:$0x10400] =	vst v63  }
0x47: {  	_ = 	snop  }
0x48: {  	[tilespmem:s30], [sflag:$0x2] =	stream.indirect.gather [hbm4b:s4+s28], $0x40, s21, s28, $0xb8;
	[tilespmem:$0x10400] =	vst v63  }
0x49: {  	_ = 	snop  }
0x4a: {  	[tilespmem:s31], [sflag:$0x3] =	stream.indirect.gather [hbm4b:s4+s28], $0x40, s23, s28, $0xb8;
	[tilespmem:$0x10400] =	vst v63  }
0x4b: {  	_ = 	snop  }
0x4c: {  	[tilespmem:s0], [sflag:$0x4] =	stream.indirect.gather [hbm4b:s4+s28], $0x40, s25, s28, $0xb8;
	[tilespmem:$0x10400] =	vst v63  }
0x4d: {  	_ =	swait.ge [sflag:s1], $0x2000  }
0x4e: {  	[sflag:s1] =	ssyncset.done $0x0  }
0x4f: {  	[sflag:s1] =	ssyncadd.s32 $0xFFFFE000  }
0x50: {  	[spmem:s2] =	stream.indirect.scatter.add.f32 [tilespmem:s29], [sflag:$0x5], $0x40, s20, s28, $0xb8;
	[tilespmem:$0x10400] =	vst v63  }
0x51: {  	_ =	swait.ge [sflag:s17], $0x2000  }
0x52: {  	[sflag:s17] =	ssyncset.done $0x0  }
0x53: {  	[sflag:s17] =	ssyncadd.s32 $0xFFFFE000  }
0x54: {  	[spmem:s2] =	stream.indirect.scatter.add.f32 [tilespmem:s30], [sflag:$0x5], $0x40, s22, s28, $0xb8;
	[tilespmem:$0x10400] =	vst v63  }
0x55: {  	_ =	swait.ge [sflag:s5], $0x2000  }
0x56: {  	[sflag:s5] =	ssyncset.done $0x0  }
0x57: {  	[sflag:s5] =	ssyncadd.s32 $0xFFFFE000  }
0x58: {  	[spmem:s2] =	stream.indirect.scatter.add.f32 [tilespmem:s31], [sflag:$0x5], $0x40, s24, s28, $0xb8;
	[tilespmem:$0x10400] =	vst v63  }
0x59: {  	_ =	swait.ge [sflag:s7], $0x2000  }
0x5a: {  	[sflag:s7] =	ssyncset.done $0x0  }
0x5b: {  	[sflag:s7] =	ssyncadd.s32 $0xFFFFE000  }
0x5c: {  	[spmem:s2] =	stream.indirect.scatter.add.f32 [tilespmem:s0], [sflag:$0x5], $0x40, s26, s28, $0xb8;
	[tilespmem:$0x10400] =	vst v63  }
0x5d: {  	_ =	swait.ge [sflag:s8], $0x2000  }
0x5e: {  	[sflag:s8] =	ssyncset.done $0x0  }
0x5f: {  	[sflag:s8] =	ssyncadd.s32 $0xFFFFE000  }
0x60: {  	_ =	swait.ge [sflag:s8], $0x2000  }
0x61: {  	[sflag:s8] =	ssyncset.done $0x0  }
0x62: {  	[sflag:s8] =	ssyncadd.s32 $0xFFFFE000  }
0x63: {  	_ =	swait.ge [sflag:s8], $0x2000  }
0x64: {  	[sflag:s8] =	ssyncset.done $0x0  }
0x65: {  	[sflag:s8] =	ssyncadd.s32 $0xFFFFE000  }
0x66: {  	_ =	swait.ge [sflag:s8], $0x2000  }
0x67: {  	[sflag:s8] =	ssyncset.done $0x0  }
0x68: {  	[sflag:s8] =	ssyncadd.s32 $0xFFFFE000  }
0x69: {  	s9 =	sadd.s32 $0x1, s9;
	[bflag:$0x0] =	sbarrier.arrive $0xFFFF  }
0x6a: {  	p0 =	sne.s32 s9, s16;
	s12 =	rddreg [dreg:$0x3]  }
.Ltmp1:
0x6b: {  	s11 =	sshrl.u32 s6, $0x3;
	s10 =	sor.u32 $0x1C06, s12;
	(pc) =	sbr.rel @p0 .LBB2_1-.Ltmp1, $4  }
0x6c: {  	[hbm:s15], [sflag:s10] =	dma.local [spmem:s11], $0x800  }
0x6d: {  	_ =	swait.ge [sflag:s18], $0x800  }
0x6e: {  	[sflag:s18] =	ssyncset.done $0x0  }
0x6f: {  	[sflag:s18] =	ssyncadd.s32 $0xFFFFF800  }
0x70: {  	_ =	sfence.sel $0x180000  }
0x71: {  	[bflag:$0x0] =	sbarrier.arrive $0xFFFF  }
0x72: {  	_ =	strace $0x9000004A  }
0x73: {  	s0 =	stileid.u32;
	[bflag:$0x2] =	sbarrier.arrive $0xFFFF  }
0x74: {  	p0 =	sne.s32 s0, $0x0;
	s0 =	rddreg [dreg:$0x2]  }
0x75: {  	s0 =	sadd.s32 @!p0 $0x100000, s0  }
0x76: {  	[sflag:s0] =	ssyncadd.tile.s32 @!p0 $0x1;
	_ =	shalt  }
.Lfunc_end2:
_tile_overlayer_lowered:
.L_overlay_start_2:
0x77: {  	(tag) =	ssettag $0x2  }
0x78: {  	s0 =	rddreg [dreg:$0x0];
	s2 =	stileid.u32  }
0x79: {  	s1 =	rddreg [dreg:$0x1];
	p0 =	sne.s32 s2, $0x0  }
0x7a: {  	s3 =	rddreg [dreg:$0x2];
	[bflag:$0x3] =	sbarrier.arrive $0xFFFF;
	s2 =	simm.s32 @!p0 $0x1C06  }
0x7b: {  	[timem:s3], [sflag:s2] =	dma.local @!p0 [hbm:s0], s1  }
0x7c: {  	s0 =	simm.s32 @!p0 $0x6  }
0x7d: {  	_ =	swait.ge @!p0 [sflag:s0], s1  }
0x7e: {  	s1 =	ssub.s32 @!p0 $0x0, s1;
	[sflag:s0] =	ssyncset.done @!p0 $0x0  }
0x7f: {  	[sflag:s0] =	ssyncadd.s32 @!p0 s1  }
0x80: {  	[bflag:$0x3] =	sbarrier.arrive $0xFFFF  }
0x81: {  	_ =	shalt  }

// kernel: kernel.17.cloned.1.call-start
scs
__scs_entry_jumppad:
0x0: {  	(pc) =	sbr.rel $0x88, $3  }
0x1: {  	(tag) =	ssettag $0x0;
	lr =	simm.s32 $0x1  }
0x2: {  	[smem:$0x3F8A] =	sst lr;
	_ =	strace $0xD0000000  }
0x3: {  	_ = 	snop  }
0x4: {  	_ = 	snop  }
0x5: {  	_ = 	snop  }
0x6: {  	_ = 	snop  }
0x7: {  	_ = 	snop  }
__scs_overlays_trampoline_lowered:
0x8: {  	[smem:$0x3F99] =	sst s0  }
0x9: {  	[smem:$0x3F9A] =	sst s1  }
0xa: {  	[smem:$0x3F9B] =	sst s2  }
0xb: {  	[smem:$0x3F9C] =	sst s3  }
0xc: {  	[smem:$0x3F9D] =	sst s4  }
0xd: {  	[smem:$0x3F9E] =	sst s5  }
0xe: {  	[smem:$0x3F9F] =	sst s6  }
0xf: {  	[smem:$0x3FA0] =	sst s7  }
0x10: {  	[smem:$0x3FA1] =	sst s8  }
0x11: {  	[smem:$0x3FA2] =	sst s9;
	s0 =	simm.s32 @!p0 $0x0  }
0x12: {  	s1 =	sld [smem:$0x3F88];
	s0 =	simm.s32 @p0 $0x1  }
0x13: {  	[smem:$0x3FA3] =	sst s0;
	s0 =	simm.s32 @!p1 $0x0  }
0x14: {  	s2 =	sld [smem:$0x3F87];
	s0 =	simm.s32 @p1 $0x1  }
0x15: {  	[smem:$0x3FA4] =	sst s0;
	s0 =	simm.s32 @!p2 $0x0  }
0x16: {  	s3 =	sld [smem:$0x3FDB];
	s0 =	simm.s32 @p2 $0x1  }
0x17: {  	s4 =	simm.s32 $0x1BF5;
	[smem:$0x3FA6] =	sst s0  }
0x18: {  	s0 =	sld [smem:$0x3F89];
	_ =	swait.ge [sflag:s4], $0x0  }
0x19: {  	s7 =	sld [smem:$0x3F8A]  }
0x1a: {  	s8 =	sadd.s32 $0xFFFFE003, lr  }
0x1b: {  	s9 =	sadd.s32 $0xFFFFFEF7, lr;
	s5 =	simm.s32 $0xFFFFFFFF;
	p2 =	slt.u32 s8, $0xFFFFF086  }
0x1c: {  	p1 =	slt.u32 s9, $0xF7A;
	s5 =	simm.s32 @!p2 $0x0  }
0x1d: {  	s5 =	simm.s32 @p1 $0x1;
	p0 =	seq.s32 s7, s2  }
0x1e: {  	s7 =	smul.u32 @!p0 $0xF7A, s2;
	p2 =	seq.s32 @!p0 s5, $0x0  }
0x1f: {  	s9 =	smul.u32 $0xF7A, s1;
	s8 =	simm.s32 @!p0 $0x1BF5;
	p2 =	por !p2, p0  }
0x20: {  	[sflag:s8] =	ssyncset.s32 @!p0 $0xFFFFF086;
	s6 =	sadd.s32 @!p0 s3, s7;
	s7 =	simm.s32 @!p0 $0x108  }
0x21: {  	s3 =	sadd.s32 s3, s9;
	s6 =	sadd.s32 @!p0 $0x88, s6;
	s7 =	simm.s32 @p2 $0x1082  }
0x22: {  	[simem:s7], [sflag:s8] =	dma.local @!p0 [hbm:s6], $0xF7A  }
0x23: {  	s9 =	sor.u32 $0xD0000000, s2;
	s6 =	simm.s32 $0x108;
	_ =	swait.ge @!p0 [sflag:s8], $0x0  }
0x24: {  	s3 =	sadd.s32 $0x88, s3;
	s6 =	simm.s32 @!p1 $0x1082;
	[sflag:s4] =	ssyncset.s32 $0xFFFFF086  }
0x25: {  	[simem:s6], [sflag:s4] =	dma.local [hbm:s3], $0xF7A  }
0x26: {  	[smem:$0x3F8A] =	sst s1;
	(tag) =	ssettag s2;
	_ =	strace s9  }
0x27: {  	s1 =	sld [smem:$0x3F9A]  }
0x28: {  	s2 =	sld [smem:$0x3F9B]  }
0x29: {  	s4 =	sld [smem:$0x3F9D]  }
0x2a: {  	p0 =	seq.s32 s5, $0x0;
	s5 =	sld [smem:$0x3F9E]  }
0x2b: {  	s6 =	sld [smem:$0x3F9F]  }
0x2c: {  	s7 =	sld [smem:$0x3FA0]  }
0x2d: {  	s3 =	simm.s32 $0x108;
	s8 =	sld [smem:$0x3FA1]  }
0x2e: {  	s3 =	simm.s32 @!p0 $0x1082;
	s9 =	sld [smem:$0x3FA2]  }
0x2f: {  	lr =	sadd.s32 s0, s3;
	s0 =	sld [smem:$0x3F99]  }
0x30: {  	s3 =	sld [smem:$0x3F9C]  }
0x31: {  	[smem:$0x3FA5] =	sst s10  }
0x32: {  	s10 =	sld [smem:$0x3FA3];
	_ =	sdelay $0x3  }
0x33: {  	p0 =	seq.s32 s10, $0x1;
	s10 =	sld [smem:$0x3FA5];
	_ =	sdelay $0x3  }
0x34: {  	[smem:$0x3FA5] =	sst s10  }
0x35: {  	s10 =	sld [smem:$0x3FA4];
	_ =	sdelay $0x3  }
0x36: {  	p1 =	seq.s32 s10, $0x1;
	s10 =	sld [smem:$0x3FA5];
	_ =	sdelay $0x3  }
0x37: {  	[smem:$0x3FA5] =	sst s10  }
0x38: {  	s10 =	sld [smem:$0x3FA6]  }
0x39: {  	_ = 	snop;
	(pc) =	sbr.ind lr, $3  }
0x3a: {  	_ = 	snop  }
0x3b: {  	_ = 	snop  }
0x3c: {  	p2 =	seq.s32 s10, $0x1;
	s10 =	sld [smem:$0x3FA5]  }
0x3d: {  	_ =	shalt  }
0x3e: {  	_ =	shalt  }
0x3f: {  	_ =	shalt  }
0x40: {  	_ =	shalt  }
0x41: {  	_ =	shalt  }
0x42: {  	_ =	shalt  }
0x43: {  	_ =	shalt  }
0x44: {  	_ =	shalt  }
0x45: {  	_ =	shalt  }
0x46: {  	_ =	shalt  }
0x47: {  	_ =	shalt  }
0x48: {  	_ =	shalt  }
0x49: {  	_ =	shalt  }
0x4a: {  	_ =	shalt  }
0x4b: {  	_ =	shalt  }
0x4c: {  	_ =	shalt  }
0x4d: {  	_ =	shalt  }
0x4e: {  	_ =	shalt  }
0x4f: {  	_ =	shalt  }
0x50: {  	_ =	shalt  }
0x51: {  	_ =	shalt  }
0x52: {  	_ =	shalt  }
0x53: {  	_ =	shalt  }
0x54: {  	_ =	shalt  }
0x55: {  	_ =	shalt  }
0x56: {  	_ =	shalt  }
0x57: {  	_ =	shalt  }
0x58: {  	_ =	shalt  }
0x59: {  	_ =	shalt  }
0x5a: {  	_ =	shalt  }
0x5b: {  	_ =	shalt  }
0x5c: {  	_ =	shalt  }
0x5d: {  	_ =	shalt  }
0x5e: {  	_ =	shalt  }
0x5f: {  	_ =	shalt  }
0x60: {  	_ =	shalt  }
0x61: {  	_ =	shalt  }
0x62: {  	_ =	shalt  }
0x63: {  	_ =	shalt  }
0x64: {  	_ =	shalt  }
0x65: {  	_ =	shalt  }
0x66: {  	_ =	shalt  }
0x67: {  	_ =	shalt  }
0x68: {  	_ =	shalt  }
0x69: {  	_ =	shalt  }
0x6a: {  	_ =	shalt  }
0x6b: {  	_ =	shalt  }
0x6c: {  	_ =	shalt  }
0x6d: {  	_ =	shalt  }
0x6e: {  	_ =	shalt  }
0x6f: {  	_ =	shalt  }
0x70: {  	_ =	shalt  }
0x71: {  	_ =	shalt  }
0x72: {  	_ =	shalt  }
0x73: {  	_ =	shalt  }
0x74: {  	_ =	shalt  }
0x75: {  	_ =	shalt  }
0x76: {  	_ =	shalt  }
0x77: {  	_ =	shalt  }
0x78: {  	_ =	shalt  }
0x79: {  	_ =	shalt  }
0x7a: {  	_ =	shalt  }
0x7b: {  	_ =	shalt  }
0x7c: {  	_ =	shalt  }
0x7d: {  	_ =	shalt  }
0x7e: {  	_ =	shalt  }
0x7f: {  	_ =	shalt  }
0x80: {  	_ =	shalt  }
0x81: {  	_ =	shalt  }
0x82: {  	_ =	shalt  }
0x83: {  	_ =	shalt  }
0x84: {  	_ =	shalt  }
0x85: {  	_ =	shalt  }
0x86: {  	_ =	shalt  }
0x87: {  	_ =	shalt  }
.Lfunc_end0:
.L_simem_size_0:
called_computation.2_lowered:
.L_overlay_start_0:
0x88: {  	s2 =	sld [smem:$0x3FD9]  }
0x89: {  	s3 =	sld [smem:$0x3FFE];
	_ =	sdelay $0x1  }
0x8a: {  	s1 =	srdreg.scid  }
0x8b: {  	s0 =	sand.u32 $0x1, s1  }
0x8c: {  	s16 =	sshll.u32 s0, $0xA;
	s2 =	sadd.s32 s3, s2  }
0x8d: {  	s2 =	sadd.s32 s2, s16  }
0x8e: {  	[smem:$0x3FB1] =	sst s2  }
0x8f: {  	_ = 	snop  }
0x90: {  	(tm) =	ssettm $0x1  }
0x91: {  	s17 =	sld [smem:$0x3FFB];
	_ =	sdelay $0x3  }
0x92: {  	_ =	strace s17  }
0x93: {  	s2 =	sld [smem:$0x3FFC];
	_ =	sdelay $0x3  }
0x94: {  	_ =	strace s2  }
0x95: {  	s2 =	sld [smem:$0x3FFD];
	_ =	sdelay $0x3  }
0x96: {  	_ =	strace s2  }
0x97: {  	_ =	strace $0x8FFFFFFF  }
0x98: {  	s18 =	sld [smem:$0x3FDB];
	_ =	sdelay $0x1  }
0x99: {  	s19 =	simm.s32 $_scs_section_size  }
0x9a: {  	s4 =	simm.s32 $_size__tile_overlayer_lowered;
	s5 =	simm.s32 $_tile_overlayer_lowered  }
0x9b: {  	s22 =	simm.s32 $0x1BFF;
	s21 =	sshll.u32 s5, $0x1;
	s2 =	sadd.s32 s19, s18  }
0x9c: {  	s6 =	simm.s32 $0x0;
	s20 =	sshll.u32 s4, $0x1;
	s4 =	sadd.s32 s21, s2  }
0x9d: {  	[timem:s6], [sflag:s22] =	dma.local [hbm:s4], s20  }
0x9e: {  	_ =	swait.ge [sflag:s22], s20  }
0x9f: {  	s3 =	ssub.s32 $0x0, s20;
	[sflag:s22] =	ssyncset.done $0x0  }
0xa0: {  	[sflag:s22] =	ssyncadd.s32 s3;
	_ =	sdelay $0x1  }
0xa1: {  	s23 =	simm.s32 $0x1B8B  }
0xa2: {  	_ =	swait.ge [sflag:s23], $0x1  }
0xa3: {  	[sflag:s23] =	ssyncset.done $0x0  }
0xa4: {  	s25 =	simm.s32 $0x1B8E;
	s24 =	sld [smem:$0x3FFE];
	[sflag:s23] =	ssyncadd.s32 $0xFFFFFFFF  }
0xa5: {  	s26 =	simm.s32 $execute0_lowered;
	[smem:$0x3FD2] =	sst s25  }
0xa6: {  	s4 =	sshll.u32 s26, $0x1;
	_ =	strace $0x8000004C;
	[dreg:$0x1] =	wrdreg $0xFFFFFFFF  }
0xa7: {  	s28 =	simm.s32 $_size_execute0_lowered;
	s2 =	sadd.s32 s2, s4;
	[dreg:$0x0] =	wrdreg $0x0  }
0xa8: {  	s4 =	sshll.u32 s28, $0x1;
	[dreg:$0x2] =	wrdreg s2  }
0xa9: {  	[dreg:$0x3] =	wrdreg s4  }
0xaa: {  	[dreg:$0x4] =	wrdreg $0xC0  }
0xab: {  	_ =	task [dreg:s6], $0x5FFFF  }
0xac: {  	[dreg:$0x1] =	wrdreg $0xFFFFFFFF  }
0xad: {  	[dreg:$0x0] =	wrdreg $0x60  }
0xae: {  	[dreg:$0x2] =	wrdreg s24  }
0xaf: {  	[dreg:$0x3] =	wrdreg $0x0  }
0xb0: {  	[dreg:$0x4] =	wrdreg $0x9  }
0xb1: {  	_ =	task.clear_ibuf [dreg:s6], $0x5FFFF;
	_ =	strace $0x9000004C  }
0xb2: {  	s29 =	simm.s32 $0x9;
	_ =	strace $0x8000004E  }
0xb3: {  	_ =	swait.ge [sflag:s29], $0x1  }
0xb4: {  	[sflag:s29] =	ssyncadd.s32 $0xFFFFFFFF  }
0xb5: {  	_ =	strace $0x9000004E  }
0xb6: {  	_ =	sfence  }
0xb7: {  	s30 =	sld [smem:$0x0];
	_ =	sdelay $0x2  }
0xb8: {  	s31 =	sshll.u32 s1, $0xD;
	s1 =	sshrl.u32 s1, $0x2  }
0xb9: {  	s3 =	sand.u32 $0x4000, s31;
	s1 =	sadd.s32 s1, s30  }
0xba: {  	s0 =	sor.u32 s3, s0;
	s1 =	sshll.u32 s1, $0x11  }
0xbb: {  	s0 =	sor.u32 s1, s0  }
0xbc: {  	s0 =	sadd.s32 $0x8F2B, s0  }
0xbd: {  	[sflag:s0] =	ssyncadd.remote.s32 $0x1  }
0xbe: {  	_ =	sfence.sel $0xFFFF  }
0xbf: {  	[dreg:$0x0] =	wrdreg $0xFFFFFFFF;
	(pc) =	sbr.abs _section_cstart, $3  }
0xc0: {  	[dreg:$0x1] =	wrdreg $0xFFFFFFFF  }
0xc1: {  	_ =	task.clear_ibuf [dreg:s6], $0x2FFFF;
	_ =	strace $0x9FFFFFFF  }
0xc2: {  	(tm) =	ssettm $0x7FFFFFFF  }
0xc3: {  	_ =	shalt  }
tec
execute0_lowered:
.L_overlay_start_1:
0x0: {  	(tag) =	ssettag $0x1  }
0x1: {  	s0 =	rddreg [dreg:$0x0]  }
0x2: {  	s2 =	rddreg [dreg:$0x1];
	s1 =	srdreg.scid  }
0x3: {  	s3 =	simm.s32 $0x0;
	s10 =	stileid.u32;
	s18 =	simm.s32 $0x6  }
0x4: {  	s19 =	simm.s32 $0x4000;
	s20 =	simm.s32 $0x4200;
	s28 =	simm.s32 $0x80  }
0x5: {  	s29 =	simm.s32 $0x4400;
	s30 =	simm.s32 $0x6400;
	s31 =	simm.s32 $0x8400  }
0x6: {  	s17 =	simm.s32 $0x2;
	s1 =	sand.u32 $0x1, s1;
	[smem:$0x7FF] =	sst s3  }
0x7: {  	s5 =	sshll.u32 s10, $0xE;
	s4 =	sadd.s32 $0x4C00, s0;
	s7 =	sadd.s32 $0x3C00, s0  }
0x8: {  	s8 =	sadd.s32 $0x4400, s0;
	s10 =	sshll.u32 s10, $0x6;
	s6 =	sshll.u32 s1, $0x12  }
0x9: {  	_ =	strace $0x8000004D;
	s9 =	ssub.s32 $0x2, s1;
	s1 =	sshll.u32 s1, $0xA  }
0xa: {  	[dreg:$0x3] =	wrdreg s10;
	s6 =	sor.u32 s5, s6;
	s21 =	sshrl.u32 s9, $0x1  }
0xb: {  	s1 =	sor.u32 s10, s1;
	s6 =	sshrl.u32 s6, $0x3;
	s9 =	ssub.s32 s9, s21  }
0xc: {  	s22 =	sor.u32 $0x10, s1;
	s10 =	sadd.s32 s7, s1;
	s23 =	sadd.s32 s8, s1  }
0xd: {  	s25 =	sor.u32 $0x20, s1;
	s1 =	sor.u32 $0x30, s1;
	s21 =	simm.s32 $0x4080  }
0xe: {  	s0 =	sadd.s32 s6, s0;
	s6 =	sadd.s32 s5, s2;
	[dreg:$0x4] =	wrdreg s10  }
0xf: {  	[dreg:$0x5] =	wrdreg s23;
	s24 =	sadd.s32 s7, s22;
	s5 =	sadd.s32 s8, s22  }
0x10: {  	s26 =	sadd.s32 s7, s25;
	s13 =	sadd.s32 s7, s1;
	s14 =	sadd.s32 s8, s1  }
0x11: {  	s16 =	smax.u32 s9, $0x1;
	s22 =	simm.s32 $0x4280;
	[dreg:$0x6] =	wrdreg s24  }
0x12: {  	s23 =	simm.s32 $0x4100;
	s1 =	simm.s32 $0x1;
	[dreg:$0x7] =	wrdreg s5  }
0x13: {  	s7 =	simm.s32 $0x4;
	s9 =	simm.s32 $0x0;
	[dreg:$0x8] =	wrdreg s26  }
0x14: {  	s5 =	sadd.s32 s8, s25;
	s15 =	sadd.s32 $0xCC00, s0;
	s24 =	simm.s32 $0x4300  }
0x15: {  	s25 =	simm.s32 $0x4180;
	s26 =	simm.s32 $0x4380;
	s0 =	simm.s32 $0xA400  }
0x16: {  	v0 =	vimm.f32 $0.0e+00;
	s8 =	simm.s32 $0x5;
	[dreg:$0x9] =	wrdreg s5;
	s5 =	simm.s32 $0x3  }
.LBB2_1:
0x17: {  	s11 =	simm.s32 $0x100;
	s10 =	simm.s32 $0x0  }
.LBB2_2:
0x18: {  	p0 =	sne.s32 s11, $0xFF00;
	[tilespmem:s10+$0xC430] =	vst v0;
	s12 =	smov.u32 s11;
	s11 =	sadd.s32 $0x100, s11  }
.Ltmp0:
0x19: {  	[tilespmem:s10+$0xC420] =	vst v0;
	(pc) =	sbr.rel @p0 .LBB2_2-.Ltmp0, $3  }
0x1a: {  	[tilespmem:s10+$0xC400] =	vst v0  }
0x1b: {  	[tilespmem:s10+$0xC410] =	vst v0;
	_ =	sdelay $0x1  }
0x1c: {  	s10 =	sshra.s32 s12, $0x2  }
0x1d: {  	[tilespmem:s10+$0xC430] =	vst v0  }
0x1e: {  	[tilespmem:s10+$0xC420] =	vst v0  }
0x1f: {  	[tilespmem:s10+$0xC400] =	vst v0  }
0x20: {  	[tilespmem:s10+$0xC410] =	vst v0;
	s11 =	simm.s32 $0xC400  }
0x21: {  	[spmem:s6] =	stream.linear.scatter [tilespmem:s11], [sflag:$0x6], $0x4000, $0x38;
	[tilespmem:$0x10400] =	vst v63  }
0x22: {  	_ =	swait.ge [sflag:s18], $0x4000  }
0x23: {  	[sflag:s18] =	ssyncset.done $0x0  }
0x24: {  	s12 =	rddreg [dreg:$0x4];
	[sflag:s18] =	ssyncadd.s32 $0xFFFFC000  }
0x25: {  	[tilespmem:s19], [sflag:$0x6] =	stream.linear.gather [hbm4b:s12+s3], $0x80, $0x38;
	[tilespmem:$0x10400] =	vst v63  }
0x26: {  	_ =	swait.ge [sflag:s18], $0x80  }
0x27: {  	[sflag:s18] =	ssyncset.done $0x0  }
0x28: {  	s11 =	rddreg [dreg:$0x5];
	[sflag:s18] =	ssyncadd.s32 $0xFFFFFF80  }
0x29: {  	[tilespmem:s20], [sflag:$0x6] =	stream.linear.gather [hbm4b:s11+s3], $0x80, $0x38;
	[tilespmem:$0x10400] =	vst v63  }
0x2a: {  	_ =	swait.ge [sflag:s18], $0x80  }
0x2b: {  	[sflag:s18] =	ssyncset.done $0x0  }
0x2c: {  	s12 =	rddreg [dreg:$0x6];
	[sflag:s18] =	ssyncadd.s32 $0xFFFFFF80  }
0x2d: {  	[tilespmem:s21], [sflag:$0x6] =	stream.linear.gather [hbm4b:s12+s3], $0x80, $0x38;
	[tilespmem:$0x10400] =	vst v63  }
0x2e: {  	_ =	swait.ge [sflag:s18], $0x80  }
0x2f: {  	[sflag:s18] =	ssyncset.done $0x0  }
0x30: {  	s11 =	rddreg [dreg:$0x7];
	[sflag:s18] =	ssyncadd.s32 $0xFFFFFF80  }
0x31: {  	[tilespmem:s22], [sflag:$0x6] =	stream.linear.gather [hbm4b:s11+s3], $0x80, $0x38;
	[tilespmem:$0x10400] =	vst v63  }
0x32: {  	_ =	swait.ge [sflag:s18], $0x80  }
0x33: {  	[sflag:s18] =	ssyncset.done $0x0  }
0x34: {  	s12 =	rddreg [dreg:$0x8];
	[sflag:s18] =	ssyncadd.s32 $0xFFFFFF80  }
0x35: {  	[tilespmem:s23], [sflag:$0x6] =	stream.linear.gather [hbm4b:s12+s3], $0x80, $0x38;
	[tilespmem:$0x10400] =	vst v63  }
0x36: {  	_ =	swait.ge [sflag:s18], $0x80  }
0x37: {  	[sflag:s18] =	ssyncset.done $0x0  }
0x38: {  	s11 =	rddreg [dreg:$0x9];
	[sflag:s18] =	ssyncadd.s32 $0xFFFFFF80  }
0x39: {  	[tilespmem:s24], [sflag:$0x6] =	stream.linear.gather [hbm4b:s11+s3], $0x80, $0x38;
	[tilespmem:$0x10400] =	vst v63  }
0x3a: {  	_ =	swait.ge [sflag:s18], $0x80  }
0x3b: {  	[sflag:s18] =	ssyncset.done $0x0  }
0x3c: {  	[sflag:s18] =	ssyncadd.s32 $0xFFFFFF80  }
0x3d: {  	[tilespmem:s25], [sflag:$0x6] =	stream.linear.gather [hbm4b:s13+s3], $0x80, $0x38;
	[tilespmem:$0x10400] =	vst v63  }
0x3e: {  	_ =	swait.ge [sflag:s18], $0x80  }
0x3f: {  	[sflag:s18] =	ssyncset.done $0x0  }
0x40: {  	[sflag:s18] =	ssyncadd.s32 $0xFFFFFF80  }
0x41: {  	[tilespmem:s26], [sflag:$0x6] =	stream.linear.gather [hbm4b:s14+s3], $0x80, $0x38;
	[tilespmem:$0x10400] =	vst v63  }
0x42: {  	_ =	swait.ge [sflag:s18], $0x80  }
0x43: {  	[sflag:s18] =	ssyncset.done $0x0  }
0x44: {  	[sflag:s18] =	ssyncadd.s32 $0xFFFFFF80  }
0x45: {  	[bflag:$0x0] =	sbarrier.arrive $0xFFFF  }
0x46: {  	[tilespmem:s29], [sflag:$0x1] =	stream.indirect.gather [hbm4b:s4+s28], $0x40, s19, s28, $0xb8;
	[tilespmem:$0x10400] =	vst v63  }
0x47: {  	_ = 	snop  }
0x48: {  	[tilespmem:s30], [sflag:$0x2] =	stream.indirect.gather [hbm4b:s4+s28], $0x40, s21, s28, $0xb8;
	[tilespmem:$0x10400] =	vst v63  }
0x49: {  	_ = 	snop  }
0x4a: {  	[tilespmem:s31], [sflag:$0x3] =	stream.indirect.gather [hbm4b:s4+s28], $0x40, s23, s28, $0xb8;
	[tilespmem:$0x10400] =	vst v63  }
0x4b: {  	_ = 	snop  }
0x4c: {  	[tilespmem:s0], [sflag:$0x4] =	stream.indirect.gather [hbm4b:s4+s28], $0x40, s25, s28, $0xb8;
	[tilespmem:$0x10400] =	vst v63  }
0x4d: {  	_ =	swait.ge [sflag:s1], $0x2000  }
0x4e: {  	[sflag:s1] =	ssyncset.done $0x0  }
0x4f: {  	[sflag:s1] =	ssyncadd.s32 $0xFFFFE000  }
0x50: {  	[spmem:s2] =	stream.indirect.scatter.add.f32 [tilespmem:s29], [sflag:$0x5], $0x40, s20, s28, $0xb8;
	[tilespmem:$0x10400] =	vst v63  }
0x51: {  	_ =	swait.ge [sflag:s17], $0x2000  }
0x52: {  	[sflag:s17] =	ssyncset.done $0x0  }
0x53: {  	[sflag:s17] =	ssyncadd.s32 $0xFFFFE000  }
0x54: {  	[spmem:s2] =	stream.indirect.scatter.add.f32 [tilespmem:s30], [sflag:$0x5], $0x40, s22, s28, $0xb8;
	[tilespmem:$0x10400] =	vst v63  }
0x55: {  	_ =	swait.ge [sflag:s5], $0x2000  }
0x56: {  	[sflag:s5] =	ssyncset.done $0x0  }
0x57: {  	[sflag:s5] =	ssyncadd.s32 $0xFFFFE000  }
0x58: {  	[spmem:s2] =	stream.indirect.scatter.add.f32 [tilespmem:s31], [sflag:$0x5], $0x40, s24, s28, $0xb8;
	[tilespmem:$0x10400] =	vst v63  }
0x59: {  	_ =	swait.ge [sflag:s7], $0x2000  }
0x5a: {  	[sflag:s7] =	ssyncset.done $0x0  }
0x5b: {  	[sflag:s7] =	ssyncadd.s32 $0xFFFFE000  }
0x5c: {  	[spmem:s2] =	stream.indirect.scatter.add.f32 [tilespmem:s0], [sflag:$0x5], $0x40, s26, s28, $0xb8;
	[tilespmem:$0x10400] =	vst v63  }
0x5d: {  	_ =	swait.ge [sflag:s8], $0x2000  }
0x5e: {  	[sflag:s8] =	ssyncset.done $0x0  }
0x5f: {  	[sflag:s8] =	ssyncadd.s32 $0xFFFFE000  }
0x60: {  	_ =	swait.ge [sflag:s8], $0x2000  }
0x61: {  	[sflag:s8] =	ssyncset.done $0x0  }
0x62: {  	[sflag:s8] =	ssyncadd.s32 $0xFFFFE000  }
0x63: {  	_ =	swait.ge [sflag:s8], $0x2000  }
0x64: {  	[sflag:s8] =	ssyncset.done $0x0  }
0x65: {  	[sflag:s8] =	ssyncadd.s32 $0xFFFFE000  }
0x66: {  	_ =	swait.ge [sflag:s8], $0x2000  }
0x67: {  	[sflag:s8] =	ssyncset.done $0x0  }
0x68: {  	[sflag:s8] =	ssyncadd.s32 $0xFFFFE000  }
0x69: {  	s9 =	sadd.s32 $0x1, s9;
	[bflag:$0x0] =	sbarrier.arrive $0xFFFF  }
0x6a: {  	p0 =	sne.s32 s9, s16;
	s12 =	rddreg [dreg:$0x3]  }
.Ltmp1:
0x6b: {  	s11 =	sshrl.u32 s6, $0x3;
	s10 =	sor.u32 $0x1C06, s12;
	(pc) =	sbr.rel @p0 .LBB2_1-.Ltmp1, $4  }
0x6c: {  	[hbm:s15], [sflag:s10] =	dma.local [spmem:s11], $0x800  }
0x6d: {  	_ =	swait.ge [sflag:s18], $0x800  }
0x6e: {  	[sflag:s18] =	ssyncset.done $0x0  }
0x6f: {  	[sflag:s18] =	ssyncadd.s32 $0xFFFFF800  }
0x70: {  	_ =	sfence.sel $0x180000  }
0x71: {  	[bflag:$0x0] =	sbarrier.arrive $0xFFFF  }
0x72: {  	_ =	strace $0x9000004D  }
0x73: {  	s0 =	stileid.u32;
	[bflag:$0x2] =	sbarrier.arrive $0xFFFF  }
0x74: {  	p0 =	sne.s32 s0, $0x0;
	s0 =	rddreg [dreg:$0x2]  }
0x75: {  	s0 =	sadd.s32 @!p0 $0x100000, s0  }
0x76: {  	[sflag:s0] =	ssyncadd.tile.s32 @!p0 $0x1;
	_ =	shalt  }
.Lfunc_end2:
_tile_overlayer_lowered:
.L_overlay_start_2:
0x77: {  	(tag) =	ssettag $0x2  }
0x78: {  	s0 =	rddreg [dreg:$0x0];
	s2 =	stileid.u32  }
0x79: {  	s1 =	rddreg [dreg:$0x1];
	p0 =	sne.s32 s2, $0x0  }
0x7a: {  	s3 =	rddreg [dreg:$0x2];
	[bflag:$0x3] =	sbarrier.arrive $0xFFFF;
	s2 =	simm.s32 @!p0 $0x1C06  }
0x7b: {  	[timem:s3], [sflag:s2] =	dma.local @!p0 [hbm:s0], s1  }
0x7c: {  	s0 =	simm.s32 @!p0 $0x6  }
0x7d: {  	_ =	swait.ge @!p0 [sflag:s0], s1  }
0x7e: {  	s1 =	ssub.s32 @!p0 $0x0, s1;
	[sflag:s0] =	ssyncset.done @!p0 $0x0  }
0x7f: {  	[sflag:s0] =	ssyncadd.s32 @!p0 s1  }
0x80: {  	[bflag:$0x3] =	sbarrier.arrive $0xFFFF  }
0x81: {  	_ =	shalt  }

// kernel: kernel.20.cloned.1.call-start
scs
__scs_entry_jumppad:
0x0: {  	(pc) =	sbr.rel $0x88, $3  }
0x1: {  	(tag) =	ssettag $0x0;
	lr =	simm.s32 $0x1  }
0x2: {  	[smem:$0x3F8A] =	sst lr;
	_ =	strace $0xD0000000  }
0x3: {  	_ = 	snop  }
0x4: {  	_ = 	snop  }
0x5: {  	_ = 	snop  }
0x6: {  	_ = 	snop  }
0x7: {  	_ = 	snop  }
__scs_overlays_trampoline_lowered:
0x8: {  	[smem:$0x3F99] =	sst s0  }
0x9: {  	[smem:$0x3F9A] =	sst s1  }
0xa: {  	[smem:$0x3F9B] =	sst s2  }
0xb: {  	[smem:$0x3F9C] =	sst s3  }
0xc: {  	[smem:$0x3F9D] =	sst s4  }
0xd: {  	[smem:$0x3F9E] =	sst s5  }
0xe: {  	[smem:$0x3F9F] =	sst s6  }
0xf: {  	[smem:$0x3FA0] =	sst s7  }
0x10: {  	[smem:$0x3FA1] =	sst s8  }
0x11: {  	[smem:$0x3FA2] =	sst s9;
	s0 =	simm.s32 @!p0 $0x0  }
0x12: {  	s1 =	sld [smem:$0x3F88];
	s0 =	simm.s32 @p0 $0x1  }
0x13: {  	[smem:$0x3FA3] =	sst s0;
	s0 =	simm.s32 @!p1 $0x0  }
0x14: {  	s2 =	sld [smem:$0x3F87];
	s0 =	simm.s32 @p1 $0x1  }
0x15: {  	[smem:$0x3FA4] =	sst s0;
	s0 =	simm.s32 @!p2 $0x0  }
0x16: {  	s3 =	sld [smem:$0x3FDB];
	s0 =	simm.s32 @p2 $0x1  }
0x17: {  	s4 =	simm.s32 $0x1BF5;
	[smem:$0x3FA6] =	sst s0  }
0x18: {  	s0 =	sld [smem:$0x3F89];
	_ =	swait.ge [sflag:s4], $0x0  }
0x19: {  	s7 =	sld [smem:$0x3F8A]  }
0x1a: {  	s8 =	sadd.s32 $0xFFFFE003, lr  }
0x1b: {  	s9 =	sadd.s32 $0xFFFFFEF7, lr;
	s5 =	simm.s32 $0xFFFFFFFF;
	p2 =	slt.u32 s8, $0xFFFFF086  }
0x1c: {  	p1 =	slt.u32 s9, $0xF7A;
	s5 =	simm.s32 @!p2 $0x0  }
0x1d: {  	s5 =	simm.s32 @p1 $0x1;
	p0 =	seq.s32 s7, s2  }
0x1e: {  	s7 =	smul.u32 @!p0 $0xF7A, s2;
	p2 =	seq.s32 @!p0 s5, $0x0  }
0x1f: {  	s9 =	smul.u32 $0xF7A, s1;
	s8 =	simm.s32 @!p0 $0x1BF5;
	p2 =	por !p2, p0  }
0x20: {  	[sflag:s8] =	ssyncset.s32 @!p0 $0xFFFFF086;
	s6 =	sadd.s32 @!p0 s3, s7;
	s7 =	simm.s32 @!p0 $0x108  }
0x21: {  	s3 =	sadd.s32 s3, s9;
	s6 =	sadd.s32 @!p0 $0x88, s6;
	s7 =	simm.s32 @p2 $0x1082  }
0x22: {  	[simem:s7], [sflag:s8] =	dma.local @!p0 [hbm:s6], $0xF7A  }
0x23: {  	s9 =	sor.u32 $0xD0000000, s2;
	s6 =	simm.s32 $0x108;
	_ =	swait.ge @!p0 [sflag:s8], $0x0  }
0x24: {  	s3 =	sadd.s32 $0x88, s3;
	s6 =	simm.s32 @!p1 $0x1082;
	[sflag:s4] =	ssyncset.s32 $0xFFFFF086  }
0x25: {  	[simem:s6], [sflag:s4] =	dma.local [hbm:s3], $0xF7A  }
0x26: {  	[smem:$0x3F8A] =	sst s1;
	(tag) =	ssettag s2;
	_ =	strace s9  }
0x27: {  	s1 =	sld [smem:$0x3F9A]  }
0x28: {  	s2 =	sld [smem:$0x3F9B]  }
0x29: {  	s4 =	sld [smem:$0x3F9D]  }
0x2a: {  	p0 =	seq.s32 s5, $0x0;
	s5 =	sld [smem:$0x3F9E]  }
0x2b: {  	s6 =	sld [smem:$0x3F9F]  }
0x2c: {  	s7 =	sld [smem:$0x3FA0]  }
0x2d: {  	s3 =	simm.s32 $0x108;
	s8 =	sld [smem:$0x3FA1]  }
0x2e: {  	s3 =	simm.s32 @!p0 $0x1082;
	s9 =	sld [smem:$0x3FA2]  }
0x2f: {  	lr =	sadd.s32 s0, s3;
	s0 =	sld [smem:$0x3F99]  }
0x30: {  	s3 =	sld [smem:$0x3F9C]  }
0x31: {  	[smem:$0x3FA5] =	sst s10  }
0x32: {  	s10 =	sld [smem:$0x3FA3];
	_ =	sdelay $0x3  }
0x33: {  	p0 =	seq.s32 s10, $0x1;
	s10 =	sld [smem:$0x3FA5];
	_ =	sdelay $0x3  }
0x34: {  	[smem:$0x3FA5] =	sst s10  }
0x35: {  	s10 =	sld [smem:$0x3FA4];
	_ =	sdelay $0x3  }
0x36: {  	p1 =	seq.s32 s10, $0x1;
	s10 =	sld [smem:$0x3FA5];
	_ =	sdelay $0x3  }
0x37: {  	[smem:$0x3FA5] =	sst s10  }
0x38: {  	s10 =	sld [smem:$0x3FA6]  }
0x39: {  	_ = 	snop;
	(pc) =	sbr.ind lr, $3  }
0x3a: {  	_ = 	snop  }
0x3b: {  	_ = 	snop  }
0x3c: {  	p2 =	seq.s32 s10, $0x1;
	s10 =	sld [smem:$0x3FA5]  }
0x3d: {  	_ =	shalt  }
0x3e: {  	_ =	shalt  }
0x3f: {  	_ =	shalt  }
0x40: {  	_ =	shalt  }
0x41: {  	_ =	shalt  }
0x42: {  	_ =	shalt  }
0x43: {  	_ =	shalt  }
0x44: {  	_ =	shalt  }
0x45: {  	_ =	shalt  }
0x46: {  	_ =	shalt  }
0x47: {  	_ =	shalt  }
0x48: {  	_ =	shalt  }
0x49: {  	_ =	shalt  }
0x4a: {  	_ =	shalt  }
0x4b: {  	_ =	shalt  }
0x4c: {  	_ =	shalt  }
0x4d: {  	_ =	shalt  }
0x4e: {  	_ =	shalt  }
0x4f: {  	_ =	shalt  }
0x50: {  	_ =	shalt  }
0x51: {  	_ =	shalt  }
0x52: {  	_ =	shalt  }
0x53: {  	_ =	shalt  }
0x54: {  	_ =	shalt  }
0x55: {  	_ =	shalt  }
0x56: {  	_ =	shalt  }
0x57: {  	_ =	shalt  }
0x58: {  	_ =	shalt  }
0x59: {  	_ =	shalt  }
0x5a: {  	_ =	shalt  }
0x5b: {  	_ =	shalt  }
0x5c: {  	_ =	shalt  }
0x5d: {  	_ =	shalt  }
0x5e: {  	_ =	shalt  }
0x5f: {  	_ =	shalt  }
0x60: {  	_ =	shalt  }
0x61: {  	_ =	shalt  }
0x62: {  	_ =	shalt  }
0x63: {  	_ =	shalt  }
0x64: {  	_ =	shalt  }
0x65: {  	_ =	shalt  }
0x66: {  	_ =	shalt  }
0x67: {  	_ =	shalt  }
0x68: {  	_ =	shalt  }
0x69: {  	_ =	shalt  }
0x6a: {  	_ =	shalt  }
0x6b: {  	_ =	shalt  }
0x6c: {  	_ =	shalt  }
0x6d: {  	_ =	shalt  }
0x6e: {  	_ =	shalt  }
0x6f: {  	_ =	shalt  }
0x70: {  	_ =	shalt  }
0x71: {  	_ =	shalt  }
0x72: {  	_ =	shalt  }
0x73: {  	_ =	shalt  }
0x74: {  	_ =	shalt  }
0x75: {  	_ =	shalt  }
0x76: {  	_ =	shalt  }
0x77: {  	_ =	shalt  }
0x78: {  	_ =	shalt  }
0x79: {  	_ =	shalt  }
0x7a: {  	_ =	shalt  }
0x7b: {  	_ =	shalt  }
0x7c: {  	_ =	shalt  }
0x7d: {  	_ =	shalt  }
0x7e: {  	_ =	shalt  }
0x7f: {  	_ =	shalt  }
0x80: {  	_ =	shalt  }
0x81: {  	_ =	shalt  }
0x82: {  	_ =	shalt  }
0x83: {  	_ =	shalt  }
0x84: {  	_ =	shalt  }
0x85: {  	_ =	shalt  }
0x86: {  	_ =	shalt  }
0x87: {  	_ =	shalt  }
.Lfunc_end0:
.L_simem_size_0:
called_computation.3_lowered:
.L_overlay_start_0:
0x88: {  	s2 =	sld [smem:$0x3FD9]  }
0x89: {  	s3 =	sld [smem:$0x3FFE];
	_ =	sdelay $0x1  }
0x8a: {  	s1 =	srdreg.scid  }
0x8b: {  	s0 =	sand.u32 $0x1, s1  }
0x8c: {  	s16 =	sshll.u32 s0, $0xA;
	s2 =	sadd.s32 s3, s2  }
0x8d: {  	s2 =	sadd.s32 s2, s16  }
0x8e: {  	[smem:$0x3FB1] =	sst s2  }
0x8f: {  	_ = 	snop  }
0x90: {  	(tm) =	ssettm $0x1  }
0x91: {  	s17 =	sld [smem:$0x3FFB];
	_ =	sdelay $0x3  }
0x92: {  	_ =	strace s17  }
0x93: {  	s2 =	sld [smem:$0x3FFC];
	_ =	sdelay $0x3  }
0x94: {  	_ =	strace s2  }
0x95: {  	s2 =	sld [smem:$0x3FFD];
	_ =	sdelay $0x3  }
0x96: {  	_ =	strace s2  }
0x97: {  	_ =	strace $0x8FFFFFFF  }
0x98: {  	s18 =	sld [smem:$0x3FDB];
	_ =	sdelay $0x1  }
0x99: {  	s19 =	simm.s32 $_scs_section_size  }
0x9a: {  	s4 =	simm.s32 $_size__tile_overlayer_lowered;
	s5 =	simm.s32 $_tile_overlayer_lowered  }
0x9b: {  	s22 =	simm.s32 $0x1BFF;
	s21 =	sshll.u32 s5, $0x1;
	s2 =	sadd.s32 s19, s18  }
0x9c: {  	s6 =	simm.s32 $0x0;
	s20 =	sshll.u32 s4, $0x1;
	s4 =	sadd.s32 s21, s2  }
0x9d: {  	[timem:s6], [sflag:s22] =	dma.local [hbm:s4], s20  }
0x9e: {  	_ =	swait.ge [sflag:s22], s20  }
0x9f: {  	s3 =	ssub.s32 $0x0, s20;
	[sflag:s22] =	ssyncset.done $0x0  }
0xa0: {  	[sflag:s22] =	ssyncadd.s32 s3;
	_ =	sdelay $0x1  }
0xa1: {  	s23 =	simm.s32 $0x1B8B  }
0xa2: {  	_ =	swait.ge [sflag:s23], $0x1  }
0xa3: {  	[sflag:s23] =	ssyncset.done $0x0  }
0xa4: {  	s25 =	simm.s32 $0x1B8E;
	s24 =	sld [smem:$0x3FFE];
	[sflag:s23] =	ssyncadd.s32 $0xFFFFFFFF  }
0xa5: {  	s26 =	simm.s32 $execute0_lowered;
	[smem:$0x3FD2] =	sst s25  }
0xa6: {  	s4 =	sshll.u32 s26, $0x1;
	_ =	strace $0x8000004F;
	[dreg:$0x1] =	wrdreg $0xFFFFFFFF  }
0xa7: {  	s28 =	simm.s32 $_size_execute0_lowered;
	s2 =	sadd.s32 s2, s4;
	[dreg:$0x0] =	wrdreg $0x0  }
0xa8: {  	s4 =	sshll.u32 s28, $0x1;
	[dreg:$0x2] =	wrdreg s2  }
0xa9: {  	[dreg:$0x3] =	wrdreg s4  }
0xaa: {  	[dreg:$0x4] =	wrdreg $0xC0  }
0xab: {  	_ =	task [dreg:s6], $0x5FFFF  }
0xac: {  	[dreg:$0x1] =	wrdreg $0xFFFFFFFF  }
0xad: {  	[dreg:$0x0] =	wrdreg $0x60  }
0xae: {  	[dreg:$0x2] =	wrdreg s24  }
0xaf: {  	[dreg:$0x3] =	wrdreg $0x0  }
0xb0: {  	[dreg:$0x4] =	wrdreg $0x9  }
0xb1: {  	_ =	task.clear_ibuf [dreg:s6], $0x5FFFF;
	_ =	strace $0x9000004F  }
0xb2: {  	s29 =	simm.s32 $0x9;
	_ =	strace $0x80000051  }
0xb3: {  	_ =	swait.ge [sflag:s29], $0x1  }
0xb4: {  	[sflag:s29] =	ssyncadd.s32 $0xFFFFFFFF  }
0xb5: {  	_ =	strace $0x90000051  }
0xb6: {  	_ =	sfence  }
0xb7: {  	s30 =	sld [smem:$0x0];
	_ =	sdelay $0x2  }
0xb8: {  	s31 =	sshll.u32 s1, $0xD;
	s1 =	sshrl.u32 s1, $0x2  }
0xb9: {  	s3 =	sand.u32 $0x4000, s31;
	s1 =	sadd.s32 s1, s30  }
0xba: {  	s0 =	sor.u32 s3, s0;
	s1 =	sshll.u32 s1, $0x11  }
0xbb: {  	s0 =	sor.u32 s1, s0  }
0xbc: {  	s0 =	sadd.s32 $0x8F2B, s0  }
0xbd: {  	[sflag:s0] =	ssyncadd.remote.s32 $0x1  }
0xbe: {  	_ =	sfence.sel $0xFFFF  }
0xbf: {  	[dreg:$0x0] =	wrdreg $0xFFFFFFFF;
	(pc) =	sbr.abs _section_cstart, $3  }
0xc0: {  	[dreg:$0x1] =	wrdreg $0xFFFFFFFF  }
0xc1: {  	_ =	task.clear_ibuf [dreg:s6], $0x2FFFF;
	_ =	strace $0x9FFFFFFF  }
0xc2: {  	(tm) =	ssettm $0x7FFFFFFF  }
0xc3: {  	_ =	shalt  }
tec
execute0_lowered:
.L_overlay_start_1:
0x0: {  	(tag) =	ssettag $0x1  }
0x1: {  	s0 =	rddreg [dreg:$0x0]  }
0x2: {  	s2 =	rddreg [dreg:$0x1];
	s1 =	srdreg.scid  }
0x3: {  	s3 =	simm.s32 $0x0;
	s10 =	stileid.u32;
	s18 =	simm.s32 $0x6  }
0x4: {  	s19 =	simm.s32 $0x4000;
	s20 =	simm.s32 $0x4200;
	s28 =	simm.s32 $0x80  }
0x5: {  	s29 =	simm.s32 $0x4400;
	s30 =	simm.s32 $0x6400;
	s31 =	simm.s32 $0x8400  }
0x6: {  	s17 =	simm.s32 $0x2;
	s1 =	sand.u32 $0x1, s1;
	[smem:$0x7FF] =	sst s3  }
0x7: {  	s5 =	sshll.u32 s10, $0xE;
	s4 =	sadd.s32 $0x4C00, s0;
	s7 =	sadd.s32 $0x3C00, s0  }
0x8: {  	s8 =	sadd.s32 $0x4400, s0;
	s10 =	sshll.u32 s10, $0x6;
	s6 =	sshll.u32 s1, $0x12  }
0x9: {  	_ =	strace $0x80000050;
	s9 =	ssub.s32 $0x2, s1;
	s1 =	sshll.u32 s1, $0xA  }
0xa: {  	[dreg:$0x3] =	wrdreg s10;
	s6 =	sor.u32 s5, s6;
	s21 =	sshrl.u32 s9, $0x1  }
0xb: {  	s1 =	sor.u32 s10, s1;
	s6 =	sshrl.u32 s6, $0x3;
	s9 =	ssub.s32 s9, s21  }
0xc: {  	s22 =	sor.u32 $0x10, s1;
	s10 =	sadd.s32 s7, s1;
	s23 =	sadd.s32 s8, s1  }
0xd: {  	s25 =	sor.u32 $0x20, s1;
	s1 =	sor.u32 $0x30, s1;
	s21 =	simm.s32 $0x4080  }
0xe: {  	s0 =	sadd.s32 s6, s0;
	s6 =	sadd.s32 s5, s2;
	[dreg:$0x4] =	wrdreg s10  }
0xf: {  	[dreg:$0x5] =	wrdreg s23;
	s24 =	sadd.s32 s7, s22;
	s5 =	sadd.s32 s8, s22  }
0x10: {  	s26 =	sadd.s32 s7, s25;
	s13 =	sadd.s32 s7, s1;
	s14 =	sadd.s32 s8, s1  }
0x11: {  	s16 =	smax.u32 s9, $0x1;
	s22 =	simm.s32 $0x4280;
	[dreg:$0x6] =	wrdreg s24  }
0x12: {  	s23 =	simm.s32 $0x4100;
	s1 =	simm.s32 $0x1;
	[dreg:$0x7] =	wrdreg s5  }
0x13: {  	s7 =	simm.s32 $0x4;
	s9 =	simm.s32 $0x0;
	[dreg:$0x8] =	wrdreg s26  }
0x14: {  	s5 =	sadd.s32 s8, s25;
	s15 =	sadd.s32 $0xCC00, s0;
	s24 =	simm.s32 $0x4300  }
0x15: {  	s25 =	simm.s32 $0x4180;
	s26 =	simm.s32 $0x4380;
	s0 =	simm.s32 $0xA400  }
0x16: {  	v0 =	vimm.f32 $0.0e+00;
	s8 =	simm.s32 $0x5;
	[dreg:$0x9] =	wrdreg s5;
	s5 =	simm.s32 $0x3  }
.LBB2_1:
0x17: {  	s11 =	simm.s32 $0x100;
	s10 =	simm.s32 $0x0  }
.LBB2_2:
0x18: {  	p0 =	sne.s32 s11, $0xFF00;
	[tilespmem:s10+$0xC430] =	vst v0;
	s12 =	smov.u32 s11;
	s11 =	sadd.s32 $0x100, s11  }
.Ltmp0:
0x19: {  	[tilespmem:s10+$0xC420] =	vst v0;
	(pc) =	sbr.rel @p0 .LBB2_2-.Ltmp0, $3  }
0x1a: {  	[tilespmem:s10+$0xC400] =	vst v0  }
0x1b: {  	[tilespmem:s10+$0xC410] =	vst v0;
	_ =	sdelay $0x1  }
0x1c: {  	s10 =	sshra.s32 s12, $0x2  }
0x1d: {  	[tilespmem:s10+$0xC430] =	vst v0  }
0x1e: {  	[tilespmem:s10+$0xC420] =	vst v0  }
0x1f: {  	[tilespmem:s10+$0xC400] =	vst v0  }
0x20: {  	[tilespmem:s10+$0xC410] =	vst v0;
	s11 =	simm.s32 $0xC400  }
0x21: {  	[spmem:s6] =	stream.linear.scatter [tilespmem:s11], [sflag:$0x6], $0x4000, $0x38;
	[tilespmem:$0x10400] =	vst v63  }
0x22: {  	_ =	swait.ge [sflag:s18], $0x4000  }
0x23: {  	[sflag:s18] =	ssyncset.done $0x0  }
0x24: {  	s12 =	rddreg [dreg:$0x4];
	[sflag:s18] =	ssyncadd.s32 $0xFFFFC000  }
0x25: {  	[tilespmem:s19], [sflag:$0x6] =	stream.linear.gather [hbm4b:s12+s3], $0x80, $0x38;
	[tilespmem:$0x10400] =	vst v63  }
0x26: {  	_ =	swait.ge [sflag:s18], $0x80  }
0x27: {  	[sflag:s18] =	ssyncset.done $0x0  }
0x28: {  	s11 =	rddreg [dreg:$0x5];
	[sflag:s18] =	ssyncadd.s32 $0xFFFFFF80  }
0x29: {  	[tilespmem:s20], [sflag:$0x6] =	stream.linear.gather [hbm4b:s11+s3], $0x80, $0x38;
	[tilespmem:$0x10400] =	vst v63  }
0x2a: {  	_ =	swait.ge [sflag:s18], $0x80  }
0x2b: {  	[sflag:s18] =	ssyncset.done $0x0  }
0x2c: {  	s12 =	rddreg [dreg:$0x6];
	[sflag:s18] =	ssyncadd.s32 $0xFFFFFF80  }
0x2d: {  	[tilespmem:s21], [sflag:$0x6] =	stream.linear.gather [hbm4b:s12+s3], $0x80, $0x38;
	[tilespmem:$0x10400] =	vst v63  }
0x2e: {  	_ =	swait.ge [sflag:s18], $0x80  }
0x2f: {  	[sflag:s18] =	ssyncset.done $0x0  }
0x30: {  	s11 =	rddreg [dreg:$0x7];
	[sflag:s18] =	ssyncadd.s32 $0xFFFFFF80  }
0x31: {  	[tilespmem:s22], [sflag:$0x6] =	stream.linear.gather [hbm4b:s11+s3], $0x80, $0x38;
	[tilespmem:$0x10400] =	vst v63  }
0x32: {  	_ =	swait.ge [sflag:s18], $0x80  }
0x33: {  	[sflag:s18] =	ssyncset.done $0x0  }
0x34: {  	s12 =	rddreg [dreg:$0x8];
	[sflag:s18] =	ssyncadd.s32 $0xFFFFFF80  }
0x35: {  	[tilespmem:s23], [sflag:$0x6] =	stream.linear.gather [hbm4b:s12+s3], $0x80, $0x38;
	[tilespmem:$0x10400] =	vst v63  }
0x36: {  	_ =	swait.ge [sflag:s18], $0x80  }
0x37: {  	[sflag:s18] =	ssyncset.done $0x0  }
0x38: {  	s11 =	rddreg [dreg:$0x9];
	[sflag:s18] =	ssyncadd.s32 $0xFFFFFF80  }
0x39: {  	[tilespmem:s24], [sflag:$0x6] =	stream.linear.gather [hbm4b:s11+s3], $0x80, $0x38;
	[tilespmem:$0x10400] =	vst v63  }
0x3a: {  	_ =	swait.ge [sflag:s18], $0x80  }
0x3b: {  	[sflag:s18] =	ssyncset.done $0x0  }
0x3c: {  	[sflag:s18] =	ssyncadd.s32 $0xFFFFFF80  }
0x3d: {  	[tilespmem:s25], [sflag:$0x6] =	stream.linear.gather [hbm4b:s13+s3], $0x80, $0x38;
	[tilespmem:$0x10400] =	vst v63  }
0x3e: {  	_ =	swait.ge [sflag:s18], $0x80  }
0x3f: {  	[sflag:s18] =	ssyncset.done $0x0  }
0x40: {  	[sflag:s18] =	ssyncadd.s32 $0xFFFFFF80  }
0x41: {  	[tilespmem:s26], [sflag:$0x6] =	stream.linear.gather [hbm4b:s14+s3], $0x80, $0x38;
	[tilespmem:$0x10400] =	vst v63  }
0x42: {  	_ =	swait.ge [sflag:s18], $0x80  }
0x43: {  	[sflag:s18] =	ssyncset.done $0x0  }
0x44: {  	[sflag:s18] =	ssyncadd.s32 $0xFFFFFF80  }
0x45: {  	[bflag:$0x0] =	sbarrier.arrive $0xFFFF  }
0x46: {  	[tilespmem:s29], [sflag:$0x1] =	stream.indirect.gather [hbm4b:s4+s28], $0x40, s19, s28, $0xb8;
	[tilespmem:$0x10400] =	vst v63  }
0x47: {  	_ = 	snop  }
0x48: {  	[tilespmem:s30], [sflag:$0x2] =	stream.indirect.gather [hbm4b:s4+s28], $0x40, s21, s28, $0xb8;
	[tilespmem:$0x10400] =	vst v63  }
0x49: {  	_ = 	snop  }
0x4a: {  	[tilespmem:s31], [sflag:$0x3] =	stream.indirect.gather [hbm4b:s4+s28], $0x40, s23, s28, $0xb8;
	[tilespmem:$0x10400] =	vst v63  }
0x4b: {  	_ = 	snop  }
0x4c: {  	[tilespmem:s0], [sflag:$0x4] =	stream.indirect.gather [hbm4b:s4+s28], $0x40, s25, s28, $0xb8;
	[tilespmem:$0x10400] =	vst v63  }
0x4d: {  	_ =	swait.ge [sflag:s1], $0x2000  }
0x4e: {  	[sflag:s1] =	ssyncset.done $0x0  }
0x4f: {  	[sflag:s1] =	ssyncadd.s32 $0xFFFFE000  }
0x50: {  	[spmem:s2] =	stream.indirect.scatter.add.f32 [tilespmem:s29], [sflag:$0x5], $0x40, s20, s28, $0xb8;
	[tilespmem:$0x10400] =	vst v63  }
0x51: {  	_ =	swait.ge [sflag:s17], $0x2000  }
0x52: {  	[sflag:s17] =	ssyncset.done $0x0  }
0x53: {  	[sflag:s17] =	ssyncadd.s32 $0xFFFFE000  }
0x54: {  	[spmem:s2] =	stream.indirect.scatter.add.f32 [tilespmem:s30], [sflag:$0x5], $0x40, s22, s28, $0xb8;
	[tilespmem:$0x10400] =	vst v63  }
0x55: {  	_ =	swait.ge [sflag:s5], $0x2000  }
0x56: {  	[sflag:s5] =	ssyncset.done $0x0  }
0x57: {  	[sflag:s5] =	ssyncadd.s32 $0xFFFFE000  }
0x58: {  	[spmem:s2] =	stream.indirect.scatter.add.f32 [tilespmem:s31], [sflag:$0x5], $0x40, s24, s28, $0xb8;
	[tilespmem:$0x10400] =	vst v63  }
0x59: {  	_ =	swait.ge [sflag:s7], $0x2000  }
0x5a: {  	[sflag:s7] =	ssyncset.done $0x0  }
0x5b: {  	[sflag:s7] =	ssyncadd.s32 $0xFFFFE000  }
0x5c: {  	[spmem:s2] =	stream.indirect.scatter.add.f32 [tilespmem:s0], [sflag:$0x5], $0x40, s26, s28, $0xb8;
	[tilespmem:$0x10400] =	vst v63  }
0x5d: {  	_ =	swait.ge [sflag:s8], $0x2000  }
0x5e: {  	[sflag:s8] =	ssyncset.done $0x0  }
0x5f: {  	[sflag:s8] =	ssyncadd.s32 $0xFFFFE000  }
0x60: {  	_ =	swait.ge [sflag:s8], $0x2000  }
0x61: {  	[sflag:s8] =	ssyncset.done $0x0  }
0x62: {  	[sflag:s8] =	ssyncadd.s32 $0xFFFFE000  }
0x63: {  	_ =	swait.ge [sflag:s8], $0x2000  }
0x64: {  	[sflag:s8] =	ssyncset.done $0x0  }
0x65: {  	[sflag:s8] =	ssyncadd.s32 $0xFFFFE000  }
0x66: {  	_ =	swait.ge [sflag:s8], $0x2000  }
0x67: {  	[sflag:s8] =	ssyncset.done $0x0  }
0x68: {  	[sflag:s8] =	ssyncadd.s32 $0xFFFFE000  }
0x69: {  	s9 =	sadd.s32 $0x1, s9;
	[bflag:$0x0] =	sbarrier.arrive $0xFFFF  }
0x6a: {  	p0 =	sne.s32 s9, s16;
	s12 =	rddreg [dreg:$0x3]  }
.Ltmp1:
0x6b: {  	s11 =	sshrl.u32 s6, $0x3;
	s10 =	sor.u32 $0x1C06, s12;
	(pc) =	sbr.rel @p0 .LBB2_1-.Ltmp1, $4  }
0x6c: {  	[hbm:s15], [sflag:s10] =	dma.local [spmem:s11], $0x800  }
0x6d: {  	_ =	swait.ge [sflag:s18], $0x800  }
0x6e: {  	[sflag:s18] =	ssyncset.done $0x0  }
0x6f: {  	[sflag:s18] =	ssyncadd.s32 $0xFFFFF800  }
0x70: {  	_ =	sfence.sel $0x180000  }
0x71: {  	[bflag:$0x0] =	sbarrier.arrive $0xFFFF  }
0x72: {  	_ =	strace $0x90000050  }
0x73: {  	s0 =	stileid.u32;
	[bflag:$0x2] =	sbarrier.arrive $0xFFFF  }
0x74: {  	p0 =	sne.s32 s0, $0x0;
	s0 =	rddreg [dreg:$0x2]  }
0x75: {  	s0 =	sadd.s32 @!p0 $0x100000, s0  }
0x76: {  	[sflag:s0] =	ssyncadd.tile.s32 @!p0 $0x1;
	_ =	shalt  }
.Lfunc_end2:
_tile_overlayer_lowered:
.L_overlay_start_2:
0x77: {  	(tag) =	ssettag $0x2  }
0x78: {  	s0 =	rddreg [dreg:$0x0];
	s2 =	stileid.u32  }
0x79: {  	s1 =	rddreg [dreg:$0x1];
	p0 =	sne.s32 s2, $0x0  }
0x7a: {  	s3 =	rddreg [dreg:$0x2];
	[bflag:$0x3] =	sbarrier.arrive $0xFFFF;
	s2 =	simm.s32 @!p0 $0x1C06  }
0x7b: {  	[timem:s3], [sflag:s2] =	dma.local @!p0 [hbm:s0], s1  }
0x7c: {  	s0 =	simm.s32 @!p0 $0x6  }
0x7d: {  	_ =	swait.ge @!p0 [sflag:s0], s1  }
0x7e: {  	s1 =	ssub.s32 @!p0 $0x0, s1;
	[sflag:s0] =	ssyncset.done @!p0 $0x0  }
0x7f: {  	[sflag:s0] =	ssyncadd.s32 @!p0 s1  }
0x80: {  	[bflag:$0x3] =	sbarrier.arrive $0xFFFF  }
0x81: {  	_ =	shalt  }

</sc_bundles>
